<compile_context>
chip_gen: v7x
topology: tpu7x:2x2x1
jax: 0.10.2.dev20260603
libtpu: 0.0.44.dev20260713+nightly
codegen_flags: <defaults>
</compile_context>

<pallas_src>
import jax
import jax.numpy as jnp
from jax import lax
from jax.experimental import pallas as pl
from jax.experimental.pallas import tpu as pltpu
from jax.experimental.pallas import tpu_sc as plsc

_R = 131072
_W = 128
_NC = 2
_NS = 16
_NW = _NC * _NS
_CHUNK = 128
_NCHUNK = _R // (_NW * _CHUNK)
_NBUF = 6
_K = 3


def _sc_flip(x_hbm, o_hbm, *refs):
    idx = refs[0:_NBUF]
    buf = refs[_NBUF : 2 * _NBUF]
    sg = refs[2 * _NBUF : 3 * _NBUF]
    so = refs[3 * _NBUF : 4 * _NBUF]
    wid = lax.axis_index("s") * _NC + lax.axis_index("c")
    base = wid * _NCHUNK
    lane = lax.iota(jnp.int32, 16)

    def fire_gather(c):
        b = c % _NBUF
        top = (base + c) * _CHUNK + (_CHUNK - 1)
        for j in range(_CHUNK // 16):
            idx[b][pl.ds(j * 16, 16)] = top - j * 16 - lane
        pltpu.make_async_copy(x_hbm.at[idx[b]], buf[b], sg[b]).start()

    def out_copy(c):
        b = c % _NBUF
        return pltpu.make_async_copy(
            buf[b], o_hbm.at[pl.ds((base + c) * _CHUNK, _CHUNK)], so[b]
        )

    for c in range(_K):
        fire_gather(c)
    for c in range(_NCHUNK):
        b = c % _NBUF
        cn = c + _K
        if cn < _NCHUNK:
            if cn >= _NBUF:
                out_copy(cn - _NBUF).wait()
            fire_gather(cn)
        pltpu.make_async_copy(x_hbm.at[idx[b]], buf[b], sg[b]).wait()
        out_copy(c).start()
    for c in range(_NCHUNK - _NBUF, _NCHUNK):
        out_copy(c).wait()


def kernel(x):
    B, C, D, H, W = x.shape
    xr = x.reshape(B * C * D * H, W)
    mesh = plsc.VectorSubcoreMesh(core_axis_name="c", subcore_axis_name="s")
    k = pl.kernel(
        _sc_flip,
        mesh=mesh,
        out_type=jax.ShapeDtypeStruct((_R, _W), jnp.float32),
        scratch_types=(
            [pltpu.VMEM((_CHUNK,), jnp.int32) for _ in range(_NBUF)]
            + [pltpu.VMEM((_CHUNK, _W), jnp.float32) for _ in range(_NBUF)]
            + [pltpu.SemaphoreType.DMA for _ in range(2 * _NBUF)]
        ),
    )
    out = k(xr)
    return out.reshape(B, C, D, H, W)

# --- scband reference (transcript-rebuilt; emitter-appended) ---
"""Pipeline reference for scband-data-augmenter-55413668053674 (READ-ONLY COPY).

The authoritative reference and input builder live on the scoring server;
editing this copy changes nothing except your own understanding.
"""

import jax, jax.numpy as jnp
import numpy as np

def setup_inputs(seed: int = 0) -> dict:
    key = jax.random.key(seed)
    x = jax.random.normal(key, (2, 4, 128, 128, 128), dtype=jnp.float32)
    return {"x": x}

def reference(x):
    # DataAugmenter configured with probability=1.0, flip=True and all stochastic
    # branches disabled (white_noise=False, seq_shuffling=False, drop_seq=False).
    # random() < 1.0 is always True (random() in [0,1)), so the forward pass
    # deterministically flips the volume along axis 3 (height axis of B,C,D,H,W).
    return jnp.flip(x, axis=3)

if __name__ == "__main__":
    import jax
    _d = setup_inputs()
    print(jax.jit(kernel)(*tuple(_d.values())))

</pallas_src>

<mosaic_0001>
#map = affine_map<(d0, d1) -> (0, 0)>
module attributes {stable_mosaic.version = 14 : i64} {
  func.func @_sc_flip(%arg0: i32, %arg1: i32, %arg2: memref<131072x128xf32, #tpu.memory_space<hbm>>, %arg3: memref<131072x128xf32, #tpu.memory_space<hbm>>, %arg4: memref<128xi32, #tpu.memory_space<vmem>>, %arg5: memref<128xi32, #tpu.memory_space<vmem>>, %arg6: memref<128xi32, #tpu.memory_space<vmem>>, %arg7: memref<128xi32, #tpu.memory_space<vmem>>, %arg8: memref<128xi32, #tpu.memory_space<vmem>>, %arg9: memref<128xi32, #tpu.memory_space<vmem>>, %arg10: memref<128x128xf32, #tpu.memory_space<vmem>>, %arg11: memref<128x128xf32, #tpu.memory_space<vmem>>, %arg12: memref<128x128xf32, #tpu.memory_space<vmem>>, %arg13: memref<128x128xf32, #tpu.memory_space<vmem>>, %arg14: memref<128x128xf32, #tpu.memory_space<vmem>>, %arg15: memref<128x128xf32, #tpu.memory_space<vmem>>, %arg16: memref<!tpu.dma_semaphore, #tpu.memory_space<semaphore_mem>>, %arg17: memref<!tpu.dma_semaphore, #tpu.memory_space<semaphore_mem>>, %arg18: memref<!tpu.dma_semaphore, #tpu.memory_space<semaphore_mem>>, %arg19: memref<!tpu.dma_semaphore, #tpu.memory_space<semaphore_mem>>, %arg20: memref<!tpu.dma_semaphore, #tpu.memory_space<semaphore_mem>>, %arg21: memref<!tpu.dma_semaphore, #tpu.memory_space<semaphore_mem>>, %arg22: memref<!tpu.dma_semaphore, #tpu.memory_space<semaphore_mem>>, %arg23: memref<!tpu.dma_semaphore, #tpu.memory_space<semaphore_mem>>, %arg24: memref<!tpu.dma_semaphore, #tpu.memory_space<semaphore_mem>>, %arg25: memref<!tpu.dma_semaphore, #tpu.memory_space<semaphore_mem>>, %arg26: memref<!tpu.dma_semaphore, #tpu.memory_space<semaphore_mem>>, %arg27: memref<!tpu.dma_semaphore, #tpu.memory_space<semaphore_mem>>) attributes {dimension_semantics = [#tpu.dimension_semantics<core_parallel>, #tpu.dimension_semantics<subcore_parallel>], iteration_bounds = array<i64: 2, 16>, scalar_prefetch = 0 : i64, scratch_operands = 24 : i64, tpu.core_type = #tpu.core_type<sc_vector_subcore>, window_params = [{transform_indices = #map}, {transform_indices = #map}]} {
    %mul3A = arith.constant 2 : i32
    %mul3A_0 = arith.muli %arg1, %mul3A : i32
    %add3A = arith.addi %mul3A_0, %arg0 : i32
    %mul3A_1 = arith.constant 32 : i32
    %mul3A_2 = arith.muli %add3A, %mul3A_1 : i32
    %iota3A = tpu.iota {dimensions = array<i32: 0>} : vector<16xi32>
    %add3A_3 = arith.constant 0 : i32
    %add3A_4 = arith.addi %mul3A_2, %add3A_3 : i32
    %mul3A_5 = arith.constant 128 : i32
    %mul3A_6 = arith.muli %add3A_4, %mul3A_5 : i32
    %add3A_7 = arith.constant 127 : i32
    %add3A_8 = arith.addi %mul3A_6, %add3A_7 : i32
    %sub3A = arith.constant 0 : i32
    %sub3A_9 = arith.subi %add3A_8, %sub3A : i32
    %sub3A_10 = vector.broadcast %sub3A_9 : i32 to vector<16xi32>
    %sub3A_11 = arith.subi %sub3A_10, %iota3A : vector<16xi32>
    %swap3A = arith.constant 0 : index
    %swap3A_12 = tpu.vector_load %arg4[%swap3A] {strides = array<i32>} : memref<128xi32, #tpu.memory_space<vmem>>, vector<16xi32>,
    %swap3A_13 = vector.shape_cast %swap3A_12 : vector<16xi32> to vector<16xi32>
    %swap3A_14 = vector.shape_cast %sub3A_11 : vector<16xi32> to vector<16xi32>
    tpu.vector_store %arg4[%swap3A], %swap3A_14 {strides = array<i32>} : memref<128xi32, #tpu.memory_space<vmem>>, vector<16xi32>,
    %sub3A_15 = arith.constant 16 : i32
    %sub3A_16 = arith.subi %add3A_8, %sub3A_15 : i32
    %sub3A_17 = vector.broadcast %sub3A_16 : i32 to vector<16xi32>
    %sub3A_18 = arith.subi %sub3A_17, %iota3A : vector<16xi32>
    %swap3A_19 = arith.constant 16 : index
    %swap3A_20 = tpu.vector_load %arg4[%swap3A_19] {strides = array<i32>} : memref<128xi32, #tpu.memory_space<vmem>>, vector<16xi32>,
    %swap3A_21 = vector.shape_cast %swap3A_20 : vector<16xi32> to vector<16xi32>
    %swap3A_22 = vector.shape_cast %sub3A_18 : vector<16xi32> to vector<16xi32>
    tpu.vector_store %arg4[%swap3A_19], %swap3A_22 {strides = array<i32>} : memref<128xi32, #tpu.memory_space<vmem>>, vector<16xi32>,
    %sub3A_23 = arith.constant 32 : i32
    %sub3A_24 = arith.subi %add3A_8, %sub3A_23 : i32
    %sub3A_25 = vector.broadcast %sub3A_24 : i32 to vector<16xi32>
    %sub3A_26 = arith.subi %sub3A_25, %iota3A : vector<16xi32>
    %swap3A_27 = arith.constant 32 : index
    %swap3A_28 = tpu.vector_load %arg4[%swap3A_27] {strides = array<i32>} : memref<128xi32, #tpu.memory_space<vmem>>, vector<16xi32>,
    %swap3A_29 = vector.shape_cast %swap3A_28 : vector<16xi32> to vector<16xi32>
    %swap3A_30 = vector.shape_cast %sub3A_26 : vector<16xi32> to vector<16xi32>
    tpu.vector_store %arg4[%swap3A_27], %swap3A_30 {strides = array<i32>} : memref<128xi32, #tpu.memory_space<vmem>>, vector<16xi32>,
    %sub3A_31 = arith.constant 48 : i32
    %sub3A_32 = arith.subi %add3A_8, %sub3A_31 : i32
    %sub3A_33 = vector.broadcast %sub3A_32 : i32 to vector<16xi32>
    %sub3A_34 = arith.subi %sub3A_33, %iota3A : vector<16xi32>
    %swap3A_35 = arith.constant 48 : index
    %swap3A_36 = tpu.vector_load %arg4[%swap3A_35] {strides = array<i32>} : memref<128xi32, #tpu.memory_space<vmem>>, vector<16xi32>,
    %swap3A_37 = vector.shape_cast %swap3A_36 : vector<16xi32> to vector<16xi32>
    %swap3A_38 = vector.shape_cast %sub3A_34 : vector<16xi32> to vector<16xi32>
    tpu.vector_store %arg4[%swap3A_35], %swap3A_38 {strides = array<i32>} : memref<128xi32, #tpu.memory_space<vmem>>, vector<16xi32>,
    %sub3A_39 = arith.constant 64 : i32
    %sub3A_40 = arith.subi %add3A_8, %sub3A_39 : i32
    %sub3A_41 = vector.broadcast %sub3A_40 : i32 to vector<16xi32>
    %sub3A_42 = arith.subi %sub3A_41, %iota3A : vector<16xi32>
    %swap3A_43 = arith.constant 64 : index
    %swap3A_44 = tpu.vector_load %arg4[%swap3A_43] {strides = array<i32>} : memref<128xi32, #tpu.memory_space<vmem>>, vector<16xi32>,
    %swap3A_45 = vector.shape_cast %swap3A_44 : vector<16xi32> to vector<16xi32>
    %swap3A_46 = vector.shape_cast %sub3A_42 : vector<16xi32> to vector<16xi32>
    tpu.vector_store %arg4[%swap3A_43], %swap3A_46 {strides = array<i32>} : memref<128xi32, #tpu.memory_space<vmem>>, vector<16xi32>,
    %sub3A_47 = arith.constant 80 : i32
    %sub3A_48 = arith.subi %add3A_8, %sub3A_47 : i32
    %sub3A_49 = vector.broadcast %sub3A_48 : i32 to vector<16xi32>
    %sub3A_50 = arith.subi %sub3A_49, %iota3A : vector<16xi32>
    %swap3A_51 = arith.constant 80 : index
    %swap3A_52 = tpu.vector_load %arg4[%swap3A_51] {strides = array<i32>} : memref<128xi32, #tpu.memory_space<vmem>>, vector<16xi32>,
    %swap3A_53 = vector.shape_cast %swap3A_52 : vector<16xi32> to vector<16xi32>
    %swap3A_54 = vector.shape_cast %sub3A_50 : vector<16xi32> to vector<16xi32>
    tpu.vector_store %arg4[%swap3A_51], %swap3A_54 {strides = array<i32>} : memref<128xi32, #tpu.memory_space<vmem>>, vector<16xi32>,
    %sub3A_55 = arith.constant 96 : i32
    %sub3A_56 = arith.subi %add3A_8, %sub3A_55 : i32
    %sub3A_57 = vector.broadcast %sub3A_56 : i32 to vector<16xi32>
    %sub3A_58 = arith.subi %sub3A_57, %iota3A : vector<16xi32>
    %swap3A_59 = arith.constant 96 : index
    %swap3A_60 = tpu.vector_load %arg4[%swap3A_59] {strides = array<i32>} : memref<128xi32, #tpu.memory_space<vmem>>, vector<16xi32>,
    %swap3A_61 = vector.shape_cast %swap3A_60 : vector<16xi32> to vector<16xi32>
    %swap3A_62 = vector.shape_cast %sub3A_58 : vector<16xi32> to vector<16xi32>
    tpu.vector_store %arg4[%swap3A_59], %swap3A_62 {strides = array<i32>} : memref<128xi32, #tpu.memory_space<vmem>>, vector<16xi32>,
    %sub3A_63 = arith.constant 112 : i32
    %sub3A_64 = arith.subi %add3A_8, %sub3A_63 : i32
    %sub3A_65 = vector.broadcast %sub3A_64 : i32 to vector<16xi32>
    %sub3A_66 = arith.subi %sub3A_65, %iota3A : vector<16xi32>
    %swap3A_67 = arith.constant 112 : index
    %swap3A_68 = tpu.vector_load %arg4[%swap3A_67] {strides = array<i32>} : memref<128xi32, #tpu.memory_space<vmem>>, vector<16xi32>,
    %swap3A_69 = vector.shape_cast %swap3A_68 : vector<16xi32> to vector<16xi32>
    %swap3A_70 = vector.shape_cast %sub3A_66 : vector<16xi32> to vector<16xi32>
    tpu.vector_store %arg4[%swap3A_67], %swap3A_70 {strides = array<i32>} : memref<128xi32, #tpu.memory_space<vmem>>, vector<16xi32>,
    %dma_start3A = arith.constant 0 : i32
    %dma_start3A_71 = arith.constant 0 : i32
    %dma_start3A_72 = tpu.memref_slice %arg2[%dma_start3A, %dma_start3A_71] : memref<131072x128xf32, #tpu.memory_space<hbm>> -> memref<131072x128xf32, #tpu.memory_space<hbm>>
    tpu.enqueue_indirect_dma source(%dma_start3A_72 : memref<131072x128xf32, #tpu.memory_space<hbm>>) target(%arg10 : memref<128x128xf32, #tpu.memory_space<vmem>>) offsets(%arg4 : memref<128xi32, #tpu.memory_space<vmem>>) semaphore(%arg16 : memref<!tpu.dma_semaphore, #tpu.memory_space<semaphore_mem>>)
    %add3A_73 = arith.constant 1 : i32
    %add3A_74 = arith.addi %mul3A_2, %add3A_73 : i32
    %mul3A_75 = arith.constant 128 : i32
    %mul3A_76 = arith.muli %add3A_74, %mul3A_75 : i32
    %add3A_77 = arith.constant 127 : i32
    %add3A_78 = arith.addi %mul3A_76, %add3A_77 : i32
    %sub3A_79 = arith.constant 0 : i32
    %sub3A_80 = arith.subi %add3A_78, %sub3A_79 : i32
    %sub3A_81 = vector.broadcast %sub3A_80 : i32 to vector<16xi32>
    %sub3A_82 = arith.subi %sub3A_81, %iota3A : vector<16xi32>
    %swap3A_83 = arith.constant 0 : index
    %swap3A_84 = tpu.vector_load %arg5[%swap3A_83] {strides = array<i32>} : memref<128xi32, #tpu.memory_space<vmem>>, vector<16xi32>,
    %swap3A_85 = vector.shape_cast %swap3A_84 : vector<16xi32> to vector<16xi32>
    %swap3A_86 = vector.shape_cast %sub3A_82 : vector<16xi32> to vector<16xi32>
    tpu.vector_store %arg5[%swap3A_83], %swap3A_86 {strides = array<i32>} : memref<128xi32, #tpu.memory_space<vmem>>, vector<16xi32>,
    %sub3A_87 = arith.constant 16 : i32
    %sub3A_88 = arith.subi %add3A_78, %sub3A_87 : i32
    %sub3A_89 = vector.broadcast %sub3A_88 : i32 to vector<16xi32>
    %sub3A_90 = arith.subi %sub3A_89, %iota3A : vector<16xi32>
    %swap3A_91 = arith.constant 16 : index
    %swap3A_92 = tpu.vector_load %arg5[%swap3A_91] {strides = array<i32>} : memref<128xi32, #tpu.memory_space<vmem>>, vector<16xi32>,
    %swap3A_93 = vector.shape_cast %swap3A_92 : vector<16xi32> to vector<16xi32>
    %swap3A_94 = vector.shape_cast %sub3A_90 : vector<16xi32> to vector<16xi32>
    tpu.vector_store %arg5[%swap3A_91], %swap3A_94 {strides = array<i32>} : memref<128xi32, #tpu.memory_space<vmem>>, vector<16xi32>,
    %sub3A_95 = arith.constant 32 : i32
    %sub3A_96 = arith.subi %add3A_78, %sub3A_95 : i32
    %sub3A_97 = vector.broadcast %sub3A_96 : i32 to vector<16xi32>
    %sub3A_98 = arith.subi %sub3A_97, %iota3A : vector<16xi32>
    %swap3A_99 = arith.constant 32 : index
    %swap3A_100 = tpu.vector_load %arg5[%swap3A_99] {strides = array<i32>} : memref<128xi32, #tpu.memory_space<vmem>>, vector<16xi32>,
    %swap3A_101 = vector.shape_cast %swap3A_100 : vector<16xi32> to vector<16xi32>
    %swap3A_102 = vector.shape_cast %sub3A_98 : vector<16xi32> to vector<16xi32>
    tpu.vector_store %arg5[%swap3A_99], %swap3A_102 {strides = array<i32>} : memref<128xi32, #tpu.memory_space<vmem>>, vector<16xi32>,
    %sub3A_103 = arith.constant 48 : i32
    %sub3A_104 = arith.subi %add3A_78, %sub3A_103 : i32
    %sub3A_105 = vector.broadcast %sub3A_104 : i32 to vector<16xi32>
    %sub3A_106 = arith.subi %sub3A_105, %iota3A : vector<16xi32>
    %swap3A_107 = arith.constant 48 : index
    %swap3A_108 = tpu.vector_load %arg5[%swap3A_107] {strides = array<i32>} : memref<128xi32, #tpu.memory_space<vmem>>, vector<16xi32>,
    %swap3A_109 = vector.shape_cast %swap3A_108 : vector<16xi32> to vector<16xi32>
    %swap3A_110 = vector.shape_cast %sub3A_106 : vector<16xi32> to vector<16xi32>
    tpu.vector_store %arg5[%swap3A_107], %swap3A_110 {strides = array<i32>} : memref<128xi32, #tpu.memory_space<vmem>>, vector<16xi32>,
    %sub3A_111 = arith.constant 64 : i32
    %sub3A_112 = arith.subi %add3A_78, %sub3A_111 : i32
    %sub3A_113 = vector.broadcast %sub3A_112 : i32 to vector<16xi32>
    %sub3A_114 = arith.subi %sub3A_113, %iota3A : vector<16xi32>
    %swap3A_115 = arith.constant 64 : index
    %swap3A_116 = tpu.vector_load %arg5[%swap3A_115] {strides = array<i32>} : memref<128xi32, #tpu.memory_space<vmem>>, vector<16xi32>,
    %swap3A_117 = vector.shape_cast %swap3A_116 : vector<16xi32> to vector<16xi32>
    %swap3A_118 = vector.shape_cast %sub3A_114 : vector<16xi32> to vector<16xi32>
    tpu.vector_store %arg5[%swap3A_115], %swap3A_118 {strides = array<i32>} : memref<128xi32, #tpu.memory_space<vmem>>, vector<16xi32>,
    %sub3A_119 = arith.constant 80 : i32
    %sub3A_120 = arith.subi %add3A_78, %sub3A_119 : i32
    %sub3A_121 = vector.broadcast %sub3A_120 : i32 to vector<16xi32>
    %sub3A_122 = arith.subi %sub3A_121, %iota3A : vector<16xi32>
    %swap3A_123 = arith.constant 80 : index
    %swap3A_124 = tpu.vector_load %arg5[%swap3A_123] {strides = array<i32>} : memref<128xi32, #tpu.memory_space<vmem>>, vector<16xi32>,
    %swap3A_125 = vector.shape_cast %swap3A_124 : vector<16xi32> to vector<16xi32>
    %swap3A_126 = vector.shape_cast %sub3A_122 : vector<16xi32> to vector<16xi32>
    tpu.vector_store %arg5[%swap3A_123], %swap3A_126 {strides = array<i32>} : memref<128xi32, #tpu.memory_space<vmem>>, vector<16xi32>,
    %sub3A_127 = arith.constant 96 : i32
    %sub3A_128 = arith.subi %add3A_78, %sub3A_127 : i32
    %sub3A_129 = vector.broadcast %sub3A_128 : i32 to vector<16xi32>
    %sub3A_130 = arith.subi %sub3A_129, %iota3A : vector<16xi32>
    %swap3A_131 = arith.constant 96 : index
    %swap3A_132 = tpu.vector_load %arg5[%swap3A_131] {strides = array<i32>} : memref<128xi32, #tpu.memory_space<vmem>>, vector<16xi32>,
    %swap3A_133 = vector.shape_cast %swap3A_132 : vector<16xi32> to vector<16xi32>
    %swap3A_134 = vector.shape_cast %sub3A_130 : vector<16xi32> to vector<16xi32>
    tpu.vector_store %arg5[%swap3A_131], %swap3A_134 {strides = array<i32>} : memref<128xi32, #tpu.memory_space<vmem>>, vector<16xi32>,
    %sub3A_135 = arith.constant 112 : i32
    %sub3A_136 = arith.subi %add3A_78, %sub3A_135 : i32
    %sub3A_137 = vector.broadcast %sub3A_136 : i32 to vector<16xi32>
    %sub3A_138 = arith.subi %sub3A_137, %iota3A : vector<16xi32>
    %swap3A_139 = arith.constant 112 : index
    %swap3A_140 = tpu.vector_load %arg5[%swap3A_139] {strides = array<i32>} : memref<128xi32, #tpu.memory_space<vmem>>, vector<16xi32>,
    %swap3A_141 = vector.shape_cast %swap3A_140 : vector<16xi32> to vector<16xi32>
    %swap3A_142 = vector.shape_cast %sub3A_138 : vector<16xi32> to vector<16xi32>
    tpu.vector_store %arg5[%swap3A_139], %swap3A_142 {strides = array<i32>} : memref<128xi32, #tpu.memory_space<vmem>>, vector<16xi32>,
    %dma_start3A_143 = arith.constant 0 : i32
    %dma_start3A_144 = arith.constant 0 : i32
    %dma_start3A_145 = tpu.memref_slice %arg2[%dma_start3A_143, %dma_start3A_144] : memref<131072x128xf32, #tpu.memory_space<hbm>> -> memref<131072x128xf32, #tpu.memory_space<hbm>>
    tpu.enqueue_indirect_dma source(%dma_start3A_145 : memref<131072x128xf32, #tpu.memory_space<hbm>>) target(%arg11 : memref<128x128xf32, #tpu.memory_space<vmem>>) offsets(%arg5 : memref<128xi32, #tpu.memory_space<vmem>>) semaphore(%arg17 : memref<!tpu.dma_semaphore, #tpu.memory_space<semaphore_mem>>)
    %add3A_146 = arith.constant 2 : i32
    %add3A_147 = arith.addi %mul3A_2, %add3A_146 : i32
    %mul3A_148 = arith.constant 128 : i32
    %mul3A_149 = arith.muli %add3A_147, %mul3A_148 : i32
    %add3A_150 = arith.constant 127 : i32
    %add3A_151 = arith.addi %mul3A_149, %add3A_150 : i32
    %sub3A_152 = arith.constant 0 : i32
    %sub3A_153 = arith.subi %add3A_151, %sub3A_152 : i32
    %sub3A_154 = vector.broadcast %sub3A_153 : i32 to vector<16xi32>
    %sub3A_155 = arith.subi %sub3A_154, %iota3A : vector<16xi32>
    %swap3A_156 = arith.constant 0 : index
    %swap3A_157 = tpu.vector_load %arg6[%swap3A_156] {strides = array<i32>} : memref<128xi32, #tpu.memory_space<vmem>>, vector<16xi32>,
    %swap3A_158 = vector.shape_cast %swap3A_157 : vector<16xi32> to vector<16xi32>
    %swap3A_159 = vector.shape_cast %sub3A_155 : vector<16xi32> to vector<16xi32>
    tpu.vector_store %arg6[%swap3A_156], %swap3A_159 {strides = array<i32>} : memref<128xi32, #tpu.memory_space<vmem>>, vector<16xi32>,
    %sub3A_160 = arith.constant 16 : i32
    %sub3A_161 = arith.subi %add3A_151, %sub3A_160 : i32
    %sub3A_162 = vector.broadcast %sub3A_161 : i32 to vector<16xi32>
    %sub3A_163 = arith.subi %sub3A_162, %iota3A : vector<16xi32>
    %swap3A_164 = arith.constant 16 : index
    %swap3A_165 = tpu.vector_load %arg6[%swap3A_164] {strides = array<i32>} : memref<128xi32, #tpu.memory_space<vmem>>, vector<16xi32>,
    %swap3A_166 = vector.shape_cast %swap3A_165 : vector<16xi32> to vector<16xi32>
    %swap3A_167 = vector.shape_cast %sub3A_163 : vector<16xi32> to vector<16xi32>
    tpu.vector_store %arg6[%swap3A_164], %swap3A_167 {strides = array<i32>} : memref<128xi32, #tpu.memory_space<vmem>>, vector<16xi32>,
    %sub3A_168 = arith.constant 32 : i32
    %sub3A_169 = arith.subi %add3A_151, %sub3A_168 : i32
    %sub3A_170 = vector.broadcast %sub3A_169 : i32 to vector<16xi32>
    %sub3A_171 = arith.subi %sub3A_170, %iota3A : vector<16xi32>
    %swap3A_172 = arith.constant 32 : index
    %swap3A_173 = tpu.vector_load %arg6[%swap3A_172] {strides = array<i32>} : memref<128xi32, #tpu.memory_space<vmem>>, vector<16xi32>,
    %swap3A_174 = vector.shape_cast %swap3A_173 : vector<16xi32> to vector<16xi32>
    %swap3A_175 = vector.shape_cast %sub3A_171 : vector<16xi32> to vector<16xi32>
    tpu.vector_store %arg6[%swap3A_172], %swap3A_175 {strides = array<i32>} : memref<128xi32, #tpu.memory_space<vmem>>, vector<16xi32>,
    %sub3A_176 = arith.constant 48 : i32
    %sub3A_177 = arith.subi %add3A_151, %sub3A_176 : i32
    %sub3A_178 = vector.broadcast %sub3A_177 : i32 to vector<16xi32>
    %sub3A_179 = arith.subi %sub3A_178, %iota3A : vector<16xi32>
    %swap3A_180 = arith.constant 48 : index
    %swap3A_181 = tpu.vector_load %arg6[%swap3A_180] {strides = array<i32>} : memref<128xi32, #tpu.memory_space<vmem>>, vector<16xi32>,
    %swap3A_182 = vector.shape_cast %swap3A_181 : vector<16xi32> to vector<16xi32>
    %swap3A_183 = vector.shape_cast %sub3A_179 : vector<16xi32> to vector<16xi32>
    tpu.vector_store %arg6[%swap3A_180], %swap3A_183 {strides = array<i32>} : memref<128xi32, #tpu.memory_space<vmem>>, vector<16xi32>,
    %sub3A_184 = arith.constant 64 : i32
    %sub3A_185 = arith.subi %add3A_151, %sub3A_184 : i32
    %sub3A_186 = vector.broadcast %sub3A_185 : i32 to vector<16xi32>
    %sub3A_187 = arith.subi %sub3A_186, %iota3A : vector<16xi32>
    %swap3A_188 = arith.constant 64 : index
    %swap3A_189 = tpu.vector_load %arg6[%swap3A_188] {strides = array<i32>} : memref<128xi32, #tpu.memory_space<vmem>>, vector<16xi32>,
    %swap3A_190 = vector.shape_cast %swap3A_189 : vector<16xi32> to vector<16xi32>
    %swap3A_191 = vector.shape_cast %sub3A_187 : vector<16xi32> to vector<16xi32>
    tpu.vector_store %arg6[%swap3A_188], %swap3A_191 {strides = array<i32>} : memref<128xi32, #tpu.memory_space<vmem>>, vector<16xi32>,
    %sub3A_192 = arith.constant 80 : i32
    %sub3A_193 = arith.subi %add3A_151, %sub3A_192 : i32
    %sub3A_194 = vector.broadcast %sub3A_193 : i32 to vector<16xi32>
    %sub3A_195 = arith.subi %sub3A_194, %iota3A : vector<16xi32>
    %swap3A_196 = arith.constant 80 : index
    %swap3A_197 = tpu.vector_load %arg6[%swap3A_196] {strides = array<i32>} : memref<128xi32, #tpu.memory_space<vmem>>, vector<16xi32>,
    %swap3A_198 = vector.shape_cast %swap3A_197 : vector<16xi32> to vector<16xi32>
    %swap3A_199 = vector.shape_cast %sub3A_195 : vector<16xi32> to vector<16xi32>
    tpu.vector_store %arg6[%swap3A_196], %swap3A_199 {strides = array<i32>} : memref<128xi32, #tpu.memory_space<vmem>>, vector<16xi32>,
    %sub3A_200 = arith.constant 96 : i32
    %sub3A_201 = arith.subi %add3A_151, %sub3A_200 : i32
    %sub3A_202 = vector.broadcast %sub3A_201 : i32 to vector<16xi32>
    %sub3A_203 = arith.subi %sub3A_202, %iota3A : vector<16xi32>
    %swap3A_204 = arith.constant 96 : index
    %swap3A_205 = tpu.vector_load %arg6[%swap3A_204] {strides = array<i32>} : memref<128xi32, #tpu.memory_space<vmem>>, vector<16xi32>,
    %swap3A_206 = vector.shape_cast %swap3A_205 : vector<16xi32> to vector<16xi32>
    %swap3A_207 = vector.shape_cast %sub3A_203 : vector<16xi32> to vector<16xi32>
    tpu.vector_store %arg6[%swap3A_204], %swap3A_207 {strides = array<i32>} : memref<128xi32, #tpu.memory_space<vmem>>, vector<16xi32>,
    %sub3A_208 = arith.constant 112 : i32
    %sub3A_209 = arith.subi %add3A_151, %sub3A_208 : i32
    %sub3A_210 = vector.broadcast %sub3A_209 : i32 to vector<16xi32>
    %sub3A_211 = arith.subi %sub3A_210, %iota3A : vector<16xi32>
    %swap3A_212 = arith.constant 112 : index
    %swap3A_213 = tpu.vector_load %arg6[%swap3A_212] {strides = array<i32>} : memref<128xi32, #tpu.memory_space<vmem>>, vector<16xi32>,
    %swap3A_214 = vector.shape_cast %swap3A_213 : vector<16xi32> to vector<16xi32>
    %swap3A_215 = vector.shape_cast %sub3A_211 : vector<16xi32> to vector<16xi32>
    tpu.vector_store %arg6[%swap3A_212], %swap3A_215 {strides = array<i32>} : memref<128xi32, #tpu.memory_space<vmem>>, vector<16xi32>,
    %dma_start3A_216 = arith.constant 0 : i32
    %dma_start3A_217 = arith.constant 0 : i32
    %dma_start3A_218 = tpu.memref_slice %arg2[%dma_start3A_216, %dma_start3A_217] : memref<131072x128xf32, #tpu.memory_space<hbm>> -> memref<131072x128xf32, #tpu.memory_space<hbm>>
    tpu.enqueue_indirect_dma source(%dma_start3A_218 : memref<131072x128xf32, #tpu.memory_space<hbm>>) target(%arg12 : memref<128x128xf32, #tpu.memory_space<vmem>>) offsets(%arg6 : memref<128xi32, #tpu.memory_space<vmem>>) semaphore(%arg18 : memref<!tpu.dma_semaphore, #tpu.memory_space<semaphore_mem>>)
    %add3A_219 = arith.constant 3 : i32
    %add3A_220 = arith.addi %mul3A_2, %add3A_219 : i32
    %mul3A_221 = arith.constant 128 : i32
    %mul3A_222 = arith.muli %add3A_220, %mul3A_221 : i32
    %add3A_223 = arith.constant 127 : i32
    %add3A_224 = arith.addi %mul3A_222, %add3A_223 : i32
    %sub3A_225 = arith.constant 0 : i32
    %sub3A_226 = arith.subi %add3A_224, %sub3A_225 : i32
    %sub3A_227 = vector.broadcast %sub3A_226 : i32 to vector<16xi32>
    %sub3A_228 = arith.subi %sub3A_227, %iota3A : vector<16xi32>
    %swap3A_229 = arith.constant 0 : index
    %swap3A_230 = tpu.vector_load %arg7[%swap3A_229] {strides = array<i32>} : memref<128xi32, #tpu.memory_space<vmem>>, vector<16xi32>,
    %swap3A_231 = vector.shape_cast %swap3A_230 : vector<16xi32> to vector<16xi32>
    %swap3A_232 = vector.shape_cast %sub3A_228 : vector<16xi32> to vector<16xi32>
    tpu.vector_store %arg7[%swap3A_229], %swap3A_232 {strides = array<i32>} : memref<128xi32, #tpu.memory_space<vmem>>, vector<16xi32>,
    %sub3A_233 = arith.constant 16 : i32
    %sub3A_234 = arith.subi %add3A_224, %sub3A_233 : i32
    %sub3A_235 = vector.broadcast %sub3A_234 : i32 to vector<16xi32>
    %sub3A_236 = arith.subi %sub3A_235, %iota3A : vector<16xi32>
    %swap3A_237 = arith.constant 16 : index
    %swap3A_238 = tpu.vector_load %arg7[%swap3A_237] {strides = array<i32>} : memref<128xi32, #tpu.memory_space<vmem>>, vector<16xi32>,
    %swap3A_239 = vector.shape_cast %swap3A_238 : vector<16xi32> to vector<16xi32>
    %swap3A_240 = vector.shape_cast %sub3A_236 : vector<16xi32> to vector<16xi32>
    tpu.vector_store %arg7[%swap3A_237], %swap3A_240 {strides = array<i32>} : memref<128xi32, #tpu.memory_space<vmem>>, vector<16xi32>,
    %sub3A_241 = arith.constant 32 : i32
    %sub3A_242 = arith.subi %add3A_224, %sub3A_241 : i32
    %sub3A_243 = vector.broadcast %sub3A_242 : i32 to vector<16xi32>
    %sub3A_244 = arith.subi %sub3A_243, %iota3A : vector<16xi32>
    %swap3A_245 = arith.constant 32 : index
    %swap3A_246 = tpu.vector_load %arg7[%swap3A_245] {strides = array<i32>} : memref<128xi32, #tpu.memory_space<vmem>>, vector<16xi32>,
    %swap3A_247 = vector.shape_cast %swap3A_246 : vector<16xi32> to vector<16xi32>
    %swap3A_248 = vector.shape_cast %sub3A_244 : vector<16xi32> to vector<16xi32>
    tpu.vector_store %arg7[%swap3A_245], %swap3A_248 {strides = array<i32>} : memref<128xi32, #tpu.memory_space<vmem>>, vector<16xi32>,
    %sub3A_249 = arith.constant 48 : i32
    %sub3A_250 = arith.subi %add3A_224, %sub3A_249 : i32
    %sub3A_251 = vector.broadcast %sub3A_250 : i32 to vector<16xi32>
    %sub3A_252 = arith.subi %sub3A_251, %iota3A : vector<16xi32>
    %swap3A_253 = arith.constant 48 : index
    %swap3A_254 = tpu.vector_load %arg7[%swap3A_253] {strides = array<i32>} : memref<128xi32, #tpu.memory_space<vmem>>, vector<16xi32>,
    %swap3A_255 = vector.shape_cast %swap3A_254 : vector<16xi32> to vector<16xi32>
    %swap3A_256 = vector.shape_cast %sub3A_252 : vector<16xi32> to vector<16xi32>
    tpu.vector_store %arg7[%swap3A_253], %swap3A_256 {strides = array<i32>} : memref<128xi32, #tpu.memory_space<vmem>>, vector<16xi32>,
    %sub3A_257 = arith.constant 64 : i32
    %sub3A_258 = arith.subi %add3A_224, %sub3A_257 : i32
    %sub3A_259 = vector.broadcast %sub3A_258 : i32 to vector<16xi32>
    %sub3A_260 = arith.subi %sub3A_259, %iota3A : vector<16xi32>
    %swap3A_261 = arith.constant 64 : index
    %swap3A_262 = tpu.vector_load %arg7[%swap3A_261] {strides = array<i32>} : memref<128xi32, #tpu.memory_space<vmem>>, vector<16xi32>,
    %swap3A_263 = vector.shape_cast %swap3A_262 : vector<16xi32> to vector<16xi32>
    %swap3A_264 = vector.shape_cast %sub3A_260 : vector<16xi32> to vector<16xi32>
    tpu.vector_store %arg7[%swap3A_261], %swap3A_264 {strides = array<i32>} : memref<128xi32, #tpu.memory_space<vmem>>, vector<16xi32>,
    %sub3A_265 = arith.constant 80 : i32
    %sub3A_266 = arith.subi %add3A_224, %sub3A_265 : i32
    %sub3A_267 = vector.broadcast %sub3A_266 : i32 to vector<16xi32>
    %sub3A_268 = arith.subi %sub3A_267, %iota3A : vector<16xi32>
    %swap3A_269 = arith.constant 80 : index
    %swap3A_270 = tpu.vector_load %arg7[%swap3A_269] {strides = array<i32>} : memref<128xi32, #tpu.memory_space<vmem>>, vector<16xi32>,
    %swap3A_271 = vector.shape_cast %swap3A_270 : vector<16xi32> to vector<16xi32>
    %swap3A_272 = vector.shape_cast %sub3A_268 : vector<16xi32> to vector<16xi32>
    tpu.vector_store %arg7[%swap3A_269], %swap3A_272 {strides = array<i32>} : memref<128xi32, #tpu.memory_space<vmem>>, vector<16xi32>,
    %sub3A_273 = arith.constant 96 : i32
    %sub3A_274 = arith.subi %add3A_224, %sub3A_273 : i32
    %sub3A_275 = vector.broadcast %sub3A_274 : i32 to vector<16xi32>
    %sub3A_276 = arith.subi %sub3A_275, %iota3A : vector<16xi32>
    %swap3A_277 = arith.constant 96 : index
    %swap3A_278 = tpu.vector_load %arg7[%swap3A_277] {strides = array<i32>} : memref<128xi32, #tpu.memory_space<vmem>>, vector<16xi32>,
    %swap3A_279 = vector.shape_cast %swap3A_278 : vector<16xi32> to vector<16xi32>
    %swap3A_280 = vector.shape_cast %sub3A_276 : vector<16xi32> to vector<16xi32>
    tpu.vector_store %arg7[%swap3A_277], %swap3A_280 {strides = array<i32>} : memref<128xi32, #tpu.memory_space<vmem>>, vector<16xi32>,
    %sub3A_281 = arith.constant 112 : i32
    %sub3A_282 = arith.subi %add3A_224, %sub3A_281 : i32
    %sub3A_283 = vector.broadcast %sub3A_282 : i32 to vector<16xi32>
    %sub3A_284 = arith.subi %sub3A_283, %iota3A : vector<16xi32>
    %swap3A_285 = arith.constant 112 : index
    %swap3A_286 = tpu.vector_load %arg7[%swap3A_285] {strides = array<i32>} : memref<128xi32, #tpu.memory_space<vmem>>, vector<16xi32>,
    %swap3A_287 = vector.shape_cast %swap3A_286 : vector<16xi32> to vector<16xi32>
    %swap3A_288 = vector.shape_cast %sub3A_284 : vector<16xi32> to vector<16xi32>
    tpu.vector_store %arg7[%swap3A_285], %swap3A_288 {strides = array<i32>} : memref<128xi32, #tpu.memory_space<vmem>>, vector<16xi32>,
    %dma_start3A_289 = arith.constant 0 : i32
    %dma_start3A_290 = arith.constant 0 : i32
    %dma_start3A_291 = tpu.memref_slice %arg2[%dma_start3A_289, %dma_start3A_290] : memref<131072x128xf32, #tpu.memory_space<hbm>> -> memref<131072x128xf32, #tpu.memory_space<hbm>>
    tpu.enqueue_indirect_dma source(%dma_start3A_291 : memref<131072x128xf32, #tpu.memory_space<hbm>>) target(%arg13 : memref<128x128xf32, #tpu.memory_space<vmem>>) offsets(%arg7 : memref<128xi32, #tpu.memory_space<vmem>>) semaphore(%arg19 : memref<!tpu.dma_semaphore, #tpu.memory_space<semaphore_mem>>)
    %dma_wait3A = arith.constant 0 : i32
    %dma_wait3A_292 = arith.constant 0 : i32
    %dma_wait3A_293 = tpu.memref_slice %arg2[%dma_wait3A, %dma_wait3A_292] : memref<131072x128xf32, #tpu.memory_space<hbm>> -> memref<131072x128xf32, #tpu.memory_space<hbm>>
    tpu.wait_indirect_dma semaphore(%arg16 : memref<!tpu.dma_semaphore, #tpu.memory_space<semaphore_mem>>) src(%dma_wait3A_293 : memref<131072x128xf32, #tpu.memory_space<hbm>>) dst(%arg10 : memref<128x128xf32, #tpu.memory_space<vmem>>)
    %add3A_294 = arith.constant 0 : i32
    %add3A_295 = arith.addi %mul3A_2, %add3A_294 : i32
    %mul3A_296 = arith.constant 128 : i32
    %mul3A_297 = arith.muli %add3A_295, %mul3A_296 : i32
    %dma_start3A_298 = arith.constant 0 : i32
    %dma_start3A_299 = tpu.memref_slice %arg3[%mul3A_297, %dma_start3A_298] : memref<131072x128xf32, #tpu.memory_space<hbm>> -> memref<128x128xf32, #tpu.memory_space<hbm>>
    %dma_start3A_300 = arith.constant 0 : i32
    %dma_start3A_301 = tpu.memref_slice %arg3[%mul3A_297, %dma_start3A_300] : memref<131072x128xf32, #tpu.memory_space<hbm>> -> memref<128x128xf32, #tpu.memory_space<hbm>>
    tpu.enqueue_dma source(%arg10 : memref<128x128xf32, #tpu.memory_space<vmem>>) target(%dma_start3A_301 : memref<128x128xf32, #tpu.memory_space<hbm>>) target_semaphore(%arg22 : memref<!tpu.dma_semaphore, #tpu.memory_space<semaphore_mem>>)
    %add3A_302 = arith.constant 4 : i32
    %add3A_303 = arith.addi %mul3A_2, %add3A_302 : i32
    %mul3A_304 = arith.constant 128 : i32
    %mul3A_305 = arith.muli %add3A_303, %mul3A_304 : i32
    %add3A_306 = arith.constant 127 : i32
    %add3A_307 = arith.addi %mul3A_305, %add3A_306 : i32
    %sub3A_308 = arith.constant 0 : i32
    %sub3A_309 = arith.subi %add3A_307, %sub3A_308 : i32
    %sub3A_310 = vector.broadcast %sub3A_309 : i32 to vector<16xi32>
    %sub3A_311 = arith.subi %sub3A_310, %iota3A : vector<16xi32>
    %swap3A_312 = arith.constant 0 : index
    %swap3A_313 = tpu.vector_load %arg8[%swap3A_312] {strides = array<i32>} : memref<128xi32, #tpu.memory_space<vmem>>, vector<16xi32>,
    %swap3A_314 = vector.shape_cast %swap3A_313 : vector<16xi32> to vector<16xi32>
    %swap3A_315 = vector.shape_cast %sub3A_311 : vector<16xi32> to vector<16xi32>
    tpu.vector_store %arg8[%swap3A_312], %swap3A_315 {strides = array<i32>} : memref<128xi32, #tpu.memory_space<vmem>>, vector<16xi32>,
    %sub3A_316 = arith.constant 16 : i32
    %sub3A_317 = arith.subi %add3A_307, %sub3A_316 : i32
    %sub3A_318 = vector.broadcast %sub3A_317 : i32 to vector<16xi32>
    %sub3A_319 = arith.subi %sub3A_318, %iota3A : vector<16xi32>
    %swap3A_320 = arith.constant 16 : index
    %swap3A_321 = tpu.vector_load %arg8[%swap3A_320] {strides = array<i32>} : memref<128xi32, #tpu.memory_space<vmem>>, vector<16xi32>,
    %swap3A_322 = vector.shape_cast %swap3A_321 : vector<16xi32> to vector<16xi32>
    %swap3A_323 = vector.shape_cast %sub3A_319 : vector<16xi32> to vector<16xi32>
    tpu.vector_store %arg8[%swap3A_320], %swap3A_323 {strides = array<i32>} : memref<128xi32, #tpu.memory_space<vmem>>, vector<16xi32>,
    %sub3A_324 = arith.constant 32 : i32
    %sub3A_325 = arith.subi %add3A_307, %sub3A_324 : i32
    %sub3A_326 = vector.broadcast %sub3A_325 : i32 to vector<16xi32>
    %sub3A_327 = arith.subi %sub3A_326, %iota3A : vector<16xi32>
    %swap3A_328 = arith.constant 32 : index
    %swap3A_329 = tpu.vector_load %arg8[%swap3A_328] {strides = array<i32>} : memref<128xi32, #tpu.memory_space<vmem>>, vector<16xi32>,
    %swap3A_330 = vector.shape_cast %swap3A_329 : vector<16xi32> to vector<16xi32>
    %swap3A_331 = vector.shape_cast %sub3A_327 : vector<16xi32> to vector<16xi32>
    tpu.vector_store %arg8[%swap3A_328], %swap3A_331 {strides = array<i32>} : memref<128xi32, #tpu.memory_space<vmem>>, vector<16xi32>,
    %sub3A_332 = arith.constant 48 : i32
    %sub3A_333 = arith.subi %add3A_307, %sub3A_332 : i32
    %sub3A_334 = vector.broadcast %sub3A_333 : i32 to vector<16xi32>
    %sub3A_335 = arith.subi %sub3A_334, %iota3A : vector<16xi32>
    %swap3A_336 = arith.constant 48 : index
    %swap3A_337 = tpu.vector_load %arg8[%swap3A_336] {strides = array<i32>} : memref<128xi32, #tpu.memory_space<vmem>>, vector<16xi32>,
    %swap3A_338 = vector.shape_cast %swap3A_337 : vector<16xi32> to vector<16xi32>
    %swap3A_339 = vector.shape_cast %sub3A_335 : vector<16xi32> to vector<16xi32>
    tpu.vector_store %arg8[%swap3A_336], %swap3A_339 {strides = array<i32>} : memref<128xi32, #tpu.memory_space<vmem>>, vector<16xi32>,
    %sub3A_340 = arith.constant 64 : i32
    %sub3A_341 = arith.subi %add3A_307, %sub3A_340 : i32
    %sub3A_342 = vector.broadcast %sub3A_341 : i32 to vector<16xi32>
    %sub3A_343 = arith.subi %sub3A_342, %iota3A : vector<16xi32>
    %swap3A_344 = arith.constant 64 : index
    %swap3A_345 = tpu.vector_load %arg8[%swap3A_344] {strides = array<i32>} : memref<128xi32, #tpu.memory_space<vmem>>, vector<16xi32>,
    %swap3A_346 = vector.shape_cast %swap3A_345 : vector<16xi32> to vector<16xi32>
    %swap3A_347 = vector.shape_cast %sub3A_343 : vector<16xi32> to vector<16xi32>
    tpu.vector_store %arg8[%swap3A_344], %swap3A_347 {strides = array<i32>} : memref<128xi32, #tpu.memory_space<vmem>>, vector<16xi32>,
    %sub3A_348 = arith.constant 80 : i32
    %sub3A_349 = arith.subi %add3A_307, %sub3A_348 : i32
    %sub3A_350 = vector.broadcast %sub3A_349 : i32 to vector<16xi32>
    %sub3A_351 = arith.subi %sub3A_350, %iota3A : vector<16xi32>
    %swap3A_352 = arith.constant 80 : index
    %swap3A_353 = tpu.vector_load %arg8[%swap3A_352] {strides = array<i32>} : memref<128xi32, #tpu.memory_space<vmem>>, vector<16xi32>,
    %swap3A_354 = vector.shape_cast %swap3A_353 : vector<16xi32> to vector<16xi32>
    %swap3A_355 = vector.shape_cast %sub3A_351 : vector<16xi32> to vector<16xi32>
    tpu.vector_store %arg8[%swap3A_352], %swap3A_355 {strides = array<i32>} : memref<128xi32, #tpu.memory_space<vmem>>, vector<16xi32>,
    %sub3A_356 = arith.constant 96 : i32
    %sub3A_357 = arith.subi %add3A_307, %sub3A_356 : i32
    %sub3A_358 = vector.broadcast %sub3A_357 : i32 to vector<16xi32>
    %sub3A_359 = arith.subi %sub3A_358, %iota3A : vector<16xi32>
    %swap3A_360 = arith.constant 96 : index
    %swap3A_361 = tpu.vector_load %arg8[%swap3A_360] {strides = array<i32>} : memref<128xi32, #tpu.memory_space<vmem>>, vector<16xi32>,
    %swap3A_362 = vector.shape_cast %swap3A_361 : vector<16xi32> to vector<16xi32>
    %swap3A_363 = vector.shape_cast %sub3A_359 : vector<16xi32> to vector<16xi32>
    tpu.vector_store %arg8[%swap3A_360], %swap3A_363 {strides = array<i32>} : memref<128xi32, #tpu.memory_space<vmem>>, vector<16xi32>,
    %sub3A_364 = arith.constant 112 : i32
    %sub3A_365 = arith.subi %add3A_307, %sub3A_364 : i32
    %sub3A_366 = vector.broadcast %sub3A_365 : i32 to vector<16xi32>
    %sub3A_367 = arith.subi %sub3A_366, %iota3A : vector<16xi32>
    %swap3A_368 = arith.constant 112 : index
    %swap3A_369 = tpu.vector_load %arg8[%swap3A_368] {strides = array<i32>} : memref<128xi32, #tpu.memory_space<vmem>>, vector<16xi32>,
    %swap3A_370 = vector.shape_cast %swap3A_369 : vector<16xi32> to vector<16xi32>
    %swap3A_371 = vector.shape_cast %sub3A_367 : vector<16xi32> to vector<16xi32>
    tpu.vector_store %arg8[%swap3A_368], %swap3A_371 {strides = array<i32>} : memref<128xi32, #tpu.memory_space<vmem>>, vector<16xi32>,
    %dma_start3A_372 = arith.constant 0 : i32
    %dma_start3A_373 = arith.constant 0 : i32
    %dma_start3A_374 = tpu.memref_slice %arg2[%dma_start3A_372, %dma_start3A_373] : memref<131072x128xf32, #tpu.memory_space<hbm>> -> memref<131072x128xf32, #tpu.memory_space<hbm>>
    tpu.enqueue_indirect_dma source(%dma_start3A_374 : memref<131072x128xf32, #tpu.memory_space<hbm>>) target(%arg14 : memref<128x128xf32, #tpu.memory_space<vmem>>) offsets(%arg8 : memref<128xi32, #tpu.memory_space<vmem>>) semaphore(%arg20 : memref<!tpu.dma_semaphore, #tpu.memory_space<semaphore_mem>>)
    %dma_wait3A_375 = arith.constant 0 : i32
    %dma_wait3A_376 = arith.constant 0 : i32
    %dma_wait3A_377 = tpu.memref_slice %arg2[%dma_wait3A_375, %dma_wait3A_376] : memref<131072x128xf32, #tpu.memory_space<hbm>> -> memref<131072x128xf32, #tpu.memory_space<hbm>>
    tpu.wait_indirect_dma semaphore(%arg17 : memref<!tpu.dma_semaphore, #tpu.memory_space<semaphore_mem>>) src(%dma_wait3A_377 : memref<131072x128xf32, #tpu.memory_space<hbm>>) dst(%arg11 : memref<128x128xf32, #tpu.memory_space<vmem>>)
    %add3A_378 = arith.constant 1 : i32
    %add3A_379 = arith.addi %mul3A_2, %add3A_378 : i32
    %mul3A_380 = arith.constant 128 : i32
    %mul3A_381 = arith.muli %add3A_379, %mul3A_380 : i32
    %dma_start3A_382 = arith.constant 0 : i32
    %dma_start3A_383 = tpu.memref_slice %arg3[%mul3A_381, %dma_start3A_382] : memref<131072x128xf32, #tpu.memory_space<hbm>> -> memref<128x128xf32, #tpu.memory_space<hbm>>
    %dma_start3A_384 = arith.constant 0 : i32
    %dma_start3A_385 = tpu.memref_slice %arg3[%mul3A_381, %dma_start3A_384] : memref<131072x128xf32, #tpu.memory_space<hbm>> -> memref<128x128xf32, #tpu.memory_space<hbm>>
    tpu.enqueue_dma source(%arg11 : memref<128x128xf32, #tpu.memory_space<vmem>>) target(%dma_start3A_385 : memref<128x128xf32, #tpu.memory_space<hbm>>) target_semaphore(%arg23 : memref<!tpu.dma_semaphore, #tpu.memory_space<semaphore_mem>>)
    %add3A_386 = arith.constant 5 : i32
    %add3A_387 = arith.addi %mul3A_2, %add3A_386 : i32
    %mul3A_388 = arith.constant 128 : i32
    %mul3A_389 = arith.muli %add3A_387, %mul3A_388 : i32
    %add3A_390 = arith.constant 127 : i32
    %add3A_391 = arith.addi %mul3A_389, %add3A_390 : i32
    %sub3A_392 = arith.constant 0 : i32
    %sub3A_393 = arith.subi %add3A_391, %sub3A_392 : i32
    %sub3A_394 = vector.broadcast %sub3A_393 : i32 to vector<16xi32>
    %sub3A_395 = arith.subi %sub3A_394, %iota3A : vector<16xi32>
    %swap3A_396 = arith.constant 0 : index
    %swap3A_397 = tpu.vector_load %arg9[%swap3A_396] {strides = array<i32>} : memref<128xi32, #tpu.memory_space<vmem>>, vector<16xi32>,
    %swap3A_398 = vector.shape_cast %swap3A_397 : vector<16xi32> to vector<16xi32>
    %swap3A_399 = vector.shape_cast %sub3A_395 : vector<16xi32> to vector<16xi32>
    tpu.vector_store %arg9[%swap3A_396], %swap3A_399 {strides = array<i32>} : memref<128xi32, #tpu.memory_space<vmem>>, vector<16xi32>,
    %sub3A_400 = arith.constant 16 : i32
    %sub3A_401 = arith.subi %add3A_391, %sub3A_400 : i32
    %sub3A_402 = vector.broadcast %sub3A_401 : i32 to vector<16xi32>
    %sub3A_403 = arith.subi %sub3A_402, %iota3A : vector<16xi32>
    %swap3A_404 = arith.constant 16 : index
    %swap3A_405 = tpu.vector_load %arg9[%swap3A_404] {strides = array<i32>} : memref<128xi32, #tpu.memory_space<vmem>>, vector<16xi32>,
    %swap3A_406 = vector.shape_cast %swap3A_405 : vector<16xi32> to vector<16xi32>
    %swap3A_407 = vector.shape_cast %sub3A_403 : vector<16xi32> to vector<16xi32>
    tpu.vector_store %arg9[%swap3A_404], %swap3A_407 {strides = array<i32>} : memref<128xi32, #tpu.memory_space<vmem>>, vector<16xi32>,
    %sub3A_408 = arith.constant 32 : i32
    %sub3A_409 = arith.subi %add3A_391, %sub3A_408 : i32
    %sub3A_410 = vector.broadcast %sub3A_409 : i32 to vector<16xi32>
    %sub3A_411 = arith.subi %sub3A_410, %iota3A : vector<16xi32>
    %swap3A_412 = arith.constant 32 : index
    %swap3A_413 = tpu.vector_load %arg9[%swap3A_412] {strides = array<i32>} : memref<128xi32, #tpu.memory_space<vmem>>, vector<16xi32>,
    %swap3A_414 = vector.shape_cast %swap3A_413 : vector<16xi32> to vector<16xi32>
    %swap3A_415 = vector.shape_cast %sub3A_411 : vector<16xi32> to vector<16xi32>
    tpu.vector_store %arg9[%swap3A_412], %swap3A_415 {strides = array<i32>} : memref<128xi32, #tpu.memory_space<vmem>>, vector<16xi32>,
    %sub3A_416 = arith.constant 48 : i32
    %sub3A_417 = arith.subi %add3A_391, %sub3A_416 : i32
    %sub3A_418 = vector.broadcast %sub3A_417 : i32 to vector<16xi32>
    %sub3A_419 = arith.subi %sub3A_418, %iota3A : vector<16xi32>
    %swap3A_420 = arith.constant 48 : index
    %swap3A_421 = tpu.vector_load %arg9[%swap3A_420] {strides = array<i32>} : memref<128xi32, #tpu.memory_space<vmem>>, vector<16xi32>,
    %swap3A_422 = vector.shape_cast %swap3A_421 : vector<16xi32> to vector<16xi32>
    %swap3A_423 = vector.shape_cast %sub3A_419 : vector<16xi32> to vector<16xi32>
    tpu.vector_store %arg9[%swap3A_420], %swap3A_423 {strides = array<i32>} : memref<128xi32, #tpu.memory_space<vmem>>, vector<16xi32>,
    %sub3A_424 = arith.constant 64 : i32
    %sub3A_425 = arith.subi %add3A_391, %sub3A_424 : i32
    %sub3A_426 = vector.broadcast %sub3A_425 : i32 to vector<16xi32>
    %sub3A_427 = arith.subi %sub3A_426, %iota3A : vector<16xi32>
    %swap3A_428 = arith.constant 64 : index
    %swap3A_429 = tpu.vector_load %arg9[%swap3A_428] {strides = array<i32>} : memref<128xi32, #tpu.memory_space<vmem>>, vector<16xi32>,
    %swap3A_430 = vector.shape_cast %swap3A_429 : vector<16xi32> to vector<16xi32>
    %swap3A_431 = vector.shape_cast %sub3A_427 : vector<16xi32> to vector<16xi32>
    tpu.vector_store %arg9[%swap3A_428], %swap3A_431 {strides = array<i32>} : memref<128xi32, #tpu.memory_space<vmem>>, vector<16xi32>,
    %sub3A_432 = arith.constant 80 : i32
    %sub3A_433 = arith.subi %add3A_391, %sub3A_432 : i32
    %sub3A_434 = vector.broadcast %sub3A_433 : i32 to vector<16xi32>
    %sub3A_435 = arith.subi %sub3A_434, %iota3A : vector<16xi32>
    %swap3A_436 = arith.constant 80 : index
    %swap3A_437 = tpu.vector_load %arg9[%swap3A_436] {strides = array<i32>} : memref<128xi32, #tpu.memory_space<vmem>>, vector<16xi32>,
    %swap3A_438 = vector.shape_cast %swap3A_437 : vector<16xi32> to vector<16xi32>
    %swap3A_439 = vector.shape_cast %sub3A_435 : vector<16xi32> to vector<16xi32>
    tpu.vector_store %arg9[%swap3A_436], %swap3A_439 {strides = array<i32>} : memref<128xi32, #tpu.memory_space<vmem>>, vector<16xi32>,
    %sub3A_440 = arith.constant 96 : i32
    %sub3A_441 = arith.subi %add3A_391, %sub3A_440 : i32
    %sub3A_442 = vector.broadcast %sub3A_441 : i32 to vector<16xi32>
    %sub3A_443 = arith.subi %sub3A_442, %iota3A : vector<16xi32>
    %swap3A_444 = arith.constant 96 : index
    %swap3A_445 = tpu.vector_load %arg9[%swap3A_444] {strides = array<i32>} : memref<128xi32, #tpu.memory_space<vmem>>, vector<16xi32>,
    %swap3A_446 = vector.shape_cast %swap3A_445 : vector<16xi32> to vector<16xi32>
    %swap3A_447 = vector.shape_cast %sub3A_443 : vector<16xi32> to vector<16xi32>
    tpu.vector_store %arg9[%swap3A_444], %swap3A_447 {strides = array<i32>} : memref<128xi32, #tpu.memory_space<vmem>>, vector<16xi32>,
    %sub3A_448 = arith.constant 112 : i32
    %sub3A_449 = arith.subi %add3A_391, %sub3A_448 : i32
    %sub3A_450 = vector.broadcast %sub3A_449 : i32 to vector<16xi32>
    %sub3A_451 = arith.subi %sub3A_450, %iota3A : vector<16xi32>
    %swap3A_452 = arith.constant 112 : index
    %swap3A_453 = tpu.vector_load %arg9[%swap3A_452] {strides = array<i32>} : memref<128xi32, #tpu.memory_space<vmem>>, vector<16xi32>,
    %swap3A_454 = vector.shape_cast %swap3A_453 : vector<16xi32> to vector<16xi32>
    %swap3A_455 = vector.shape_cast %sub3A_451 : vector<16xi32> to vector<16xi32>
    tpu.vector_store %arg9[%swap3A_452], %swap3A_455 {strides = array<i32>} : memref<128xi32, #tpu.memory_space<vmem>>, vector<16xi32>,
    %dma_start3A_456 = arith.constant 0 : i32
    %dma_start3A_457 = arith.constant 0 : i32
    %dma_start3A_458 = tpu.memref_slice %arg2[%dma_start3A_456, %dma_start3A_457] : memref<131072x128xf32, #tpu.memory_space<hbm>> -> memref<131072x128xf32, #tpu.memory_space<hbm>>
    tpu.enqueue_indirect_dma source(%dma_start3A_458 : memref<131072x128xf32, #tpu.memory_space<hbm>>) target(%arg15 : memref<128x128xf32, #tpu.memory_space<vmem>>) offsets(%arg9 : memref<128xi32, #tpu.memory_space<vmem>>) semaphore(%arg21 : memref<!tpu.dma_semaphore, #tpu.memory_space<semaphore_mem>>)
    %dma_wait3A_459 = arith.constant 0 : i32
    %dma_wait3A_460 = arith.constant 0 : i32
    %dma_wait3A_461 = tpu.memref_slice %arg2[%dma_wait3A_459, %dma_wait3A_460] : memref<131072x128xf32, #tpu.memory_space<hbm>> -> memref<131072x128xf32, #tpu.memory_space<hbm>>
    tpu.wait_indirect_dma semaphore(%arg18 : memref<!tpu.dma_semaphore, #tpu.memory_space<semaphore_mem>>) src(%dma_wait3A_461 : memref<131072x128xf32, #tpu.memory_space<hbm>>) dst(%arg12 : memref<128x128xf32, #tpu.memory_space<vmem>>)
    %add3A_462 = arith.constant 2 : i32
    %add3A_463 = arith.addi %mul3A_2, %add3A_462 : i32
    %mul3A_464 = arith.constant 128 : i32
    %mul3A_465 = arith.muli %add3A_463, %mul3A_464 : i32
    %dma_start3A_466 = arith.constant 0 : i32
    %dma_start3A_467 = tpu.memref_slice %arg3[%mul3A_465, %dma_start3A_466] : memref<131072x128xf32, #tpu.memory_space<hbm>> -> memref<128x128xf32, #tpu.memory_space<hbm>>
    %dma_start3A_468 = arith.constant 0 : i32
    %dma_start3A_469 = tpu.memref_slice %arg3[%mul3A_465, %dma_start3A_468] : memref<131072x128xf32, #tpu.memory_space<hbm>> -> memref<128x128xf32, #tpu.memory_space<hbm>>
    tpu.enqueue_dma source(%arg12 : memref<128x128xf32, #tpu.memory_space<vmem>>) target(%dma_start3A_469 : memref<128x128xf32, #tpu.memory_space<hbm>>) target_semaphore(%arg24 : memref<!tpu.dma_semaphore, #tpu.memory_space<semaphore_mem>>)
    %add3A_470 = arith.constant 0 : i32
    %add3A_471 = arith.addi %mul3A_2, %add3A_470 : i32
    %mul3A_472 = arith.constant 128 : i32
    %mul3A_473 = arith.muli %add3A_471, %mul3A_472 : i32
    %dma_wait3A_474 = arith.constant 0 : i32
    %dma_wait3A_475 = tpu.memref_slice %arg3[%mul3A_473, %dma_wait3A_474] : memref<131072x128xf32, #tpu.memory_space<hbm>> -> memref<128x128xf32, #tpu.memory_space<hbm>>
    %dma_wait3A_476 = arith.constant 0 : i32
    %dma_wait3A_477 = tpu.memref_slice %arg3[%mul3A_473, %dma_wait3A_476] : memref<131072x128xf32, #tpu.memory_space<hbm>> -> memref<128x128xf32, #tpu.memory_space<hbm>>
    tpu.wait_dma2 semaphore(%arg22 : memref<!tpu.dma_semaphore, #tpu.memory_space<semaphore_mem>>) src(%arg10 : memref<128x128xf32, #tpu.memory_space<vmem>>) dst(%dma_wait3A_477 : memref<128x128xf32, #tpu.memory_space<hbm>>)
    %add3A_478 = arith.constant 6 : i32
    %add3A_479 = arith.addi %mul3A_2, %add3A_478 : i32
    %mul3A_480 = arith.constant 128 : i32
    %mul3A_481 = arith.muli %add3A_479, %mul3A_480 : i32
    %add3A_482 = arith.constant 127 : i32
    %add3A_483 = arith.addi %mul3A_481, %add3A_482 : i32
    %sub3A_484 = arith.constant 0 : i32
    %sub3A_485 = arith.subi %add3A_483, %sub3A_484 : i32
    %sub3A_486 = vector.broadcast %sub3A_485 : i32 to vector<16xi32>
    %sub3A_487 = arith.subi %sub3A_486, %iota3A : vector<16xi32>
    %swap3A_488 = arith.constant 0 : index
    %swap3A_489 = tpu.vector_load %arg4[%swap3A_488] {strides = array<i32>} : memref<128xi32, #tpu.memory_space<vmem>>, vector<16xi32>,
    %swap3A_490 = vector.shape_cast %swap3A_489 : vector<16xi32> to vector<16xi32>
    %swap3A_491 = vector.shape_cast %sub3A_487 : vector<16xi32> to vector<16xi32>
    tpu.vector_store %arg4[%swap3A_488], %swap3A_491 {strides = array<i32>} : memref<128xi32, #tpu.memory_space<vmem>>, vector<16xi32>,
    %sub3A_492 = arith.constant 16 : i32
    %sub3A_493 = arith.subi %add3A_483, %sub3A_492 : i32
    %sub3A_494 = vector.broadcast %sub3A_493 : i32 to vector<16xi32>
    %sub3A_495 = arith.subi %sub3A_494, %iota3A : vector<16xi32>
    %swap3A_496 = arith.constant 16 : index
    %swap3A_497 = tpu.vector_load %arg4[%swap3A_496] {strides = array<i32>} : memref<128xi32, #tpu.memory_space<vmem>>, vector<16xi32>,
    %swap3A_498 = vector.shape_cast %swap3A_497 : vector<16xi32> to vector<16xi32>
    %swap3A_499 = vector.shape_cast %sub3A_495 : vector<16xi32> to vector<16xi32>
    tpu.vector_store %arg4[%swap3A_496], %swap3A_499 {strides = array<i32>} : memref<128xi32, #tpu.memory_space<vmem>>, vector<16xi32>,
    %sub3A_500 = arith.constant 32 : i32
    %sub3A_501 = arith.subi %add3A_483, %sub3A_500 : i32
    %sub3A_502 = vector.broadcast %sub3A_501 : i32 to vector<16xi32>
    %sub3A_503 = arith.subi %sub3A_502, %iota3A : vector<16xi32>
    %swap3A_504 = arith.constant 32 : index
    %swap3A_505 = tpu.vector_load %arg4[%swap3A_504] {strides = array<i32>} : memref<128xi32, #tpu.memory_space<vmem>>, vector<16xi32>,
    %swap3A_506 = vector.shape_cast %swap3A_505 : vector<16xi32> to vector<16xi32>
    %swap3A_507 = vector.shape_cast %sub3A_503 : vector<16xi32> to vector<16xi32>
    tpu.vector_store %arg4[%swap3A_504], %swap3A_507 {strides = array<i32>} : memref<128xi32, #tpu.memory_space<vmem>>, vector<16xi32>,
    %sub3A_508 = arith.constant 48 : i32
    %sub3A_509 = arith.subi %add3A_483, %sub3A_508 : i32
    %sub3A_510 = vector.broadcast %sub3A_509 : i32 to vector<16xi32>
    %sub3A_511 = arith.subi %sub3A_510, %iota3A : vector<16xi32>
    %swap3A_512 = arith.constant 48 : index
    %swap3A_513 = tpu.vector_load %arg4[%swap3A_512] {strides = array<i32>} : memref<128xi32, #tpu.memory_space<vmem>>, vector<16xi32>,
    %swap3A_514 = vector.shape_cast %swap3A_513 : vector<16xi32> to vector<16xi32>
    %swap3A_515 = vector.shape_cast %sub3A_511 : vector<16xi32> to vector<16xi32>
    tpu.vector_store %arg4[%swap3A_512], %swap3A_515 {strides = array<i32>} : memref<128xi32, #tpu.memory_space<vmem>>, vector<16xi32>,
    %sub3A_516 = arith.constant 64 : i32
    %sub3A_517 = arith.subi %add3A_483, %sub3A_516 : i32
    %sub3A_518 = vector.broadcast %sub3A_517 : i32 to vector<16xi32>
    %sub3A_519 = arith.subi %sub3A_518, %iota3A : vector<16xi32>
    %swap3A_520 = arith.constant 64 : index
    %swap3A_521 = tpu.vector_load %arg4[%swap3A_520] {strides = array<i32>} : memref<128xi32, #tpu.memory_space<vmem>>, vector<16xi32>,
    %swap3A_522 = vector.shape_cast %swap3A_521 : vector<16xi32> to vector<16xi32>
    %swap3A_523 = vector.shape_cast %sub3A_519 : vector<16xi32> to vector<16xi32>
    tpu.vector_store %arg4[%swap3A_520], %swap3A_523 {strides = array<i32>} : memref<128xi32, #tpu.memory_space<vmem>>, vector<16xi32>,
    %sub3A_524 = arith.constant 80 : i32
    %sub3A_525 = arith.subi %add3A_483, %sub3A_524 : i32
    %sub3A_526 = vector.broadcast %sub3A_525 : i32 to vector<16xi32>
    %sub3A_527 = arith.subi %sub3A_526, %iota3A : vector<16xi32>
    %swap3A_528 = arith.constant 80 : index
    %swap3A_529 = tpu.vector_load %arg4[%swap3A_528] {strides = array<i32>} : memref<128xi32, #tpu.memory_space<vmem>>, vector<16xi32>,
    %swap3A_530 = vector.shape_cast %swap3A_529 : vector<16xi32> to vector<16xi32>
    %swap3A_531 = vector.shape_cast %sub3A_527 : vector<16xi32> to vector<16xi32>
    tpu.vector_store %arg4[%swap3A_528], %swap3A_531 {strides = array<i32>} : memref<128xi32, #tpu.memory_space<vmem>>, vector<16xi32>,
    %sub3A_532 = arith.constant 96 : i32
    %sub3A_533 = arith.subi %add3A_483, %sub3A_532 : i32
    %sub3A_534 = vector.broadcast %sub3A_533 : i32 to vector<16xi32>
    %sub3A_535 = arith.subi %sub3A_534, %iota3A : vector<16xi32>
    %swap3A_536 = arith.constant 96 : index
    %swap3A_537 = tpu.vector_load %arg4[%swap3A_536] {strides = array<i32>} : memref<128xi32, #tpu.memory_space<vmem>>, vector<16xi32>,
    %swap3A_538 = vector.shape_cast %swap3A_537 : vector<16xi32> to vector<16xi32>
    %swap3A_539 = vector.shape_cast %sub3A_535 : vector<16xi32> to vector<16xi32>
    tpu.vector_store %arg4[%swap3A_536], %swap3A_539 {strides = array<i32>} : memref<128xi32, #tpu.memory_space<vmem>>, vector<16xi32>,
    %sub3A_540 = arith.constant 112 : i32
    %sub3A_541 = arith.subi %add3A_483, %sub3A_540 : i32
    %sub3A_542 = vector.broadcast %sub3A_541 : i32 to vector<16xi32>
    %sub3A_543 = arith.subi %sub3A_542, %iota3A : vector<16xi32>
    %swap3A_544 = arith.constant 112 : index
    %swap3A_545 = tpu.vector_load %arg4[%swap3A_544] {strides = array<i32>} : memref<128xi32, #tpu.memory_space<vmem>>, vector<16xi32>,
    %swap3A_546 = vector.shape_cast %swap3A_545 : vector<16xi32> to vector<16xi32>
    %swap3A_547 = vector.shape_cast %sub3A_543 : vector<16xi32> to vector<16xi32>
    tpu.vector_store %arg4[%swap3A_544], %swap3A_547 {strides = array<i32>} : memref<128xi32, #tpu.memory_space<vmem>>, vector<16xi32>,
    %dma_start3A_548 = arith.constant 0 : i32
    %dma_start3A_549 = arith.constant 0 : i32
    %dma_start3A_550 = tpu.memref_slice %arg2[%dma_start3A_548, %dma_start3A_549] : memref<131072x128xf32, #tpu.memory_space<hbm>> -> memref<131072x128xf32, #tpu.memory_space<hbm>>
    tpu.enqueue_indirect_dma source(%dma_start3A_550 : memref<131072x128xf32, #tpu.memory_space<hbm>>) target(%arg10 : memref<128x128xf32, #tpu.memory_space<vmem>>) offsets(%arg4 : memref<128xi32, #tpu.memory_space<vmem>>) semaphore(%arg16 : memref<!tpu.dma_semaphore, #tpu.memory_space<semaphore_mem>>)
    %dma_wait3A_551 = arith.constant 0 : i32
    %dma_wait3A_552 = arith.constant 0 : i32
    %dma_wait3A_553 = tpu.memref_slice %arg2[%dma_wait3A_551, %dma_wait3A_552] : memref<131072x128xf32, #tpu.memory_space<hbm>> -> memref<131072x128xf32, #tpu.memory_space<hbm>>
    tpu.wait_indirect_dma semaphore(%arg19 : memref<!tpu.dma_semaphore, #tpu.memory_space<semaphore_mem>>) src(%dma_wait3A_553 : memref<131072x128xf32, #tpu.memory_space<hbm>>) dst(%arg13 : memref<128x128xf32, #tpu.memory_space<vmem>>)
    %add3A_554 = arith.constant 3 : i32
    %add3A_555 = arith.addi %mul3A_2, %add3A_554 : i32
    %mul3A_556 = arith.constant 128 : i32
    %mul3A_557 = arith.muli %add3A_555, %mul3A_556 : i32
    %dma_start3A_558 = arith.constant 0 : i32
    %dma_start3A_559 = tpu.memref_slice %arg3[%mul3A_557, %dma_start3A_558] : memref<131072x128xf32, #tpu.memory_space<hbm>> -> memref<128x128xf32, #tpu.memory_space<hbm>>
    %dma_start3A_560 = arith.constant 0 : i32
    %dma_start3A_561 = tpu.memref_slice %arg3[%mul3A_557, %dma_start3A_560] : memref<131072x128xf32, #tpu.memory_space<hbm>> -> memref<128x128xf32, #tpu.memory_space<hbm>>
    tpu.enqueue_dma source(%arg13 : memref<128x128xf32, #tpu.memory_space<vmem>>) target(%dma_start3A_561 : memref<128x128xf32, #tpu.memory_space<hbm>>) target_semaphore(%arg25 : memref<!tpu.dma_semaphore, #tpu.memory_space<semaphore_mem>>)
    %add3A_562 = arith.constant 1 : i32
    %add3A_563 = arith.addi %mul3A_2, %add3A_562 : i32
    %mul3A_564 = arith.constant 128 : i32
    %mul3A_565 = arith.muli %add3A_563, %mul3A_564 : i32
    %dma_wait3A_566 = arith.constant 0 : i32
    %dma_wait3A_567 = tpu.memref_slice %arg3[%mul3A_565, %dma_wait3A_566] : memref<131072x128xf32, #tpu.memory_space<hbm>> -> memref<128x128xf32, #tpu.memory_space<hbm>>
    %dma_wait3A_568 = arith.constant 0 : i32
    %dma_wait3A_569 = tpu.memref_slice %arg3[%mul3A_565, %dma_wait3A_568] : memref<131072x128xf32, #tpu.memory_space<hbm>> -> memref<128x128xf32, #tpu.memory_space<hbm>>
    tpu.wait_dma2 semaphore(%arg23 : memref<!tpu.dma_semaphore, #tpu.memory_space<semaphore_mem>>) src(%arg11 : memref<128x128xf32, #tpu.memory_space<vmem>>) dst(%dma_wait3A_569 : memref<128x128xf32, #tpu.memory_space<hbm>>)
    %add3A_570 = arith.constant 7 : i32
    %add3A_571 = arith.addi %mul3A_2, %add3A_570 : i32
    %mul3A_572 = arith.constant 128 : i32
    %mul3A_573 = arith.muli %add3A_571, %mul3A_572 : i32
    %add3A_574 = arith.constant 127 : i32
    %add3A_575 = arith.addi %mul3A_573, %add3A_574 : i32
    %sub3A_576 = arith.constant 0 : i32
    %sub3A_577 = arith.subi %add3A_575, %sub3A_576 : i32
    %sub3A_578 = vector.broadcast %sub3A_577 : i32 to vector<16xi32>
    %sub3A_579 = arith.subi %sub3A_578, %iota3A : vector<16xi32>
    %swap3A_580 = arith.constant 0 : index
    %swap3A_581 = tpu.vector_load %arg5[%swap3A_580] {strides = array<i32>} : memref<128xi32, #tpu.memory_space<vmem>>, vector<16xi32>,
    %swap3A_582 = vector.shape_cast %swap3A_581 : vector<16xi32> to vector<16xi32>
    %swap3A_583 = vector.shape_cast %sub3A_579 : vector<16xi32> to vector<16xi32>
    tpu.vector_store %arg5[%swap3A_580], %swap3A_583 {strides = array<i32>} : memref<128xi32, #tpu.memory_space<vmem>>, vector<16xi32>,
    %sub3A_584 = arith.constant 16 : i32
    %sub3A_585 = arith.subi %add3A_575, %sub3A_584 : i32
    %sub3A_586 = vector.broadcast %sub3A_585 : i32 to vector<16xi32>
    %sub3A_587 = arith.subi %sub3A_586, %iota3A : vector<16xi32>
    %swap3A_588 = arith.constant 16 : index
    %swap3A_589 = tpu.vector_load %arg5[%swap3A_588] {strides = array<i32>} : memref<128xi32, #tpu.memory_space<vmem>>, vector<16xi32>,
    %swap3A_590 = vector.shape_cast %swap3A_589 : vector<16xi32> to vector<16xi32>
    %swap3A_591 = vector.shape_cast %sub3A_587 : vector<16xi32> to vector<16xi32>
    tpu.vector_store %arg5[%swap3A_588], %swap3A_591 {strides = array<i32>} : memref<128xi32, #tpu.memory_space<vmem>>, vector<16xi32>,
    %sub3A_592 = arith.constant 32 : i32
    %sub3A_593 = arith.subi %add3A_575, %sub3A_592 : i32
    %sub3A_594 = vector.broadcast %sub3A_593 : i32 to vector<16xi32>
    %sub3A_595 = arith.subi %sub3A_594, %iota3A : vector<16xi32>
    %swap3A_596 = arith.constant 32 : index
    %swap3A_597 = tpu.vector_load %arg5[%swap3A_596] {strides = array<i32>} : memref<128xi32, #tpu.memory_space<vmem>>, vector<16xi32>,
    %swap3A_598 = vector.shape_cast %swap3A_597 : vector<16xi32> to vector<16xi32>
    %swap3A_599 = vector.shape_cast %sub3A_595 : vector<16xi32> to vector<16xi32>
    tpu.vector_store %arg5[%swap3A_596], %swap3A_599 {strides = array<i32>} : memref<128xi32, #tpu.memory_space<vmem>>, vector<16xi32>,
    %sub3A_600 = arith.constant 48 : i32
    %sub3A_601 = arith.subi %add3A_575, %sub3A_600 : i32
    %sub3A_602 = vector.broadcast %sub3A_601 : i32 to vector<16xi32>
    %sub3A_603 = arith.subi %sub3A_602, %iota3A : vector<16xi32>
    %swap3A_604 = arith.constant 48 : index
    %swap3A_605 = tpu.vector_load %arg5[%swap3A_604] {strides = array<i32>} : memref<128xi32, #tpu.memory_space<vmem>>, vector<16xi32>,
    %swap3A_606 = vector.shape_cast %swap3A_605 : vector<16xi32> to vector<16xi32>
    %swap3A_607 = vector.shape_cast %sub3A_603 : vector<16xi32> to vector<16xi32>
    tpu.vector_store %arg5[%swap3A_604], %swap3A_607 {strides = array<i32>} : memref<128xi32, #tpu.memory_space<vmem>>, vector<16xi32>,
    %sub3A_608 = arith.constant 64 : i32
    %sub3A_609 = arith.subi %add3A_575, %sub3A_608 : i32
    %sub3A_610 = vector.broadcast %sub3A_609 : i32 to vector<16xi32>
    %sub3A_611 = arith.subi %sub3A_610, %iota3A : vector<16xi32>
    %swap3A_612 = arith.constant 64 : index
    %swap3A_613 = tpu.vector_load %arg5[%swap3A_612] {strides = array<i32>} : memref<128xi32, #tpu.memory_space<vmem>>, vector<16xi32>,
    %swap3A_614 = vector.shape_cast %swap3A_613 : vector<16xi32> to vector<16xi32>
    %swap3A_615 = vector.shape_cast %sub3A_611 : vector<16xi32> to vector<16xi32>
    tpu.vector_store %arg5[%swap3A_612], %swap3A_615 {strides = array<i32>} : memref<128xi32, #tpu.memory_space<vmem>>, vector<16xi32>,
    %sub3A_616 = arith.constant 80 : i32
    %sub3A_617 = arith.subi %add3A_575, %sub3A_616 : i32
    %sub3A_618 = vector.broadcast %sub3A_617 : i32 to vector<16xi32>
    %sub3A_619 = arith.subi %sub3A_618, %iota3A : vector<16xi32>
    %swap3A_620 = arith.constant 80 : index
    %swap3A_621 = tpu.vector_load %arg5[%swap3A_620] {strides = array<i32>} : memref<128xi32, #tpu.memory_space<vmem>>, vector<16xi32>,
    %swap3A_622 = vector.shape_cast %swap3A_621 : vector<16xi32> to vector<16xi32>
    %swap3A_623 = vector.shape_cast %sub3A_619 : vector<16xi32> to vector<16xi32>
    tpu.vector_store %arg5[%swap3A_620], %swap3A_623 {strides = array<i32>} : memref<128xi32, #tpu.memory_space<vmem>>, vector<16xi32>,
    %sub3A_624 = arith.constant 96 : i32
    %sub3A_625 = arith.subi %add3A_575, %sub3A_624 : i32
    %sub3A_626 = vector.broadcast %sub3A_625 : i32 to vector<16xi32>
    %sub3A_627 = arith.subi %sub3A_626, %iota3A : vector<16xi32>
    %swap3A_628 = arith.constant 96 : index
    %swap3A_629 = tpu.vector_load %arg5[%swap3A_628] {strides = array<i32>} : memref<128xi32, #tpu.memory_space<vmem>>, vector<16xi32>,
    %swap3A_630 = vector.shape_cast %swap3A_629 : vector<16xi32> to vector<16xi32>
    %swap3A_631 = vector.shape_cast %sub3A_627 : vector<16xi32> to vector<16xi32>
    tpu.vector_store %arg5[%swap3A_628], %swap3A_631 {strides = array<i32>} : memref<128xi32, #tpu.memory_space<vmem>>, vector<16xi32>,
    %sub3A_632 = arith.constant 112 : i32
    %sub3A_633 = arith.subi %add3A_575, %sub3A_632 : i32
    %sub3A_634 = vector.broadcast %sub3A_633 : i32 to vector<16xi32>
    %sub3A_635 = arith.subi %sub3A_634, %iota3A : vector<16xi32>
    %swap3A_636 = arith.constant 112 : index
    %swap3A_637 = tpu.vector_load %arg5[%swap3A_636] {strides = array<i32>} : memref<128xi32, #tpu.memory_space<vmem>>, vector<16xi32>,
    %swap3A_638 = vector.shape_cast %swap3A_637 : vector<16xi32> to vector<16xi32>
    %swap3A_639 = vector.shape_cast %sub3A_635 : vector<16xi32> to vector<16xi32>
    tpu.vector_store %arg5[%swap3A_636], %swap3A_639 {strides = array<i32>} : memref<128xi32, #tpu.memory_space<vmem>>, vector<16xi32>,
    %dma_start3A_640 = arith.constant 0 : i32
    %dma_start3A_641 = arith.constant 0 : i32
    %dma_start3A_642 = tpu.memref_slice %arg2[%dma_start3A_640, %dma_start3A_641] : memref<131072x128xf32, #tpu.memory_space<hbm>> -> memref<131072x128xf32, #tpu.memory_space<hbm>>
    tpu.enqueue_indirect_dma source(%dma_start3A_642 : memref<131072x128xf32, #tpu.memory_space<hbm>>) target(%arg11 : memref<128x128xf32, #tpu.memory_space<vmem>>) offsets(%arg5 : memref<128xi32, #tpu.memory_space<vmem>>) semaphore(%arg17 : memref<!tpu.dma_semaphore, #tpu.memory_space<semaphore_mem>>)
    %dma_wait3A_643 = arith.constant 0 : i32
    %dma_wait3A_644 = arith.constant 0 : i32
    %dma_wait3A_645 = tpu.memref_slice %arg2[%dma_wait3A_643, %dma_wait3A_644] : memref<131072x128xf32, #tpu.memory_space<hbm>> -> memref<131072x128xf32, #tpu.memory_space<hbm>>
    tpu.wait_indirect_dma semaphore(%arg20 : memref<!tpu.dma_semaphore, #tpu.memory_space<semaphore_mem>>) src(%dma_wait3A_645 : memref<131072x128xf32, #tpu.memory_space<hbm>>) dst(%arg14 : memref<128x128xf32, #tpu.memory_space<vmem>>)
    %add3A_646 = arith.constant 4 : i32
    %add3A_647 = arith.addi %mul3A_2, %add3A_646 : i32
    %mul3A_648 = arith.constant 128 : i32
    %mul3A_649 = arith.muli %add3A_647, %mul3A_648 : i32
    %dma_start3A_650 = arith.constant 0 : i32
    %dma_start3A_651 = tpu.memref_slice %arg3[%mul3A_649, %dma_start3A_650] : memref<131072x128xf32, #tpu.memory_space<hbm>> -> memref<128x128xf32, #tpu.memory_space<hbm>>
    %dma_start3A_652 = arith.constant 0 : i32
    %dma_start3A_653 = tpu.memref_slice %arg3[%mul3A_649, %dma_start3A_652] : memref<131072x128xf32, #tpu.memory_space<hbm>> -> memref<128x128xf32, #tpu.memory_space<hbm>>
    tpu.enqueue_dma source(%arg14 : memref<128x128xf32, #tpu.memory_space<vmem>>) target(%dma_start3A_653 : memref<128x128xf32, #tpu.memory_space<hbm>>) target_semaphore(%arg26 : memref<!tpu.dma_semaphore, #tpu.memory_space<semaphore_mem>>)
    %add3A_654 = arith.constant 2 : i32
    %add3A_655 = arith.addi %mul3A_2, %add3A_654 : i32
    %mul3A_656 = arith.constant 128 : i32
    %mul3A_657 = arith.muli %add3A_655, %mul3A_656 : i32
    %dma_wait3A_658 = arith.constant 0 : i32
    %dma_wait3A_659 = tpu.memref_slice %arg3[%mul3A_657, %dma_wait3A_658] : memref<131072x128xf32, #tpu.memory_space<hbm>> -> memref<128x128xf32, #tpu.memory_space<hbm>>
    %dma_wait3A_660 = arith.constant 0 : i32
    %dma_wait3A_661 = tpu.memref_slice %arg3[%mul3A_657, %dma_wait3A_660] : memref<131072x128xf32, #tpu.memory_space<hbm>> -> memref<128x128xf32, #tpu.memory_space<hbm>>
    tpu.wait_dma2 semaphore(%arg24 : memref<!tpu.dma_semaphore, #tpu.memory_space<semaphore_mem>>) src(%arg12 : memref<128x128xf32, #tpu.memory_space<vmem>>) dst(%dma_wait3A_661 : memref<128x128xf32, #tpu.memory_space<hbm>>)
    %add3A_662 = arith.constant 8 : i32
    %add3A_663 = arith.addi %mul3A_2, %add3A_662 : i32
    %mul3A_664 = arith.constant 128 : i32
    %mul3A_665 = arith.muli %add3A_663, %mul3A_664 : i32
    %add3A_666 = arith.constant 127 : i32
    %add3A_667 = arith.addi %mul3A_665, %add3A_666 : i32
    %sub3A_668 = arith.constant 0 : i32
    %sub3A_669 = arith.subi %add3A_667, %sub3A_668 : i32
    %sub3A_670 = vector.broadcast %sub3A_669 : i32 to vector<16xi32>
    %sub3A_671 = arith.subi %sub3A_670, %iota3A : vector<16xi32>
    %swap3A_672 = arith.constant 0 : index
    %swap3A_673 = tpu.vector_load %arg6[%swap3A_672] {strides = array<i32>} : memref<128xi32, #tpu.memory_space<vmem>>, vector<16xi32>,
    %swap3A_674 = vector.shape_cast %swap3A_673 : vector<16xi32> to vector<16xi32>
    %swap3A_675 = vector.shape_cast %sub3A_671 : vector<16xi32> to vector<16xi32>
    tpu.vector_store %arg6[%swap3A_672], %swap3A_675 {strides = array<i32>} : memref<128xi32, #tpu.memory_space<vmem>>, vector<16xi32>,
    %sub3A_676 = arith.constant 16 : i32
    %sub3A_677 = arith.subi %add3A_667, %sub3A_676 : i32
    %sub3A_678 = vector.broadcast %sub3A_677 : i32 to vector<16xi32>
    %sub3A_679 = arith.subi %sub3A_678, %iota3A : vector<16xi32>
    %swap3A_680 = arith.constant 16 : index
    %swap3A_681 = tpu.vector_load %arg6[%swap3A_680] {strides = array<i32>} : memref<128xi32, #tpu.memory_space<vmem>>, vector<16xi32>,
    %swap3A_682 = vector.shape_cast %swap3A_681 : vector<16xi32> to vector<16xi32>
    %swap3A_683 = vector.shape_cast %sub3A_679 : vector<16xi32> to vector<16xi32>
    tpu.vector_store %arg6[%swap3A_680], %swap3A_683 {strides = array<i32>} : memref<128xi32, #tpu.memory_space<vmem>>, vector<16xi32>,
    %sub3A_684 = arith.constant 32 : i32
    %sub3A_685 = arith.subi %add3A_667, %sub3A_684 : i32
    %sub3A_686 = vector.broadcast %sub3A_685 : i32 to vector<16xi32>
    %sub3A_687 = arith.subi %sub3A_686, %iota3A : vector<16xi32>
    %swap3A_688 = arith.constant 32 : index
    %swap3A_689 = tpu.vector_load %arg6[%swap3A_688] {strides = array<i32>} : memref<128xi32, #tpu.memory_space<vmem>>, vector<16xi32>,
    %swap3A_690 = vector.shape_cast %swap3A_689 : vector<16xi32> to vector<16xi32>
    %swap3A_691 = vector.shape_cast %sub3A_687 : vector<16xi32> to vector<16xi32>
    tpu.vector_store %arg6[%swap3A_688], %swap3A_691 {strides = array<i32>} : memref<128xi32, #tpu.memory_space<vmem>>, vector<16xi32>,
    %sub3A_692 = arith.constant 48 : i32
    %sub3A_693 = arith.subi %add3A_667, %sub3A_692 : i32
    %sub3A_694 = vector.broadcast %sub3A_693 : i32 to vector<16xi32>
    %sub3A_695 = arith.subi %sub3A_694, %iota3A : vector<16xi32>
    %swap3A_696 = arith.constant 48 : index
    %swap3A_697 = tpu.vector_load %arg6[%swap3A_696] {strides = array<i32>} : memref<128xi32, #tpu.memory_space<vmem>>, vector<16xi32>,
    %swap3A_698 = vector.shape_cast %swap3A_697 : vector<16xi32> to vector<16xi32>
    %swap3A_699 = vector.shape_cast %sub3A_695 : vector<16xi32> to vector<16xi32>
    tpu.vector_store %arg6[%swap3A_696], %swap3A_699 {strides = array<i32>} : memref<128xi32, #tpu.memory_space<vmem>>, vector<16xi32>,
    %sub3A_700 = arith.constant 64 : i32
    %sub3A_701 = arith.subi %add3A_667, %sub3A_700 : i32
    %sub3A_702 = vector.broadcast %sub3A_701 : i32 to vector<16xi32>
    %sub3A_703 = arith.subi %sub3A_702, %iota3A : vector<16xi32>
    %swap3A_704 = arith.constant 64 : index
    %swap3A_705 = tpu.vector_load %arg6[%swap3A_704] {strides = array<i32>} : memref<128xi32, #tpu.memory_space<vmem>>, vector<16xi32>,
    %swap3A_706 = vector.shape_cast %swap3A_705 : vector<16xi32> to vector<16xi32>
    %swap3A_707 = vector.shape_cast %sub3A_703 : vector<16xi32> to vector<16xi32>
    tpu.vector_store %arg6[%swap3A_704], %swap3A_707 {strides = array<i32>} : memref<128xi32, #tpu.memory_space<vmem>>, vector<16xi32>,
    %sub3A_708 = arith.constant 80 : i32
    %sub3A_709 = arith.subi %add3A_667, %sub3A_708 : i32
    %sub3A_710 = vector.broadcast %sub3A_709 : i32 to vector<16xi32>
    %sub3A_711 = arith.subi %sub3A_710, %iota3A : vector<16xi32>
    %swap3A_712 = arith.constant 80 : index
    %swap3A_713 = tpu.vector_load %arg6[%swap3A_712] {strides = array<i32>} : memref<128xi32, #tpu.memory_space<vmem>>, vector<16xi32>,
    %swap3A_714 = vector.shape_cast %swap3A_713 : vector<16xi32> to vector<16xi32>
    %swap3A_715 = vector.shape_cast %sub3A_711 : vector<16xi32> to vector<16xi32>
    tpu.vector_store %arg6[%swap3A_712], %swap3A_715 {strides = array<i32>} : memref<128xi32, #tpu.memory_space<vmem>>, vector<16xi32>,
    %sub3A_716 = arith.constant 96 : i32
    %sub3A_717 = arith.subi %add3A_667, %sub3A_716 : i32
    %sub3A_718 = vector.broadcast %sub3A_717 : i32 to vector<16xi32>
    %sub3A_719 = arith.subi %sub3A_718, %iota3A : vector<16xi32>
    %swap3A_720 = arith.constant 96 : index
    %swap3A_721 = tpu.vector_load %arg6[%swap3A_720] {strides = array<i32>} : memref<128xi32, #tpu.memory_space<vmem>>, vector<16xi32>,
    %swap3A_722 = vector.shape_cast %swap3A_721 : vector<16xi32> to vector<16xi32>
    %swap3A_723 = vector.shape_cast %sub3A_719 : vector<16xi32> to vector<16xi32>
    tpu.vector_store %arg6[%swap3A_720], %swap3A_723 {strides = array<i32>} : memref<128xi32, #tpu.memory_space<vmem>>, vector<16xi32>,
    %sub3A_724 = arith.constant 112 : i32
    %sub3A_725 = arith.subi %add3A_667, %sub3A_724 : i32
    %sub3A_726 = vector.broadcast %sub3A_725 : i32 to vector<16xi32>
    %sub3A_727 = arith.subi %sub3A_726, %iota3A : vector<16xi32>
    %swap3A_728 = arith.constant 112 : index
    %swap3A_729 = tpu.vector_load %arg6[%swap3A_728] {strides = array<i32>} : memref<128xi32, #tpu.memory_space<vmem>>, vector<16xi32>,
    %swap3A_730 = vector.shape_cast %swap3A_729 : vector<16xi32> to vector<16xi32>
    %swap3A_731 = vector.shape_cast %sub3A_727 : vector<16xi32> to vector<16xi32>
    tpu.vector_store %arg6[%swap3A_728], %swap3A_731 {strides = array<i32>} : memref<128xi32, #tpu.memory_space<vmem>>, vector<16xi32>,
    %dma_start3A_732 = arith.constant 0 : i32
    %dma_start3A_733 = arith.constant 0 : i32
    %dma_start3A_734 = tpu.memref_slice %arg2[%dma_start3A_732, %dma_start3A_733] : memref<131072x128xf32, #tpu.memory_space<hbm>> -> memref<131072x128xf32, #tpu.memory_space<hbm>>
    tpu.enqueue_indirect_dma source(%dma_start3A_734 : memref<131072x128xf32, #tpu.memory_space<hbm>>) target(%arg12 : memref<128x128xf32, #tpu.memory_space<vmem>>) offsets(%arg6 : memref<128xi32, #tpu.memory_space<vmem>>) semaphore(%arg18 : memref<!tpu.dma_semaphore, #tpu.memory_space<semaphore_mem>>)
    %dma_wait3A_735 = arith.constant 0 : i32
    %dma_wait3A_736 = arith.constant 0 : i32
    %dma_wait3A_737 = tpu.memref_slice %arg2[%dma_wait3A_735, %dma_wait3A_736] : memref<131072x128xf32, #tpu.memory_space<hbm>> -> memref<131072x128xf32, #tpu.memory_space<hbm>>
    tpu.wait_indirect_dma semaphore(%arg21 : memref<!tpu.dma_semaphore, #tpu.memory_space<semaphore_mem>>) src(%dma_wait3A_737 : memref<131072x128xf32, #tpu.memory_space<hbm>>) dst(%arg15 : memref<128x128xf32, #tpu.memory_space<vmem>>)
    %add3A_738 = arith.constant 5 : i32
    %add3A_739 = arith.addi %mul3A_2, %add3A_738 : i32
    %mul3A_740 = arith.constant 128 : i32
    %mul3A_741 = arith.muli %add3A_739, %mul3A_740 : i32
    %dma_start3A_742 = arith.constant 0 : i32
    %dma_start3A_743 = tpu.memref_slice %arg3[%mul3A_741, %dma_start3A_742] : memref<131072x128xf32, #tpu.memory_space<hbm>> -> memref<128x128xf32, #tpu.memory_space<hbm>>
    %dma_start3A_744 = arith.constant 0 : i32
    %dma_start3A_745 = tpu.memref_slice %arg3[%mul3A_741, %dma_start3A_744] : memref<131072x128xf32, #tpu.memory_space<hbm>> -> memref<128x128xf32, #tpu.memory_space<hbm>>
    tpu.enqueue_dma source(%arg15 : memref<128x128xf32, #tpu.memory_space<vmem>>) target(%dma_start3A_745 : memref<128x128xf32, #tpu.memory_space<hbm>>) target_semaphore(%arg27 : memref<!tpu.dma_semaphore, #tpu.memory_space<semaphore_mem>>)
    %add3A_746 = arith.constant 3 : i32
    %add3A_747 = arith.addi %mul3A_2, %add3A_746 : i32
    %mul3A_748 = arith.constant 128 : i32
    %mul3A_749 = arith.muli %add3A_747, %mul3A_748 : i32
    %dma_wait3A_750 = arith.constant 0 : i32
    %dma_wait3A_751 = tpu.memref_slice %arg3[%mul3A_749, %dma_wait3A_750] : memref<131072x128xf32, #tpu.memory_space<hbm>> -> memref<128x128xf32, #tpu.memory_space<hbm>>
    %dma_wait3A_752 = arith.constant 0 : i32
    %dma_wait3A_753 = tpu.memref_slice %arg3[%mul3A_749, %dma_wait3A_752] : memref<131072x128xf32, #tpu.memory_space<hbm>> -> memref<128x128xf32, #tpu.memory_space<hbm>>
    tpu.wait_dma2 semaphore(%arg25 : memref<!tpu.dma_semaphore, #tpu.memory_space<semaphore_mem>>) src(%arg13 : memref<128x128xf32, #tpu.memory_space<vmem>>) dst(%dma_wait3A_753 : memref<128x128xf32, #tpu.memory_space<hbm>>)
    %add3A_754 = arith.constant 9 : i32
    %add3A_755 = arith.addi %mul3A_2, %add3A_754 : i32
    %mul3A_756 = arith.constant 128 : i32
    %mul3A_757 = arith.muli %add3A_755, %mul3A_756 : i32
    %add3A_758 = arith.constant 127 : i32
    %add3A_759 = arith.addi %mul3A_757, %add3A_758 : i32
    %sub3A_760 = arith.constant 0 : i32
    %sub3A_761 = arith.subi %add3A_759, %sub3A_760 : i32
    %sub3A_762 = vector.broadcast %sub3A_761 : i32 to vector<16xi32>
    %sub3A_763 = arith.subi %sub3A_762, %iota3A : vector<16xi32>
    %swap3A_764 = arith.constant 0 : index
    %swap3A_765 = tpu.vector_load %arg7[%swap3A_764] {strides = array<i32>} : memref<128xi32, #tpu.memory_space<vmem>>, vector<16xi32>,
    %swap3A_766 = vector.shape_cast %swap3A_765 : vector<16xi32> to vector<16xi32>
    %swap3A_767 = vector.shape_cast %sub3A_763 : vector<16xi32> to vector<16xi32>
    tpu.vector_store %arg7[%swap3A_764], %swap3A_767 {strides = array<i32>} : memref<128xi32, #tpu.memory_space<vmem>>, vector<16xi32>,
    %sub3A_768 = arith.constant 16 : i32
    %sub3A_769 = arith.subi %add3A_759, %sub3A_768 : i32
    %sub3A_770 = vector.broadcast %sub3A_769 : i32 to vector<16xi32>
    %sub3A_771 = arith.subi %sub3A_770, %iota3A : vector<16xi32>
    %swap3A_772 = arith.constant 16 : index
    %swap3A_773 = tpu.vector_load %arg7[%swap3A_772] {strides = array<i32>} : memref<128xi32, #tpu.memory_space<vmem>>, vector<16xi32>,
    %swap3A_774 = vector.shape_cast %swap3A_773 : vector<16xi32> to vector<16xi32>
    %swap3A_775 = vector.shape_cast %sub3A_771 : vector<16xi32> to vector<16xi32>
    tpu.vector_store %arg7[%swap3A_772], %swap3A_775 {strides = array<i32>} : memref<128xi32, #tpu.memory_space<vmem>>, vector<16xi32>,
    %sub3A_776 = arith.constant 32 : i32
    %sub3A_777 = arith.subi %add3A_759, %sub3A_776 : i32
    %sub3A_778 = vector.broadcast %sub3A_777 : i32 to vector<16xi32>
    %sub3A_779 = arith.subi %sub3A_778, %iota3A : vector<16xi32>
    %swap3A_780 = arith.constant 32 : index
    %swap3A_781 = tpu.vector_load %arg7[%swap3A_780] {strides = array<i32>} : memref<128xi32, #tpu.memory_space<vmem>>, vector<16xi32>,
    %swap3A_782 = vector.shape_cast %swap3A_781 : vector<16xi32> to vector<16xi32>
    %swap3A_783 = vector.shape_cast %sub3A_779 : vector<16xi32> to vector<16xi32>
    tpu.vector_store %arg7[%swap3A_780], %swap3A_783 {strides = array<i32>} : memref<128xi32, #tpu.memory_space<vmem>>, vector<16xi32>,
    %sub3A_784 = arith.constant 48 : i32
    %sub3A_785 = arith.subi %add3A_759, %sub3A_784 : i32
    %sub3A_786 = vector.broadcast %sub3A_785 : i32 to vector<16xi32>
    %sub3A_787 = arith.subi %sub3A_786, %iota3A : vector<16xi32>
    %swap3A_788 = arith.constant 48 : index
    %swap3A_789 = tpu.vector_load %arg7[%swap3A_788] {strides = array<i32>} : memref<128xi32, #tpu.memory_space<vmem>>, vector<16xi32>,
    %swap3A_790 = vector.shape_cast %swap3A_789 : vector<16xi32> to vector<16xi32>
    %swap3A_791 = vector.shape_cast %sub3A_787 : vector<16xi32> to vector<16xi32>
    tpu.vector_store %arg7[%swap3A_788], %swap3A_791 {strides = array<i32>} : memref<128xi32, #tpu.memory_space<vmem>>, vector<16xi32>,
    %sub3A_792 = arith.constant 64 : i32
    %sub3A_793 = arith.subi %add3A_759, %sub3A_792 : i32
    %sub3A_794 = vector.broadcast %sub3A_793 : i32 to vector<16xi32>
    %sub3A_795 = arith.subi %sub3A_794, %iota3A : vector<16xi32>
    %swap3A_796 = arith.constant 64 : index
    %swap3A_797 = tpu.vector_load %arg7[%swap3A_796] {strides = array<i32>} : memref<128xi32, #tpu.memory_space<vmem>>, vector<16xi32>,
    %swap3A_798 = vector.shape_cast %swap3A_797 : vector<16xi32> to vector<16xi32>
    %swap3A_799 = vector.shape_cast %sub3A_795 : vector<16xi32> to vector<16xi32>
    tpu.vector_store %arg7[%swap3A_796], %swap3A_799 {strides = array<i32>} : memref<128xi32, #tpu.memory_space<vmem>>, vector<16xi32>,
    %sub3A_800 = arith.constant 80 : i32
    %sub3A_801 = arith.subi %add3A_759, %sub3A_800 : i32
    %sub3A_802 = vector.broadcast %sub3A_801 : i32 to vector<16xi32>
    %sub3A_803 = arith.subi %sub3A_802, %iota3A : vector<16xi32>
    %swap3A_804 = arith.constant 80 : index
    %swap3A_805 = tpu.vector_load %arg7[%swap3A_804] {strides = array<i32>} : memref<128xi32, #tpu.memory_space<vmem>>, vector<16xi32>,
    %swap3A_806 = vector.shape_cast %swap3A_805 : vector<16xi32> to vector<16xi32>
    %swap3A_807 = vector.shape_cast %sub3A_803 : vector<16xi32> to vector<16xi32>
    tpu.vector_store %arg7[%swap3A_804], %swap3A_807 {strides = array<i32>} : memref<128xi32, #tpu.memory_space<vmem>>, vector<16xi32>,
    %sub3A_808 = arith.constant 96 : i32
    %sub3A_809 = arith.subi %add3A_759, %sub3A_808 : i32
    %sub3A_810 = vector.broadcast %sub3A_809 : i32 to vector<16xi32>
    %sub3A_811 = arith.subi %sub3A_810, %iota3A : vector<16xi32>
    %swap3A_812 = arith.constant 96 : index
    %swap3A_813 = tpu.vector_load %arg7[%swap3A_812] {strides = array<i32>} : memref<128xi32, #tpu.memory_space<vmem>>, vector<16xi32>,
    %swap3A_814 = vector.shape_cast %swap3A_813 : vector<16xi32> to vector<16xi32>
    %swap3A_815 = vector.shape_cast %sub3A_811 : vector<16xi32> to vector<16xi32>
    tpu.vector_store %arg7[%swap3A_812], %swap3A_815 {strides = array<i32>} : memref<128xi32, #tpu.memory_space<vmem>>, vector<16xi32>,
    %sub3A_816 = arith.constant 112 : i32
    %sub3A_817 = arith.subi %add3A_759, %sub3A_816 : i32
    %sub3A_818 = vector.broadcast %sub3A_817 : i32 to vector<16xi32>
    %sub3A_819 = arith.subi %sub3A_818, %iota3A : vector<16xi32>
    %swap3A_820 = arith.constant 112 : index
    %swap3A_821 = tpu.vector_load %arg7[%swap3A_820] {strides = array<i32>} : memref<128xi32, #tpu.memory_space<vmem>>, vector<16xi32>,
    %swap3A_822 = vector.shape_cast %swap3A_821 : vector<16xi32> to vector<16xi32>
    %swap3A_823 = vector.shape_cast %sub3A_819 : vector<16xi32> to vector<16xi32>
    tpu.vector_store %arg7[%swap3A_820], %swap3A_823 {strides = array<i32>} : memref<128xi32, #tpu.memory_space<vmem>>, vector<16xi32>,
    %dma_start3A_824 = arith.constant 0 : i32
    %dma_start3A_825 = arith.constant 0 : i32
    %dma_start3A_826 = tpu.memref_slice %arg2[%dma_start3A_824, %dma_start3A_825] : memref<131072x128xf32, #tpu.memory_space<hbm>> -> memref<131072x128xf32, #tpu.memory_space<hbm>>
    tpu.enqueue_indirect_dma source(%dma_start3A_826 : memref<131072x128xf32, #tpu.memory_space<hbm>>) target(%arg13 : memref<128x128xf32, #tpu.memory_space<vmem>>) offsets(%arg7 : memref<128xi32, #tpu.memory_space<vmem>>) semaphore(%arg19 : memref<!tpu.dma_semaphore, #tpu.memory_space<semaphore_mem>>)
    %dma_wait3A_827 = arith.constant 0 : i32
    %dma_wait3A_828 = arith.constant 0 : i32
    %dma_wait3A_829 = tpu.memref_slice %arg2[%dma_wait3A_827, %dma_wait3A_828] : memref<131072x128xf32, #tpu.memory_space<hbm>> -> memref<131072x128xf32, #tpu.memory_space<hbm>>
    tpu.wait_indirect_dma semaphore(%arg16 : memref<!tpu.dma_semaphore, #tpu.memory_space<semaphore_mem>>) src(%dma_wait3A_829 : memref<131072x128xf32, #tpu.memory_space<hbm>>) dst(%arg10 : memref<128x128xf32, #tpu.memory_space<vmem>>)
    %add3A_830 = arith.constant 6 : i32
    %add3A_831 = arith.addi %mul3A_2, %add3A_830 : i32
    %mul3A_832 = arith.constant 128 : i32
    %mul3A_833 = arith.muli %add3A_831, %mul3A_832 : i32
    %dma_start3A_834 = arith.constant 0 : i32
    %dma_start3A_835 = tpu.memref_slice %arg3[%mul3A_833, %dma_start3A_834] : memref<131072x128xf32, #tpu.memory_space<hbm>> -> memref<128x128xf32, #tpu.memory_space<hbm>>
    %dma_start3A_836 = arith.constant 0 : i32
    %dma_start3A_837 = tpu.memref_slice %arg3[%mul3A_833, %dma_start3A_836] : memref<131072x128xf32, #tpu.memory_space<hbm>> -> memref<128x128xf32, #tpu.memory_space<hbm>>
    tpu.enqueue_dma source(%arg10 : memref<128x128xf32, #tpu.memory_space<vmem>>) target(%dma_start3A_837 : memref<128x128xf32, #tpu.memory_space<hbm>>) target_semaphore(%arg22 : memref<!tpu.dma_semaphore, #tpu.memory_space<semaphore_mem>>)
    %add3A_838 = arith.constant 4 : i32
    %add3A_839 = arith.addi %mul3A_2, %add3A_838 : i32
    %mul3A_840 = arith.constant 128 : i32
    %mul3A_841 = arith.muli %add3A_839, %mul3A_840 : i32
    %dma_wait3A_842 = arith.constant 0 : i32
    %dma_wait3A_843 = tpu.memref_slice %arg3[%mul3A_841, %dma_wait3A_842] : memref<131072x128xf32, #tpu.memory_space<hbm>> -> memref<128x128xf32, #tpu.memory_space<hbm>>
    %dma_wait3A_844 = arith.constant 0 : i32
    %dma_wait3A_845 = tpu.memref_slice %arg3[%mul3A_841, %dma_wait3A_844] : memref<131072x128xf32, #tpu.memory_space<hbm>> -> memref<128x128xf32, #tpu.memory_space<hbm>>
    tpu.wait_dma2 semaphore(%arg26 : memref<!tpu.dma_semaphore, #tpu.memory_space<semaphore_mem>>) src(%arg14 : memref<128x128xf32, #tpu.memory_space<vmem>>) dst(%dma_wait3A_845 : memref<128x128xf32, #tpu.memory_space<hbm>>)
    %add3A_846 = arith.constant 10 : i32
    %add3A_847 = arith.addi %mul3A_2, %add3A_846 : i32
    %mul3A_848 = arith.constant 128 : i32
    %mul3A_849 = arith.muli %add3A_847, %mul3A_848 : i32
    %add3A_850 = arith.constant 127 : i32
    %add3A_851 = arith.addi %mul3A_849, %add3A_850 : i32
    %sub3A_852 = arith.constant 0 : i32
    %sub3A_853 = arith.subi %add3A_851, %sub3A_852 : i32
    %sub3A_854 = vector.broadcast %sub3A_853 : i32 to vector<16xi32>
    %sub3A_855 = arith.subi %sub3A_854, %iota3A : vector<16xi32>
    %swap3A_856 = arith.constant 0 : index
    %swap3A_857 = tpu.vector_load %arg8[%swap3A_856] {strides = array<i32>} : memref<128xi32, #tpu.memory_space<vmem>>, vector<16xi32>,
    %swap3A_858 = vector.shape_cast %swap3A_857 : vector<16xi32> to vector<16xi32>
    %swap3A_859 = vector.shape_cast %sub3A_855 : vector<16xi32> to vector<16xi32>
    tpu.vector_store %arg8[%swap3A_856], %swap3A_859 {strides = array<i32>} : memref<128xi32, #tpu.memory_space<vmem>>, vector<16xi32>,
    %sub3A_860 = arith.constant 16 : i32
    %sub3A_861 = arith.subi %add3A_851, %sub3A_860 : i32
    %sub3A_862 = vector.broadcast %sub3A_861 : i32 to vector<16xi32>
    %sub3A_863 = arith.subi %sub3A_862, %iota3A : vector<16xi32>
    %swap3A_864 = arith.constant 16 : index
    %swap3A_865 = tpu.vector_load %arg8[%swap3A_864] {strides = array<i32>} : memref<128xi32, #tpu.memory_space<vmem>>, vector<16xi32>,
    %swap3A_866 = vector.shape_cast %swap3A_865 : vector<16xi32> to vector<16xi32>
    %swap3A_867 = vector.shape_cast %sub3A_863 : vector<16xi32> to vector<16xi32>
    tpu.vector_store %arg8[%swap3A_864], %swap3A_867 {strides = array<i32>} : memref<128xi32, #tpu.memory_space<vmem>>, vector<16xi32>,
    %sub3A_868 = arith.constant 32 : i32
    %sub3A_869 = arith.subi %add3A_851, %sub3A_868 : i32
    %sub3A_870 = vector.broadcast %sub3A_869 : i32 to vector<16xi32>
    %sub3A_871 = arith.subi %sub3A_870, %iota3A : vector<16xi32>
    %swap3A_872 = arith.constant 32 : index
    %swap3A_873 = tpu.vector_load %arg8[%swap3A_872] {strides = array<i32>} : memref<128xi32, #tpu.memory_space<vmem>>, vector<16xi32>,
    %swap3A_874 = vector.shape_cast %swap3A_873 : vector<16xi32> to vector<16xi32>
    %swap3A_875 = vector.shape_cast %sub3A_871 : vector<16xi32> to vector<16xi32>
    tpu.vector_store %arg8[%swap3A_872], %swap3A_875 {strides = array<i32>} : memref<128xi32, #tpu.memory_space<vmem>>, vector<16xi32>,
    %sub3A_876 = arith.constant 48 : i32
    %sub3A_877 = arith.subi %add3A_851, %sub3A_876 : i32
    %sub3A_878 = vector.broadcast %sub3A_877 : i32 to vector<16xi32>
    %sub3A_879 = arith.subi %sub3A_878, %iota3A : vector<16xi32>
    %swap3A_880 = arith.constant 48 : index
    %swap3A_881 = tpu.vector_load %arg8[%swap3A_880] {strides = array<i32>} : memref<128xi32, #tpu.memory_space<vmem>>, vector<16xi32>,
    %swap3A_882 = vector.shape_cast %swap3A_881 : vector<16xi32> to vector<16xi32>
    %swap3A_883 = vector.shape_cast %sub3A_879 : vector<16xi32> to vector<16xi32>
    tpu.vector_store %arg8[%swap3A_880], %swap3A_883 {strides = array<i32>} : memref<128xi32, #tpu.memory_space<vmem>>, vector<16xi32>,
    %sub3A_884 = arith.constant 64 : i32
    %sub3A_885 = arith.subi %add3A_851, %sub3A_884 : i32
    %sub3A_886 = vector.broadcast %sub3A_885 : i32 to vector<16xi32>
    %sub3A_887 = arith.subi %sub3A_886, %iota3A : vector<16xi32>
    %swap3A_888 = arith.constant 64 : index
    %swap3A_889 = tpu.vector_load %arg8[%swap3A_888] {strides = array<i32>} : memref<128xi32, #tpu.memory_space<vmem>>, vector<16xi32>,
    %swap3A_890 = vector.shape_cast %swap3A_889 : vector<16xi32> to vector<16xi32>
    %swap3A_891 = vector.shape_cast %sub3A_887 : vector<16xi32> to vector<16xi32>
    tpu.vector_store %arg8[%swap3A_888], %swap3A_891 {strides = array<i32>} : memref<128xi32, #tpu.memory_space<vmem>>, vector<16xi32>,
    %sub3A_892 = arith.constant 80 : i32
    %sub3A_893 = arith.subi %add3A_851, %sub3A_892 : i32
    %sub3A_894 = vector.broadcast %sub3A_893 : i32 to vector<16xi32>
    %sub3A_895 = arith.subi %sub3A_894, %iota3A : vector<16xi32>
    %swap3A_896 = arith.constant 80 : index
    %swap3A_897 = tpu.vector_load %arg8[%swap3A_896] {strides = array<i32>} : memref<128xi32, #tpu.memory_space<vmem>>, vector<16xi32>,
    %swap3A_898 = vector.shape_cast %swap3A_897 : vector<16xi32> to vector<16xi32>
    %swap3A_899 = vector.shape_cast %sub3A_895 : vector<16xi32> to vector<16xi32>
    tpu.vector_store %arg8[%swap3A_896], %swap3A_899 {strides = array<i32>} : memref<128xi32, #tpu.memory_space<vmem>>, vector<16xi32>,
    %sub3A_900 = arith.constant 96 : i32
    %sub3A_901 = arith.subi %add3A_851, %sub3A_900 : i32
    %sub3A_902 = vector.broadcast %sub3A_901 : i32 to vector<16xi32>
    %sub3A_903 = arith.subi %sub3A_902, %iota3A : vector<16xi32>
    %swap3A_904 = arith.constant 96 : index
    %swap3A_905 = tpu.vector_load %arg8[%swap3A_904] {strides = array<i32>} : memref<128xi32, #tpu.memory_space<vmem>>, vector<16xi32>,
    %swap3A_906 = vector.shape_cast %swap3A_905 : vector<16xi32> to vector<16xi32>
    %swap3A_907 = vector.shape_cast %sub3A_903 : vector<16xi32> to vector<16xi32>
    tpu.vector_store %arg8[%swap3A_904], %swap3A_907 {strides = array<i32>} : memref<128xi32, #tpu.memory_space<vmem>>, vector<16xi32>,
    %sub3A_908 = arith.constant 112 : i32
    %sub3A_909 = arith.subi %add3A_851, %sub3A_908 : i32
    %sub3A_910 = vector.broadcast %sub3A_909 : i32 to vector<16xi32>
    %sub3A_911 = arith.subi %sub3A_910, %iota3A : vector<16xi32>
    %swap3A_912 = arith.constant 112 : index
    %swap3A_913 = tpu.vector_load %arg8[%swap3A_912] {strides = array<i32>} : memref<128xi32, #tpu.memory_space<vmem>>, vector<16xi32>,
    %swap3A_914 = vector.shape_cast %swap3A_913 : vector<16xi32> to vector<16xi32>
    %swap3A_915 = vector.shape_cast %sub3A_911 : vector<16xi32> to vector<16xi32>
    tpu.vector_store %arg8[%swap3A_912], %swap3A_915 {strides = array<i32>} : memref<128xi32, #tpu.memory_space<vmem>>, vector<16xi32>,
    %dma_start3A_916 = arith.constant 0 : i32
    %dma_start3A_917 = arith.constant 0 : i32
    %dma_start3A_918 = tpu.memref_slice %arg2[%dma_start3A_916, %dma_start3A_917] : memref<131072x128xf32, #tpu.memory_space<hbm>> -> memref<131072x128xf32, #tpu.memory_space<hbm>>
    tpu.enqueue_indirect_dma source(%dma_start3A_918 : memref<131072x128xf32, #tpu.memory_space<hbm>>) target(%arg14 : memref<128x128xf32, #tpu.memory_space<vmem>>) offsets(%arg8 : memref<128xi32, #tpu.memory_space<vmem>>) semaphore(%arg20 : memref<!tpu.dma_semaphore, #tpu.memory_space<semaphore_mem>>)
    %dma_wait3A_919 = arith.constant 0 : i32
    %dma_wait3A_920 = arith.constant 0 : i32
    %dma_wait3A_921 = tpu.memref_slice %arg2[%dma_wait3A_919, %dma_wait3A_920] : memref<131072x128xf32, #tpu.memory_space<hbm>> -> memref<131072x128xf32, #tpu.memory_space<hbm>>
    tpu.wait_indirect_dma semaphore(%arg17 : memref<!tpu.dma_semaphore, #tpu.memory_space<semaphore_mem>>) src(%dma_wait3A_921 : memref<131072x128xf32, #tpu.memory_space<hbm>>) dst(%arg11 : memref<128x128xf32, #tpu.memory_space<vmem>>)
    %add3A_922 = arith.constant 7 : i32
    %add3A_923 = arith.addi %mul3A_2, %add3A_922 : i32
    %mul3A_924 = arith.constant 128 : i32
    %mul3A_925 = arith.muli %add3A_923, %mul3A_924 : i32
    %dma_start3A_926 = arith.constant 0 : i32
    %dma_start3A_927 = tpu.memref_slice %arg3[%mul3A_925, %dma_start3A_926] : memref<131072x128xf32, #tpu.memory_space<hbm>> -> memref<128x128xf32, #tpu.memory_space<hbm>>
    %dma_start3A_928 = arith.constant 0 : i32
    %dma_start3A_929 = tpu.memref_slice %arg3[%mul3A_925, %dma_start3A_928] : memref<131072x128xf32, #tpu.memory_space<hbm>> -> memref<128x128xf32, #tpu.memory_space<hbm>>
    tpu.enqueue_dma source(%arg11 : memref<128x128xf32, #tpu.memory_space<vmem>>) target(%dma_start3A_929 : memref<128x128xf32, #tpu.memory_space<hbm>>) target_semaphore(%arg23 : memref<!tpu.dma_semaphore, #tpu.memory_space<semaphore_mem>>)
    %add3A_930 = arith.constant 5 : i32
    %add3A_931 = arith.addi %mul3A_2, %add3A_930 : i32
    %mul3A_932 = arith.constant 128 : i32
    %mul3A_933 = arith.muli %add3A_931, %mul3A_932 : i32
    %dma_wait3A_934 = arith.constant 0 : i32
    %dma_wait3A_935 = tpu.memref_slice %arg3[%mul3A_933, %dma_wait3A_934] : memref<131072x128xf32, #tpu.memory_space<hbm>> -> memref<128x128xf32, #tpu.memory_space<hbm>>
    %dma_wait3A_936 = arith.constant 0 : i32
    %dma_wait3A_937 = tpu.memref_slice %arg3[%mul3A_933, %dma_wait3A_936] : memref<131072x128xf32, #tpu.memory_space<hbm>> -> memref<128x128xf32, #tpu.memory_space<hbm>>
    tpu.wait_dma2 semaphore(%arg27 : memref<!tpu.dma_semaphore, #tpu.memory_space<semaphore_mem>>) src(%arg15 : memref<128x128xf32, #tpu.memory_space<vmem>>) dst(%dma_wait3A_937 : memref<128x128xf32, #tpu.memory_space<hbm>>)
    %add3A_938 = arith.constant 11 : i32
    %add3A_939 = arith.addi %mul3A_2, %add3A_938 : i32
    %mul3A_940 = arith.constant 128 : i32
    %mul3A_941 = arith.muli %add3A_939, %mul3A_940 : i32
    %add3A_942 = arith.constant 127 : i32
    %add3A_943 = arith.addi %mul3A_941, %add3A_942 : i32
    %sub3A_944 = arith.constant 0 : i32
    %sub3A_945 = arith.subi %add3A_943, %sub3A_944 : i32
    %sub3A_946 = vector.broadcast %sub3A_945 : i32 to vector<16xi32>
    %sub3A_947 = arith.subi %sub3A_946, %iota3A : vector<16xi32>
    %swap3A_948 = arith.constant 0 : index
    %swap3A_949 = tpu.vector_load %arg9[%swap3A_948] {strides = array<i32>} : memref<128xi32, #tpu.memory_space<vmem>>, vector<16xi32>,
    %swap3A_950 = vector.shape_cast %swap3A_949 : vector<16xi32> to vector<16xi32>
    %swap3A_951 = vector.shape_cast %sub3A_947 : vector<16xi32> to vector<16xi32>
    tpu.vector_store %arg9[%swap3A_948], %swap3A_951 {strides = array<i32>} : memref<128xi32, #tpu.memory_space<vmem>>, vector<16xi32>,
    %sub3A_952 = arith.constant 16 : i32
    %sub3A_953 = arith.subi %add3A_943, %sub3A_952 : i32
    %sub3A_954 = vector.broadcast %sub3A_953 : i32 to vector<16xi32>
    %sub3A_955 = arith.subi %sub3A_954, %iota3A : vector<16xi32>
    %swap3A_956 = arith.constant 16 : index
    %swap3A_957 = tpu.vector_load %arg9[%swap3A_956] {strides = array<i32>} : memref<128xi32, #tpu.memory_space<vmem>>, vector<16xi32>,
    %swap3A_958 = vector.shape_cast %swap3A_957 : vector<16xi32> to vector<16xi32>
    %swap3A_959 = vector.shape_cast %sub3A_955 : vector<16xi32> to vector<16xi32>
    tpu.vector_store %arg9[%swap3A_956], %swap3A_959 {strides = array<i32>} : memref<128xi32, #tpu.memory_space<vmem>>, vector<16xi32>,
    %sub3A_960 = arith.constant 32 : i32
    %sub3A_961 = arith.subi %add3A_943, %sub3A_960 : i32
    %sub3A_962 = vector.broadcast %sub3A_961 : i32 to vector<16xi32>
    %sub3A_963 = arith.subi %sub3A_962, %iota3A : vector<16xi32>
    %swap3A_964 = arith.constant 32 : index
    %swap3A_965 = tpu.vector_load %arg9[%swap3A_964] {strides = array<i32>} : memref<128xi32, #tpu.memory_space<vmem>>, vector<16xi32>,
    %swap3A_966 = vector.shape_cast %swap3A_965 : vector<16xi32> to vector<16xi32>
    %swap3A_967 = vector.shape_cast %sub3A_963 : vector<16xi32> to vector<16xi32>
    tpu.vector_store %arg9[%swap3A_964], %swap3A_967 {strides = array<i32>} : memref<128xi32, #tpu.memory_space<vmem>>, vector<16xi32>,
    %sub3A_968 = arith.constant 48 : i32
    %sub3A_969 = arith.subi %add3A_943, %sub3A_968 : i32
    %sub3A_970 = vector.broadcast %sub3A_969 : i32 to vector<16xi32>
    %sub3A_971 = arith.subi %sub3A_970, %iota3A : vector<16xi32>
    %swap3A_972 = arith.constant 48 : index
    %swap3A_973 = tpu.vector_load %arg9[%swap3A_972] {strides = array<i32>} : memref<128xi32, #tpu.memory_space<vmem>>, vector<16xi32>,
    %swap3A_974 = vector.shape_cast %swap3A_973 : vector<16xi32> to vector<16xi32>
    %swap3A_975 = vector.shape_cast %sub3A_971 : vector<16xi32> to vector<16xi32>
    tpu.vector_store %arg9[%swap3A_972], %swap3A_975 {strides = array<i32>} : memref<128xi32, #tpu.memory_space<vmem>>, vector<16xi32>,
    %sub3A_976 = arith.constant 64 : i32
    %sub3A_977 = arith.subi %add3A_943, %sub3A_976 : i32
    %sub3A_978 = vector.broadcast %sub3A_977 : i32 to vector<16xi32>
    %sub3A_979 = arith.subi %sub3A_978, %iota3A : vector<16xi32>
    %swap3A_980 = arith.constant 64 : index
    %swap3A_981 = tpu.vector_load %arg9[%swap3A_980] {strides = array<i32>} : memref<128xi32, #tpu.memory_space<vmem>>, vector<16xi32>,
    %swap3A_982 = vector.shape_cast %swap3A_981 : vector<16xi32> to vector<16xi32>
    %swap3A_983 = vector.shape_cast %sub3A_979 : vector<16xi32> to vector<16xi32>
    tpu.vector_store %arg9[%swap3A_980], %swap3A_983 {strides = array<i32>} : memref<128xi32, #tpu.memory_space<vmem>>, vector<16xi32>,
    %sub3A_984 = arith.constant 80 : i32
    %sub3A_985 = arith.subi %add3A_943, %sub3A_984 : i32
    %sub3A_986 = vector.broadcast %sub3A_985 : i32 to vector<16xi32>
    %sub3A_987 = arith.subi %sub3A_986, %iota3A : vector<16xi32>
    %swap3A_988 = arith.constant 80 : index
    %swap3A_989 = tpu.vector_load %arg9[%swap3A_988] {strides = array<i32>} : memref<128xi32, #tpu.memory_space<vmem>>, vector<16xi32>,
    %swap3A_990 = vector.shape_cast %swap3A_989 : vector<16xi32> to vector<16xi32>
    %swap3A_991 = vector.shape_cast %sub3A_987 : vector<16xi32> to vector<16xi32>
    tpu.vector_store %arg9[%swap3A_988], %swap3A_991 {strides = array<i32>} : memref<128xi32, #tpu.memory_space<vmem>>, vector<16xi32>,
    %sub3A_992 = arith.constant 96 : i32
    %sub3A_993 = arith.subi %add3A_943, %sub3A_992 : i32
    %sub3A_994 = vector.broadcast %sub3A_993 : i32 to vector<16xi32>
    %sub3A_995 = arith.subi %sub3A_994, %iota3A : vector<16xi32>
    %swap3A_996 = arith.constant 96 : index
    %swap3A_997 = tpu.vector_load %arg9[%swap3A_996] {strides = array<i32>} : memref<128xi32, #tpu.memory_space<vmem>>, vector<16xi32>,
    %swap3A_998 = vector.shape_cast %swap3A_997 : vector<16xi32> to vector<16xi32>
    %swap3A_999 = vector.shape_cast %sub3A_995 : vector<16xi32> to vector<16xi32>
    tpu.vector_store %arg9[%swap3A_996], %swap3A_999 {strides = array<i32>} : memref<128xi32, #tpu.memory_space<vmem>>, vector<16xi32>,
    %sub3A_1000 = arith.constant 112 : i32
    %sub3A_1001 = arith.subi %add3A_943, %sub3A_1000 : i32
    %sub3A_1002 = vector.broadcast %sub3A_1001 : i32 to vector<16xi32>
    %sub3A_1003 = arith.subi %sub3A_1002, %iota3A : vector<16xi32>
    %swap3A_1004 = arith.constant 112 : index
    %swap3A_1005 = tpu.vector_load %arg9[%swap3A_1004] {strides = array<i32>} : memref<128xi32, #tpu.memory_space<vmem>>, vector<16xi32>,
    %swap3A_1006 = vector.shape_cast %swap3A_1005 : vector<16xi32> to vector<16xi32>
    %swap3A_1007 = vector.shape_cast %sub3A_1003 : vector<16xi32> to vector<16xi32>
    tpu.vector_store %arg9[%swap3A_1004], %swap3A_1007 {strides = array<i32>} : memref<128xi32, #tpu.memory_space<vmem>>, vector<16xi32>,
    %dma_start3A_1008 = arith.constant 0 : i32
    %dma_start3A_1009 = arith.constant 0 : i32
    %dma_start3A_1010 = tpu.memref_slice %arg2[%dma_start3A_1008, %dma_start3A_1009] : memref<131072x128xf32, #tpu.memory_space<hbm>> -> memref<131072x128xf32, #tpu.memory_space<hbm>>
    tpu.enqueue_indirect_dma source(%dma_start3A_1010 : memref<131072x128xf32, #tpu.memory_space<hbm>>) target(%arg15 : memref<128x128xf32, #tpu.memory_space<vmem>>) offsets(%arg9 : memref<128xi32, #tpu.memory_space<vmem>>) semaphore(%arg21 : memref<!tpu.dma_semaphore, #tpu.memory_space<semaphore_mem>>)
    %dma_wait3A_1011 = arith.constant 0 : i32
    %dma_wait3A_1012 = arith.constant 0 : i32
    %dma_wait3A_1013 = tpu.memref_slice %arg2[%dma_wait3A_1011, %dma_wait3A_1012] : memref<131072x128xf32, #tpu.memory_space<hbm>> -> memref<131072x128xf32, #tpu.memory_space<hbm>>
    tpu.wait_indirect_dma semaphore(%arg18 : memref<!tpu.dma_semaphore, #tpu.memory_space<semaphore_mem>>) src(%dma_wait3A_1013 : memref<131072x128xf32, #tpu.memory_space<hbm>>) dst(%arg12 : memref<128x128xf32, #tpu.memory_space<vmem>>)
    %add3A_1014 = arith.constant 8 : i32
    %add3A_1015 = arith.addi %mul3A_2, %add3A_1014 : i32
    %mul3A_1016 = arith.constant 128 : i32
    %mul3A_1017 = arith.muli %add3A_1015, %mul3A_1016 : i32
    %dma_start3A_1018 = arith.constant 0 : i32
    %dma_start3A_1019 = tpu.memref_slice %arg3[%mul3A_1017, %dma_start3A_1018] : memref<131072x128xf32, #tpu.memory_space<hbm>> -> memref<128x128xf32, #tpu.memory_space<hbm>>
    %dma_start3A_1020 = arith.constant 0 : i32
    %dma_start3A_1021 = tpu.memref_slice %arg3[%mul3A_1017, %dma_start3A_1020] : memref<131072x128xf32, #tpu.memory_space<hbm>> -> memref<128x128xf32, #tpu.memory_space<hbm>>
    tpu.enqueue_dma source(%arg12 : memref<128x128xf32, #tpu.memory_space<vmem>>) target(%dma_start3A_1021 : memref<128x128xf32, #tpu.memory_space<hbm>>) target_semaphore(%arg24 : memref<!tpu.dma_semaphore, #tpu.memory_space<semaphore_mem>>)
    %add3A_1022 = arith.constant 6 : i32
    %add3A_1023 = arith.addi %mul3A_2, %add3A_1022 : i32
    %mul3A_1024 = arith.constant 128 : i32
    %mul3A_1025 = arith.muli %add3A_1023, %mul3A_1024 : i32
    %dma_wait3A_1026 = arith.constant 0 : i32
    %dma_wait3A_1027 = tpu.memref_slice %arg3[%mul3A_1025, %dma_wait3A_1026] : memref<131072x128xf32, #tpu.memory_space<hbm>> -> memref<128x128xf32, #tpu.memory_space<hbm>>
    %dma_wait3A_1028 = arith.constant 0 : i32
    %dma_wait3A_1029 = tpu.memref_slice %arg3[%mul3A_1025, %dma_wait3A_1028] : memref<131072x128xf32, #tpu.memory_space<hbm>> -> memref<128x128xf32, #tpu.memory_space<hbm>>
    tpu.wait_dma2 semaphore(%arg22 : memref<!tpu.dma_semaphore, #tpu.memory_space<semaphore_mem>>) src(%arg10 : memref<128x128xf32, #tpu.memory_space<vmem>>) dst(%dma_wait3A_1029 : memref<128x128xf32, #tpu.memory_space<hbm>>)
    %add3A_1030 = arith.constant 12 : i32
    %add3A_1031 = arith.addi %mul3A_2, %add3A_1030 : i32
    %mul3A_1032 = arith.constant 128 : i32
    %mul3A_1033 = arith.muli %add3A_1031, %mul3A_1032 : i32
    %add3A_1034 = arith.constant 127 : i32
    %add3A_1035 = arith.addi %mul3A_1033, %add3A_1034 : i32
    %sub3A_1036 = arith.constant 0 : i32
    %sub3A_1037 = arith.subi %add3A_1035, %sub3A_1036 : i32
    %sub3A_1038 = vector.broadcast %sub3A_1037 : i32 to vector<16xi32>
    %sub3A_1039 = arith.subi %sub3A_1038, %iota3A : vector<16xi32>
    %swap3A_1040 = arith.constant 0 : index
    %swap3A_1041 = tpu.vector_load %arg4[%swap3A_1040] {strides = array<i32>} : memref<128xi32, #tpu.memory_space<vmem>>, vector<16xi32>,
    %swap3A_1042 = vector.shape_cast %swap3A_1041 : vector<16xi32> to vector<16xi32>
    %swap3A_1043 = vector.shape_cast %sub3A_1039 : vector<16xi32> to vector<16xi32>
    tpu.vector_store %arg4[%swap3A_1040], %swap3A_1043 {strides = array<i32>} : memref<128xi32, #tpu.memory_space<vmem>>, vector<16xi32>,
    %sub3A_1044 = arith.constant 16 : i32
    %sub3A_1045 = arith.subi %add3A_1035, %sub3A_1044 : i32
    %sub3A_1046 = vector.broadcast %sub3A_1045 : i32 to vector<16xi32>
    %sub3A_1047 = arith.subi %sub3A_1046, %iota3A : vector<16xi32>
    %swap3A_1048 = arith.constant 16 : index
    %swap3A_1049 = tpu.vector_load %arg4[%swap3A_1048] {strides = array<i32>} : memref<128xi32, #tpu.memory_space<vmem>>, vector<16xi32>,
    %swap3A_1050 = vector.shape_cast %swap3A_1049 : vector<16xi32> to vector<16xi32>
    %swap3A_1051 = vector.shape_cast %sub3A_1047 : vector<16xi32> to vector<16xi32>
    tpu.vector_store %arg4[%swap3A_1048], %swap3A_1051 {strides = array<i32>} : memref<128xi32, #tpu.memory_space<vmem>>, vector<16xi32>,
    %sub3A_1052 = arith.constant 32 : i32
    %sub3A_1053 = arith.subi %add3A_1035, %sub3A_1052 : i32
    %sub3A_1054 = vector.broadcast %sub3A_1053 : i32 to vector<16xi32>
    %sub3A_1055 = arith.subi %sub3A_1054, %iota3A : vector<16xi32>
    %swap3A_1056 = arith.constant 32 : index
    %swap3A_1057 = tpu.vector_load %arg4[%swap3A_1056] {strides = array<i32>} : memref<128xi32, #tpu.memory_space<vmem>>, vector<16xi32>,
    %swap3A_1058 = vector.shape_cast %swap3A_1057 : vector<16xi32> to vector<16xi32>
    %swap3A_1059 = vector.shape_cast %sub3A_1055 : vector<16xi32> to vector<16xi32>
    tpu.vector_store %arg4[%swap3A_1056], %swap3A_1059 {strides = array<i32>} : memref<128xi32, #tpu.memory_space<vmem>>, vector<16xi32>,
    %sub3A_1060 = arith.constant 48 : i32
    %sub3A_1061 = arith.subi %add3A_1035, %sub3A_1060 : i32
    %sub3A_1062 = vector.broadcast %sub3A_1061 : i32 to vector<16xi32>
    %sub3A_1063 = arith.subi %sub3A_1062, %iota3A : vector<16xi32>
    %swap3A_1064 = arith.constant 48 : index
    %swap3A_1065 = tpu.vector_load %arg4[%swap3A_1064] {strides = array<i32>} : memref<128xi32, #tpu.memory_space<vmem>>, vector<16xi32>,
    %swap3A_1066 = vector.shape_cast %swap3A_1065 : vector<16xi32> to vector<16xi32>
    %swap3A_1067 = vector.shape_cast %sub3A_1063 : vector<16xi32> to vector<16xi32>
    tpu.vector_store %arg4[%swap3A_1064], %swap3A_1067 {strides = array<i32>} : memref<128xi32, #tpu.memory_space<vmem>>, vector<16xi32>,
    %sub3A_1068 = arith.constant 64 : i32
    %sub3A_1069 = arith.subi %add3A_1035, %sub3A_1068 : i32
    %sub3A_1070 = vector.broadcast %sub3A_1069 : i32 to vector<16xi32>
    %sub3A_1071 = arith.subi %sub3A_1070, %iota3A : vector<16xi32>
    %swap3A_1072 = arith.constant 64 : index
    %swap3A_1073 = tpu.vector_load %arg4[%swap3A_1072] {strides = array<i32>} : memref<128xi32, #tpu.memory_space<vmem>>, vector<16xi32>,
    %swap3A_1074 = vector.shape_cast %swap3A_1073 : vector<16xi32> to vector<16xi32>
    %swap3A_1075 = vector.shape_cast %sub3A_1071 : vector<16xi32> to vector<16xi32>
    tpu.vector_store %arg4[%swap3A_1072], %swap3A_1075 {strides = array<i32>} : memref<128xi32, #tpu.memory_space<vmem>>, vector<16xi32>,
    %sub3A_1076 = arith.constant 80 : i32
    %sub3A_1077 = arith.subi %add3A_1035, %sub3A_1076 : i32
    %sub3A_1078 = vector.broadcast %sub3A_1077 : i32 to vector<16xi32>
    %sub3A_1079 = arith.subi %sub3A_1078, %iota3A : vector<16xi32>
    %swap3A_1080 = arith.constant 80 : index
    %swap3A_1081 = tpu.vector_load %arg4[%swap3A_1080] {strides = array<i32>} : memref<128xi32, #tpu.memory_space<vmem>>, vector<16xi32>,
    %swap3A_1082 = vector.shape_cast %swap3A_1081 : vector<16xi32> to vector<16xi32>
    %swap3A_1083 = vector.shape_cast %sub3A_1079 : vector<16xi32> to vector<16xi32>
    tpu.vector_store %arg4[%swap3A_1080], %swap3A_1083 {strides = array<i32>} : memref<128xi32, #tpu.memory_space<vmem>>, vector<16xi32>,
    %sub3A_1084 = arith.constant 96 : i32
    %sub3A_1085 = arith.subi %add3A_1035, %sub3A_1084 : i32
    %sub3A_1086 = vector.broadcast %sub3A_1085 : i32 to vector<16xi32>
    %sub3A_1087 = arith.subi %sub3A_1086, %iota3A : vector<16xi32>
    %swap3A_1088 = arith.constant 96 : index
    %swap3A_1089 = tpu.vector_load %arg4[%swap3A_1088] {strides = array<i32>} : memref<128xi32, #tpu.memory_space<vmem>>, vector<16xi32>,
    %swap3A_1090 = vector.shape_cast %swap3A_1089 : vector<16xi32> to vector<16xi32>
    %swap3A_1091 = vector.shape_cast %sub3A_1087 : vector<16xi32> to vector<16xi32>
    tpu.vector_store %arg4[%swap3A_1088], %swap3A_1091 {strides = array<i32>} : memref<128xi32, #tpu.memory_space<vmem>>, vector<16xi32>,
    %sub3A_1092 = arith.constant 112 : i32
    %sub3A_1093 = arith.subi %add3A_1035, %sub3A_1092 : i32
    %sub3A_1094 = vector.broadcast %sub3A_1093 : i32 to vector<16xi32>
    %sub3A_1095 = arith.subi %sub3A_1094, %iota3A : vector<16xi32>
    %swap3A_1096 = arith.constant 112 : index
    %swap3A_1097 = tpu.vector_load %arg4[%swap3A_1096] {strides = array<i32>} : memref<128xi32, #tpu.memory_space<vmem>>, vector<16xi32>,
    %swap3A_1098 = vector.shape_cast %swap3A_1097 : vector<16xi32> to vector<16xi32>
    %swap3A_1099 = vector.shape_cast %sub3A_1095 : vector<16xi32> to vector<16xi32>
    tpu.vector_store %arg4[%swap3A_1096], %swap3A_1099 {strides = array<i32>} : memref<128xi32, #tpu.memory_space<vmem>>, vector<16xi32>,
    %dma_start3A_1100 = arith.constant 0 : i32
    %dma_start3A_1101 = arith.constant 0 : i32
    %dma_start3A_1102 = tpu.memref_slice %arg2[%dma_start3A_1100, %dma_start3A_1101] : memref<131072x128xf32, #tpu.memory_space<hbm>> -> memref<131072x128xf32, #tpu.memory_space<hbm>>
    tpu.enqueue_indirect_dma source(%dma_start3A_1102 : memref<131072x128xf32, #tpu.memory_space<hbm>>) target(%arg10 : memref<128x128xf32, #tpu.memory_space<vmem>>) offsets(%arg4 : memref<128xi32, #tpu.memory_space<vmem>>) semaphore(%arg16 : memref<!tpu.dma_semaphore, #tpu.memory_space<semaphore_mem>>)
    %dma_wait3A_1103 = arith.constant 0 : i32
    %dma_wait3A_1104 = arith.constant 0 : i32
    %dma_wait3A_1105 = tpu.memref_slice %arg2[%dma_wait3A_1103, %dma_wait3A_1104] : memref<131072x128xf32, #tpu.memory_space<hbm>> -> memref<131072x128xf32, #tpu.memory_space<hbm>>
    tpu.wait_indirect_dma semaphore(%arg19 : memref<!tpu.dma_semaphore, #tpu.memory_space<semaphore_mem>>) src(%dma_wait3A_1105 : memref<131072x128xf32, #tpu.memory_space<hbm>>) dst(%arg13 : memref<128x128xf32, #tpu.memory_space<vmem>>)
    %add3A_1106 = arith.constant 9 : i32
    %add3A_1107 = arith.addi %mul3A_2, %add3A_1106 : i32
    %mul3A_1108 = arith.constant 128 : i32
    %mul3A_1109 = arith.muli %add3A_1107, %mul3A_1108 : i32
    %dma_start3A_1110 = arith.constant 0 : i32
    %dma_start3A_1111 = tpu.memref_slice %arg3[%mul3A_1109, %dma_start3A_1110] : memref<131072x128xf32, #tpu.memory_space<hbm>> -> memref<128x128xf32, #tpu.memory_space<hbm>>
    %dma_start3A_1112 = arith.constant 0 : i32
    %dma_start3A_1113 = tpu.memref_slice %arg3[%mul3A_1109, %dma_start3A_1112] : memref<131072x128xf32, #tpu.memory_space<hbm>> -> memref<128x128xf32, #tpu.memory_space<hbm>>
    tpu.enqueue_dma source(%arg13 : memref<128x128xf32, #tpu.memory_space<vmem>>) target(%dma_start3A_1113 : memref<128x128xf32, #tpu.memory_space<hbm>>) target_semaphore(%arg25 : memref<!tpu.dma_semaphore, #tpu.memory_space<semaphore_mem>>)
    %add3A_1114 = arith.constant 7 : i32
    %add3A_1115 = arith.addi %mul3A_2, %add3A_1114 : i32
    %mul3A_1116 = arith.constant 128 : i32
    %mul3A_1117 = arith.muli %add3A_1115, %mul3A_1116 : i32
    %dma_wait3A_1118 = arith.constant 0 : i32
    %dma_wait3A_1119 = tpu.memref_slice %arg3[%mul3A_1117, %dma_wait3A_1118] : memref<131072x128xf32, #tpu.memory_space<hbm>> -> memref<128x128xf32, #tpu.memory_space<hbm>>
    %dma_wait3A_1120 = arith.constant 0 : i32
    %dma_wait3A_1121 = tpu.memref_slice %arg3[%mul3A_1117, %dma_wait3A_1120] : memref<131072x128xf32, #tpu.memory_space<hbm>> -> memref<128x128xf32, #tpu.memory_space<hbm>>
    tpu.wait_dma2 semaphore(%arg23 : memref<!tpu.dma_semaphore, #tpu.memory_space<semaphore_mem>>) src(%arg11 : memref<128x128xf32, #tpu.memory_space<vmem>>) dst(%dma_wait3A_1121 : memref<128x128xf32, #tpu.memory_space<hbm>>)
    %add3A_1122 = arith.constant 13 : i32
    %add3A_1123 = arith.addi %mul3A_2, %add3A_1122 : i32
    %mul3A_1124 = arith.constant 128 : i32
    %mul3A_1125 = arith.muli %add3A_1123, %mul3A_1124 : i32
    %add3A_1126 = arith.constant 127 : i32
    %add3A_1127 = arith.addi %mul3A_1125, %add3A_1126 : i32
    %sub3A_1128 = arith.constant 0 : i32
    %sub3A_1129 = arith.subi %add3A_1127, %sub3A_1128 : i32
    %sub3A_1130 = vector.broadcast %sub3A_1129 : i32 to vector<16xi32>
    %sub3A_1131 = arith.subi %sub3A_1130, %iota3A : vector<16xi32>
    %swap3A_1132 = arith.constant 0 : index
    %swap3A_1133 = tpu.vector_load %arg5[%swap3A_1132] {strides = array<i32>} : memref<128xi32, #tpu.memory_space<vmem>>, vector<16xi32>,
    %swap3A_1134 = vector.shape_cast %swap3A_1133 : vector<16xi32> to vector<16xi32>
    %swap3A_1135 = vector.shape_cast %sub3A_1131 : vector<16xi32> to vector<16xi32>
    tpu.vector_store %arg5[%swap3A_1132], %swap3A_1135 {strides = array<i32>} : memref<128xi32, #tpu.memory_space<vmem>>, vector<16xi32>,
    %sub3A_1136 = arith.constant 16 : i32
    %sub3A_1137 = arith.subi %add3A_1127, %sub3A_1136 : i32
    %sub3A_1138 = vector.broadcast %sub3A_1137 : i32 to vector<16xi32>
    %sub3A_1139 = arith.subi %sub3A_1138, %iota3A : vector<16xi32>
    %swap3A_1140 = arith.constant 16 : index
    %swap3A_1141 = tpu.vector_load %arg5[%swap3A_1140] {strides = array<i32>} : memref<128xi32, #tpu.memory_space<vmem>>, vector<16xi32>,
    %swap3A_1142 = vector.shape_cast %swap3A_1141 : vector<16xi32> to vector<16xi32>
    %swap3A_1143 = vector.shape_cast %sub3A_1139 : vector<16xi32> to vector<16xi32>
    tpu.vector_store %arg5[%swap3A_1140], %swap3A_1143 {strides = array<i32>} : memref<128xi32, #tpu.memory_space<vmem>>, vector<16xi32>,
    %sub3A_1144 = arith.constant 32 : i32
    %sub3A_1145 = arith.subi %add3A_1127, %sub3A_1144 : i32
    %sub3A_1146 = vector.broadcast %sub3A_1145 : i32 to vector<16xi32>
    %sub3A_1147 = arith.subi %sub3A_1146, %iota3A : vector<16xi32>
    %swap3A_1148 = arith.constant 32 : index
    %swap3A_1149 = tpu.vector_load %arg5[%swap3A_1148] {strides = array<i32>} : memref<128xi32, #tpu.memory_space<vmem>>, vector<16xi32>,
    %swap3A_1150 = vector.shape_cast %swap3A_1149 : vector<16xi32> to vector<16xi32>
    %swap3A_1151 = vector.shape_cast %sub3A_1147 : vector<16xi32> to vector<16xi32>
    tpu.vector_store %arg5[%swap3A_1148], %swap3A_1151 {strides = array<i32>} : memref<128xi32, #tpu.memory_space<vmem>>, vector<16xi32>,
    %sub3A_1152 = arith.constant 48 : i32
    %sub3A_1153 = arith.subi %add3A_1127, %sub3A_1152 : i32
    %sub3A_1154 = vector.broadcast %sub3A_1153 : i32 to vector<16xi32>
    %sub3A_1155 = arith.subi %sub3A_1154, %iota3A : vector<16xi32>
    %swap3A_1156 = arith.constant 48 : index
    %swap3A_1157 = tpu.vector_load %arg5[%swap3A_1156] {strides = array<i32>} : memref<128xi32, #tpu.memory_space<vmem>>, vector<16xi32>,
    %swap3A_1158 = vector.shape_cast %swap3A_1157 : vector<16xi32> to vector<16xi32>
    %swap3A_1159 = vector.shape_cast %sub3A_1155 : vector<16xi32> to vector<16xi32>
    tpu.vector_store %arg5[%swap3A_1156], %swap3A_1159 {strides = array<i32>} : memref<128xi32, #tpu.memory_space<vmem>>, vector<16xi32>,
    %sub3A_1160 = arith.constant 64 : i32
    %sub3A_1161 = arith.subi %add3A_1127, %sub3A_1160 : i32
    %sub3A_1162 = vector.broadcast %sub3A_1161 : i32 to vector<16xi32>
    %sub3A_1163 = arith.subi %sub3A_1162, %iota3A : vector<16xi32>
    %swap3A_1164 = arith.constant 64 : index
    %swap3A_1165 = tpu.vector_load %arg5[%swap3A_1164] {strides = array<i32>} : memref<128xi32, #tpu.memory_space<vmem>>, vector<16xi32>,
    %swap3A_1166 = vector.shape_cast %swap3A_1165 : vector<16xi32> to vector<16xi32>
    %swap3A_1167 = vector.shape_cast %sub3A_1163 : vector<16xi32> to vector<16xi32>
    tpu.vector_store %arg5[%swap3A_1164], %swap3A_1167 {strides = array<i32>} : memref<128xi32, #tpu.memory_space<vmem>>, vector<16xi32>,
    %sub3A_1168 = arith.constant 80 : i32
    %sub3A_1169 = arith.subi %add3A_1127, %sub3A_1168 : i32
    %sub3A_1170 = vector.broadcast %sub3A_1169 : i32 to vector<16xi32>
    %sub3A_1171 = arith.subi %sub3A_1170, %iota3A : vector<16xi32>
    %swap3A_1172 = arith.constant 80 : index
    %swap3A_1173 = tpu.vector_load %arg5[%swap3A_1172] {strides = array<i32>} : memref<128xi32, #tpu.memory_space<vmem>>, vector<16xi32>,
    %swap3A_1174 = vector.shape_cast %swap3A_1173 : vector<16xi32> to vector<16xi32>
    %swap3A_1175 = vector.shape_cast %sub3A_1171 : vector<16xi32> to vector<16xi32>
    tpu.vector_store %arg5[%swap3A_1172], %swap3A_1175 {strides = array<i32>} : memref<128xi32, #tpu.memory_space<vmem>>, vector<16xi32>,
    %sub3A_1176 = arith.constant 96 : i32
    %sub3A_1177 = arith.subi %add3A_1127, %sub3A_1176 : i32
    %sub3A_1178 = vector.broadcast %sub3A_1177 : i32 to vector<16xi32>
    %sub3A_1179 = arith.subi %sub3A_1178, %iota3A : vector<16xi32>
    %swap3A_1180 = arith.constant 96 : index
    %swap3A_1181 = tpu.vector_load %arg5[%swap3A_1180] {strides = array<i32>} : memref<128xi32, #tpu.memory_space<vmem>>, vector<16xi32>,
    %swap3A_1182 = vector.shape_cast %swap3A_1181 : vector<16xi32> to vector<16xi32>
    %swap3A_1183 = vector.shape_cast %sub3A_1179 : vector<16xi32> to vector<16xi32>
    tpu.vector_store %arg5[%swap3A_1180], %swap3A_1183 {strides = array<i32>} : memref<128xi32, #tpu.memory_space<vmem>>, vector<16xi32>,
    %sub3A_1184 = arith.constant 112 : i32
    %sub3A_1185 = arith.subi %add3A_1127, %sub3A_1184 : i32
    %sub3A_1186 = vector.broadcast %sub3A_1185 : i32 to vector<16xi32>
    %sub3A_1187 = arith.subi %sub3A_1186, %iota3A : vector<16xi32>
    %swap3A_1188 = arith.constant 112 : index
    %swap3A_1189 = tpu.vector_load %arg5[%swap3A_1188] {strides = array<i32>} : memref<128xi32, #tpu.memory_space<vmem>>, vector<16xi32>,
    %swap3A_1190 = vector.shape_cast %swap3A_1189 : vector<16xi32> to vector<16xi32>
    %swap3A_1191 = vector.shape_cast %sub3A_1187 : vector<16xi32> to vector<16xi32>
    tpu.vector_store %arg5[%swap3A_1188], %swap3A_1191 {strides = array<i32>} : memref<128xi32, #tpu.memory_space<vmem>>, vector<16xi32>,
    %dma_start3A_1192 = arith.constant 0 : i32
    %dma_start3A_1193 = arith.constant 0 : i32
    %dma_start3A_1194 = tpu.memref_slice %arg2[%dma_start3A_1192, %dma_start3A_1193] : memref<131072x128xf32, #tpu.memory_space<hbm>> -> memref<131072x128xf32, #tpu.memory_space<hbm>>
    tpu.enqueue_indirect_dma source(%dma_start3A_1194 : memref<131072x128xf32, #tpu.memory_space<hbm>>) target(%arg11 : memref<128x128xf32, #tpu.memory_space<vmem>>) offsets(%arg5 : memref<128xi32, #tpu.memory_space<vmem>>) semaphore(%arg17 : memref<!tpu.dma_semaphore, #tpu.memory_space<semaphore_mem>>)
    %dma_wait3A_1195 = arith.constant 0 : i32
    %dma_wait3A_1196 = arith.constant 0 : i32
    %dma_wait3A_1197 = tpu.memref_slice %arg2[%dma_wait3A_1195, %dma_wait3A_1196] : memref<131072x128xf32, #tpu.memory_space<hbm>> -> memref<131072x128xf32, #tpu.memory_space<hbm>>
    tpu.wait_indirect_dma semaphore(%arg20 : memref<!tpu.dma_semaphore, #tpu.memory_space<semaphore_mem>>) src(%dma_wait3A_1197 : memref<131072x128xf32, #tpu.memory_space<hbm>>) dst(%arg14 : memref<128x128xf32, #tpu.memory_space<vmem>>)
    %add3A_1198 = arith.constant 10 : i32
    %add3A_1199 = arith.addi %mul3A_2, %add3A_1198 : i32
    %mul3A_1200 = arith.constant 128 : i32
    %mul3A_1201 = arith.muli %add3A_1199, %mul3A_1200 : i32
    %dma_start3A_1202 = arith.constant 0 : i32
    %dma_start3A_1203 = tpu.memref_slice %arg3[%mul3A_1201, %dma_start3A_1202] : memref<131072x128xf32, #tpu.memory_space<hbm>> -> memref<128x128xf32, #tpu.memory_space<hbm>>
    %dma_start3A_1204 = arith.constant 0 : i32
    %dma_start3A_1205 = tpu.memref_slice %arg3[%mul3A_1201, %dma_start3A_1204] : memref<131072x128xf32, #tpu.memory_space<hbm>> -> memref<128x128xf32, #tpu.memory_space<hbm>>
    tpu.enqueue_dma source(%arg14 : memref<128x128xf32, #tpu.memory_space<vmem>>) target(%dma_start3A_1205 : memref<128x128xf32, #tpu.memory_space<hbm>>) target_semaphore(%arg26 : memref<!tpu.dma_semaphore, #tpu.memory_space<semaphore_mem>>)
    %add3A_1206 = arith.constant 8 : i32
    %add3A_1207 = arith.addi %mul3A_2, %add3A_1206 : i32
    %mul3A_1208 = arith.constant 128 : i32
    %mul3A_1209 = arith.muli %add3A_1207, %mul3A_1208 : i32
    %dma_wait3A_1210 = arith.constant 0 : i32
    %dma_wait3A_1211 = tpu.memref_slice %arg3[%mul3A_1209, %dma_wait3A_1210] : memref<131072x128xf32, #tpu.memory_space<hbm>> -> memref<128x128xf32, #tpu.memory_space<hbm>>
    %dma_wait3A_1212 = arith.constant 0 : i32
    %dma_wait3A_1213 = tpu.memref_slice %arg3[%mul3A_1209, %dma_wait3A_1212] : memref<131072x128xf32, #tpu.memory_space<hbm>> -> memref<128x128xf32, #tpu.memory_space<hbm>>
    tpu.wait_dma2 semaphore(%arg24 : memref<!tpu.dma_semaphore, #tpu.memory_space<semaphore_mem>>) src(%arg12 : memref<128x128xf32, #tpu.memory_space<vmem>>) dst(%dma_wait3A_1213 : memref<128x128xf32, #tpu.memory_space<hbm>>)
    %add3A_1214 = arith.constant 14 : i32
    %add3A_1215 = arith.addi %mul3A_2, %add3A_1214 : i32
    %mul3A_1216 = arith.constant 128 : i32
    %mul3A_1217 = arith.muli %add3A_1215, %mul3A_1216 : i32
    %add3A_1218 = arith.constant 127 : i32
    %add3A_1219 = arith.addi %mul3A_1217, %add3A_1218 : i32
    %sub3A_1220 = arith.constant 0 : i32
    %sub3A_1221 = arith.subi %add3A_1219, %sub3A_1220 : i32
    %sub3A_1222 = vector.broadcast %sub3A_1221 : i32 to vector<16xi32>
    %sub3A_1223 = arith.subi %sub3A_1222, %iota3A : vector<16xi32>
    %swap3A_1224 = arith.constant 0 : index
    %swap3A_1225 = tpu.vector_load %arg6[%swap3A_1224] {strides = array<i32>} : memref<128xi32, #tpu.memory_space<vmem>>, vector<16xi32>,
    %swap3A_1226 = vector.shape_cast %swap3A_1225 : vector<16xi32> to vector<16xi32>
    %swap3A_1227 = vector.shape_cast %sub3A_1223 : vector<16xi32> to vector<16xi32>
    tpu.vector_store %arg6[%swap3A_1224], %swap3A_1227 {strides = array<i32>} : memref<128xi32, #tpu.memory_space<vmem>>, vector<16xi32>,
    %sub3A_1228 = arith.constant 16 : i32
    %sub3A_1229 = arith.subi %add3A_1219, %sub3A_1228 : i32
    %sub3A_1230 = vector.broadcast %sub3A_1229 : i32 to vector<16xi32>
    %sub3A_1231 = arith.subi %sub3A_1230, %iota3A : vector<16xi32>
    %swap3A_1232 = arith.constant 16 : index
    %swap3A_1233 = tpu.vector_load %arg6[%swap3A_1232] {strides = array<i32>} : memref<128xi32, #tpu.memory_space<vmem>>, vector<16xi32>,
    %swap3A_1234 = vector.shape_cast %swap3A_1233 : vector<16xi32> to vector<16xi32>
    %swap3A_1235 = vector.shape_cast %sub3A_1231 : vector<16xi32> to vector<16xi32>
    tpu.vector_store %arg6[%swap3A_1232], %swap3A_1235 {strides = array<i32>} : memref<128xi32, #tpu.memory_space<vmem>>, vector<16xi32>,
    %sub3A_1236 = arith.constant 32 : i32
    %sub3A_1237 = arith.subi %add3A_1219, %sub3A_1236 : i32
    %sub3A_1238 = vector.broadcast %sub3A_1237 : i32 to vector<16xi32>
    %sub3A_1239 = arith.subi %sub3A_1238, %iota3A : vector<16xi32>
    %swap3A_1240 = arith.constant 32 : index
    %swap3A_1241 = tpu.vector_load %arg6[%swap3A_1240] {strides = array<i32>} : memref<128xi32, #tpu.memory_space<vmem>>, vector<16xi32>,
    %swap3A_1242 = vector.shape_cast %swap3A_1241 : vector<16xi32> to vector<16xi32>
    %swap3A_1243 = vector.shape_cast %sub3A_1239 : vector<16xi32> to vector<16xi32>
    tpu.vector_store %arg6[%swap3A_1240], %swap3A_1243 {strides = array<i32>} : memref<128xi32, #tpu.memory_space<vmem>>, vector<16xi32>,
    %sub3A_1244 = arith.constant 48 : i32
    %sub3A_1245 = arith.subi %add3A_1219, %sub3A_1244 : i32
    %sub3A_1246 = vector.broadcast %sub3A_1245 : i32 to vector<16xi32>
    %sub3A_1247 = arith.subi %sub3A_1246, %iota3A : vector<16xi32>
    %swap3A_1248 = arith.constant 48 : index
    %swap3A_1249 = tpu.vector_load %arg6[%swap3A_1248] {strides = array<i32>} : memref<128xi32, #tpu.memory_space<vmem>>, vector<16xi32>,
    %swap3A_1250 = vector.shape_cast %swap3A_1249 : vector<16xi32> to vector<16xi32>
    %swap3A_1251 = vector.shape_cast %sub3A_1247 : vector<16xi32> to vector<16xi32>
    tpu.vector_store %arg6[%swap3A_1248], %swap3A_1251 {strides = array<i32>} : memref<128xi32, #tpu.memory_space<vmem>>, vector<16xi32>,
    %sub3A_1252 = arith.constant 64 : i32
    %sub3A_1253 = arith.subi %add3A_1219, %sub3A_1252 : i32
    %sub3A_1254 = vector.broadcast %sub3A_1253 : i32 to vector<16xi32>
    %sub3A_1255 = arith.subi %sub3A_1254, %iota3A : vector<16xi32>
    %swap3A_1256 = arith.constant 64 : index
    %swap3A_1257 = tpu.vector_load %arg6[%swap3A_1256] {strides = array<i32>} : memref<128xi32, #tpu.memory_space<vmem>>, vector<16xi32>,
    %swap3A_1258 = vector.shape_cast %swap3A_1257 : vector<16xi32> to vector<16xi32>
    %swap3A_1259 = vector.shape_cast %sub3A_1255 : vector<16xi32> to vector<16xi32>
    tpu.vector_store %arg6[%swap3A_1256], %swap3A_1259 {strides = array<i32>} : memref<128xi32, #tpu.memory_space<vmem>>, vector<16xi32>,
    %sub3A_1260 = arith.constant 80 : i32
    %sub3A_1261 = arith.subi %add3A_1219, %sub3A_1260 : i32
    %sub3A_1262 = vector.broadcast %sub3A_1261 : i32 to vector<16xi32>
    %sub3A_1263 = arith.subi %sub3A_1262, %iota3A : vector<16xi32>
    %swap3A_1264 = arith.constant 80 : index
    %swap3A_1265 = tpu.vector_load %arg6[%swap3A_1264] {strides = array<i32>} : memref<128xi32, #tpu.memory_space<vmem>>, vector<16xi32>,
    %swap3A_1266 = vector.shape_cast %swap3A_1265 : vector<16xi32> to vector<16xi32>
    %swap3A_1267 = vector.shape_cast %sub3A_1263 : vector<16xi32> to vector<16xi32>
    tpu.vector_store %arg6[%swap3A_1264], %swap3A_1267 {strides = array<i32>} : memref<128xi32, #tpu.memory_space<vmem>>, vector<16xi32>,
    %sub3A_1268 = arith.constant 96 : i32
    %sub3A_1269 = arith.subi %add3A_1219, %sub3A_1268 : i32
    %sub3A_1270 = vector.broadcast %sub3A_1269 : i32 to vector<16xi32>
    %sub3A_1271 = arith.subi %sub3A_1270, %iota3A : vector<16xi32>
    %swap3A_1272 = arith.constant 96 : index
    %swap3A_1273 = tpu.vector_load %arg6[%swap3A_1272] {strides = array<i32>} : memref<128xi32, #tpu.memory_space<vmem>>, vector<16xi32>,
    %swap3A_1274 = vector.shape_cast %swap3A_1273 : vector<16xi32> to vector<16xi32>
    %swap3A_1275 = vector.shape_cast %sub3A_1271 : vector<16xi32> to vector<16xi32>
    tpu.vector_store %arg6[%swap3A_1272], %swap3A_1275 {strides = array<i32>} : memref<128xi32, #tpu.memory_space<vmem>>, vector<16xi32>,
    %sub3A_1276 = arith.constant 112 : i32
    %sub3A_1277 = arith.subi %add3A_1219, %sub3A_1276 : i32
    %sub3A_1278 = vector.broadcast %sub3A_1277 : i32 to vector<16xi32>
    %sub3A_1279 = arith.subi %sub3A_1278, %iota3A : vector<16xi32>
    %swap3A_1280 = arith.constant 112 : index
    %swap3A_1281 = tpu.vector_load %arg6[%swap3A_1280] {strides = array<i32>} : memref<128xi32, #tpu.memory_space<vmem>>, vector<16xi32>,
    %swap3A_1282 = vector.shape_cast %swap3A_1281 : vector<16xi32> to vector<16xi32>
    %swap3A_1283 = vector.shape_cast %sub3A_1279 : vector<16xi32> to vector<16xi32>
    tpu.vector_store %arg6[%swap3A_1280], %swap3A_1283 {strides = array<i32>} : memref<128xi32, #tpu.memory_space<vmem>>, vector<16xi32>,
    %dma_start3A_1284 = arith.constant 0 : i32
    %dma_start3A_1285 = arith.constant 0 : i32
    %dma_start3A_1286 = tpu.memref_slice %arg2[%dma_start3A_1284, %dma_start3A_1285] : memref<131072x128xf32, #tpu.memory_space<hbm>> -> memref<131072x128xf32, #tpu.memory_space<hbm>>
    tpu.enqueue_indirect_dma source(%dma_start3A_1286 : memref<131072x128xf32, #tpu.memory_space<hbm>>) target(%arg12 : memref<128x128xf32, #tpu.memory_space<vmem>>) offsets(%arg6 : memref<128xi32, #tpu.memory_space<vmem>>) semaphore(%arg18 : memref<!tpu.dma_semaphore, #tpu.memory_space<semaphore_mem>>)
    %dma_wait3A_1287 = arith.constant 0 : i32
    %dma_wait3A_1288 = arith.constant 0 : i32
    %dma_wait3A_1289 = tpu.memref_slice %arg2[%dma_wait3A_1287, %dma_wait3A_1288] : memref<131072x128xf32, #tpu.memory_space<hbm>> -> memref<131072x128xf32, #tpu.memory_space<hbm>>
    tpu.wait_indirect_dma semaphore(%arg21 : memref<!tpu.dma_semaphore, #tpu.memory_space<semaphore_mem>>) src(%dma_wait3A_1289 : memref<131072x128xf32, #tpu.memory_space<hbm>>) dst(%arg15 : memref<128x128xf32, #tpu.memory_space<vmem>>)
    %add3A_1290 = arith.constant 11 : i32
    %add3A_1291 = arith.addi %mul3A_2, %add3A_1290 : i32
    %mul3A_1292 = arith.constant 128 : i32
    %mul3A_1293 = arith.muli %add3A_1291, %mul3A_1292 : i32
    %dma_start3A_1294 = arith.constant 0 : i32
    %dma_start3A_1295 = tpu.memref_slice %arg3[%mul3A_1293, %dma_start3A_1294] : memref<131072x128xf32, #tpu.memory_space<hbm>> -> memref<128x128xf32, #tpu.memory_space<hbm>>
    %dma_start3A_1296 = arith.constant 0 : i32
    %dma_start3A_1297 = tpu.memref_slice %arg3[%mul3A_1293, %dma_start3A_1296] : memref<131072x128xf32, #tpu.memory_space<hbm>> -> memref<128x128xf32, #tpu.memory_space<hbm>>
    tpu.enqueue_dma source(%arg15 : memref<128x128xf32, #tpu.memory_space<vmem>>) target(%dma_start3A_1297 : memref<128x128xf32, #tpu.memory_space<hbm>>) target_semaphore(%arg27 : memref<!tpu.dma_semaphore, #tpu.memory_space<semaphore_mem>>)
    %add3A_1298 = arith.constant 9 : i32
    %add3A_1299 = arith.addi %mul3A_2, %add3A_1298 : i32
    %mul3A_1300 = arith.constant 128 : i32
    %mul3A_1301 = arith.muli %add3A_1299, %mul3A_1300 : i32
    %dma_wait3A_1302 = arith.constant 0 : i32
    %dma_wait3A_1303 = tpu.memref_slice %arg3[%mul3A_1301, %dma_wait3A_1302] : memref<131072x128xf32, #tpu.memory_space<hbm>> -> memref<128x128xf32, #tpu.memory_space<hbm>>
    %dma_wait3A_1304 = arith.constant 0 : i32
    %dma_wait3A_1305 = tpu.memref_slice %arg3[%mul3A_1301, %dma_wait3A_1304] : memref<131072x128xf32, #tpu.memory_space<hbm>> -> memref<128x128xf32, #tpu.memory_space<hbm>>
    tpu.wait_dma2 semaphore(%arg25 : memref<!tpu.dma_semaphore, #tpu.memory_space<semaphore_mem>>) src(%arg13 : memref<128x128xf32, #tpu.memory_space<vmem>>) dst(%dma_wait3A_1305 : memref<128x128xf32, #tpu.memory_space<hbm>>)
    %add3A_1306 = arith.constant 15 : i32
    %add3A_1307 = arith.addi %mul3A_2, %add3A_1306 : i32
    %mul3A_1308 = arith.constant 128 : i32
    %mul3A_1309 = arith.muli %add3A_1307, %mul3A_1308 : i32
    %add3A_1310 = arith.constant 127 : i32
    %add3A_1311 = arith.addi %mul3A_1309, %add3A_1310 : i32
    %sub3A_1312 = arith.constant 0 : i32
    %sub3A_1313 = arith.subi %add3A_1311, %sub3A_1312 : i32
    %sub3A_1314 = vector.broadcast %sub3A_1313 : i32 to vector<16xi32>
    %sub3A_1315 = arith.subi %sub3A_1314, %iota3A : vector<16xi32>
    %swap3A_1316 = arith.constant 0 : index
    %swap3A_1317 = tpu.vector_load %arg7[%swap3A_1316] {strides = array<i32>} : memref<128xi32, #tpu.memory_space<vmem>>, vector<16xi32>,
    %swap3A_1318 = vector.shape_cast %swap3A_1317 : vector<16xi32> to vector<16xi32>
    %swap3A_1319 = vector.shape_cast %sub3A_1315 : vector<16xi32> to vector<16xi32>
    tpu.vector_store %arg7[%swap3A_1316], %swap3A_1319 {strides = array<i32>} : memref<128xi32, #tpu.memory_space<vmem>>, vector<16xi32>,
    %sub3A_1320 = arith.constant 16 : i32
    %sub3A_1321 = arith.subi %add3A_1311, %sub3A_1320 : i32
    %sub3A_1322 = vector.broadcast %sub3A_1321 : i32 to vector<16xi32>
    %sub3A_1323 = arith.subi %sub3A_1322, %iota3A : vector<16xi32>
    %swap3A_1324 = arith.constant 16 : index
    %swap3A_1325 = tpu.vector_load %arg7[%swap3A_1324] {strides = array<i32>} : memref<128xi32, #tpu.memory_space<vmem>>, vector<16xi32>,
    %swap3A_1326 = vector.shape_cast %swap3A_1325 : vector<16xi32> to vector<16xi32>
    %swap3A_1327 = vector.shape_cast %sub3A_1323 : vector<16xi32> to vector<16xi32>
    tpu.vector_store %arg7[%swap3A_1324], %swap3A_1327 {strides = array<i32>} : memref<128xi32, #tpu.memory_space<vmem>>, vector<16xi32>,
    %sub3A_1328 = arith.constant 32 : i32
    %sub3A_1329 = arith.subi %add3A_1311, %sub3A_1328 : i32
    %sub3A_1330 = vector.broadcast %sub3A_1329 : i32 to vector<16xi32>
    %sub3A_1331 = arith.subi %sub3A_1330, %iota3A : vector<16xi32>
    %swap3A_1332 = arith.constant 32 : index
    %swap3A_1333 = tpu.vector_load %arg7[%swap3A_1332] {strides = array<i32>} : memref<128xi32, #tpu.memory_space<vmem>>, vector<16xi32>,
    %swap3A_1334 = vector.shape_cast %swap3A_1333 : vector<16xi32> to vector<16xi32>
    %swap3A_1335 = vector.shape_cast %sub3A_1331 : vector<16xi32> to vector<16xi32>
    tpu.vector_store %arg7[%swap3A_1332], %swap3A_1335 {strides = array<i32>} : memref<128xi32, #tpu.memory_space<vmem>>, vector<16xi32>,
    %sub3A_1336 = arith.constant 48 : i32
    %sub3A_1337 = arith.subi %add3A_1311, %sub3A_1336 : i32
    %sub3A_1338 = vector.broadcast %sub3A_1337 : i32 to vector<16xi32>
    %sub3A_1339 = arith.subi %sub3A_1338, %iota3A : vector<16xi32>
    %swap3A_1340 = arith.constant 48 : index
    %swap3A_1341 = tpu.vector_load %arg7[%swap3A_1340] {strides = array<i32>} : memref<128xi32, #tpu.memory_space<vmem>>, vector<16xi32>,
    %swap3A_1342 = vector.shape_cast %swap3A_1341 : vector<16xi32> to vector<16xi32>
    %swap3A_1343 = vector.shape_cast %sub3A_1339 : vector<16xi32> to vector<16xi32>
    tpu.vector_store %arg7[%swap3A_1340], %swap3A_1343 {strides = array<i32>} : memref<128xi32, #tpu.memory_space<vmem>>, vector<16xi32>,
    %sub3A_1344 = arith.constant 64 : i32
    %sub3A_1345 = arith.subi %add3A_1311, %sub3A_1344 : i32
    %sub3A_1346 = vector.broadcast %sub3A_1345 : i32 to vector<16xi32>
    %sub3A_1347 = arith.subi %sub3A_1346, %iota3A : vector<16xi32>
    %swap3A_1348 = arith.constant 64 : index
    %swap3A_1349 = tpu.vector_load %arg7[%swap3A_1348] {strides = array<i32>} : memref<128xi32, #tpu.memory_space<vmem>>, vector<16xi32>,
    %swap3A_1350 = vector.shape_cast %swap3A_1349 : vector<16xi32> to vector<16xi32>
    %swap3A_1351 = vector.shape_cast %sub3A_1347 : vector<16xi32> to vector<16xi32>
    tpu.vector_store %arg7[%swap3A_1348], %swap3A_1351 {strides = array<i32>} : memref<128xi32, #tpu.memory_space<vmem>>, vector<16xi32>,
    %sub3A_1352 = arith.constant 80 : i32
    %sub3A_1353 = arith.subi %add3A_1311, %sub3A_1352 : i32
    %sub3A_1354 = vector.broadcast %sub3A_1353 : i32 to vector<16xi32>
    %sub3A_1355 = arith.subi %sub3A_1354, %iota3A : vector<16xi32>
    %swap3A_1356 = arith.constant 80 : index
    %swap3A_1357 = tpu.vector_load %arg7[%swap3A_1356] {strides = array<i32>} : memref<128xi32, #tpu.memory_space<vmem>>, vector<16xi32>,
    %swap3A_1358 = vector.shape_cast %swap3A_1357 : vector<16xi32> to vector<16xi32>
    %swap3A_1359 = vector.shape_cast %sub3A_1355 : vector<16xi32> to vector<16xi32>
    tpu.vector_store %arg7[%swap3A_1356], %swap3A_1359 {strides = array<i32>} : memref<128xi32, #tpu.memory_space<vmem>>, vector<16xi32>,
    %sub3A_1360 = arith.constant 96 : i32
    %sub3A_1361 = arith.subi %add3A_1311, %sub3A_1360 : i32
    %sub3A_1362 = vector.broadcast %sub3A_1361 : i32 to vector<16xi32>
    %sub3A_1363 = arith.subi %sub3A_1362, %iota3A : vector<16xi32>
    %swap3A_1364 = arith.constant 96 : index
    %swap3A_1365 = tpu.vector_load %arg7[%swap3A_1364] {strides = array<i32>} : memref<128xi32, #tpu.memory_space<vmem>>, vector<16xi32>,
    %swap3A_1366 = vector.shape_cast %swap3A_1365 : vector<16xi32> to vector<16xi32>
    %swap3A_1367 = vector.shape_cast %sub3A_1363 : vector<16xi32> to vector<16xi32>
    tpu.vector_store %arg7[%swap3A_1364], %swap3A_1367 {strides = array<i32>} : memref<128xi32, #tpu.memory_space<vmem>>, vector<16xi32>,
    %sub3A_1368 = arith.constant 112 : i32
    %sub3A_1369 = arith.subi %add3A_1311, %sub3A_1368 : i32
    %sub3A_1370 = vector.broadcast %sub3A_1369 : i32 to vector<16xi32>
    %sub3A_1371 = arith.subi %sub3A_1370, %iota3A : vector<16xi32>
    %swap3A_1372 = arith.constant 112 : index
    %swap3A_1373 = tpu.vector_load %arg7[%swap3A_1372] {strides = array<i32>} : memref<128xi32, #tpu.memory_space<vmem>>, vector<16xi32>,
    %swap3A_1374 = vector.shape_cast %swap3A_1373 : vector<16xi32> to vector<16xi32>
    %swap3A_1375 = vector.shape_cast %sub3A_1371 : vector<16xi32> to vector<16xi32>
    tpu.vector_store %arg7[%swap3A_1372], %swap3A_1375 {strides = array<i32>} : memref<128xi32, #tpu.memory_space<vmem>>, vector<16xi32>,
    %dma_start3A_1376 = arith.constant 0 : i32
    %dma_start3A_1377 = arith.constant 0 : i32
    %dma_start3A_1378 = tpu.memref_slice %arg2[%dma_start3A_1376, %dma_start3A_1377] : memref<131072x128xf32, #tpu.memory_space<hbm>> -> memref<131072x128xf32, #tpu.memory_space<hbm>>
    tpu.enqueue_indirect_dma source(%dma_start3A_1378 : memref<131072x128xf32, #tpu.memory_space<hbm>>) target(%arg13 : memref<128x128xf32, #tpu.memory_space<vmem>>) offsets(%arg7 : memref<128xi32, #tpu.memory_space<vmem>>) semaphore(%arg19 : memref<!tpu.dma_semaphore, #tpu.memory_space<semaphore_mem>>)
    %dma_wait3A_1379 = arith.constant 0 : i32
    %dma_wait3A_1380 = arith.constant 0 : i32
    %dma_wait3A_1381 = tpu.memref_slice %arg2[%dma_wait3A_1379, %dma_wait3A_1380] : memref<131072x128xf32, #tpu.memory_space<hbm>> -> memref<131072x128xf32, #tpu.memory_space<hbm>>
    tpu.wait_indirect_dma semaphore(%arg16 : memref<!tpu.dma_semaphore, #tpu.memory_space<semaphore_mem>>) src(%dma_wait3A_1381 : memref<131072x128xf32, #tpu.memory_space<hbm>>) dst(%arg10 : memref<128x128xf32, #tpu.memory_space<vmem>>)
    %add3A_1382 = arith.constant 12 : i32
    %add3A_1383 = arith.addi %mul3A_2, %add3A_1382 : i32
    %mul3A_1384 = arith.constant 128 : i32
    %mul3A_1385 = arith.muli %add3A_1383, %mul3A_1384 : i32
    %dma_start3A_1386 = arith.constant 0 : i32
    %dma_start3A_1387 = tpu.memref_slice %arg3[%mul3A_1385, %dma_start3A_1386] : memref<131072x128xf32, #tpu.memory_space<hbm>> -> memref<128x128xf32, #tpu.memory_space<hbm>>
    %dma_start3A_1388 = arith.constant 0 : i32
    %dma_start3A_1389 = tpu.memref_slice %arg3[%mul3A_1385, %dma_start3A_1388] : memref<131072x128xf32, #tpu.memory_space<hbm>> -> memref<128x128xf32, #tpu.memory_space<hbm>>
    tpu.enqueue_dma source(%arg10 : memref<128x128xf32, #tpu.memory_space<vmem>>) target(%dma_start3A_1389 : memref<128x128xf32, #tpu.memory_space<hbm>>) target_semaphore(%arg22 : memref<!tpu.dma_semaphore, #tpu.memory_space<semaphore_mem>>)
    %add3A_1390 = arith.constant 10 : i32
    %add3A_1391 = arith.addi %mul3A_2, %add3A_1390 : i32
    %mul3A_1392 = arith.constant 128 : i32
    %mul3A_1393 = arith.muli %add3A_1391, %mul3A_1392 : i32
    %dma_wait3A_1394 = arith.constant 0 : i32
    %dma_wait3A_1395 = tpu.memref_slice %arg3[%mul3A_1393, %dma_wait3A_1394] : memref<131072x128xf32, #tpu.memory_space<hbm>> -> memref<128x128xf32, #tpu.memory_space<hbm>>
    %dma_wait3A_1396 = arith.constant 0 : i32
    %dma_wait3A_1397 = tpu.memref_slice %arg3[%mul3A_1393, %dma_wait3A_1396] : memref<131072x128xf32, #tpu.memory_space<hbm>> -> memref<128x128xf32, #tpu.memory_space<hbm>>
    tpu.wait_dma2 semaphore(%arg26 : memref<!tpu.dma_semaphore, #tpu.memory_space<semaphore_mem>>) src(%arg14 : memref<128x128xf32, #tpu.memory_space<vmem>>) dst(%dma_wait3A_1397 : memref<128x128xf32, #tpu.memory_space<hbm>>)
    %add3A_1398 = arith.constant 16 : i32
    %add3A_1399 = arith.addi %mul3A_2, %add3A_1398 : i32
    %mul3A_1400 = arith.constant 128 : i32
    %mul3A_1401 = arith.muli %add3A_1399, %mul3A_1400 : i32
    %add3A_1402 = arith.constant 127 : i32
    %add3A_1403 = arith.addi %mul3A_1401, %add3A_1402 : i32
    %sub3A_1404 = arith.constant 0 : i32
    %sub3A_1405 = arith.subi %add3A_1403, %sub3A_1404 : i32
    %sub3A_1406 = vector.broadcast %sub3A_1405 : i32 to vector<16xi32>
    %sub3A_1407 = arith.subi %sub3A_1406, %iota3A : vector<16xi32>
    %swap3A_1408 = arith.constant 0 : index
    %swap3A_1409 = tpu.vector_load %arg8[%swap3A_1408] {strides = array<i32>} : memref<128xi32, #tpu.memory_space<vmem>>, vector<16xi32>,
    %swap3A_1410 = vector.shape_cast %swap3A_1409 : vector<16xi32> to vector<16xi32>
    %swap3A_1411 = vector.shape_cast %sub3A_1407 : vector<16xi32> to vector<16xi32>
    tpu.vector_store %arg8[%swap3A_1408], %swap3A_1411 {strides = array<i32>} : memref<128xi32, #tpu.memory_space<vmem>>, vector<16xi32>,
    %sub3A_1412 = arith.constant 16 : i32
    %sub3A_1413 = arith.subi %add3A_1403, %sub3A_1412 : i32
    %sub3A_1414 = vector.broadcast %sub3A_1413 : i32 to vector<16xi32>
    %sub3A_1415 = arith.subi %sub3A_1414, %iota3A : vector<16xi32>
    %swap3A_1416 = arith.constant 16 : index
    %swap3A_1417 = tpu.vector_load %arg8[%swap3A_1416] {strides = array<i32>} : memref<128xi32, #tpu.memory_space<vmem>>, vector<16xi32>,
    %swap3A_1418 = vector.shape_cast %swap3A_1417 : vector<16xi32> to vector<16xi32>
    %swap3A_1419 = vector.shape_cast %sub3A_1415 : vector<16xi32> to vector<16xi32>
    tpu.vector_store %arg8[%swap3A_1416], %swap3A_1419 {strides = array<i32>} : memref<128xi32, #tpu.memory_space<vmem>>, vector<16xi32>,
    %sub3A_1420 = arith.constant 32 : i32
    %sub3A_1421 = arith.subi %add3A_1403, %sub3A_1420 : i32
    %sub3A_1422 = vector.broadcast %sub3A_1421 : i32 to vector<16xi32>
    %sub3A_1423 = arith.subi %sub3A_1422, %iota3A : vector<16xi32>
    %swap3A_1424 = arith.constant 32 : index
    %swap3A_1425 = tpu.vector_load %arg8[%swap3A_1424] {strides = array<i32>} : memref<128xi32, #tpu.memory_space<vmem>>, vector<16xi32>,
    %swap3A_1426 = vector.shape_cast %swap3A_1425 : vector<16xi32> to vector<16xi32>
    %swap3A_1427 = vector.shape_cast %sub3A_1423 : vector<16xi32> to vector<16xi32>
    tpu.vector_store %arg8[%swap3A_1424], %swap3A_1427 {strides = array<i32>} : memref<128xi32, #tpu.memory_space<vmem>>, vector<16xi32>,
    %sub3A_1428 = arith.constant 48 : i32
    %sub3A_1429 = arith.subi %add3A_1403, %sub3A_1428 : i32
    %sub3A_1430 = vector.broadcast %sub3A_1429 : i32 to vector<16xi32>
    %sub3A_1431 = arith.subi %sub3A_1430, %iota3A : vector<16xi32>
    %swap3A_1432 = arith.constant 48 : index
    %swap3A_1433 = tpu.vector_load %arg8[%swap3A_1432] {strides = array<i32>} : memref<128xi32, #tpu.memory_space<vmem>>, vector<16xi32>,
    %swap3A_1434 = vector.shape_cast %swap3A_1433 : vector<16xi32> to vector<16xi32>
    %swap3A_1435 = vector.shape_cast %sub3A_1431 : vector<16xi32> to vector<16xi32>
    tpu.vector_store %arg8[%swap3A_1432], %swap3A_1435 {strides = array<i32>} : memref<128xi32, #tpu.memory_space<vmem>>, vector<16xi32>,
    %sub3A_1436 = arith.constant 64 : i32
    %sub3A_1437 = arith.subi %add3A_1403, %sub3A_1436 : i32
    %sub3A_1438 = vector.broadcast %sub3A_1437 : i32 to vector<16xi32>
    %sub3A_1439 = arith.subi %sub3A_1438, %iota3A : vector<16xi32>
    %swap3A_1440 = arith.constant 64 : index
    %swap3A_1441 = tpu.vector_load %arg8[%swap3A_1440] {strides = array<i32>} : memref<128xi32, #tpu.memory_space<vmem>>, vector<16xi32>,
    %swap3A_1442 = vector.shape_cast %swap3A_1441 : vector<16xi32> to vector<16xi32>
    %swap3A_1443 = vector.shape_cast %sub3A_1439 : vector<16xi32> to vector<16xi32>
    tpu.vector_store %arg8[%swap3A_1440], %swap3A_1443 {strides = array<i32>} : memref<128xi32, #tpu.memory_space<vmem>>, vector<16xi32>,
    %sub3A_1444 = arith.constant 80 : i32
    %sub3A_1445 = arith.subi %add3A_1403, %sub3A_1444 : i32
    %sub3A_1446 = vector.broadcast %sub3A_1445 : i32 to vector<16xi32>
    %sub3A_1447 = arith.subi %sub3A_1446, %iota3A : vector<16xi32>
    %swap3A_1448 = arith.constant 80 : index
    %swap3A_1449 = tpu.vector_load %arg8[%swap3A_1448] {strides = array<i32>} : memref<128xi32, #tpu.memory_space<vmem>>, vector<16xi32>,
    %swap3A_1450 = vector.shape_cast %swap3A_1449 : vector<16xi32> to vector<16xi32>
    %swap3A_1451 = vector.shape_cast %sub3A_1447 : vector<16xi32> to vector<16xi32>
    tpu.vector_store %arg8[%swap3A_1448], %swap3A_1451 {strides = array<i32>} : memref<128xi32, #tpu.memory_space<vmem>>, vector<16xi32>,
    %sub3A_1452 = arith.constant 96 : i32
    %sub3A_1453 = arith.subi %add3A_1403, %sub3A_1452 : i32
    %sub3A_1454 = vector.broadcast %sub3A_1453 : i32 to vector<16xi32>
    %sub3A_1455 = arith.subi %sub3A_1454, %iota3A : vector<16xi32>
    %swap3A_1456 = arith.constant 96 : index
    %swap3A_1457 = tpu.vector_load %arg8[%swap3A_1456] {strides = array<i32>} : memref<128xi32, #tpu.memory_space<vmem>>, vector<16xi32>,
    %swap3A_1458 = vector.shape_cast %swap3A_1457 : vector<16xi32> to vector<16xi32>
    %swap3A_1459 = vector.shape_cast %sub3A_1455 : vector<16xi32> to vector<16xi32>
    tpu.vector_store %arg8[%swap3A_1456], %swap3A_1459 {strides = array<i32>} : memref<128xi32, #tpu.memory_space<vmem>>, vector<16xi32>,
    %sub3A_1460 = arith.constant 112 : i32
    %sub3A_1461 = arith.subi %add3A_1403, %sub3A_1460 : i32
    %sub3A_1462 = vector.broadcast %sub3A_1461 : i32 to vector<16xi32>
    %sub3A_1463 = arith.subi %sub3A_1462, %iota3A : vector<16xi32>
    %swap3A_1464 = arith.constant 112 : index
    %swap3A_1465 = tpu.vector_load %arg8[%swap3A_1464] {strides = array<i32>} : memref<128xi32, #tpu.memory_space<vmem>>, vector<16xi32>,
    %swap3A_1466 = vector.shape_cast %swap3A_1465 : vector<16xi32> to vector<16xi32>
    %swap3A_1467 = vector.shape_cast %sub3A_1463 : vector<16xi32> to vector<16xi32>
    tpu.vector_store %arg8[%swap3A_1464], %swap3A_1467 {strides = array<i32>} : memref<128xi32, #tpu.memory_space<vmem>>, vector<16xi32>,
    %dma_start3A_1468 = arith.constant 0 : i32
    %dma_start3A_1469 = arith.constant 0 : i32
    %dma_start3A_1470 = tpu.memref_slice %arg2[%dma_start3A_1468, %dma_start3A_1469] : memref<131072x128xf32, #tpu.memory_space<hbm>> -> memref<131072x128xf32, #tpu.memory_space<hbm>>
    tpu.enqueue_indirect_dma source(%dma_start3A_1470 : memref<131072x128xf32, #tpu.memory_space<hbm>>) target(%arg14 : memref<128x128xf32, #tpu.memory_space<vmem>>) offsets(%arg8 : memref<128xi32, #tpu.memory_space<vmem>>) semaphore(%arg20 : memref<!tpu.dma_semaphore, #tpu.memory_space<semaphore_mem>>)
    %dma_wait3A_1471 = arith.constant 0 : i32
    %dma_wait3A_1472 = arith.constant 0 : i32
    %dma_wait3A_1473 = tpu.memref_slice %arg2[%dma_wait3A_1471, %dma_wait3A_1472] : memref<131072x128xf32, #tpu.memory_space<hbm>> -> memref<131072x128xf32, #tpu.memory_space<hbm>>
    tpu.wait_indirect_dma semaphore(%arg17 : memref<!tpu.dma_semaphore, #tpu.memory_space<semaphore_mem>>) src(%dma_wait3A_1473 : memref<131072x128xf32, #tpu.memory_space<hbm>>) dst(%arg11 : memref<128x128xf32, #tpu.memory_space<vmem>>)
    %add3A_1474 = arith.constant 13 : i32
    %add3A_1475 = arith.addi %mul3A_2, %add3A_1474 : i32
    %mul3A_1476 = arith.constant 128 : i32
    %mul3A_1477 = arith.muli %add3A_1475, %mul3A_1476 : i32
    %dma_start3A_1478 = arith.constant 0 : i32
    %dma_start3A_1479 = tpu.memref_slice %arg3[%mul3A_1477, %dma_start3A_1478] : memref<131072x128xf32, #tpu.memory_space<hbm>> -> memref<128x128xf32, #tpu.memory_space<hbm>>
    %dma_start3A_1480 = arith.constant 0 : i32
    %dma_start3A_1481 = tpu.memref_slice %arg3[%mul3A_1477, %dma_start3A_1480] : memref<131072x128xf32, #tpu.memory_space<hbm>> -> memref<128x128xf32, #tpu.memory_space<hbm>>
    tpu.enqueue_dma source(%arg11 : memref<128x128xf32, #tpu.memory_space<vmem>>) target(%dma_start3A_1481 : memref<128x128xf32, #tpu.memory_space<hbm>>) target_semaphore(%arg23 : memref<!tpu.dma_semaphore, #tpu.memory_space<semaphore_mem>>)
    %add3A_1482 = arith.constant 11 : i32
    %add3A_1483 = arith.addi %mul3A_2, %add3A_1482 : i32
    %mul3A_1484 = arith.constant 128 : i32
    %mul3A_1485 = arith.muli %add3A_1483, %mul3A_1484 : i32
    %dma_wait3A_1486 = arith.constant 0 : i32
    %dma_wait3A_1487 = tpu.memref_slice %arg3[%mul3A_1485, %dma_wait3A_1486] : memref<131072x128xf32, #tpu.memory_space<hbm>> -> memref<128x128xf32, #tpu.memory_space<hbm>>
    %dma_wait3A_1488 = arith.constant 0 : i32
    %dma_wait3A_1489 = tpu.memref_slice %arg3[%mul3A_1485, %dma_wait3A_1488] : memref<131072x128xf32, #tpu.memory_space<hbm>> -> memref<128x128xf32, #tpu.memory_space<hbm>>
    tpu.wait_dma2 semaphore(%arg27 : memref<!tpu.dma_semaphore, #tpu.memory_space<semaphore_mem>>) src(%arg15 : memref<128x128xf32, #tpu.memory_space<vmem>>) dst(%dma_wait3A_1489 : memref<128x128xf32, #tpu.memory_space<hbm>>)
    %add3A_1490 = arith.constant 17 : i32
    %add3A_1491 = arith.addi %mul3A_2, %add3A_1490 : i32
    %mul3A_1492 = arith.constant 128 : i32
    %mul3A_1493 = arith.muli %add3A_1491, %mul3A_1492 : i32
    %add3A_1494 = arith.constant 127 : i32
    %add3A_1495 = arith.addi %mul3A_1493, %add3A_1494 : i32
    %sub3A_1496 = arith.constant 0 : i32
    %sub3A_1497 = arith.subi %add3A_1495, %sub3A_1496 : i32
    %sub3A_1498 = vector.broadcast %sub3A_1497 : i32 to vector<16xi32>
    %sub3A_1499 = arith.subi %sub3A_1498, %iota3A : vector<16xi32>
    %swap3A_1500 = arith.constant 0 : index
    %swap3A_1501 = tpu.vector_load %arg9[%swap3A_1500] {strides = array<i32>} : memref<128xi32, #tpu.memory_space<vmem>>, vector<16xi32>,
    %swap3A_1502 = vector.shape_cast %swap3A_1501 : vector<16xi32> to vector<16xi32>
    %swap3A_1503 = vector.shape_cast %sub3A_1499 : vector<16xi32> to vector<16xi32>
    tpu.vector_store %arg9[%swap3A_1500], %swap3A_1503 {strides = array<i32>} : memref<128xi32, #tpu.memory_space<vmem>>, vector<16xi32>,
    %sub3A_1504 = arith.constant 16 : i32
    %sub3A_1505 = arith.subi %add3A_1495, %sub3A_1504 : i32
    %sub3A_1506 = vector.broadcast %sub3A_1505 : i32 to vector<16xi32>
    %sub3A_1507 = arith.subi %sub3A_1506, %iota3A : vector<16xi32>
    %swap3A_1508 = arith.constant 16 : index
    %swap3A_1509 = tpu.vector_load %arg9[%swap3A_1508] {strides = array<i32>} : memref<128xi32, #tpu.memory_space<vmem>>, vector<16xi32>,
    %swap3A_1510 = vector.shape_cast %swap3A_1509 : vector<16xi32> to vector<16xi32>
    %swap3A_1511 = vector.shape_cast %sub3A_1507 : vector<16xi32> to vector<16xi32>
    tpu.vector_store %arg9[%swap3A_1508], %swap3A_1511 {strides = array<i32>} : memref<128xi32, #tpu.memory_space<vmem>>, vector<16xi32>,
    %sub3A_1512 = arith.constant 32 : i32
    %sub3A_1513 = arith.subi %add3A_1495, %sub3A_1512 : i32
    %sub3A_1514 = vector.broadcast %sub3A_1513 : i32 to vector<16xi32>
    %sub3A_1515 = arith.subi %sub3A_1514, %iota3A : vector<16xi32>
    %swap3A_1516 = arith.constant 32 : index
    %swap3A_1517 = tpu.vector_load %arg9[%swap3A_1516] {strides = array<i32>} : memref<128xi32, #tpu.memory_space<vmem>>, vector<16xi32>,
    %swap3A_1518 = vector.shape_cast %swap3A_1517 : vector<16xi32> to vector<16xi32>
    %swap3A_1519 = vector.shape_cast %sub3A_1515 : vector<16xi32> to vector<16xi32>
    tpu.vector_store %arg9[%swap3A_1516], %swap3A_1519 {strides = array<i32>} : memref<128xi32, #tpu.memory_space<vmem>>, vector<16xi32>,
    %sub3A_1520 = arith.constant 48 : i32
    %sub3A_1521 = arith.subi %add3A_1495, %sub3A_1520 : i32
    %sub3A_1522 = vector.broadcast %sub3A_1521 : i32 to vector<16xi32>
    %sub3A_1523 = arith.subi %sub3A_1522, %iota3A : vector<16xi32>
    %swap3A_1524 = arith.constant 48 : index
    %swap3A_1525 = tpu.vector_load %arg9[%swap3A_1524] {strides = array<i32>} : memref<128xi32, #tpu.memory_space<vmem>>, vector<16xi32>,
    %swap3A_1526 = vector.shape_cast %swap3A_1525 : vector<16xi32> to vector<16xi32>
    %swap3A_1527 = vector.shape_cast %sub3A_1523 : vector<16xi32> to vector<16xi32>
    tpu.vector_store %arg9[%swap3A_1524], %swap3A_1527 {strides = array<i32>} : memref<128xi32, #tpu.memory_space<vmem>>, vector<16xi32>,
    %sub3A_1528 = arith.constant 64 : i32
    %sub3A_1529 = arith.subi %add3A_1495, %sub3A_1528 : i32
    %sub3A_1530 = vector.broadcast %sub3A_1529 : i32 to vector<16xi32>
    %sub3A_1531 = arith.subi %sub3A_1530, %iota3A : vector<16xi32>
    %swap3A_1532 = arith.constant 64 : index
    %swap3A_1533 = tpu.vector_load %arg9[%swap3A_1532] {strides = array<i32>} : memref<128xi32, #tpu.memory_space<vmem>>, vector<16xi32>,
    %swap3A_1534 = vector.shape_cast %swap3A_1533 : vector<16xi32> to vector<16xi32>
    %swap3A_1535 = vector.shape_cast %sub3A_1531 : vector<16xi32> to vector<16xi32>
    tpu.vector_store %arg9[%swap3A_1532], %swap3A_1535 {strides = array<i32>} : memref<128xi32, #tpu.memory_space<vmem>>, vector<16xi32>,
    %sub3A_1536 = arith.constant 80 : i32
    %sub3A_1537 = arith.subi %add3A_1495, %sub3A_1536 : i32
    %sub3A_1538 = vector.broadcast %sub3A_1537 : i32 to vector<16xi32>
    %sub3A_1539 = arith.subi %sub3A_1538, %iota3A : vector<16xi32>
    %swap3A_1540 = arith.constant 80 : index
    %swap3A_1541 = tpu.vector_load %arg9[%swap3A_1540] {strides = array<i32>} : memref<128xi32, #tpu.memory_space<vmem>>, vector<16xi32>,
    %swap3A_1542 = vector.shape_cast %swap3A_1541 : vector<16xi32> to vector<16xi32>
    %swap3A_1543 = vector.shape_cast %sub3A_1539 : vector<16xi32> to vector<16xi32>
    tpu.vector_store %arg9[%swap3A_1540], %swap3A_1543 {strides = array<i32>} : memref<128xi32, #tpu.memory_space<vmem>>, vector<16xi32>,
    %sub3A_1544 = arith.constant 96 : i32
    %sub3A_1545 = arith.subi %add3A_1495, %sub3A_1544 : i32
    %sub3A_1546 = vector.broadcast %sub3A_1545 : i32 to vector<16xi32>
    %sub3A_1547 = arith.subi %sub3A_1546, %iota3A : vector<16xi32>
    %swap3A_1548 = arith.constant 96 : index
    %swap3A_1549 = tpu.vector_load %arg9[%swap3A_1548] {strides = array<i32>} : memref<128xi32, #tpu.memory_space<vmem>>, vector<16xi32>,
    %swap3A_1550 = vector.shape_cast %swap3A_1549 : vector<16xi32> to vector<16xi32>
    %swap3A_1551 = vector.shape_cast %sub3A_1547 : vector<16xi32> to vector<16xi32>
    tpu.vector_store %arg9[%swap3A_1548], %swap3A_1551 {strides = array<i32>} : memref<128xi32, #tpu.memory_space<vmem>>, vector<16xi32>,
    %sub3A_1552 = arith.constant 112 : i32
    %sub3A_1553 = arith.subi %add3A_1495, %sub3A_1552 : i32
    %sub3A_1554 = vector.broadcast %sub3A_1553 : i32 to vector<16xi32>
    %sub3A_1555 = arith.subi %sub3A_1554, %iota3A : vector<16xi32>
    %swap3A_1556 = arith.constant 112 : index
    %swap3A_1557 = tpu.vector_load %arg9[%swap3A_1556] {strides = array<i32>} : memref<128xi32, #tpu.memory_space<vmem>>, vector<16xi32>,
    %swap3A_1558 = vector.shape_cast %swap3A_1557 : vector<16xi32> to vector<16xi32>
    %swap3A_1559 = vector.shape_cast %sub3A_1555 : vector<16xi32> to vector<16xi32>
    tpu.vector_store %arg9[%swap3A_1556], %swap3A_1559 {strides = array<i32>} : memref<128xi32, #tpu.memory_space<vmem>>, vector<16xi32>,
    %dma_start3A_1560 = arith.constant 0 : i32
    %dma_start3A_1561 = arith.constant 0 : i32
    %dma_start3A_1562 = tpu.memref_slice %arg2[%dma_start3A_1560, %dma_start3A_1561] : memref<131072x128xf32, #tpu.memory_space<hbm>> -> memref<131072x128xf32, #tpu.memory_space<hbm>>
    tpu.enqueue_indirect_dma source(%dma_start3A_1562 : memref<131072x128xf32, #tpu.memory_space<hbm>>) target(%arg15 : memref<128x128xf32, #tpu.memory_space<vmem>>) offsets(%arg9 : memref<128xi32, #tpu.memory_space<vmem>>) semaphore(%arg21 : memref<!tpu.dma_semaphore, #tpu.memory_space<semaphore_mem>>)
    %dma_wait3A_1563 = arith.constant 0 : i32
    %dma_wait3A_1564 = arith.constant 0 : i32
    %dma_wait3A_1565 = tpu.memref_slice %arg2[%dma_wait3A_1563, %dma_wait3A_1564] : memref<131072x128xf32, #tpu.memory_space<hbm>> -> memref<131072x128xf32, #tpu.memory_space<hbm>>
    tpu.wait_indirect_dma semaphore(%arg18 : memref<!tpu.dma_semaphore, #tpu.memory_space<semaphore_mem>>) src(%dma_wait3A_1565 : memref<131072x128xf32, #tpu.memory_space<hbm>>) dst(%arg12 : memref<128x128xf32, #tpu.memory_space<vmem>>)
    %add3A_1566 = arith.constant 14 : i32
    %add3A_1567 = arith.addi %mul3A_2, %add3A_1566 : i32
    %mul3A_1568 = arith.constant 128 : i32
    %mul3A_1569 = arith.muli %add3A_1567, %mul3A_1568 : i32
    %dma_start3A_1570 = arith.constant 0 : i32
    %dma_start3A_1571 = tpu.memref_slice %arg3[%mul3A_1569, %dma_start3A_1570] : memref<131072x128xf32, #tpu.memory_space<hbm>> -> memref<128x128xf32, #tpu.memory_space<hbm>>
    %dma_start3A_1572 = arith.constant 0 : i32
    %dma_start3A_1573 = tpu.memref_slice %arg3[%mul3A_1569, %dma_start3A_1572] : memref<131072x128xf32, #tpu.memory_space<hbm>> -> memref<128x128xf32, #tpu.memory_space<hbm>>
    tpu.enqueue_dma source(%arg12 : memref<128x128xf32, #tpu.memory_space<vmem>>) target(%dma_start3A_1573 : memref<128x128xf32, #tpu.memory_space<hbm>>) target_semaphore(%arg24 : memref<!tpu.dma_semaphore, #tpu.memory_space<semaphore_mem>>)
    %add3A_1574 = arith.constant 12 : i32
    %add3A_1575 = arith.addi %mul3A_2, %add3A_1574 : i32
    %mul3A_1576 = arith.constant 128 : i32
    %mul3A_1577 = arith.muli %add3A_1575, %mul3A_1576 : i32
    %dma_wait3A_1578 = arith.constant 0 : i32
    %dma_wait3A_1579 = tpu.memref_slice %arg3[%mul3A_1577, %dma_wait3A_1578] : memref<131072x128xf32, #tpu.memory_space<hbm>> -> memref<128x128xf32, #tpu.memory_space<hbm>>
    %dma_wait3A_1580 = arith.constant 0 : i32
    %dma_wait3A_1581 = tpu.memref_slice %arg3[%mul3A_1577, %dma_wait3A_1580] : memref<131072x128xf32, #tpu.memory_space<hbm>> -> memref<128x128xf32, #tpu.memory_space<hbm>>
    tpu.wait_dma2 semaphore(%arg22 : memref<!tpu.dma_semaphore, #tpu.memory_space<semaphore_mem>>) src(%arg10 : memref<128x128xf32, #tpu.memory_space<vmem>>) dst(%dma_wait3A_1581 : memref<128x128xf32, #tpu.memory_space<hbm>>)
    %add3A_1582 = arith.constant 18 : i32
    %add3A_1583 = arith.addi %mul3A_2, %add3A_1582 : i32
    %mul3A_1584 = arith.constant 128 : i32
    %mul3A_1585 = arith.muli %add3A_1583, %mul3A_1584 : i32
    %add3A_1586 = arith.constant 127 : i32
    %add3A_1587 = arith.addi %mul3A_1585, %add3A_1586 : i32
    %sub3A_1588 = arith.constant 0 : i32
    %sub3A_1589 = arith.subi %add3A_1587, %sub3A_1588 : i32
    %sub3A_1590 = vector.broadcast %sub3A_1589 : i32 to vector<16xi32>
    %sub3A_1591 = arith.subi %sub3A_1590, %iota3A : vector<16xi32>
    %swap3A_1592 = arith.constant 0 : index
    %swap3A_1593 = tpu.vector_load %arg4[%swap3A_1592] {strides = array<i32>} : memref<128xi32, #tpu.memory_space<vmem>>, vector<16xi32>,
    %swap3A_1594 = vector.shape_cast %swap3A_1593 : vector<16xi32> to vector<16xi32>
    %swap3A_1595 = vector.shape_cast %sub3A_1591 : vector<16xi32> to vector<16xi32>
    tpu.vector_store %arg4[%swap3A_1592], %swap3A_1595 {strides = array<i32>} : memref<128xi32, #tpu.memory_space<vmem>>, vector<16xi32>,
    %sub3A_1596 = arith.constant 16 : i32
    %sub3A_1597 = arith.subi %add3A_1587, %sub3A_1596 : i32
    %sub3A_1598 = vector.broadcast %sub3A_1597 : i32 to vector<16xi32>
    %sub3A_1599 = arith.subi %sub3A_1598, %iota3A : vector<16xi32>
    %swap3A_1600 = arith.constant 16 : index
    %swap3A_1601 = tpu.vector_load %arg4[%swap3A_1600] {strides = array<i32>} : memref<128xi32, #tpu.memory_space<vmem>>, vector<16xi32>,
    %swap3A_1602 = vector.shape_cast %swap3A_1601 : vector<16xi32> to vector<16xi32>
    %swap3A_1603 = vector.shape_cast %sub3A_1599 : vector<16xi32> to vector<16xi32>
    tpu.vector_store %arg4[%swap3A_1600], %swap3A_1603 {strides = array<i32>} : memref<128xi32, #tpu.memory_space<vmem>>, vector<16xi32>,
    %sub3A_1604 = arith.constant 32 : i32
    %sub3A_1605 = arith.subi %add3A_1587, %sub3A_1604 : i32
    %sub3A_1606 = vector.broadcast %sub3A_1605 : i32 to vector<16xi32>
    %sub3A_1607 = arith.subi %sub3A_1606, %iota3A : vector<16xi32>
    %swap3A_1608 = arith.constant 32 : index
    %swap3A_1609 = tpu.vector_load %arg4[%swap3A_1608] {strides = array<i32>} : memref<128xi32, #tpu.memory_space<vmem>>, vector<16xi32>,
    %swap3A_1610 = vector.shape_cast %swap3A_1609 : vector<16xi32> to vector<16xi32>
    %swap3A_1611 = vector.shape_cast %sub3A_1607 : vector<16xi32> to vector<16xi32>
    tpu.vector_store %arg4[%swap3A_1608], %swap3A_1611 {strides = array<i32>} : memref<128xi32, #tpu.memory_space<vmem>>, vector<16xi32>,
    %sub3A_1612 = arith.constant 48 : i32
    %sub3A_1613 = arith.subi %add3A_1587, %sub3A_1612 : i32
    %sub3A_1614 = vector.broadcast %sub3A_1613 : i32 to vector<16xi32>
    %sub3A_1615 = arith.subi %sub3A_1614, %iota3A : vector<16xi32>
    %swap3A_1616 = arith.constant 48 : index
    %swap3A_1617 = tpu.vector_load %arg4[%swap3A_1616] {strides = array<i32>} : memref<128xi32, #tpu.memory_space<vmem>>, vector<16xi32>,
    %swap3A_1618 = vector.shape_cast %swap3A_1617 : vector<16xi32> to vector<16xi32>
    %swap3A_1619 = vector.shape_cast %sub3A_1615 : vector<16xi32> to vector<16xi32>
    tpu.vector_store %arg4[%swap3A_1616], %swap3A_1619 {strides = array<i32>} : memref<128xi32, #tpu.memory_space<vmem>>, vector<16xi32>,
    %sub3A_1620 = arith.constant 64 : i32
    %sub3A_1621 = arith.subi %add3A_1587, %sub3A_1620 : i32
    %sub3A_1622 = vector.broadcast %sub3A_1621 : i32 to vector<16xi32>
    %sub3A_1623 = arith.subi %sub3A_1622, %iota3A : vector<16xi32>
    %swap3A_1624 = arith.constant 64 : index
    %swap3A_1625 = tpu.vector_load %arg4[%swap3A_1624] {strides = array<i32>} : memref<128xi32, #tpu.memory_space<vmem>>, vector<16xi32>,
    %swap3A_1626 = vector.shape_cast %swap3A_1625 : vector<16xi32> to vector<16xi32>
    %swap3A_1627 = vector.shape_cast %sub3A_1623 : vector<16xi32> to vector<16xi32>
    tpu.vector_store %arg4[%swap3A_1624], %swap3A_1627 {strides = array<i32>} : memref<128xi32, #tpu.memory_space<vmem>>, vector<16xi32>,
    %sub3A_1628 = arith.constant 80 : i32
    %sub3A_1629 = arith.subi %add3A_1587, %sub3A_1628 : i32
    %sub3A_1630 = vector.broadcast %sub3A_1629 : i32 to vector<16xi32>
    %sub3A_1631 = arith.subi %sub3A_1630, %iota3A : vector<16xi32>
    %swap3A_1632 = arith.constant 80 : index
    %swap3A_1633 = tpu.vector_load %arg4[%swap3A_1632] {strides = array<i32>} : memref<128xi32, #tpu.memory_space<vmem>>, vector<16xi32>,
    %swap3A_1634 = vector.shape_cast %swap3A_1633 : vector<16xi32> to vector<16xi32>
    %swap3A_1635 = vector.shape_cast %sub3A_1631 : vector<16xi32> to vector<16xi32>
    tpu.vector_store %arg4[%swap3A_1632], %swap3A_1635 {strides = array<i32>} : memref<128xi32, #tpu.memory_space<vmem>>, vector<16xi32>,
    %sub3A_1636 = arith.constant 96 : i32
    %sub3A_1637 = arith.subi %add3A_1587, %sub3A_1636 : i32
    %sub3A_1638 = vector.broadcast %sub3A_1637 : i32 to vector<16xi32>
    %sub3A_1639 = arith.subi %sub3A_1638, %iota3A : vector<16xi32>
    %swap3A_1640 = arith.constant 96 : index
    %swap3A_1641 = tpu.vector_load %arg4[%swap3A_1640] {strides = array<i32>} : memref<128xi32, #tpu.memory_space<vmem>>, vector<16xi32>,
    %swap3A_1642 = vector.shape_cast %swap3A_1641 : vector<16xi32> to vector<16xi32>
    %swap3A_1643 = vector.shape_cast %sub3A_1639 : vector<16xi32> to vector<16xi32>
    tpu.vector_store %arg4[%swap3A_1640], %swap3A_1643 {strides = array<i32>} : memref<128xi32, #tpu.memory_space<vmem>>, vector<16xi32>,
    %sub3A_1644 = arith.constant 112 : i32
    %sub3A_1645 = arith.subi %add3A_1587, %sub3A_1644 : i32
    %sub3A_1646 = vector.broadcast %sub3A_1645 : i32 to vector<16xi32>
    %sub3A_1647 = arith.subi %sub3A_1646, %iota3A : vector<16xi32>
    %swap3A_1648 = arith.constant 112 : index
    %swap3A_1649 = tpu.vector_load %arg4[%swap3A_1648] {strides = array<i32>} : memref<128xi32, #tpu.memory_space<vmem>>, vector<16xi32>,
    %swap3A_1650 = vector.shape_cast %swap3A_1649 : vector<16xi32> to vector<16xi32>
    %swap3A_1651 = vector.shape_cast %sub3A_1647 : vector<16xi32> to vector<16xi32>
    tpu.vector_store %arg4[%swap3A_1648], %swap3A_1651 {strides = array<i32>} : memref<128xi32, #tpu.memory_space<vmem>>, vector<16xi32>,
    %dma_start3A_1652 = arith.constant 0 : i32
    %dma_start3A_1653 = arith.constant 0 : i32
    %dma_start3A_1654 = tpu.memref_slice %arg2[%dma_start3A_1652, %dma_start3A_1653] : memref<131072x128xf32, #tpu.memory_space<hbm>> -> memref<131072x128xf32, #tpu.memory_space<hbm>>
    tpu.enqueue_indirect_dma source(%dma_start3A_1654 : memref<131072x128xf32, #tpu.memory_space<hbm>>) target(%arg10 : memref<128x128xf32, #tpu.memory_space<vmem>>) offsets(%arg4 : memref<128xi32, #tpu.memory_space<vmem>>) semaphore(%arg16 : memref<!tpu.dma_semaphore, #tpu.memory_space<semaphore_mem>>)
    %dma_wait3A_1655 = arith.constant 0 : i32
    %dma_wait3A_1656 = arith.constant 0 : i32
    %dma_wait3A_1657 = tpu.memref_slice %arg2[%dma_wait3A_1655, %dma_wait3A_1656] : memref<131072x128xf32, #tpu.memory_space<hbm>> -> memref<131072x128xf32, #tpu.memory_space<hbm>>
    tpu.wait_indirect_dma semaphore(%arg19 : memref<!tpu.dma_semaphore, #tpu.memory_space<semaphore_mem>>) src(%dma_wait3A_1657 : memref<131072x128xf32, #tpu.memory_space<hbm>>) dst(%arg13 : memref<128x128xf32, #tpu.memory_space<vmem>>)
    %add3A_1658 = arith.constant 15 : i32
    %add3A_1659 = arith.addi %mul3A_2, %add3A_1658 : i32
    %mul3A_1660 = arith.constant 128 : i32
    %mul3A_1661 = arith.muli %add3A_1659, %mul3A_1660 : i32
    %dma_start3A_1662 = arith.constant 0 : i32
    %dma_start3A_1663 = tpu.memref_slice %arg3[%mul3A_1661, %dma_start3A_1662] : memref<131072x128xf32, #tpu.memory_space<hbm>> -> memref<128x128xf32, #tpu.memory_space<hbm>>
    %dma_start3A_1664 = arith.constant 0 : i32
    %dma_start3A_1665 = tpu.memref_slice %arg3[%mul3A_1661, %dma_start3A_1664] : memref<131072x128xf32, #tpu.memory_space<hbm>> -> memref<128x128xf32, #tpu.memory_space<hbm>>
    tpu.enqueue_dma source(%arg13 : memref<128x128xf32, #tpu.memory_space<vmem>>) target(%dma_start3A_1665 : memref<128x128xf32, #tpu.memory_space<hbm>>) target_semaphore(%arg25 : memref<!tpu.dma_semaphore, #tpu.memory_space<semaphore_mem>>)
    %add3A_1666 = arith.constant 13 : i32
    %add3A_1667 = arith.addi %mul3A_2, %add3A_1666 : i32
    %mul3A_1668 = arith.constant 128 : i32
    %mul3A_1669 = arith.muli %add3A_1667, %mul3A_1668 : i32
    %dma_wait3A_1670 = arith.constant 0 : i32
    %dma_wait3A_1671 = tpu.memref_slice %arg3[%mul3A_1669, %dma_wait3A_1670] : memref<131072x128xf32, #tpu.memory_space<hbm>> -> memref<128x128xf32, #tpu.memory_space<hbm>>
    %dma_wait3A_1672 = arith.constant 0 : i32
    %dma_wait3A_1673 = tpu.memref_slice %arg3[%mul3A_1669, %dma_wait3A_1672] : memref<131072x128xf32, #tpu.memory_space<hbm>> -> memref<128x128xf32, #tpu.memory_space<hbm>>
    tpu.wait_dma2 semaphore(%arg23 : memref<!tpu.dma_semaphore, #tpu.memory_space<semaphore_mem>>) src(%arg11 : memref<128x128xf32, #tpu.memory_space<vmem>>) dst(%dma_wait3A_1673 : memref<128x128xf32, #tpu.memory_space<hbm>>)
    %add3A_1674 = arith.constant 19 : i32
    %add3A_1675 = arith.addi %mul3A_2, %add3A_1674 : i32
    %mul3A_1676 = arith.constant 128 : i32
    %mul3A_1677 = arith.muli %add3A_1675, %mul3A_1676 : i32
    %add3A_1678 = arith.constant 127 : i32
    %add3A_1679 = arith.addi %mul3A_1677, %add3A_1678 : i32
    %sub3A_1680 = arith.constant 0 : i32
    %sub3A_1681 = arith.subi %add3A_1679, %sub3A_1680 : i32
    %sub3A_1682 = vector.broadcast %sub3A_1681 : i32 to vector<16xi32>
    %sub3A_1683 = arith.subi %sub3A_1682, %iota3A : vector<16xi32>
    %swap3A_1684 = arith.constant 0 : index
    %swap3A_1685 = tpu.vector_load %arg5[%swap3A_1684] {strides = array<i32>} : memref<128xi32, #tpu.memory_space<vmem>>, vector<16xi32>,
    %swap3A_1686 = vector.shape_cast %swap3A_1685 : vector<16xi32> to vector<16xi32>
    %swap3A_1687 = vector.shape_cast %sub3A_1683 : vector<16xi32> to vector<16xi32>
    tpu.vector_store %arg5[%swap3A_1684], %swap3A_1687 {strides = array<i32>} : memref<128xi32, #tpu.memory_space<vmem>>, vector<16xi32>,
    %sub3A_1688 = arith.constant 16 : i32
    %sub3A_1689 = arith.subi %add3A_1679, %sub3A_1688 : i32
    %sub3A_1690 = vector.broadcast %sub3A_1689 : i32 to vector<16xi32>
    %sub3A_1691 = arith.subi %sub3A_1690, %iota3A : vector<16xi32>
    %swap3A_1692 = arith.constant 16 : index
    %swap3A_1693 = tpu.vector_load %arg5[%swap3A_1692] {strides = array<i32>} : memref<128xi32, #tpu.memory_space<vmem>>, vector<16xi32>,
    %swap3A_1694 = vector.shape_cast %swap3A_1693 : vector<16xi32> to vector<16xi32>
    %swap3A_1695 = vector.shape_cast %sub3A_1691 : vector<16xi32> to vector<16xi32>
    tpu.vector_store %arg5[%swap3A_1692], %swap3A_1695 {strides = array<i32>} : memref<128xi32, #tpu.memory_space<vmem>>, vector<16xi32>,
    %sub3A_1696 = arith.constant 32 : i32
    %sub3A_1697 = arith.subi %add3A_1679, %sub3A_1696 : i32
    %sub3A_1698 = vector.broadcast %sub3A_1697 : i32 to vector<16xi32>
    %sub3A_1699 = arith.subi %sub3A_1698, %iota3A : vector<16xi32>
    %swap3A_1700 = arith.constant 32 : index
    %swap3A_1701 = tpu.vector_load %arg5[%swap3A_1700] {strides = array<i32>} : memref<128xi32, #tpu.memory_space<vmem>>, vector<16xi32>,
    %swap3A_1702 = vector.shape_cast %swap3A_1701 : vector<16xi32> to vector<16xi32>
    %swap3A_1703 = vector.shape_cast %sub3A_1699 : vector<16xi32> to vector<16xi32>
    tpu.vector_store %arg5[%swap3A_1700], %swap3A_1703 {strides = array<i32>} : memref<128xi32, #tpu.memory_space<vmem>>, vector<16xi32>,
    %sub3A_1704 = arith.constant 48 : i32
    %sub3A_1705 = arith.subi %add3A_1679, %sub3A_1704 : i32
    %sub3A_1706 = vector.broadcast %sub3A_1705 : i32 to vector<16xi32>
    %sub3A_1707 = arith.subi %sub3A_1706, %iota3A : vector<16xi32>
    %swap3A_1708 = arith.constant 48 : index
    %swap3A_1709 = tpu.vector_load %arg5[%swap3A_1708] {strides = array<i32>} : memref<128xi32, #tpu.memory_space<vmem>>, vector<16xi32>,
    %swap3A_1710 = vector.shape_cast %swap3A_1709 : vector<16xi32> to vector<16xi32>
    %swap3A_1711 = vector.shape_cast %sub3A_1707 : vector<16xi32> to vector<16xi32>
    tpu.vector_store %arg5[%swap3A_1708], %swap3A_1711 {strides = array<i32>} : memref<128xi32, #tpu.memory_space<vmem>>, vector<16xi32>,
    %sub3A_1712 = arith.constant 64 : i32
    %sub3A_1713 = arith.subi %add3A_1679, %sub3A_1712 : i32
    %sub3A_1714 = vector.broadcast %sub3A_1713 : i32 to vector<16xi32>
    %sub3A_1715 = arith.subi %sub3A_1714, %iota3A : vector<16xi32>
    %swap3A_1716 = arith.constant 64 : index
    %swap3A_1717 = tpu.vector_load %arg5[%swap3A_1716] {strides = array<i32>} : memref<128xi32, #tpu.memory_space<vmem>>, vector<16xi32>,
    %swap3A_1718 = vector.shape_cast %swap3A_1717 : vector<16xi32> to vector<16xi32>
    %swap3A_1719 = vector.shape_cast %sub3A_1715 : vector<16xi32> to vector<16xi32>
    tpu.vector_store %arg5[%swap3A_1716], %swap3A_1719 {strides = array<i32>} : memref<128xi32, #tpu.memory_space<vmem>>, vector<16xi32>,
    %sub3A_1720 = arith.constant 80 : i32
    %sub3A_1721 = arith.subi %add3A_1679, %sub3A_1720 : i32
    %sub3A_1722 = vector.broadcast %sub3A_1721 : i32 to vector<16xi32>
    %sub3A_1723 = arith.subi %sub3A_1722, %iota3A : vector<16xi32>
    %swap3A_1724 = arith.constant 80 : index
    %swap3A_1725 = tpu.vector_load %arg5[%swap3A_1724] {strides = array<i32>} : memref<128xi32, #tpu.memory_space<vmem>>, vector<16xi32>,
    %swap3A_1726 = vector.shape_cast %swap3A_1725 : vector<16xi32> to vector<16xi32>
    %swap3A_1727 = vector.shape_cast %sub3A_1723 : vector<16xi32> to vector<16xi32>
    tpu.vector_store %arg5[%swap3A_1724], %swap3A_1727 {strides = array<i32>} : memref<128xi32, #tpu.memory_space<vmem>>, vector<16xi32>,
    %sub3A_1728 = arith.constant 96 : i32
    %sub3A_1729 = arith.subi %add3A_1679, %sub3A_1728 : i32
    %sub3A_1730 = vector.broadcast %sub3A_1729 : i32 to vector<16xi32>
    %sub3A_1731 = arith.subi %sub3A_1730, %iota3A : vector<16xi32>
    %swap3A_1732 = arith.constant 96 : index
    %swap3A_1733 = tpu.vector_load %arg5[%swap3A_1732] {strides = array<i32>} : memref<128xi32, #tpu.memory_space<vmem>>, vector<16xi32>,
    %swap3A_1734 = vector.shape_cast %swap3A_1733 : vector<16xi32> to vector<16xi32>
    %swap3A_1735 = vector.shape_cast %sub3A_1731 : vector<16xi32> to vector<16xi32>
    tpu.vector_store %arg5[%swap3A_1732], %swap3A_1735 {strides = array<i32>} : memref<128xi32, #tpu.memory_space<vmem>>, vector<16xi32>,
    %sub3A_1736 = arith.constant 112 : i32
    %sub3A_1737 = arith.subi %add3A_1679, %sub3A_1736 : i32
    %sub3A_1738 = vector.broadcast %sub3A_1737 : i32 to vector<16xi32>
    %sub3A_1739 = arith.subi %sub3A_1738, %iota3A : vector<16xi32>
    %swap3A_1740 = arith.constant 112 : index
    %swap3A_1741 = tpu.vector_load %arg5[%swap3A_1740] {strides = array<i32>} : memref<128xi32, #tpu.memory_space<vmem>>, vector<16xi32>,
    %swap3A_1742 = vector.shape_cast %swap3A_1741 : vector<16xi32> to vector<16xi32>
    %swap3A_1743 = vector.shape_cast %sub3A_1739 : vector<16xi32> to vector<16xi32>
    tpu.vector_store %arg5[%swap3A_1740], %swap3A_1743 {strides = array<i32>} : memref<128xi32, #tpu.memory_space<vmem>>, vector<16xi32>,
    %dma_start3A_1744 = arith.constant 0 : i32
    %dma_start3A_1745 = arith.constant 0 : i32
    %dma_start3A_1746 = tpu.memref_slice %arg2[%dma_start3A_1744, %dma_start3A_1745] : memref<131072x128xf32, #tpu.memory_space<hbm>> -> memref<131072x128xf32, #tpu.memory_space<hbm>>
    tpu.enqueue_indirect_dma source(%dma_start3A_1746 : memref<131072x128xf32, #tpu.memory_space<hbm>>) target(%arg11 : memref<128x128xf32, #tpu.memory_space<vmem>>) offsets(%arg5 : memref<128xi32, #tpu.memory_space<vmem>>) semaphore(%arg17 : memref<!tpu.dma_semaphore, #tpu.memory_space<semaphore_mem>>)
    %dma_wait3A_1747 = arith.constant 0 : i32
    %dma_wait3A_1748 = arith.constant 0 : i32
    %dma_wait3A_1749 = tpu.memref_slice %arg2[%dma_wait3A_1747, %dma_wait3A_1748] : memref<131072x128xf32, #tpu.memory_space<hbm>> -> memref<131072x128xf32, #tpu.memory_space<hbm>>
    tpu.wait_indirect_dma semaphore(%arg20 : memref<!tpu.dma_semaphore, #tpu.memory_space<semaphore_mem>>) src(%dma_wait3A_1749 : memref<131072x128xf32, #tpu.memory_space<hbm>>) dst(%arg14 : memref<128x128xf32, #tpu.memory_space<vmem>>)
    %add3A_1750 = arith.constant 16 : i32
    %add3A_1751 = arith.addi %mul3A_2, %add3A_1750 : i32
    %mul3A_1752 = arith.constant 128 : i32
    %mul3A_1753 = arith.muli %add3A_1751, %mul3A_1752 : i32
    %dma_start3A_1754 = arith.constant 0 : i32
    %dma_start3A_1755 = tpu.memref_slice %arg3[%mul3A_1753, %dma_start3A_1754] : memref<131072x128xf32, #tpu.memory_space<hbm>> -> memref<128x128xf32, #tpu.memory_space<hbm>>
    %dma_start3A_1756 = arith.constant 0 : i32
    %dma_start3A_1757 = tpu.memref_slice %arg3[%mul3A_1753, %dma_start3A_1756] : memref<131072x128xf32, #tpu.memory_space<hbm>> -> memref<128x128xf32, #tpu.memory_space<hbm>>
    tpu.enqueue_dma source(%arg14 : memref<128x128xf32, #tpu.memory_space<vmem>>) target(%dma_start3A_1757 : memref<128x128xf32, #tpu.memory_space<hbm>>) target_semaphore(%arg26 : memref<!tpu.dma_semaphore, #tpu.memory_space<semaphore_mem>>)
    %add3A_1758 = arith.constant 14 : i32
    %add3A_1759 = arith.addi %mul3A_2, %add3A_1758 : i32
    %mul3A_1760 = arith.constant 128 : i32
    %mul3A_1761 = arith.muli %add3A_1759, %mul3A_1760 : i32
    %dma_wait3A_1762 = arith.constant 0 : i32
    %dma_wait3A_1763 = tpu.memref_slice %arg3[%mul3A_1761, %dma_wait3A_1762] : memref<131072x128xf32, #tpu.memory_space<hbm>> -> memref<128x128xf32, #tpu.memory_space<hbm>>
    %dma_wait3A_1764 = arith.constant 0 : i32
    %dma_wait3A_1765 = tpu.memref_slice %arg3[%mul3A_1761, %dma_wait3A_1764] : memref<131072x128xf32, #tpu.memory_space<hbm>> -> memref<128x128xf32, #tpu.memory_space<hbm>>
    tpu.wait_dma2 semaphore(%arg24 : memref<!tpu.dma_semaphore, #tpu.memory_space<semaphore_mem>>) src(%arg12 : memref<128x128xf32, #tpu.memory_space<vmem>>) dst(%dma_wait3A_1765 : memref<128x128xf32, #tpu.memory_space<hbm>>)
    %add3A_1766 = arith.constant 20 : i32
    %add3A_1767 = arith.addi %mul3A_2, %add3A_1766 : i32
    %mul3A_1768 = arith.constant 128 : i32
    %mul3A_1769 = arith.muli %add3A_1767, %mul3A_1768 : i32
    %add3A_1770 = arith.constant 127 : i32
    %add3A_1771 = arith.addi %mul3A_1769, %add3A_1770 : i32
    %sub3A_1772 = arith.constant 0 : i32
    %sub3A_1773 = arith.subi %add3A_1771, %sub3A_1772 : i32
    %sub3A_1774 = vector.broadcast %sub3A_1773 : i32 to vector<16xi32>
    %sub3A_1775 = arith.subi %sub3A_1774, %iota3A : vector<16xi32>
    %swap3A_1776 = arith.constant 0 : index
    %swap3A_1777 = tpu.vector_load %arg6[%swap3A_1776] {strides = array<i32>} : memref<128xi32, #tpu.memory_space<vmem>>, vector<16xi32>,
    %swap3A_1778 = vector.shape_cast %swap3A_1777 : vector<16xi32> to vector<16xi32>
    %swap3A_1779 = vector.shape_cast %sub3A_1775 : vector<16xi32> to vector<16xi32>
    tpu.vector_store %arg6[%swap3A_1776], %swap3A_1779 {strides = array<i32>} : memref<128xi32, #tpu.memory_space<vmem>>, vector<16xi32>,
    %sub3A_1780 = arith.constant 16 : i32
    %sub3A_1781 = arith.subi %add3A_1771, %sub3A_1780 : i32
    %sub3A_1782 = vector.broadcast %sub3A_1781 : i32 to vector<16xi32>
    %sub3A_1783 = arith.subi %sub3A_1782, %iota3A : vector<16xi32>
    %swap3A_1784 = arith.constant 16 : index
    %swap3A_1785 = tpu.vector_load %arg6[%swap3A_1784] {strides = array<i32>} : memref<128xi32, #tpu.memory_space<vmem>>, vector<16xi32>,
    %swap3A_1786 = vector.shape_cast %swap3A_1785 : vector<16xi32> to vector<16xi32>
    %swap3A_1787 = vector.shape_cast %sub3A_1783 : vector<16xi32> to vector<16xi32>
    tpu.vector_store %arg6[%swap3A_1784], %swap3A_1787 {strides = array<i32>} : memref<128xi32, #tpu.memory_space<vmem>>, vector<16xi32>,
    %sub3A_1788 = arith.constant 32 : i32
    %sub3A_1789 = arith.subi %add3A_1771, %sub3A_1788 : i32
    %sub3A_1790 = vector.broadcast %sub3A_1789 : i32 to vector<16xi32>
    %sub3A_1791 = arith.subi %sub3A_1790, %iota3A : vector<16xi32>
    %swap3A_1792 = arith.constant 32 : index
    %swap3A_1793 = tpu.vector_load %arg6[%swap3A_1792] {strides = array<i32>} : memref<128xi32, #tpu.memory_space<vmem>>, vector<16xi32>,
    %swap3A_1794 = vector.shape_cast %swap3A_1793 : vector<16xi32> to vector<16xi32>
    %swap3A_1795 = vector.shape_cast %sub3A_1791 : vector<16xi32> to vector<16xi32>
    tpu.vector_store %arg6[%swap3A_1792], %swap3A_1795 {strides = array<i32>} : memref<128xi32, #tpu.memory_space<vmem>>, vector<16xi32>,
    %sub3A_1796 = arith.constant 48 : i32
    %sub3A_1797 = arith.subi %add3A_1771, %sub3A_1796 : i32
    %sub3A_1798 = vector.broadcast %sub3A_1797 : i32 to vector<16xi32>
    %sub3A_1799 = arith.subi %sub3A_1798, %iota3A : vector<16xi32>
    %swap3A_1800 = arith.constant 48 : index
    %swap3A_1801 = tpu.vector_load %arg6[%swap3A_1800] {strides = array<i32>} : memref<128xi32, #tpu.memory_space<vmem>>, vector<16xi32>,
    %swap3A_1802 = vector.shape_cast %swap3A_1801 : vector<16xi32> to vector<16xi32>
    %swap3A_1803 = vector.shape_cast %sub3A_1799 : vector<16xi32> to vector<16xi32>
    tpu.vector_store %arg6[%swap3A_1800], %swap3A_1803 {strides = array<i32>} : memref<128xi32, #tpu.memory_space<vmem>>, vector<16xi32>,
    %sub3A_1804 = arith.constant 64 : i32
    %sub3A_1805 = arith.subi %add3A_1771, %sub3A_1804 : i32
    %sub3A_1806 = vector.broadcast %sub3A_1805 : i32 to vector<16xi32>
    %sub3A_1807 = arith.subi %sub3A_1806, %iota3A : vector<16xi32>
    %swap3A_1808 = arith.constant 64 : index
    %swap3A_1809 = tpu.vector_load %arg6[%swap3A_1808] {strides = array<i32>} : memref<128xi32, #tpu.memory_space<vmem>>, vector<16xi32>,
    %swap3A_1810 = vector.shape_cast %swap3A_1809 : vector<16xi32> to vector<16xi32>
    %swap3A_1811 = vector.shape_cast %sub3A_1807 : vector<16xi32> to vector<16xi32>
    tpu.vector_store %arg6[%swap3A_1808], %swap3A_1811 {strides = array<i32>} : memref<128xi32, #tpu.memory_space<vmem>>, vector<16xi32>,
    %sub3A_1812 = arith.constant 80 : i32
    %sub3A_1813 = arith.subi %add3A_1771, %sub3A_1812 : i32
    %sub3A_1814 = vector.broadcast %sub3A_1813 : i32 to vector<16xi32>
    %sub3A_1815 = arith.subi %sub3A_1814, %iota3A : vector<16xi32>
    %swap3A_1816 = arith.constant 80 : index
    %swap3A_1817 = tpu.vector_load %arg6[%swap3A_1816] {strides = array<i32>} : memref<128xi32, #tpu.memory_space<vmem>>, vector<16xi32>,
    %swap3A_1818 = vector.shape_cast %swap3A_1817 : vector<16xi32> to vector<16xi32>
    %swap3A_1819 = vector.shape_cast %sub3A_1815 : vector<16xi32> to vector<16xi32>
    tpu.vector_store %arg6[%swap3A_1816], %swap3A_1819 {strides = array<i32>} : memref<128xi32, #tpu.memory_space<vmem>>, vector<16xi32>,
    %sub3A_1820 = arith.constant 96 : i32
    %sub3A_1821 = arith.subi %add3A_1771, %sub3A_1820 : i32
    %sub3A_1822 = vector.broadcast %sub3A_1821 : i32 to vector<16xi32>
    %sub3A_1823 = arith.subi %sub3A_1822, %iota3A : vector<16xi32>
    %swap3A_1824 = arith.constant 96 : index
    %swap3A_1825 = tpu.vector_load %arg6[%swap3A_1824] {strides = array<i32>} : memref<128xi32, #tpu.memory_space<vmem>>, vector<16xi32>,
    %swap3A_1826 = vector.shape_cast %swap3A_1825 : vector<16xi32> to vector<16xi32>
    %swap3A_1827 = vector.shape_cast %sub3A_1823 : vector<16xi32> to vector<16xi32>
    tpu.vector_store %arg6[%swap3A_1824], %swap3A_1827 {strides = array<i32>} : memref<128xi32, #tpu.memory_space<vmem>>, vector<16xi32>,
    %sub3A_1828 = arith.constant 112 : i32
    %sub3A_1829 = arith.subi %add3A_1771, %sub3A_1828 : i32
    %sub3A_1830 = vector.broadcast %sub3A_1829 : i32 to vector<16xi32>
    %sub3A_1831 = arith.subi %sub3A_1830, %iota3A : vector<16xi32>
    %swap3A_1832 = arith.constant 112 : index
    %swap3A_1833 = tpu.vector_load %arg6[%swap3A_1832] {strides = array<i32>} : memref<128xi32, #tpu.memory_space<vmem>>, vector<16xi32>,
    %swap3A_1834 = vector.shape_cast %swap3A_1833 : vector<16xi32> to vector<16xi32>
    %swap3A_1835 = vector.shape_cast %sub3A_1831 : vector<16xi32> to vector<16xi32>
    tpu.vector_store %arg6[%swap3A_1832], %swap3A_1835 {strides = array<i32>} : memref<128xi32, #tpu.memory_space<vmem>>, vector<16xi32>,
    %dma_start3A_1836 = arith.constant 0 : i32
    %dma_start3A_1837 = arith.constant 0 : i32
    %dma_start3A_1838 = tpu.memref_slice %arg2[%dma_start3A_1836, %dma_start3A_1837] : memref<131072x128xf32, #tpu.memory_space<hbm>> -> memref<131072x128xf32, #tpu.memory_space<hbm>>
    tpu.enqueue_indirect_dma source(%dma_start3A_1838 : memref<131072x128xf32, #tpu.memory_space<hbm>>) target(%arg12 : memref<128x128xf32, #tpu.memory_space<vmem>>) offsets(%arg6 : memref<128xi32, #tpu.memory_space<vmem>>) semaphore(%arg18 : memref<!tpu.dma_semaphore, #tpu.memory_space<semaphore_mem>>)
    %dma_wait3A_1839 = arith.constant 0 : i32
    %dma_wait3A_1840 = arith.constant 0 : i32
    %dma_wait3A_1841 = tpu.memref_slice %arg2[%dma_wait3A_1839, %dma_wait3A_1840] : memref<131072x128xf32, #tpu.memory_space<hbm>> -> memref<131072x128xf32, #tpu.memory_space<hbm>>
    tpu.wait_indirect_dma semaphore(%arg21 : memref<!tpu.dma_semaphore, #tpu.memory_space<semaphore_mem>>) src(%dma_wait3A_1841 : memref<131072x128xf32, #tpu.memory_space<hbm>>) dst(%arg15 : memref<128x128xf32, #tpu.memory_space<vmem>>)
    %add3A_1842 = arith.constant 17 : i32
    %add3A_1843 = arith.addi %mul3A_2, %add3A_1842 : i32
    %mul3A_1844 = arith.constant 128 : i32
    %mul3A_1845 = arith.muli %add3A_1843, %mul3A_1844 : i32
    %dma_start3A_1846 = arith.constant 0 : i32
    %dma_start3A_1847 = tpu.memref_slice %arg3[%mul3A_1845, %dma_start3A_1846] : memref<131072x128xf32, #tpu.memory_space<hbm>> -> memref<128x128xf32, #tpu.memory_space<hbm>>
    %dma_start3A_1848 = arith.constant 0 : i32
    %dma_start3A_1849 = tpu.memref_slice %arg3[%mul3A_1845, %dma_start3A_1848] : memref<131072x128xf32, #tpu.memory_space<hbm>> -> memref<128x128xf32, #tpu.memory_space<hbm>>
    tpu.enqueue_dma source(%arg15 : memref<128x128xf32, #tpu.memory_space<vmem>>) target(%dma_start3A_1849 : memref<128x128xf32, #tpu.memory_space<hbm>>) target_semaphore(%arg27 : memref<!tpu.dma_semaphore, #tpu.memory_space<semaphore_mem>>)
    %add3A_1850 = arith.constant 15 : i32
    %add3A_1851 = arith.addi %mul3A_2, %add3A_1850 : i32
    %mul3A_1852 = arith.constant 128 : i32
    %mul3A_1853 = arith.muli %add3A_1851, %mul3A_1852 : i32
    %dma_wait3A_1854 = arith.constant 0 : i32
    %dma_wait3A_1855 = tpu.memref_slice %arg3[%mul3A_1853, %dma_wait3A_1854] : memref<131072x128xf32, #tpu.memory_space<hbm>> -> memref<128x128xf32, #tpu.memory_space<hbm>>
    %dma_wait3A_1856 = arith.constant 0 : i32
    %dma_wait3A_1857 = tpu.memref_slice %arg3[%mul3A_1853, %dma_wait3A_1856] : memref<131072x128xf32, #tpu.memory_space<hbm>> -> memref<128x128xf32, #tpu.memory_space<hbm>>
    tpu.wait_dma2 semaphore(%arg25 : memref<!tpu.dma_semaphore, #tpu.memory_space<semaphore_mem>>) src(%arg13 : memref<128x128xf32, #tpu.memory_space<vmem>>) dst(%dma_wait3A_1857 : memref<128x128xf32, #tpu.memory_space<hbm>>)
    %add3A_1858 = arith.constant 21 : i32
    %add3A_1859 = arith.addi %mul3A_2, %add3A_1858 : i32
    %mul3A_1860 = arith.constant 128 : i32
    %mul3A_1861 = arith.muli %add3A_1859, %mul3A_1860 : i32
    %add3A_1862 = arith.constant 127 : i32
    %add3A_1863 = arith.addi %mul3A_1861, %add3A_1862 : i32
    %sub3A_1864 = arith.constant 0 : i32
    %sub3A_1865 = arith.subi %add3A_1863, %sub3A_1864 : i32
    %sub3A_1866 = vector.broadcast %sub3A_1865 : i32 to vector<16xi32>
    %sub3A_1867 = arith.subi %sub3A_1866, %iota3A : vector<16xi32>
    %swap3A_1868 = arith.constant 0 : index
    %swap3A_1869 = tpu.vector_load %arg7[%swap3A_1868] {strides = array<i32>} : memref<128xi32, #tpu.memory_space<vmem>>, vector<16xi32>,
    %swap3A_1870 = vector.shape_cast %swap3A_1869 : vector<16xi32> to vector<16xi32>
    %swap3A_1871 = vector.shape_cast %sub3A_1867 : vector<16xi32> to vector<16xi32>
    tpu.vector_store %arg7[%swap3A_1868], %swap3A_1871 {strides = array<i32>} : memref<128xi32, #tpu.memory_space<vmem>>, vector<16xi32>,
    %sub3A_1872 = arith.constant 16 : i32
    %sub3A_1873 = arith.subi %add3A_1863, %sub3A_1872 : i32
    %sub3A_1874 = vector.broadcast %sub3A_1873 : i32 to vector<16xi32>
    %sub3A_1875 = arith.subi %sub3A_1874, %iota3A : vector<16xi32>
    %swap3A_1876 = arith.constant 16 : index
    %swap3A_1877 = tpu.vector_load %arg7[%swap3A_1876] {strides = array<i32>} : memref<128xi32, #tpu.memory_space<vmem>>, vector<16xi32>,
    %swap3A_1878 = vector.shape_cast %swap3A_1877 : vector<16xi32> to vector<16xi32>
    %swap3A_1879 = vector.shape_cast %sub3A_1875 : vector<16xi32> to vector<16xi32>
    tpu.vector_store %arg7[%swap3A_1876], %swap3A_1879 {strides = array<i32>} : memref<128xi32, #tpu.memory_space<vmem>>, vector<16xi32>,
    %sub3A_1880 = arith.constant 32 : i32
    %sub3A_1881 = arith.subi %add3A_1863, %sub3A_1880 : i32
    %sub3A_1882 = vector.broadcast %sub3A_1881 : i32 to vector<16xi32>
    %sub3A_1883 = arith.subi %sub3A_1882, %iota3A : vector<16xi32>
    %swap3A_1884 = arith.constant 32 : index
    %swap3A_1885 = tpu.vector_load %arg7[%swap3A_1884] {strides = array<i32>} : memref<128xi32, #tpu.memory_space<vmem>>, vector<16xi32>,
    %swap3A_1886 = vector.shape_cast %swap3A_1885 : vector<16xi32> to vector<16xi32>
    %swap3A_1887 = vector.shape_cast %sub3A_1883 : vector<16xi32> to vector<16xi32>
    tpu.vector_store %arg7[%swap3A_1884], %swap3A_1887 {strides = array<i32>} : memref<128xi32, #tpu.memory_space<vmem>>, vector<16xi32>,
    %sub3A_1888 = arith.constant 48 : i32
    %sub3A_1889 = arith.subi %add3A_1863, %sub3A_1888 : i32
    %sub3A_1890 = vector.broadcast %sub3A_1889 : i32 to vector<16xi32>
    %sub3A_1891 = arith.subi %sub3A_1890, %iota3A : vector<16xi32>
    %swap3A_1892 = arith.constant 48 : index
    %swap3A_1893 = tpu.vector_load %arg7[%swap3A_1892] {strides = array<i32>} : memref<128xi32, #tpu.memory_space<vmem>>, vector<16xi32>,
    %swap3A_1894 = vector.shape_cast %swap3A_1893 : vector<16xi32> to vector<16xi32>
    %swap3A_1895 = vector.shape_cast %sub3A_1891 : vector<16xi32> to vector<16xi32>
    tpu.vector_store %arg7[%swap3A_1892], %swap3A_1895 {strides = array<i32>} : memref<128xi32, #tpu.memory_space<vmem>>, vector<16xi32>,
    %sub3A_1896 = arith.constant 64 : i32
    %sub3A_1897 = arith.subi %add3A_1863, %sub3A_1896 : i32
    %sub3A_1898 = vector.broadcast %sub3A_1897 : i32 to vector<16xi32>
    %sub3A_1899 = arith.subi %sub3A_1898, %iota3A : vector<16xi32>
    %swap3A_1900 = arith.constant 64 : index
    %swap3A_1901 = tpu.vector_load %arg7[%swap3A_1900] {strides = array<i32>} : memref<128xi32, #tpu.memory_space<vmem>>, vector<16xi32>,
    %swap3A_1902 = vector.shape_cast %swap3A_1901 : vector<16xi32> to vector<16xi32>
    %swap3A_1903 = vector.shape_cast %sub3A_1899 : vector<16xi32> to vector<16xi32>
    tpu.vector_store %arg7[%swap3A_1900], %swap3A_1903 {strides = array<i32>} : memref<128xi32, #tpu.memory_space<vmem>>, vector<16xi32>,
    %sub3A_1904 = arith.constant 80 : i32
    %sub3A_1905 = arith.subi %add3A_1863, %sub3A_1904 : i32
    %sub3A_1906 = vector.broadcast %sub3A_1905 : i32 to vector<16xi32>
    %sub3A_1907 = arith.subi %sub3A_1906, %iota3A : vector<16xi32>
    %swap3A_1908 = arith.constant 80 : index
    %swap3A_1909 = tpu.vector_load %arg7[%swap3A_1908] {strides = array<i32>} : memref<128xi32, #tpu.memory_space<vmem>>, vector<16xi32>,
    %swap3A_1910 = vector.shape_cast %swap3A_1909 : vector<16xi32> to vector<16xi32>
    %swap3A_1911 = vector.shape_cast %sub3A_1907 : vector<16xi32> to vector<16xi32>
    tpu.vector_store %arg7[%swap3A_1908], %swap3A_1911 {strides = array<i32>} : memref<128xi32, #tpu.memory_space<vmem>>, vector<16xi32>,
    %sub3A_1912 = arith.constant 96 : i32
    %sub3A_1913 = arith.subi %add3A_1863, %sub3A_1912 : i32
    %sub3A_1914 = vector.broadcast %sub3A_1913 : i32 to vector<16xi32>
    %sub3A_1915 = arith.subi %sub3A_1914, %iota3A : vector<16xi32>
    %swap3A_1916 = arith.constant 96 : index
    %swap3A_1917 = tpu.vector_load %arg7[%swap3A_1916] {strides = array<i32>} : memref<128xi32, #tpu.memory_space<vmem>>, vector<16xi32>,
    %swap3A_1918 = vector.shape_cast %swap3A_1917 : vector<16xi32> to vector<16xi32>
    %swap3A_1919 = vector.shape_cast %sub3A_1915 : vector<16xi32> to vector<16xi32>
    tpu.vector_store %arg7[%swap3A_1916], %swap3A_1919 {strides = array<i32>} : memref<128xi32, #tpu.memory_space<vmem>>, vector<16xi32>,
    %sub3A_1920 = arith.constant 112 : i32
    %sub3A_1921 = arith.subi %add3A_1863, %sub3A_1920 : i32
    %sub3A_1922 = vector.broadcast %sub3A_1921 : i32 to vector<16xi32>
    %sub3A_1923 = arith.subi %sub3A_1922, %iota3A : vector<16xi32>
    %swap3A_1924 = arith.constant 112 : index
    %swap3A_1925 = tpu.vector_load %arg7[%swap3A_1924] {strides = array<i32>} : memref<128xi32, #tpu.memory_space<vmem>>, vector<16xi32>,
    %swap3A_1926 = vector.shape_cast %swap3A_1925 : vector<16xi32> to vector<16xi32>
    %swap3A_1927 = vector.shape_cast %sub3A_1923 : vector<16xi32> to vector<16xi32>
    tpu.vector_store %arg7[%swap3A_1924], %swap3A_1927 {strides = array<i32>} : memref<128xi32, #tpu.memory_space<vmem>>, vector<16xi32>,
    %dma_start3A_1928 = arith.constant 0 : i32
    %dma_start3A_1929 = arith.constant 0 : i32
    %dma_start3A_1930 = tpu.memref_slice %arg2[%dma_start3A_1928, %dma_start3A_1929] : memref<131072x128xf32, #tpu.memory_space<hbm>> -> memref<131072x128xf32, #tpu.memory_space<hbm>>
    tpu.enqueue_indirect_dma source(%dma_start3A_1930 : memref<131072x128xf32, #tpu.memory_space<hbm>>) target(%arg13 : memref<128x128xf32, #tpu.memory_space<vmem>>) offsets(%arg7 : memref<128xi32, #tpu.memory_space<vmem>>) semaphore(%arg19 : memref<!tpu.dma_semaphore, #tpu.memory_space<semaphore_mem>>)
    %dma_wait3A_1931 = arith.constant 0 : i32
    %dma_wait3A_1932 = arith.constant 0 : i32
    %dma_wait3A_1933 = tpu.memref_slice %arg2[%dma_wait3A_1931, %dma_wait3A_1932] : memref<131072x128xf32, #tpu.memory_space<hbm>> -> memref<131072x128xf32, #tpu.memory_space<hbm>>
    tpu.wait_indirect_dma semaphore(%arg16 : memref<!tpu.dma_semaphore, #tpu.memory_space<semaphore_mem>>) src(%dma_wait3A_1933 : memref<131072x128xf32, #tpu.memory_space<hbm>>) dst(%arg10 : memref<128x128xf32, #tpu.memory_space<vmem>>)
    %add3A_1934 = arith.constant 18 : i32
    %add3A_1935 = arith.addi %mul3A_2, %add3A_1934 : i32
    %mul3A_1936 = arith.constant 128 : i32
    %mul3A_1937 = arith.muli %add3A_1935, %mul3A_1936 : i32
    %dma_start3A_1938 = arith.constant 0 : i32
    %dma_start3A_1939 = tpu.memref_slice %arg3[%mul3A_1937, %dma_start3A_1938] : memref<131072x128xf32, #tpu.memory_space<hbm>> -> memref<128x128xf32, #tpu.memory_space<hbm>>
    %dma_start3A_1940 = arith.constant 0 : i32
    %dma_start3A_1941 = tpu.memref_slice %arg3[%mul3A_1937, %dma_start3A_1940] : memref<131072x128xf32, #tpu.memory_space<hbm>> -> memref<128x128xf32, #tpu.memory_space<hbm>>
    tpu.enqueue_dma source(%arg10 : memref<128x128xf32, #tpu.memory_space<vmem>>) target(%dma_start3A_1941 : memref<128x128xf32, #tpu.memory_space<hbm>>) target_semaphore(%arg22 : memref<!tpu.dma_semaphore, #tpu.memory_space<semaphore_mem>>)
    %add3A_1942 = arith.constant 16 : i32
    %add3A_1943 = arith.addi %mul3A_2, %add3A_1942 : i32
    %mul3A_1944 = arith.constant 128 : i32
    %mul3A_1945 = arith.muli %add3A_1943, %mul3A_1944 : i32
    %dma_wait3A_1946 = arith.constant 0 : i32
    %dma_wait3A_1947 = tpu.memref_slice %arg3[%mul3A_1945, %dma_wait3A_1946] : memref<131072x128xf32, #tpu.memory_space<hbm>> -> memref<128x128xf32, #tpu.memory_space<hbm>>
    %dma_wait3A_1948 = arith.constant 0 : i32
    %dma_wait3A_1949 = tpu.memref_slice %arg3[%mul3A_1945, %dma_wait3A_1948] : memref<131072x128xf32, #tpu.memory_space<hbm>> -> memref<128x128xf32, #tpu.memory_space<hbm>>
    tpu.wait_dma2 semaphore(%arg26 : memref<!tpu.dma_semaphore, #tpu.memory_space<semaphore_mem>>) src(%arg14 : memref<128x128xf32, #tpu.memory_space<vmem>>) dst(%dma_wait3A_1949 : memref<128x128xf32, #tpu.memory_space<hbm>>)
    %add3A_1950 = arith.constant 22 : i32
    %add3A_1951 = arith.addi %mul3A_2, %add3A_1950 : i32
    %mul3A_1952 = arith.constant 128 : i32
    %mul3A_1953 = arith.muli %add3A_1951, %mul3A_1952 : i32
    %add3A_1954 = arith.constant 127 : i32
    %add3A_1955 = arith.addi %mul3A_1953, %add3A_1954 : i32
    %sub3A_1956 = arith.constant 0 : i32
    %sub3A_1957 = arith.subi %add3A_1955, %sub3A_1956 : i32
    %sub3A_1958 = vector.broadcast %sub3A_1957 : i32 to vector<16xi32>
    %sub3A_1959 = arith.subi %sub3A_1958, %iota3A : vector<16xi32>
    %swap3A_1960 = arith.constant 0 : index
    %swap3A_1961 = tpu.vector_load %arg8[%swap3A_1960] {strides = array<i32>} : memref<128xi32, #tpu.memory_space<vmem>>, vector<16xi32>,
    %swap3A_1962 = vector.shape_cast %swap3A_1961 : vector<16xi32> to vector<16xi32>
    %swap3A_1963 = vector.shape_cast %sub3A_1959 : vector<16xi32> to vector<16xi32>
    tpu.vector_store %arg8[%swap3A_1960], %swap3A_1963 {strides = array<i32>} : memref<128xi32, #tpu.memory_space<vmem>>, vector<16xi32>,
    %sub3A_1964 = arith.constant 16 : i32
    %sub3A_1965 = arith.subi %add3A_1955, %sub3A_1964 : i32
    %sub3A_1966 = vector.broadcast %sub3A_1965 : i32 to vector<16xi32>
    %sub3A_1967 = arith.subi %sub3A_1966, %iota3A : vector<16xi32>
    %swap3A_1968 = arith.constant 16 : index
    %swap3A_1969 = tpu.vector_load %arg8[%swap3A_1968] {strides = array<i32>} : memref<128xi32, #tpu.memory_space<vmem>>, vector<16xi32>,
    %swap3A_1970 = vector.shape_cast %swap3A_1969 : vector<16xi32> to vector<16xi32>
    %swap3A_1971 = vector.shape_cast %sub3A_1967 : vector<16xi32> to vector<16xi32>
    tpu.vector_store %arg8[%swap3A_1968], %swap3A_1971 {strides = array<i32>} : memref<128xi32, #tpu.memory_space<vmem>>, vector<16xi32>,
    %sub3A_1972 = arith.constant 32 : i32
    %sub3A_1973 = arith.subi %add3A_1955, %sub3A_1972 : i32
    %sub3A_1974 = vector.broadcast %sub3A_1973 : i32 to vector<16xi32>
    %sub3A_1975 = arith.subi %sub3A_1974, %iota3A : vector<16xi32>
    %swap3A_1976 = arith.constant 32 : index
    %swap3A_1977 = tpu.vector_load %arg8[%swap3A_1976] {strides = array<i32>} : memref<128xi32, #tpu.memory_space<vmem>>, vector<16xi32>,
    %swap3A_1978 = vector.shape_cast %swap3A_1977 : vector<16xi32> to vector<16xi32>
    %swap3A_1979 = vector.shape_cast %sub3A_1975 : vector<16xi32> to vector<16xi32>
    tpu.vector_store %arg8[%swap3A_1976], %swap3A_1979 {strides = array<i32>} : memref<128xi32, #tpu.memory_space<vmem>>, vector<16xi32>,
    %sub3A_1980 = arith.constant 48 : i32
    %sub3A_1981 = arith.subi %add3A_1955, %sub3A_1980 : i32
    %sub3A_1982 = vector.broadcast %sub3A_1981 : i32 to vector<16xi32>
    %sub3A_1983 = arith.subi %sub3A_1982, %iota3A : vector<16xi32>
    %swap3A_1984 = arith.constant 48 : index
    %swap3A_1985 = tpu.vector_load %arg8[%swap3A_1984] {strides = array<i32>} : memref<128xi32, #tpu.memory_space<vmem>>, vector<16xi32>,
    %swap3A_1986 = vector.shape_cast %swap3A_1985 : vector<16xi32> to vector<16xi32>
    %swap3A_1987 = vector.shape_cast %sub3A_1983 : vector<16xi32> to vector<16xi32>
    tpu.vector_store %arg8[%swap3A_1984], %swap3A_1987 {strides = array<i32>} : memref<128xi32, #tpu.memory_space<vmem>>, vector<16xi32>,
    %sub3A_1988 = arith.constant 64 : i32
    %sub3A_1989 = arith.subi %add3A_1955, %sub3A_1988 : i32
    %sub3A_1990 = vector.broadcast %sub3A_1989 : i32 to vector<16xi32>
    %sub3A_1991 = arith.subi %sub3A_1990, %iota3A : vector<16xi32>
    %swap3A_1992 = arith.constant 64 : index
    %swap3A_1993 = tpu.vector_load %arg8[%swap3A_1992] {strides = array<i32>} : memref<128xi32, #tpu.memory_space<vmem>>, vector<16xi32>,
    %swap3A_1994 = vector.shape_cast %swap3A_1993 : vector<16xi32> to vector<16xi32>
    %swap3A_1995 = vector.shape_cast %sub3A_1991 : vector<16xi32> to vector<16xi32>
    tpu.vector_store %arg8[%swap3A_1992], %swap3A_1995 {strides = array<i32>} : memref<128xi32, #tpu.memory_space<vmem>>, vector<16xi32>,
    %sub3A_1996 = arith.constant 80 : i32
    %sub3A_1997 = arith.subi %add3A_1955, %sub3A_1996 : i32
    %sub3A_1998 = vector.broadcast %sub3A_1997 : i32 to vector<16xi32>
    %sub3A_1999 = arith.subi %sub3A_1998, %iota3A : vector<16xi32>
    %swap3A_2000 = arith.constant 80 : index
    %swap3A_2001 = tpu.vector_load %arg8[%swap3A_2000] {strides = array<i32>} : memref<128xi32, #tpu.memory_space<vmem>>, vector<16xi32>,
    %swap3A_2002 = vector.shape_cast %swap3A_2001 : vector<16xi32> to vector<16xi32>
    %swap3A_2003 = vector.shape_cast %sub3A_1999 : vector<16xi32> to vector<16xi32>
    tpu.vector_store %arg8[%swap3A_2000], %swap3A_2003 {strides = array<i32>} : memref<128xi32, #tpu.memory_space<vmem>>, vector<16xi32>,
    %sub3A_2004 = arith.constant 96 : i32
    %sub3A_2005 = arith.subi %add3A_1955, %sub3A_2004 : i32
    %sub3A_2006 = vector.broadcast %sub3A_2005 : i32 to vector<16xi32>
    %sub3A_2007 = arith.subi %sub3A_2006, %iota3A : vector<16xi32>
    %swap3A_2008 = arith.constant 96 : index
    %swap3A_2009 = tpu.vector_load %arg8[%swap3A_2008] {strides = array<i32>} : memref<128xi32, #tpu.memory_space<vmem>>, vector<16xi32>,
    %swap3A_2010 = vector.shape_cast %swap3A_2009 : vector<16xi32> to vector<16xi32>
    %swap3A_2011 = vector.shape_cast %sub3A_2007 : vector<16xi32> to vector<16xi32>
    tpu.vector_store %arg8[%swap3A_2008], %swap3A_2011 {strides = array<i32>} : memref<128xi32, #tpu.memory_space<vmem>>, vector<16xi32>,
    %sub3A_2012 = arith.constant 112 : i32
    %sub3A_2013 = arith.subi %add3A_1955, %sub3A_2012 : i32
    %sub3A_2014 = vector.broadcast %sub3A_2013 : i32 to vector<16xi32>
    %sub3A_2015 = arith.subi %sub3A_2014, %iota3A : vector<16xi32>
    %swap3A_2016 = arith.constant 112 : index
    %swap3A_2017 = tpu.vector_load %arg8[%swap3A_2016] {strides = array<i32>} : memref<128xi32, #tpu.memory_space<vmem>>, vector<16xi32>,
    %swap3A_2018 = vector.shape_cast %swap3A_2017 : vector<16xi32> to vector<16xi32>
    %swap3A_2019 = vector.shape_cast %sub3A_2015 : vector<16xi32> to vector<16xi32>
    tpu.vector_store %arg8[%swap3A_2016], %swap3A_2019 {strides = array<i32>} : memref<128xi32, #tpu.memory_space<vmem>>, vector<16xi32>,
    %dma_start3A_2020 = arith.constant 0 : i32
    %dma_start3A_2021 = arith.constant 0 : i32
    %dma_start3A_2022 = tpu.memref_slice %arg2[%dma_start3A_2020, %dma_start3A_2021] : memref<131072x128xf32, #tpu.memory_space<hbm>> -> memref<131072x128xf32, #tpu.memory_space<hbm>>
    tpu.enqueue_indirect_dma source(%dma_start3A_2022 : memref<131072x128xf32, #tpu.memory_space<hbm>>) target(%arg14 : memref<128x128xf32, #tpu.memory_space<vmem>>) offsets(%arg8 : memref<128xi32, #tpu.memory_space<vmem>>) semaphore(%arg20 : memref<!tpu.dma_semaphore, #tpu.memory_space<semaphore_mem>>)
    %dma_wait3A_2023 = arith.constant 0 : i32
    %dma_wait3A_2024 = arith.constant 0 : i32
    %dma_wait3A_2025 = tpu.memref_slice %arg2[%dma_wait3A_2023, %dma_wait3A_2024] : memref<131072x128xf32, #tpu.memory_space<hbm>> -> memref<131072x128xf32, #tpu.memory_space<hbm>>
    tpu.wait_indirect_dma semaphore(%arg17 : memref<!tpu.dma_semaphore, #tpu.memory_space<semaphore_mem>>) src(%dma_wait3A_2025 : memref<131072x128xf32, #tpu.memory_space<hbm>>) dst(%arg11 : memref<128x128xf32, #tpu.memory_space<vmem>>)
    %add3A_2026 = arith.constant 19 : i32
    %add3A_2027 = arith.addi %mul3A_2, %add3A_2026 : i32
    %mul3A_2028 = arith.constant 128 : i32
    %mul3A_2029 = arith.muli %add3A_2027, %mul3A_2028 : i32
    %dma_start3A_2030 = arith.constant 0 : i32
    %dma_start3A_2031 = tpu.memref_slice %arg3[%mul3A_2029, %dma_start3A_2030] : memref<131072x128xf32, #tpu.memory_space<hbm>> -> memref<128x128xf32, #tpu.memory_space<hbm>>
    %dma_start3A_2032 = arith.constant 0 : i32
    %dma_start3A_2033 = tpu.memref_slice %arg3[%mul3A_2029, %dma_start3A_2032] : memref<131072x128xf32, #tpu.memory_space<hbm>> -> memref<128x128xf32, #tpu.memory_space<hbm>>
    tpu.enqueue_dma source(%arg11 : memref<128x128xf32, #tpu.memory_space<vmem>>) target(%dma_start3A_2033 : memref<128x128xf32, #tpu.memory_space<hbm>>) target_semaphore(%arg23 : memref<!tpu.dma_semaphore, #tpu.memory_space<semaphore_mem>>)
    %add3A_2034 = arith.constant 17 : i32
    %add3A_2035 = arith.addi %mul3A_2, %add3A_2034 : i32
    %mul3A_2036 = arith.constant 128 : i32
    %mul3A_2037 = arith.muli %add3A_2035, %mul3A_2036 : i32
    %dma_wait3A_2038 = arith.constant 0 : i32
    %dma_wait3A_2039 = tpu.memref_slice %arg3[%mul3A_2037, %dma_wait3A_2038] : memref<131072x128xf32, #tpu.memory_space<hbm>> -> memref<128x128xf32, #tpu.memory_space<hbm>>
    %dma_wait3A_2040 = arith.constant 0 : i32
    %dma_wait3A_2041 = tpu.memref_slice %arg3[%mul3A_2037, %dma_wait3A_2040] : memref<131072x128xf32, #tpu.memory_space<hbm>> -> memref<128x128xf32, #tpu.memory_space<hbm>>
    tpu.wait_dma2 semaphore(%arg27 : memref<!tpu.dma_semaphore, #tpu.memory_space<semaphore_mem>>) src(%arg15 : memref<128x128xf32, #tpu.memory_space<vmem>>) dst(%dma_wait3A_2041 : memref<128x128xf32, #tpu.memory_space<hbm>>)
    %add3A_2042 = arith.constant 23 : i32
    %add3A_2043 = arith.addi %mul3A_2, %add3A_2042 : i32
    %mul3A_2044 = arith.constant 128 : i32
    %mul3A_2045 = arith.muli %add3A_2043, %mul3A_2044 : i32
    %add3A_2046 = arith.constant 127 : i32
    %add3A_2047 = arith.addi %mul3A_2045, %add3A_2046 : i32
    %sub3A_2048 = arith.constant 0 : i32
    %sub3A_2049 = arith.subi %add3A_2047, %sub3A_2048 : i32
    %sub3A_2050 = vector.broadcast %sub3A_2049 : i32 to vector<16xi32>
    %sub3A_2051 = arith.subi %sub3A_2050, %iota3A : vector<16xi32>
    %swap3A_2052 = arith.constant 0 : index
    %swap3A_2053 = tpu.vector_load %arg9[%swap3A_2052] {strides = array<i32>} : memref<128xi32, #tpu.memory_space<vmem>>, vector<16xi32>,
    %swap3A_2054 = vector.shape_cast %swap3A_2053 : vector<16xi32> to vector<16xi32>
    %swap3A_2055 = vector.shape_cast %sub3A_2051 : vector<16xi32> to vector<16xi32>
    tpu.vector_store %arg9[%swap3A_2052], %swap3A_2055 {strides = array<i32>} : memref<128xi32, #tpu.memory_space<vmem>>, vector<16xi32>,
    %sub3A_2056 = arith.constant 16 : i32
    %sub3A_2057 = arith.subi %add3A_2047, %sub3A_2056 : i32
    %sub3A_2058 = vector.broadcast %sub3A_2057 : i32 to vector<16xi32>
    %sub3A_2059 = arith.subi %sub3A_2058, %iota3A : vector<16xi32>
    %swap3A_2060 = arith.constant 16 : index
    %swap3A_2061 = tpu.vector_load %arg9[%swap3A_2060] {strides = array<i32>} : memref<128xi32, #tpu.memory_space<vmem>>, vector<16xi32>,
    %swap3A_2062 = vector.shape_cast %swap3A_2061 : vector<16xi32> to vector<16xi32>
    %swap3A_2063 = vector.shape_cast %sub3A_2059 : vector<16xi32> to vector<16xi32>
    tpu.vector_store %arg9[%swap3A_2060], %swap3A_2063 {strides = array<i32>} : memref<128xi32, #tpu.memory_space<vmem>>, vector<16xi32>,
    %sub3A_2064 = arith.constant 32 : i32
    %sub3A_2065 = arith.subi %add3A_2047, %sub3A_2064 : i32
    %sub3A_2066 = vector.broadcast %sub3A_2065 : i32 to vector<16xi32>
    %sub3A_2067 = arith.subi %sub3A_2066, %iota3A : vector<16xi32>
    %swap3A_2068 = arith.constant 32 : index
    %swap3A_2069 = tpu.vector_load %arg9[%swap3A_2068] {strides = array<i32>} : memref<128xi32, #tpu.memory_space<vmem>>, vector<16xi32>,
    %swap3A_2070 = vector.shape_cast %swap3A_2069 : vector<16xi32> to vector<16xi32>
    %swap3A_2071 = vector.shape_cast %sub3A_2067 : vector<16xi32> to vector<16xi32>
    tpu.vector_store %arg9[%swap3A_2068], %swap3A_2071 {strides = array<i32>} : memref<128xi32, #tpu.memory_space<vmem>>, vector<16xi32>,
    %sub3A_2072 = arith.constant 48 : i32
    %sub3A_2073 = arith.subi %add3A_2047, %sub3A_2072 : i32
    %sub3A_2074 = vector.broadcast %sub3A_2073 : i32 to vector<16xi32>
    %sub3A_2075 = arith.subi %sub3A_2074, %iota3A : vector<16xi32>
    %swap3A_2076 = arith.constant 48 : index
    %swap3A_2077 = tpu.vector_load %arg9[%swap3A_2076] {strides = array<i32>} : memref<128xi32, #tpu.memory_space<vmem>>, vector<16xi32>,
    %swap3A_2078 = vector.shape_cast %swap3A_2077 : vector<16xi32> to vector<16xi32>
    %swap3A_2079 = vector.shape_cast %sub3A_2075 : vector<16xi32> to vector<16xi32>
    tpu.vector_store %arg9[%swap3A_2076], %swap3A_2079 {strides = array<i32>} : memref<128xi32, #tpu.memory_space<vmem>>, vector<16xi32>,
    %sub3A_2080 = arith.constant 64 : i32
    %sub3A_2081 = arith.subi %add3A_2047, %sub3A_2080 : i32
    %sub3A_2082 = vector.broadcast %sub3A_2081 : i32 to vector<16xi32>
    %sub3A_2083 = arith.subi %sub3A_2082, %iota3A : vector<16xi32>
    %swap3A_2084 = arith.constant 64 : index
    %swap3A_2085 = tpu.vector_load %arg9[%swap3A_2084] {strides = array<i32>} : memref<128xi32, #tpu.memory_space<vmem>>, vector<16xi32>,
    %swap3A_2086 = vector.shape_cast %swap3A_2085 : vector<16xi32> to vector<16xi32>
    %swap3A_2087 = vector.shape_cast %sub3A_2083 : vector<16xi32> to vector<16xi32>
    tpu.vector_store %arg9[%swap3A_2084], %swap3A_2087 {strides = array<i32>} : memref<128xi32, #tpu.memory_space<vmem>>, vector<16xi32>,
    %sub3A_2088 = arith.constant 80 : i32
    %sub3A_2089 = arith.subi %add3A_2047, %sub3A_2088 : i32
    %sub3A_2090 = vector.broadcast %sub3A_2089 : i32 to vector<16xi32>
    %sub3A_2091 = arith.subi %sub3A_2090, %iota3A : vector<16xi32>
    %swap3A_2092 = arith.constant 80 : index
    %swap3A_2093 = tpu.vector_load %arg9[%swap3A_2092] {strides = array<i32>} : memref<128xi32, #tpu.memory_space<vmem>>, vector<16xi32>,
    %swap3A_2094 = vector.shape_cast %swap3A_2093 : vector<16xi32> to vector<16xi32>
    %swap3A_2095 = vector.shape_cast %sub3A_2091 : vector<16xi32> to vector<16xi32>
    tpu.vector_store %arg9[%swap3A_2092], %swap3A_2095 {strides = array<i32>} : memref<128xi32, #tpu.memory_space<vmem>>, vector<16xi32>,
    %sub3A_2096 = arith.constant 96 : i32
    %sub3A_2097 = arith.subi %add3A_2047, %sub3A_2096 : i32
    %sub3A_2098 = vector.broadcast %sub3A_2097 : i32 to vector<16xi32>
    %sub3A_2099 = arith.subi %sub3A_2098, %iota3A : vector<16xi32>
    %swap3A_2100 = arith.constant 96 : index
    %swap3A_2101 = tpu.vector_load %arg9[%swap3A_2100] {strides = array<i32>} : memref<128xi32, #tpu.memory_space<vmem>>, vector<16xi32>,
    %swap3A_2102 = vector.shape_cast %swap3A_2101 : vector<16xi32> to vector<16xi32>
    %swap3A_2103 = vector.shape_cast %sub3A_2099 : vector<16xi32> to vector<16xi32>
    tpu.vector_store %arg9[%swap3A_2100], %swap3A_2103 {strides = array<i32>} : memref<128xi32, #tpu.memory_space<vmem>>, vector<16xi32>,
    %sub3A_2104 = arith.constant 112 : i32
    %sub3A_2105 = arith.subi %add3A_2047, %sub3A_2104 : i32
    %sub3A_2106 = vector.broadcast %sub3A_2105 : i32 to vector<16xi32>
    %sub3A_2107 = arith.subi %sub3A_2106, %iota3A : vector<16xi32>
    %swap3A_2108 = arith.constant 112 : index
    %swap3A_2109 = tpu.vector_load %arg9[%swap3A_2108] {strides = array<i32>} : memref<128xi32, #tpu.memory_space<vmem>>, vector<16xi32>,
    %swap3A_2110 = vector.shape_cast %swap3A_2109 : vector<16xi32> to vector<16xi32>
    %swap3A_2111 = vector.shape_cast %sub3A_2107 : vector<16xi32> to vector<16xi32>
    tpu.vector_store %arg9[%swap3A_2108], %swap3A_2111 {strides = array<i32>} : memref<128xi32, #tpu.memory_space<vmem>>, vector<16xi32>,
    %dma_start3A_2112 = arith.constant 0 : i32
    %dma_start3A_2113 = arith.constant 0 : i32
    %dma_start3A_2114 = tpu.memref_slice %arg2[%dma_start3A_2112, %dma_start3A_2113] : memref<131072x128xf32, #tpu.memory_space<hbm>> -> memref<131072x128xf32, #tpu.memory_space<hbm>>
    tpu.enqueue_indirect_dma source(%dma_start3A_2114 : memref<131072x128xf32, #tpu.memory_space<hbm>>) target(%arg15 : memref<128x128xf32, #tpu.memory_space<vmem>>) offsets(%arg9 : memref<128xi32, #tpu.memory_space<vmem>>) semaphore(%arg21 : memref<!tpu.dma_semaphore, #tpu.memory_space<semaphore_mem>>)
    %dma_wait3A_2115 = arith.constant 0 : i32
    %dma_wait3A_2116 = arith.constant 0 : i32
    %dma_wait3A_2117 = tpu.memref_slice %arg2[%dma_wait3A_2115, %dma_wait3A_2116] : memref<131072x128xf32, #tpu.memory_space<hbm>> -> memref<131072x128xf32, #tpu.memory_space<hbm>>
    tpu.wait_indirect_dma semaphore(%arg18 : memref<!tpu.dma_semaphore, #tpu.memory_space<semaphore_mem>>) src(%dma_wait3A_2117 : memref<131072x128xf32, #tpu.memory_space<hbm>>) dst(%arg12 : memref<128x128xf32, #tpu.memory_space<vmem>>)
    %add3A_2118 = arith.constant 20 : i32
    %add3A_2119 = arith.addi %mul3A_2, %add3A_2118 : i32
    %mul3A_2120 = arith.constant 128 : i32
    %mul3A_2121 = arith.muli %add3A_2119, %mul3A_2120 : i32
    %dma_start3A_2122 = arith.constant 0 : i32
    %dma_start3A_2123 = tpu.memref_slice %arg3[%mul3A_2121, %dma_start3A_2122] : memref<131072x128xf32, #tpu.memory_space<hbm>> -> memref<128x128xf32, #tpu.memory_space<hbm>>
    %dma_start3A_2124 = arith.constant 0 : i32
    %dma_start3A_2125 = tpu.memref_slice %arg3[%mul3A_2121, %dma_start3A_2124] : memref<131072x128xf32, #tpu.memory_space<hbm>> -> memref<128x128xf32, #tpu.memory_space<hbm>>
    tpu.enqueue_dma source(%arg12 : memref<128x128xf32, #tpu.memory_space<vmem>>) target(%dma_start3A_2125 : memref<128x128xf32, #tpu.memory_space<hbm>>) target_semaphore(%arg24 : memref<!tpu.dma_semaphore, #tpu.memory_space<semaphore_mem>>)
    %add3A_2126 = arith.constant 18 : i32
    %add3A_2127 = arith.addi %mul3A_2, %add3A_2126 : i32
    %mul3A_2128 = arith.constant 128 : i32
    %mul3A_2129 = arith.muli %add3A_2127, %mul3A_2128 : i32
    %dma_wait3A_2130 = arith.constant 0 : i32
    %dma_wait3A_2131 = tpu.memref_slice %arg3[%mul3A_2129, %dma_wait3A_2130] : memref<131072x128xf32, #tpu.memory_space<hbm>> -> memref<128x128xf32, #tpu.memory_space<hbm>>
    %dma_wait3A_2132 = arith.constant 0 : i32
    %dma_wait3A_2133 = tpu.memref_slice %arg3[%mul3A_2129, %dma_wait3A_2132] : memref<131072x128xf32, #tpu.memory_space<hbm>> -> memref<128x128xf32, #tpu.memory_space<hbm>>
    tpu.wait_dma2 semaphore(%arg22 : memref<!tpu.dma_semaphore, #tpu.memory_space<semaphore_mem>>) src(%arg10 : memref<128x128xf32, #tpu.memory_space<vmem>>) dst(%dma_wait3A_2133 : memref<128x128xf32, #tpu.memory_space<hbm>>)
    %add3A_2134 = arith.constant 24 : i32
    %add3A_2135 = arith.addi %mul3A_2, %add3A_2134 : i32
    %mul3A_2136 = arith.constant 128 : i32
    %mul3A_2137 = arith.muli %add3A_2135, %mul3A_2136 : i32
    %add3A_2138 = arith.constant 127 : i32
    %add3A_2139 = arith.addi %mul3A_2137, %add3A_2138 : i32
    %sub3A_2140 = arith.constant 0 : i32
    %sub3A_2141 = arith.subi %add3A_2139, %sub3A_2140 : i32
    %sub3A_2142 = vector.broadcast %sub3A_2141 : i32 to vector<16xi32>
    %sub3A_2143 = arith.subi %sub3A_2142, %iota3A : vector<16xi32>
    %swap3A_2144 = arith.constant 0 : index
    %swap3A_2145 = tpu.vector_load %arg4[%swap3A_2144] {strides = array<i32>} : memref<128xi32, #tpu.memory_space<vmem>>, vector<16xi32>,
    %swap3A_2146 = vector.shape_cast %swap3A_2145 : vector<16xi32> to vector<16xi32>
    %swap3A_2147 = vector.shape_cast %sub3A_2143 : vector<16xi32> to vector<16xi32>
    tpu.vector_store %arg4[%swap3A_2144], %swap3A_2147 {strides = array<i32>} : memref<128xi32, #tpu.memory_space<vmem>>, vector<16xi32>,
    %sub3A_2148 = arith.constant 16 : i32
    %sub3A_2149 = arith.subi %add3A_2139, %sub3A_2148 : i32
    %sub3A_2150 = vector.broadcast %sub3A_2149 : i32 to vector<16xi32>
    %sub3A_2151 = arith.subi %sub3A_2150, %iota3A : vector<16xi32>
    %swap3A_2152 = arith.constant 16 : index
    %swap3A_2153 = tpu.vector_load %arg4[%swap3A_2152] {strides = array<i32>} : memref<128xi32, #tpu.memory_space<vmem>>, vector<16xi32>,
    %swap3A_2154 = vector.shape_cast %swap3A_2153 : vector<16xi32> to vector<16xi32>
    %swap3A_2155 = vector.shape_cast %sub3A_2151 : vector<16xi32> to vector<16xi32>
    tpu.vector_store %arg4[%swap3A_2152], %swap3A_2155 {strides = array<i32>} : memref<128xi32, #tpu.memory_space<vmem>>, vector<16xi32>,
    %sub3A_2156 = arith.constant 32 : i32
    %sub3A_2157 = arith.subi %add3A_2139, %sub3A_2156 : i32
    %sub3A_2158 = vector.broadcast %sub3A_2157 : i32 to vector<16xi32>
    %sub3A_2159 = arith.subi %sub3A_2158, %iota3A : vector<16xi32>
    %swap3A_2160 = arith.constant 32 : index
    %swap3A_2161 = tpu.vector_load %arg4[%swap3A_2160] {strides = array<i32>} : memref<128xi32, #tpu.memory_space<vmem>>, vector<16xi32>,
    %swap3A_2162 = vector.shape_cast %swap3A_2161 : vector<16xi32> to vector<16xi32>
    %swap3A_2163 = vector.shape_cast %sub3A_2159 : vector<16xi32> to vector<16xi32>
    tpu.vector_store %arg4[%swap3A_2160], %swap3A_2163 {strides = array<i32>} : memref<128xi32, #tpu.memory_space<vmem>>, vector<16xi32>,
    %sub3A_2164 = arith.constant 48 : i32
    %sub3A_2165 = arith.subi %add3A_2139, %sub3A_2164 : i32
    %sub3A_2166 = vector.broadcast %sub3A_2165 : i32 to vector<16xi32>
    %sub3A_2167 = arith.subi %sub3A_2166, %iota3A : vector<16xi32>
    %swap3A_2168 = arith.constant 48 : index
    %swap3A_2169 = tpu.vector_load %arg4[%swap3A_2168] {strides = array<i32>} : memref<128xi32, #tpu.memory_space<vmem>>, vector<16xi32>,
    %swap3A_2170 = vector.shape_cast %swap3A_2169 : vector<16xi32> to vector<16xi32>
    %swap3A_2171 = vector.shape_cast %sub3A_2167 : vector<16xi32> to vector<16xi32>
    tpu.vector_store %arg4[%swap3A_2168], %swap3A_2171 {strides = array<i32>} : memref<128xi32, #tpu.memory_space<vmem>>, vector<16xi32>,
    %sub3A_2172 = arith.constant 64 : i32
    %sub3A_2173 = arith.subi %add3A_2139, %sub3A_2172 : i32
    %sub3A_2174 = vector.broadcast %sub3A_2173 : i32 to vector<16xi32>
    %sub3A_2175 = arith.subi %sub3A_2174, %iota3A : vector<16xi32>
    %swap3A_2176 = arith.constant 64 : index
    %swap3A_2177 = tpu.vector_load %arg4[%swap3A_2176] {strides = array<i32>} : memref<128xi32, #tpu.memory_space<vmem>>, vector<16xi32>,
    %swap3A_2178 = vector.shape_cast %swap3A_2177 : vector<16xi32> to vector<16xi32>
    %swap3A_2179 = vector.shape_cast %sub3A_2175 : vector<16xi32> to vector<16xi32>
    tpu.vector_store %arg4[%swap3A_2176], %swap3A_2179 {strides = array<i32>} : memref<128xi32, #tpu.memory_space<vmem>>, vector<16xi32>,
    %sub3A_2180 = arith.constant 80 : i32
    %sub3A_2181 = arith.subi %add3A_2139, %sub3A_2180 : i32
    %sub3A_2182 = vector.broadcast %sub3A_2181 : i32 to vector<16xi32>
    %sub3A_2183 = arith.subi %sub3A_2182, %iota3A : vector<16xi32>
    %swap3A_2184 = arith.constant 80 : index
    %swap3A_2185 = tpu.vector_load %arg4[%swap3A_2184] {strides = array<i32>} : memref<128xi32, #tpu.memory_space<vmem>>, vector<16xi32>,
    %swap3A_2186 = vector.shape_cast %swap3A_2185 : vector<16xi32> to vector<16xi32>
    %swap3A_2187 = vector.shape_cast %sub3A_2183 : vector<16xi32> to vector<16xi32>
    tpu.vector_store %arg4[%swap3A_2184], %swap3A_2187 {strides = array<i32>} : memref<128xi32, #tpu.memory_space<vmem>>, vector<16xi32>,
    %sub3A_2188 = arith.constant 96 : i32
    %sub3A_2189 = arith.subi %add3A_2139, %sub3A_2188 : i32
    %sub3A_2190 = vector.broadcast %sub3A_2189 : i32 to vector<16xi32>
    %sub3A_2191 = arith.subi %sub3A_2190, %iota3A : vector<16xi32>
    %swap3A_2192 = arith.constant 96 : index
    %swap3A_2193 = tpu.vector_load %arg4[%swap3A_2192] {strides = array<i32>} : memref<128xi32, #tpu.memory_space<vmem>>, vector<16xi32>,
    %swap3A_2194 = vector.shape_cast %swap3A_2193 : vector<16xi32> to vector<16xi32>
    %swap3A_2195 = vector.shape_cast %sub3A_2191 : vector<16xi32> to vector<16xi32>
    tpu.vector_store %arg4[%swap3A_2192], %swap3A_2195 {strides = array<i32>} : memref<128xi32, #tpu.memory_space<vmem>>, vector<16xi32>,
    %sub3A_2196 = arith.constant 112 : i32
    %sub3A_2197 = arith.subi %add3A_2139, %sub3A_2196 : i32
    %sub3A_2198 = vector.broadcast %sub3A_2197 : i32 to vector<16xi32>
    %sub3A_2199 = arith.subi %sub3A_2198, %iota3A : vector<16xi32>
    %swap3A_2200 = arith.constant 112 : index
    %swap3A_2201 = tpu.vector_load %arg4[%swap3A_2200] {strides = array<i32>} : memref<128xi32, #tpu.memory_space<vmem>>, vector<16xi32>,
    %swap3A_2202 = vector.shape_cast %swap3A_2201 : vector<16xi32> to vector<16xi32>
    %swap3A_2203 = vector.shape_cast %sub3A_2199 : vector<16xi32> to vector<16xi32>
    tpu.vector_store %arg4[%swap3A_2200], %swap3A_2203 {strides = array<i32>} : memref<128xi32, #tpu.memory_space<vmem>>, vector<16xi32>,
    %dma_start3A_2204 = arith.constant 0 : i32
    %dma_start3A_2205 = arith.constant 0 : i32
    %dma_start3A_2206 = tpu.memref_slice %arg2[%dma_start3A_2204, %dma_start3A_2205] : memref<131072x128xf32, #tpu.memory_space<hbm>> -> memref<131072x128xf32, #tpu.memory_space<hbm>>
    tpu.enqueue_indirect_dma source(%dma_start3A_2206 : memref<131072x128xf32, #tpu.memory_space<hbm>>) target(%arg10 : memref<128x128xf32, #tpu.memory_space<vmem>>) offsets(%arg4 : memref<128xi32, #tpu.memory_space<vmem>>) semaphore(%arg16 : memref<!tpu.dma_semaphore, #tpu.memory_space<semaphore_mem>>)
    %dma_wait3A_2207 = arith.constant 0 : i32
    %dma_wait3A_2208 = arith.constant 0 : i32
    %dma_wait3A_2209 = tpu.memref_slice %arg2[%dma_wait3A_2207, %dma_wait3A_2208] : memref<131072x128xf32, #tpu.memory_space<hbm>> -> memref<131072x128xf32, #tpu.memory_space<hbm>>
    tpu.wait_indirect_dma semaphore(%arg19 : memref<!tpu.dma_semaphore, #tpu.memory_space<semaphore_mem>>) src(%dma_wait3A_2209 : memref<131072x128xf32, #tpu.memory_space<hbm>>) dst(%arg13 : memref<128x128xf32, #tpu.memory_space<vmem>>)
    %add3A_2210 = arith.constant 21 : i32
    %add3A_2211 = arith.addi %mul3A_2, %add3A_2210 : i32
    %mul3A_2212 = arith.constant 128 : i32
    %mul3A_2213 = arith.muli %add3A_2211, %mul3A_2212 : i32
    %dma_start3A_2214 = arith.constant 0 : i32
    %dma_start3A_2215 = tpu.memref_slice %arg3[%mul3A_2213, %dma_start3A_2214] : memref<131072x128xf32, #tpu.memory_space<hbm>> -> memref<128x128xf32, #tpu.memory_space<hbm>>
    %dma_start3A_2216 = arith.constant 0 : i32
    %dma_start3A_2217 = tpu.memref_slice %arg3[%mul3A_2213, %dma_start3A_2216] : memref<131072x128xf32, #tpu.memory_space<hbm>> -> memref<128x128xf32, #tpu.memory_space<hbm>>
    tpu.enqueue_dma source(%arg13 : memref<128x128xf32, #tpu.memory_space<vmem>>) target(%dma_start3A_2217 : memref<128x128xf32, #tpu.memory_space<hbm>>) target_semaphore(%arg25 : memref<!tpu.dma_semaphore, #tpu.memory_space<semaphore_mem>>)
    %add3A_2218 = arith.constant 19 : i32
    %add3A_2219 = arith.addi %mul3A_2, %add3A_2218 : i32
    %mul3A_2220 = arith.constant 128 : i32
    %mul3A_2221 = arith.muli %add3A_2219, %mul3A_2220 : i32
    %dma_wait3A_2222 = arith.constant 0 : i32
    %dma_wait3A_2223 = tpu.memref_slice %arg3[%mul3A_2221, %dma_wait3A_2222] : memref<131072x128xf32, #tpu.memory_space<hbm>> -> memref<128x128xf32, #tpu.memory_space<hbm>>
    %dma_wait3A_2224 = arith.constant 0 : i32
    %dma_wait3A_2225 = tpu.memref_slice %arg3[%mul3A_2221, %dma_wait3A_2224] : memref<131072x128xf32, #tpu.memory_space<hbm>> -> memref<128x128xf32, #tpu.memory_space<hbm>>
    tpu.wait_dma2 semaphore(%arg23 : memref<!tpu.dma_semaphore, #tpu.memory_space<semaphore_mem>>) src(%arg11 : memref<128x128xf32, #tpu.memory_space<vmem>>) dst(%dma_wait3A_2225 : memref<128x128xf32, #tpu.memory_space<hbm>>)
    %add3A_2226 = arith.constant 25 : i32
    %add3A_2227 = arith.addi %mul3A_2, %add3A_2226 : i32
    %mul3A_2228 = arith.constant 128 : i32
    %mul3A_2229 = arith.muli %add3A_2227, %mul3A_2228 : i32
    %add3A_2230 = arith.constant 127 : i32
    %add3A_2231 = arith.addi %mul3A_2229, %add3A_2230 : i32
    %sub3A_2232 = arith.constant 0 : i32
    %sub3A_2233 = arith.subi %add3A_2231, %sub3A_2232 : i32
    %sub3A_2234 = vector.broadcast %sub3A_2233 : i32 to vector<16xi32>
    %sub3A_2235 = arith.subi %sub3A_2234, %iota3A : vector<16xi32>
    %swap3A_2236 = arith.constant 0 : index
    %swap3A_2237 = tpu.vector_load %arg5[%swap3A_2236] {strides = array<i32>} : memref<128xi32, #tpu.memory_space<vmem>>, vector<16xi32>,
    %swap3A_2238 = vector.shape_cast %swap3A_2237 : vector<16xi32> to vector<16xi32>
    %swap3A_2239 = vector.shape_cast %sub3A_2235 : vector<16xi32> to vector<16xi32>
    tpu.vector_store %arg5[%swap3A_2236], %swap3A_2239 {strides = array<i32>} : memref<128xi32, #tpu.memory_space<vmem>>, vector<16xi32>,
    %sub3A_2240 = arith.constant 16 : i32
    %sub3A_2241 = arith.subi %add3A_2231, %sub3A_2240 : i32
    %sub3A_2242 = vector.broadcast %sub3A_2241 : i32 to vector<16xi32>
    %sub3A_2243 = arith.subi %sub3A_2242, %iota3A : vector<16xi32>
    %swap3A_2244 = arith.constant 16 : index
    %swap3A_2245 = tpu.vector_load %arg5[%swap3A_2244] {strides = array<i32>} : memref<128xi32, #tpu.memory_space<vmem>>, vector<16xi32>,
    %swap3A_2246 = vector.shape_cast %swap3A_2245 : vector<16xi32> to vector<16xi32>
    %swap3A_2247 = vector.shape_cast %sub3A_2243 : vector<16xi32> to vector<16xi32>
    tpu.vector_store %arg5[%swap3A_2244], %swap3A_2247 {strides = array<i32>} : memref<128xi32, #tpu.memory_space<vmem>>, vector<16xi32>,
    %sub3A_2248 = arith.constant 32 : i32
    %sub3A_2249 = arith.subi %add3A_2231, %sub3A_2248 : i32
    %sub3A_2250 = vector.broadcast %sub3A_2249 : i32 to vector<16xi32>
    %sub3A_2251 = arith.subi %sub3A_2250, %iota3A : vector<16xi32>
    %swap3A_2252 = arith.constant 32 : index
    %swap3A_2253 = tpu.vector_load %arg5[%swap3A_2252] {strides = array<i32>} : memref<128xi32, #tpu.memory_space<vmem>>, vector<16xi32>,
    %swap3A_2254 = vector.shape_cast %swap3A_2253 : vector<16xi32> to vector<16xi32>
    %swap3A_2255 = vector.shape_cast %sub3A_2251 : vector<16xi32> to vector<16xi32>
    tpu.vector_store %arg5[%swap3A_2252], %swap3A_2255 {strides = array<i32>} : memref<128xi32, #tpu.memory_space<vmem>>, vector<16xi32>,
    %sub3A_2256 = arith.constant 48 : i32
    %sub3A_2257 = arith.subi %add3A_2231, %sub3A_2256 : i32
    %sub3A_2258 = vector.broadcast %sub3A_2257 : i32 to vector<16xi32>
    %sub3A_2259 = arith.subi %sub3A_2258, %iota3A : vector<16xi32>
    %swap3A_2260 = arith.constant 48 : index
    %swap3A_2261 = tpu.vector_load %arg5[%swap3A_2260] {strides = array<i32>} : memref<128xi32, #tpu.memory_space<vmem>>, vector<16xi32>,
    %swap3A_2262 = vector.shape_cast %swap3A_2261 : vector<16xi32> to vector<16xi32>
    %swap3A_2263 = vector.shape_cast %sub3A_2259 : vector<16xi32> to vector<16xi32>
    tpu.vector_store %arg5[%swap3A_2260], %swap3A_2263 {strides = array<i32>} : memref<128xi32, #tpu.memory_space<vmem>>, vector<16xi32>,
    %sub3A_2264 = arith.constant 64 : i32
    %sub3A_2265 = arith.subi %add3A_2231, %sub3A_2264 : i32
    %sub3A_2266 = vector.broadcast %sub3A_2265 : i32 to vector<16xi32>
    %sub3A_2267 = arith.subi %sub3A_2266, %iota3A : vector<16xi32>
    %swap3A_2268 = arith.constant 64 : index
    %swap3A_2269 = tpu.vector_load %arg5[%swap3A_2268] {strides = array<i32>} : memref<128xi32, #tpu.memory_space<vmem>>, vector<16xi32>,
    %swap3A_2270 = vector.shape_cast %swap3A_2269 : vector<16xi32> to vector<16xi32>
    %swap3A_2271 = vector.shape_cast %sub3A_2267 : vector<16xi32> to vector<16xi32>
    tpu.vector_store %arg5[%swap3A_2268], %swap3A_2271 {strides = array<i32>} : memref<128xi32, #tpu.memory_space<vmem>>, vector<16xi32>,
    %sub3A_2272 = arith.constant 80 : i32
    %sub3A_2273 = arith.subi %add3A_2231, %sub3A_2272 : i32
    %sub3A_2274 = vector.broadcast %sub3A_2273 : i32 to vector<16xi32>
    %sub3A_2275 = arith.subi %sub3A_2274, %iota3A : vector<16xi32>
    %swap3A_2276 = arith.constant 80 : index
    %swap3A_2277 = tpu.vector_load %arg5[%swap3A_2276] {strides = array<i32>} : memref<128xi32, #tpu.memory_space<vmem>>, vector<16xi32>,
    %swap3A_2278 = vector.shape_cast %swap3A_2277 : vector<16xi32> to vector<16xi32>
    %swap3A_2279 = vector.shape_cast %sub3A_2275 : vector<16xi32> to vector<16xi32>
    tpu.vector_store %arg5[%swap3A_2276], %swap3A_2279 {strides = array<i32>} : memref<128xi32, #tpu.memory_space<vmem>>, vector<16xi32>,
    %sub3A_2280 = arith.constant 96 : i32
    %sub3A_2281 = arith.subi %add3A_2231, %sub3A_2280 : i32
    %sub3A_2282 = vector.broadcast %sub3A_2281 : i32 to vector<16xi32>
    %sub3A_2283 = arith.subi %sub3A_2282, %iota3A : vector<16xi32>
    %swap3A_2284 = arith.constant 96 : index
    %swap3A_2285 = tpu.vector_load %arg5[%swap3A_2284] {strides = array<i32>} : memref<128xi32, #tpu.memory_space<vmem>>, vector<16xi32>,
    %swap3A_2286 = vector.shape_cast %swap3A_2285 : vector<16xi32> to vector<16xi32>
    %swap3A_2287 = vector.shape_cast %sub3A_2283 : vector<16xi32> to vector<16xi32>
    tpu.vector_store %arg5[%swap3A_2284], %swap3A_2287 {strides = array<i32>} : memref<128xi32, #tpu.memory_space<vmem>>, vector<16xi32>,
    %sub3A_2288 = arith.constant 112 : i32
    %sub3A_2289 = arith.subi %add3A_2231, %sub3A_2288 : i32
    %sub3A_2290 = vector.broadcast %sub3A_2289 : i32 to vector<16xi32>
    %sub3A_2291 = arith.subi %sub3A_2290, %iota3A : vector<16xi32>
    %swap3A_2292 = arith.constant 112 : index
    %swap3A_2293 = tpu.vector_load %arg5[%swap3A_2292] {strides = array<i32>} : memref<128xi32, #tpu.memory_space<vmem>>, vector<16xi32>,
    %swap3A_2294 = vector.shape_cast %swap3A_2293 : vector<16xi32> to vector<16xi32>
    %swap3A_2295 = vector.shape_cast %sub3A_2291 : vector<16xi32> to vector<16xi32>
    tpu.vector_store %arg5[%swap3A_2292], %swap3A_2295 {strides = array<i32>} : memref<128xi32, #tpu.memory_space<vmem>>, vector<16xi32>,
    %dma_start3A_2296 = arith.constant 0 : i32
    %dma_start3A_2297 = arith.constant 0 : i32
    %dma_start3A_2298 = tpu.memref_slice %arg2[%dma_start3A_2296, %dma_start3A_2297] : memref<131072x128xf32, #tpu.memory_space<hbm>> -> memref<131072x128xf32, #tpu.memory_space<hbm>>
    tpu.enqueue_indirect_dma source(%dma_start3A_2298 : memref<131072x128xf32, #tpu.memory_space<hbm>>) target(%arg11 : memref<128x128xf32, #tpu.memory_space<vmem>>) offsets(%arg5 : memref<128xi32, #tpu.memory_space<vmem>>) semaphore(%arg17 : memref<!tpu.dma_semaphore, #tpu.memory_space<semaphore_mem>>)
    %dma_wait3A_2299 = arith.constant 0 : i32
    %dma_wait3A_2300 = arith.constant 0 : i32
    %dma_wait3A_2301 = tpu.memref_slice %arg2[%dma_wait3A_2299, %dma_wait3A_2300] : memref<131072x128xf32, #tpu.memory_space<hbm>> -> memref<131072x128xf32, #tpu.memory_space<hbm>>
    tpu.wait_indirect_dma semaphore(%arg20 : memref<!tpu.dma_semaphore, #tpu.memory_space<semaphore_mem>>) src(%dma_wait3A_2301 : memref<131072x128xf32, #tpu.memory_space<hbm>>) dst(%arg14 : memref<128x128xf32, #tpu.memory_space<vmem>>)
    %add3A_2302 = arith.constant 22 : i32
    %add3A_2303 = arith.addi %mul3A_2, %add3A_2302 : i32
    %mul3A_2304 = arith.constant 128 : i32
    %mul3A_2305 = arith.muli %add3A_2303, %mul3A_2304 : i32
    %dma_start3A_2306 = arith.constant 0 : i32
    %dma_start3A_2307 = tpu.memref_slice %arg3[%mul3A_2305, %dma_start3A_2306] : memref<131072x128xf32, #tpu.memory_space<hbm>> -> memref<128x128xf32, #tpu.memory_space<hbm>>
    %dma_start3A_2308 = arith.constant 0 : i32
    %dma_start3A_2309 = tpu.memref_slice %arg3[%mul3A_2305, %dma_start3A_2308] : memref<131072x128xf32, #tpu.memory_space<hbm>> -> memref<128x128xf32, #tpu.memory_space<hbm>>
    tpu.enqueue_dma source(%arg14 : memref<128x128xf32, #tpu.memory_space<vmem>>) target(%dma_start3A_2309 : memref<128x128xf32, #tpu.memory_space<hbm>>) target_semaphore(%arg26 : memref<!tpu.dma_semaphore, #tpu.memory_space<semaphore_mem>>)
    %add3A_2310 = arith.constant 20 : i32
    %add3A_2311 = arith.addi %mul3A_2, %add3A_2310 : i32
    %mul3A_2312 = arith.constant 128 : i32
    %mul3A_2313 = arith.muli %add3A_2311, %mul3A_2312 : i32
    %dma_wait3A_2314 = arith.constant 0 : i32
    %dma_wait3A_2315 = tpu.memref_slice %arg3[%mul3A_2313, %dma_wait3A_2314] : memref<131072x128xf32, #tpu.memory_space<hbm>> -> memref<128x128xf32, #tpu.memory_space<hbm>>
    %dma_wait3A_2316 = arith.constant 0 : i32
    %dma_wait3A_2317 = tpu.memref_slice %arg3[%mul3A_2313, %dma_wait3A_2316] : memref<131072x128xf32, #tpu.memory_space<hbm>> -> memref<128x128xf32, #tpu.memory_space<hbm>>
    tpu.wait_dma2 semaphore(%arg24 : memref<!tpu.dma_semaphore, #tpu.memory_space<semaphore_mem>>) src(%arg12 : memref<128x128xf32, #tpu.memory_space<vmem>>) dst(%dma_wait3A_2317 : memref<128x128xf32, #tpu.memory_space<hbm>>)
    %add3A_2318 = arith.constant 26 : i32
    %add3A_2319 = arith.addi %mul3A_2, %add3A_2318 : i32
    %mul3A_2320 = arith.constant 128 : i32
    %mul3A_2321 = arith.muli %add3A_2319, %mul3A_2320 : i32
    %add3A_2322 = arith.constant 127 : i32
    %add3A_2323 = arith.addi %mul3A_2321, %add3A_2322 : i32
    %sub3A_2324 = arith.constant 0 : i32
    %sub3A_2325 = arith.subi %add3A_2323, %sub3A_2324 : i32
    %sub3A_2326 = vector.broadcast %sub3A_2325 : i32 to vector<16xi32>
    %sub3A_2327 = arith.subi %sub3A_2326, %iota3A : vector<16xi32>
    %swap3A_2328 = arith.constant 0 : index
    %swap3A_2329 = tpu.vector_load %arg6[%swap3A_2328] {strides = array<i32>} : memref<128xi32, #tpu.memory_space<vmem>>, vector<16xi32>,
    %swap3A_2330 = vector.shape_cast %swap3A_2329 : vector<16xi32> to vector<16xi32>
    %swap3A_2331 = vector.shape_cast %sub3A_2327 : vector<16xi32> to vector<16xi32>
    tpu.vector_store %arg6[%swap3A_2328], %swap3A_2331 {strides = array<i32>} : memref<128xi32, #tpu.memory_space<vmem>>, vector<16xi32>,
    %sub3A_2332 = arith.constant 16 : i32
    %sub3A_2333 = arith.subi %add3A_2323, %sub3A_2332 : i32
    %sub3A_2334 = vector.broadcast %sub3A_2333 : i32 to vector<16xi32>
    %sub3A_2335 = arith.subi %sub3A_2334, %iota3A : vector<16xi32>
    %swap3A_2336 = arith.constant 16 : index
    %swap3A_2337 = tpu.vector_load %arg6[%swap3A_2336] {strides = array<i32>} : memref<128xi32, #tpu.memory_space<vmem>>, vector<16xi32>,
    %swap3A_2338 = vector.shape_cast %swap3A_2337 : vector<16xi32> to vector<16xi32>
    %swap3A_2339 = vector.shape_cast %sub3A_2335 : vector<16xi32> to vector<16xi32>
    tpu.vector_store %arg6[%swap3A_2336], %swap3A_2339 {strides = array<i32>} : memref<128xi32, #tpu.memory_space<vmem>>, vector<16xi32>,
    %sub3A_2340 = arith.constant 32 : i32
    %sub3A_2341 = arith.subi %add3A_2323, %sub3A_2340 : i32
    %sub3A_2342 = vector.broadcast %sub3A_2341 : i32 to vector<16xi32>
    %sub3A_2343 = arith.subi %sub3A_2342, %iota3A : vector<16xi32>
    %swap3A_2344 = arith.constant 32 : index
    %swap3A_2345 = tpu.vector_load %arg6[%swap3A_2344] {strides = array<i32>} : memref<128xi32, #tpu.memory_space<vmem>>, vector<16xi32>,
    %swap3A_2346 = vector.shape_cast %swap3A_2345 : vector<16xi32> to vector<16xi32>
    %swap3A_2347 = vector.shape_cast %sub3A_2343 : vector<16xi32> to vector<16xi32>
    tpu.vector_store %arg6[%swap3A_2344], %swap3A_2347 {strides = array<i32>} : memref<128xi32, #tpu.memory_space<vmem>>, vector<16xi32>,
    %sub3A_2348 = arith.constant 48 : i32
    %sub3A_2349 = arith.subi %add3A_2323, %sub3A_2348 : i32
    %sub3A_2350 = vector.broadcast %sub3A_2349 : i32 to vector<16xi32>
    %sub3A_2351 = arith.subi %sub3A_2350, %iota3A : vector<16xi32>
    %swap3A_2352 = arith.constant 48 : index
    %swap3A_2353 = tpu.vector_load %arg6[%swap3A_2352] {strides = array<i32>} : memref<128xi32, #tpu.memory_space<vmem>>, vector<16xi32>,
    %swap3A_2354 = vector.shape_cast %swap3A_2353 : vector<16xi32> to vector<16xi32>
    %swap3A_2355 = vector.shape_cast %sub3A_2351 : vector<16xi32> to vector<16xi32>
    tpu.vector_store %arg6[%swap3A_2352], %swap3A_2355 {strides = array<i32>} : memref<128xi32, #tpu.memory_space<vmem>>, vector<16xi32>,
    %sub3A_2356 = arith.constant 64 : i32
    %sub3A_2357 = arith.subi %add3A_2323, %sub3A_2356 : i32
    %sub3A_2358 = vector.broadcast %sub3A_2357 : i32 to vector<16xi32>
    %sub3A_2359 = arith.subi %sub3A_2358, %iota3A : vector<16xi32>
    %swap3A_2360 = arith.constant 64 : index
    %swap3A_2361 = tpu.vector_load %arg6[%swap3A_2360] {strides = array<i32>} : memref<128xi32, #tpu.memory_space<vmem>>, vector<16xi32>,
    %swap3A_2362 = vector.shape_cast %swap3A_2361 : vector<16xi32> to vector<16xi32>
    %swap3A_2363 = vector.shape_cast %sub3A_2359 : vector<16xi32> to vector<16xi32>
    tpu.vector_store %arg6[%swap3A_2360], %swap3A_2363 {strides = array<i32>} : memref<128xi32, #tpu.memory_space<vmem>>, vector<16xi32>,
    %sub3A_2364 = arith.constant 80 : i32
    %sub3A_2365 = arith.subi %add3A_2323, %sub3A_2364 : i32
    %sub3A_2366 = vector.broadcast %sub3A_2365 : i32 to vector<16xi32>
    %sub3A_2367 = arith.subi %sub3A_2366, %iota3A : vector<16xi32>
    %swap3A_2368 = arith.constant 80 : index
    %swap3A_2369 = tpu.vector_load %arg6[%swap3A_2368] {strides = array<i32>} : memref<128xi32, #tpu.memory_space<vmem>>, vector<16xi32>,
    %swap3A_2370 = vector.shape_cast %swap3A_2369 : vector<16xi32> to vector<16xi32>
    %swap3A_2371 = vector.shape_cast %sub3A_2367 : vector<16xi32> to vector<16xi32>
    tpu.vector_store %arg6[%swap3A_2368], %swap3A_2371 {strides = array<i32>} : memref<128xi32, #tpu.memory_space<vmem>>, vector<16xi32>,
    %sub3A_2372 = arith.constant 96 : i32
    %sub3A_2373 = arith.subi %add3A_2323, %sub3A_2372 : i32
    %sub3A_2374 = vector.broadcast %sub3A_2373 : i32 to vector<16xi32>
    %sub3A_2375 = arith.subi %sub3A_2374, %iota3A : vector<16xi32>
    %swap3A_2376 = arith.constant 96 : index
    %swap3A_2377 = tpu.vector_load %arg6[%swap3A_2376] {strides = array<i32>} : memref<128xi32, #tpu.memory_space<vmem>>, vector<16xi32>,
    %swap3A_2378 = vector.shape_cast %swap3A_2377 : vector<16xi32> to vector<16xi32>
    %swap3A_2379 = vector.shape_cast %sub3A_2375 : vector<16xi32> to vector<16xi32>
    tpu.vector_store %arg6[%swap3A_2376], %swap3A_2379 {strides = array<i32>} : memref<128xi32, #tpu.memory_space<vmem>>, vector<16xi32>,
    %sub3A_2380 = arith.constant 112 : i32
    %sub3A_2381 = arith.subi %add3A_2323, %sub3A_2380 : i32
    %sub3A_2382 = vector.broadcast %sub3A_2381 : i32 to vector<16xi32>
    %sub3A_2383 = arith.subi %sub3A_2382, %iota3A : vector<16xi32>
    %swap3A_2384 = arith.constant 112 : index
    %swap3A_2385 = tpu.vector_load %arg6[%swap3A_2384] {strides = array<i32>} : memref<128xi32, #tpu.memory_space<vmem>>, vector<16xi32>,
    %swap3A_2386 = vector.shape_cast %swap3A_2385 : vector<16xi32> to vector<16xi32>
    %swap3A_2387 = vector.shape_cast %sub3A_2383 : vector<16xi32> to vector<16xi32>
    tpu.vector_store %arg6[%swap3A_2384], %swap3A_2387 {strides = array<i32>} : memref<128xi32, #tpu.memory_space<vmem>>, vector<16xi32>,
    %dma_start3A_2388 = arith.constant 0 : i32
    %dma_start3A_2389 = arith.constant 0 : i32
    %dma_start3A_2390 = tpu.memref_slice %arg2[%dma_start3A_2388, %dma_start3A_2389] : memref<131072x128xf32, #tpu.memory_space<hbm>> -> memref<131072x128xf32, #tpu.memory_space<hbm>>
    tpu.enqueue_indirect_dma source(%dma_start3A_2390 : memref<131072x128xf32, #tpu.memory_space<hbm>>) target(%arg12 : memref<128x128xf32, #tpu.memory_space<vmem>>) offsets(%arg6 : memref<128xi32, #tpu.memory_space<vmem>>) semaphore(%arg18 : memref<!tpu.dma_semaphore, #tpu.memory_space<semaphore_mem>>)
    %dma_wait3A_2391 = arith.constant 0 : i32
    %dma_wait3A_2392 = arith.constant 0 : i32
    %dma_wait3A_2393 = tpu.memref_slice %arg2[%dma_wait3A_2391, %dma_wait3A_2392] : memref<131072x128xf32, #tpu.memory_space<hbm>> -> memref<131072x128xf32, #tpu.memory_space<hbm>>
    tpu.wait_indirect_dma semaphore(%arg21 : memref<!tpu.dma_semaphore, #tpu.memory_space<semaphore_mem>>) src(%dma_wait3A_2393 : memref<131072x128xf32, #tpu.memory_space<hbm>>) dst(%arg15 : memref<128x128xf32, #tpu.memory_space<vmem>>)
    %add3A_2394 = arith.constant 23 : i32
    %add3A_2395 = arith.addi %mul3A_2, %add3A_2394 : i32
    %mul3A_2396 = arith.constant 128 : i32
    %mul3A_2397 = arith.muli %add3A_2395, %mul3A_2396 : i32
    %dma_start3A_2398 = arith.constant 0 : i32
    %dma_start3A_2399 = tpu.memref_slice %arg3[%mul3A_2397, %dma_start3A_2398] : memref<131072x128xf32, #tpu.memory_space<hbm>> -> memref<128x128xf32, #tpu.memory_space<hbm>>
    %dma_start3A_2400 = arith.constant 0 : i32
    %dma_start3A_2401 = tpu.memref_slice %arg3[%mul3A_2397, %dma_start3A_2400] : memref<131072x128xf32, #tpu.memory_space<hbm>> -> memref<128x128xf32, #tpu.memory_space<hbm>>
    tpu.enqueue_dma source(%arg15 : memref<128x128xf32, #tpu.memory_space<vmem>>) target(%dma_start3A_2401 : memref<128x128xf32, #tpu.memory_space<hbm>>) target_semaphore(%arg27 : memref<!tpu.dma_semaphore, #tpu.memory_space<semaphore_mem>>)
    %add3A_2402 = arith.constant 21 : i32
    %add3A_2403 = arith.addi %mul3A_2, %add3A_2402 : i32
    %mul3A_2404 = arith.constant 128 : i32
    %mul3A_2405 = arith.muli %add3A_2403, %mul3A_2404 : i32
    %dma_wait3A_2406 = arith.constant 0 : i32
    %dma_wait3A_2407 = tpu.memref_slice %arg3[%mul3A_2405, %dma_wait3A_2406] : memref<131072x128xf32, #tpu.memory_space<hbm>> -> memref<128x128xf32, #tpu.memory_space<hbm>>
    %dma_wait3A_2408 = arith.constant 0 : i32
    %dma_wait3A_2409 = tpu.memref_slice %arg3[%mul3A_2405, %dma_wait3A_2408] : memref<131072x128xf32, #tpu.memory_space<hbm>> -> memref<128x128xf32, #tpu.memory_space<hbm>>
    tpu.wait_dma2 semaphore(%arg25 : memref<!tpu.dma_semaphore, #tpu.memory_space<semaphore_mem>>) src(%arg13 : memref<128x128xf32, #tpu.memory_space<vmem>>) dst(%dma_wait3A_2409 : memref<128x128xf32, #tpu.memory_space<hbm>>)
    %add3A_2410 = arith.constant 27 : i32
    %add3A_2411 = arith.addi %mul3A_2, %add3A_2410 : i32
    %mul3A_2412 = arith.constant 128 : i32
    %mul3A_2413 = arith.muli %add3A_2411, %mul3A_2412 : i32
    %add3A_2414 = arith.constant 127 : i32
    %add3A_2415 = arith.addi %mul3A_2413, %add3A_2414 : i32
    %sub3A_2416 = arith.constant 0 : i32
    %sub3A_2417 = arith.subi %add3A_2415, %sub3A_2416 : i32
    %sub3A_2418 = vector.broadcast %sub3A_2417 : i32 to vector<16xi32>
    %sub3A_2419 = arith.subi %sub3A_2418, %iota3A : vector<16xi32>
    %swap3A_2420 = arith.constant 0 : index
    %swap3A_2421 = tpu.vector_load %arg7[%swap3A_2420] {strides = array<i32>} : memref<128xi32, #tpu.memory_space<vmem>>, vector<16xi32>,
    %swap3A_2422 = vector.shape_cast %swap3A_2421 : vector<16xi32> to vector<16xi32>
    %swap3A_2423 = vector.shape_cast %sub3A_2419 : vector<16xi32> to vector<16xi32>
    tpu.vector_store %arg7[%swap3A_2420], %swap3A_2423 {strides = array<i32>} : memref<128xi32, #tpu.memory_space<vmem>>, vector<16xi32>,
    %sub3A_2424 = arith.constant 16 : i32
    %sub3A_2425 = arith.subi %add3A_2415, %sub3A_2424 : i32
    %sub3A_2426 = vector.broadcast %sub3A_2425 : i32 to vector<16xi32>
    %sub3A_2427 = arith.subi %sub3A_2426, %iota3A : vector<16xi32>
    %swap3A_2428 = arith.constant 16 : index
    %swap3A_2429 = tpu.vector_load %arg7[%swap3A_2428] {strides = array<i32>} : memref<128xi32, #tpu.memory_space<vmem>>, vector<16xi32>,
    %swap3A_2430 = vector.shape_cast %swap3A_2429 : vector<16xi32> to vector<16xi32>
    %swap3A_2431 = vector.shape_cast %sub3A_2427 : vector<16xi32> to vector<16xi32>
    tpu.vector_store %arg7[%swap3A_2428], %swap3A_2431 {strides = array<i32>} : memref<128xi32, #tpu.memory_space<vmem>>, vector<16xi32>,
    %sub3A_2432 = arith.constant 32 : i32
    %sub3A_2433 = arith.subi %add3A_2415, %sub3A_2432 : i32
    %sub3A_2434 = vector.broadcast %sub3A_2433 : i32 to vector<16xi32>
    %sub3A_2435 = arith.subi %sub3A_2434, %iota3A : vector<16xi32>
    %swap3A_2436 = arith.constant 32 : index
    %swap3A_2437 = tpu.vector_load %arg7[%swap3A_2436] {strides = array<i32>} : memref<128xi32, #tpu.memory_space<vmem>>, vector<16xi32>,
    %swap3A_2438 = vector.shape_cast %swap3A_2437 : vector<16xi32> to vector<16xi32>
    %swap3A_2439 = vector.shape_cast %sub3A_2435 : vector<16xi32> to vector<16xi32>
    tpu.vector_store %arg7[%swap3A_2436], %swap3A_2439 {strides = array<i32>} : memref<128xi32, #tpu.memory_space<vmem>>, vector<16xi32>,
    %sub3A_2440 = arith.constant 48 : i32
    %sub3A_2441 = arith.subi %add3A_2415, %sub3A_2440 : i32
    %sub3A_2442 = vector.broadcast %sub3A_2441 : i32 to vector<16xi32>
    %sub3A_2443 = arith.subi %sub3A_2442, %iota3A : vector<16xi32>
    %swap3A_2444 = arith.constant 48 : index
    %swap3A_2445 = tpu.vector_load %arg7[%swap3A_2444] {strides = array<i32>} : memref<128xi32, #tpu.memory_space<vmem>>, vector<16xi32>,
    %swap3A_2446 = vector.shape_cast %swap3A_2445 : vector<16xi32> to vector<16xi32>
    %swap3A_2447 = vector.shape_cast %sub3A_2443 : vector<16xi32> to vector<16xi32>
    tpu.vector_store %arg7[%swap3A_2444], %swap3A_2447 {strides = array<i32>} : memref<128xi32, #tpu.memory_space<vmem>>, vector<16xi32>,
    %sub3A_2448 = arith.constant 64 : i32
    %sub3A_2449 = arith.subi %add3A_2415, %sub3A_2448 : i32
    %sub3A_2450 = vector.broadcast %sub3A_2449 : i32 to vector<16xi32>
    %sub3A_2451 = arith.subi %sub3A_2450, %iota3A : vector<16xi32>
    %swap3A_2452 = arith.constant 64 : index
    %swap3A_2453 = tpu.vector_load %arg7[%swap3A_2452] {strides = array<i32>} : memref<128xi32, #tpu.memory_space<vmem>>, vector<16xi32>,
    %swap3A_2454 = vector.shape_cast %swap3A_2453 : vector<16xi32> to vector<16xi32>
    %swap3A_2455 = vector.shape_cast %sub3A_2451 : vector<16xi32> to vector<16xi32>
    tpu.vector_store %arg7[%swap3A_2452], %swap3A_2455 {strides = array<i32>} : memref<128xi32, #tpu.memory_space<vmem>>, vector<16xi32>,
    %sub3A_2456 = arith.constant 80 : i32
    %sub3A_2457 = arith.subi %add3A_2415, %sub3A_2456 : i32
    %sub3A_2458 = vector.broadcast %sub3A_2457 : i32 to vector<16xi32>
    %sub3A_2459 = arith.subi %sub3A_2458, %iota3A : vector<16xi32>
    %swap3A_2460 = arith.constant 80 : index
    %swap3A_2461 = tpu.vector_load %arg7[%swap3A_2460] {strides = array<i32>} : memref<128xi32, #tpu.memory_space<vmem>>, vector<16xi32>,
    %swap3A_2462 = vector.shape_cast %swap3A_2461 : vector<16xi32> to vector<16xi32>
    %swap3A_2463 = vector.shape_cast %sub3A_2459 : vector<16xi32> to vector<16xi32>
    tpu.vector_store %arg7[%swap3A_2460], %swap3A_2463 {strides = array<i32>} : memref<128xi32, #tpu.memory_space<vmem>>, vector<16xi32>,
    %sub3A_2464 = arith.constant 96 : i32
    %sub3A_2465 = arith.subi %add3A_2415, %sub3A_2464 : i32
    %sub3A_2466 = vector.broadcast %sub3A_2465 : i32 to vector<16xi32>
    %sub3A_2467 = arith.subi %sub3A_2466, %iota3A : vector<16xi32>
    %swap3A_2468 = arith.constant 96 : index
    %swap3A_2469 = tpu.vector_load %arg7[%swap3A_2468] {strides = array<i32>} : memref<128xi32, #tpu.memory_space<vmem>>, vector<16xi32>,
    %swap3A_2470 = vector.shape_cast %swap3A_2469 : vector<16xi32> to vector<16xi32>
    %swap3A_2471 = vector.shape_cast %sub3A_2467 : vector<16xi32> to vector<16xi32>
    tpu.vector_store %arg7[%swap3A_2468], %swap3A_2471 {strides = array<i32>} : memref<128xi32, #tpu.memory_space<vmem>>, vector<16xi32>,
    %sub3A_2472 = arith.constant 112 : i32
    %sub3A_2473 = arith.subi %add3A_2415, %sub3A_2472 : i32
    %sub3A_2474 = vector.broadcast %sub3A_2473 : i32 to vector<16xi32>
    %sub3A_2475 = arith.subi %sub3A_2474, %iota3A : vector<16xi32>
    %swap3A_2476 = arith.constant 112 : index
    %swap3A_2477 = tpu.vector_load %arg7[%swap3A_2476] {strides = array<i32>} : memref<128xi32, #tpu.memory_space<vmem>>, vector<16xi32>,
    %swap3A_2478 = vector.shape_cast %swap3A_2477 : vector<16xi32> to vector<16xi32>
    %swap3A_2479 = vector.shape_cast %sub3A_2475 : vector<16xi32> to vector<16xi32>
    tpu.vector_store %arg7[%swap3A_2476], %swap3A_2479 {strides = array<i32>} : memref<128xi32, #tpu.memory_space<vmem>>, vector<16xi32>,
    %dma_start3A_2480 = arith.constant 0 : i32
    %dma_start3A_2481 = arith.constant 0 : i32
    %dma_start3A_2482 = tpu.memref_slice %arg2[%dma_start3A_2480, %dma_start3A_2481] : memref<131072x128xf32, #tpu.memory_space<hbm>> -> memref<131072x128xf32, #tpu.memory_space<hbm>>
    tpu.enqueue_indirect_dma source(%dma_start3A_2482 : memref<131072x128xf32, #tpu.memory_space<hbm>>) target(%arg13 : memref<128x128xf32, #tpu.memory_space<vmem>>) offsets(%arg7 : memref<128xi32, #tpu.memory_space<vmem>>) semaphore(%arg19 : memref<!tpu.dma_semaphore, #tpu.memory_space<semaphore_mem>>)
    %dma_wait3A_2483 = arith.constant 0 : i32
    %dma_wait3A_2484 = arith.constant 0 : i32
    %dma_wait3A_2485 = tpu.memref_slice %arg2[%dma_wait3A_2483, %dma_wait3A_2484] : memref<131072x128xf32, #tpu.memory_space<hbm>> -> memref<131072x128xf32, #tpu.memory_space<hbm>>
    tpu.wait_indirect_dma semaphore(%arg16 : memref<!tpu.dma_semaphore, #tpu.memory_space<semaphore_mem>>) src(%dma_wait3A_2485 : memref<131072x128xf32, #tpu.memory_space<hbm>>) dst(%arg10 : memref<128x128xf32, #tpu.memory_space<vmem>>)
    %add3A_2486 = arith.constant 24 : i32
    %add3A_2487 = arith.addi %mul3A_2, %add3A_2486 : i32
    %mul3A_2488 = arith.constant 128 : i32
    %mul3A_2489 = arith.muli %add3A_2487, %mul3A_2488 : i32
    %dma_start3A_2490 = arith.constant 0 : i32
    %dma_start3A_2491 = tpu.memref_slice %arg3[%mul3A_2489, %dma_start3A_2490] : memref<131072x128xf32, #tpu.memory_space<hbm>> -> memref<128x128xf32, #tpu.memory_space<hbm>>
    %dma_start3A_2492 = arith.constant 0 : i32
    %dma_start3A_2493 = tpu.memref_slice %arg3[%mul3A_2489, %dma_start3A_2492] : memref<131072x128xf32, #tpu.memory_space<hbm>> -> memref<128x128xf32, #tpu.memory_space<hbm>>
    tpu.enqueue_dma source(%arg10 : memref<128x128xf32, #tpu.memory_space<vmem>>) target(%dma_start3A_2493 : memref<128x128xf32, #tpu.memory_space<hbm>>) target_semaphore(%arg22 : memref<!tpu.dma_semaphore, #tpu.memory_space<semaphore_mem>>)
    %add3A_2494 = arith.constant 22 : i32
    %add3A_2495 = arith.addi %mul3A_2, %add3A_2494 : i32
    %mul3A_2496 = arith.constant 128 : i32
    %mul3A_2497 = arith.muli %add3A_2495, %mul3A_2496 : i32
    %dma_wait3A_2498 = arith.constant 0 : i32
    %dma_wait3A_2499 = tpu.memref_slice %arg3[%mul3A_2497, %dma_wait3A_2498] : memref<131072x128xf32, #tpu.memory_space<hbm>> -> memref<128x128xf32, #tpu.memory_space<hbm>>
    %dma_wait3A_2500 = arith.constant 0 : i32
    %dma_wait3A_2501 = tpu.memref_slice %arg3[%mul3A_2497, %dma_wait3A_2500] : memref<131072x128xf32, #tpu.memory_space<hbm>> -> memref<128x128xf32, #tpu.memory_space<hbm>>
    tpu.wait_dma2 semaphore(%arg26 : memref<!tpu.dma_semaphore, #tpu.memory_space<semaphore_mem>>) src(%arg14 : memref<128x128xf32, #tpu.memory_space<vmem>>) dst(%dma_wait3A_2501 : memref<128x128xf32, #tpu.memory_space<hbm>>)
    %add3A_2502 = arith.constant 28 : i32
    %add3A_2503 = arith.addi %mul3A_2, %add3A_2502 : i32
    %mul3A_2504 = arith.constant 128 : i32
    %mul3A_2505 = arith.muli %add3A_2503, %mul3A_2504 : i32
    %add3A_2506 = arith.constant 127 : i32
    %add3A_2507 = arith.addi %mul3A_2505, %add3A_2506 : i32
    %sub3A_2508 = arith.constant 0 : i32
    %sub3A_2509 = arith.subi %add3A_2507, %sub3A_2508 : i32
    %sub3A_2510 = vector.broadcast %sub3A_2509 : i32 to vector<16xi32>
    %sub3A_2511 = arith.subi %sub3A_2510, %iota3A : vector<16xi32>
    %swap3A_2512 = arith.constant 0 : index
    %swap3A_2513 = tpu.vector_load %arg8[%swap3A_2512] {strides = array<i32>} : memref<128xi32, #tpu.memory_space<vmem>>, vector<16xi32>,
    %swap3A_2514 = vector.shape_cast %swap3A_2513 : vector<16xi32> to vector<16xi32>
    %swap3A_2515 = vector.shape_cast %sub3A_2511 : vector<16xi32> to vector<16xi32>
    tpu.vector_store %arg8[%swap3A_2512], %swap3A_2515 {strides = array<i32>} : memref<128xi32, #tpu.memory_space<vmem>>, vector<16xi32>,
    %sub3A_2516 = arith.constant 16 : i32
    %sub3A_2517 = arith.subi %add3A_2507, %sub3A_2516 : i32
    %sub3A_2518 = vector.broadcast %sub3A_2517 : i32 to vector<16xi32>
    %sub3A_2519 = arith.subi %sub3A_2518, %iota3A : vector<16xi32>
    %swap3A_2520 = arith.constant 16 : index
    %swap3A_2521 = tpu.vector_load %arg8[%swap3A_2520] {strides = array<i32>} : memref<128xi32, #tpu.memory_space<vmem>>, vector<16xi32>,
    %swap3A_2522 = vector.shape_cast %swap3A_2521 : vector<16xi32> to vector<16xi32>
    %swap3A_2523 = vector.shape_cast %sub3A_2519 : vector<16xi32> to vector<16xi32>
    tpu.vector_store %arg8[%swap3A_2520], %swap3A_2523 {strides = array<i32>} : memref<128xi32, #tpu.memory_space<vmem>>, vector<16xi32>,
    %sub3A_2524 = arith.constant 32 : i32
    %sub3A_2525 = arith.subi %add3A_2507, %sub3A_2524 : i32
    %sub3A_2526 = vector.broadcast %sub3A_2525 : i32 to vector<16xi32>
    %sub3A_2527 = arith.subi %sub3A_2526, %iota3A : vector<16xi32>
    %swap3A_2528 = arith.constant 32 : index
    %swap3A_2529 = tpu.vector_load %arg8[%swap3A_2528] {strides = array<i32>} : memref<128xi32, #tpu.memory_space<vmem>>, vector<16xi32>,
    %swap3A_2530 = vector.shape_cast %swap3A_2529 : vector<16xi32> to vector<16xi32>
    %swap3A_2531 = vector.shape_cast %sub3A_2527 : vector<16xi32> to vector<16xi32>
    tpu.vector_store %arg8[%swap3A_2528], %swap3A_2531 {strides = array<i32>} : memref<128xi32, #tpu.memory_space<vmem>>, vector<16xi32>,
    %sub3A_2532 = arith.constant 48 : i32
    %sub3A_2533 = arith.subi %add3A_2507, %sub3A_2532 : i32
    %sub3A_2534 = vector.broadcast %sub3A_2533 : i32 to vector<16xi32>
    %sub3A_2535 = arith.subi %sub3A_2534, %iota3A : vector<16xi32>
    %swap3A_2536 = arith.constant 48 : index
    %swap3A_2537 = tpu.vector_load %arg8[%swap3A_2536] {strides = array<i32>} : memref<128xi32, #tpu.memory_space<vmem>>, vector<16xi32>,
    %swap3A_2538 = vector.shape_cast %swap3A_2537 : vector<16xi32> to vector<16xi32>
    %swap3A_2539 = vector.shape_cast %sub3A_2535 : vector<16xi32> to vector<16xi32>
    tpu.vector_store %arg8[%swap3A_2536], %swap3A_2539 {strides = array<i32>} : memref<128xi32, #tpu.memory_space<vmem>>, vector<16xi32>,
    %sub3A_2540 = arith.constant 64 : i32
    %sub3A_2541 = arith.subi %add3A_2507, %sub3A_2540 : i32
    %sub3A_2542 = vector.broadcast %sub3A_2541 : i32 to vector<16xi32>
    %sub3A_2543 = arith.subi %sub3A_2542, %iota3A : vector<16xi32>
    %swap3A_2544 = arith.constant 64 : index
    %swap3A_2545 = tpu.vector_load %arg8[%swap3A_2544] {strides = array<i32>} : memref<128xi32, #tpu.memory_space<vmem>>, vector<16xi32>,
    %swap3A_2546 = vector.shape_cast %swap3A_2545 : vector<16xi32> to vector<16xi32>
    %swap3A_2547 = vector.shape_cast %sub3A_2543 : vector<16xi32> to vector<16xi32>
    tpu.vector_store %arg8[%swap3A_2544], %swap3A_2547 {strides = array<i32>} : memref<128xi32, #tpu.memory_space<vmem>>, vector<16xi32>,
    %sub3A_2548 = arith.constant 80 : i32
    %sub3A_2549 = arith.subi %add3A_2507, %sub3A_2548 : i32
    %sub3A_2550 = vector.broadcast %sub3A_2549 : i32 to vector<16xi32>
    %sub3A_2551 = arith.subi %sub3A_2550, %iota3A : vector<16xi32>
    %swap3A_2552 = arith.constant 80 : index
    %swap3A_2553 = tpu.vector_load %arg8[%swap3A_2552] {strides = array<i32>} : memref<128xi32, #tpu.memory_space<vmem>>, vector<16xi32>,
    %swap3A_2554 = vector.shape_cast %swap3A_2553 : vector<16xi32> to vector<16xi32>
    %swap3A_2555 = vector.shape_cast %sub3A_2551 : vector<16xi32> to vector<16xi32>
    tpu.vector_store %arg8[%swap3A_2552], %swap3A_2555 {strides = array<i32>} : memref<128xi32, #tpu.memory_space<vmem>>, vector<16xi32>,
    %sub3A_2556 = arith.constant 96 : i32
    %sub3A_2557 = arith.subi %add3A_2507, %sub3A_2556 : i32
    %sub3A_2558 = vector.broadcast %sub3A_2557 : i32 to vector<16xi32>
    %sub3A_2559 = arith.subi %sub3A_2558, %iota3A : vector<16xi32>
    %swap3A_2560 = arith.constant 96 : index
    %swap3A_2561 = tpu.vector_load %arg8[%swap3A_2560] {strides = array<i32>} : memref<128xi32, #tpu.memory_space<vmem>>, vector<16xi32>,
    %swap3A_2562 = vector.shape_cast %swap3A_2561 : vector<16xi32> to vector<16xi32>
    %swap3A_2563 = vector.shape_cast %sub3A_2559 : vector<16xi32> to vector<16xi32>
    tpu.vector_store %arg8[%swap3A_2560], %swap3A_2563 {strides = array<i32>} : memref<128xi32, #tpu.memory_space<vmem>>, vector<16xi32>,
    %sub3A_2564 = arith.constant 112 : i32
    %sub3A_2565 = arith.subi %add3A_2507, %sub3A_2564 : i32
    %sub3A_2566 = vector.broadcast %sub3A_2565 : i32 to vector<16xi32>
    %sub3A_2567 = arith.subi %sub3A_2566, %iota3A : vector<16xi32>
    %swap3A_2568 = arith.constant 112 : index
    %swap3A_2569 = tpu.vector_load %arg8[%swap3A_2568] {strides = array<i32>} : memref<128xi32, #tpu.memory_space<vmem>>, vector<16xi32>,
    %swap3A_2570 = vector.shape_cast %swap3A_2569 : vector<16xi32> to vector<16xi32>
    %swap3A_2571 = vector.shape_cast %sub3A_2567 : vector<16xi32> to vector<16xi32>
    tpu.vector_store %arg8[%swap3A_2568], %swap3A_2571 {strides = array<i32>} : memref<128xi32, #tpu.memory_space<vmem>>, vector<16xi32>,
    %dma_start3A_2572 = arith.constant 0 : i32
    %dma_start3A_2573 = arith.constant 0 : i32
    %dma_start3A_2574 = tpu.memref_slice %arg2[%dma_start3A_2572, %dma_start3A_2573] : memref<131072x128xf32, #tpu.memory_space<hbm>> -> memref<131072x128xf32, #tpu.memory_space<hbm>>
    tpu.enqueue_indirect_dma source(%dma_start3A_2574 : memref<131072x128xf32, #tpu.memory_space<hbm>>) target(%arg14 : memref<128x128xf32, #tpu.memory_space<vmem>>) offsets(%arg8 : memref<128xi32, #tpu.memory_space<vmem>>) semaphore(%arg20 : memref<!tpu.dma_semaphore, #tpu.memory_space<semaphore_mem>>)
    %dma_wait3A_2575 = arith.constant 0 : i32
    %dma_wait3A_2576 = arith.constant 0 : i32
    %dma_wait3A_2577 = tpu.memref_slice %arg2[%dma_wait3A_2575, %dma_wait3A_2576] : memref<131072x128xf32, #tpu.memory_space<hbm>> -> memref<131072x128xf32, #tpu.memory_space<hbm>>
    tpu.wait_indirect_dma semaphore(%arg17 : memref<!tpu.dma_semaphore, #tpu.memory_space<semaphore_mem>>) src(%dma_wait3A_2577 : memref<131072x128xf32, #tpu.memory_space<hbm>>) dst(%arg11 : memref<128x128xf32, #tpu.memory_space<vmem>>)
    %add3A_2578 = arith.constant 25 : i32
    %add3A_2579 = arith.addi %mul3A_2, %add3A_2578 : i32
    %mul3A_2580 = arith.constant 128 : i32
    %mul3A_2581 = arith.muli %add3A_2579, %mul3A_2580 : i32
    %dma_start3A_2582 = arith.constant 0 : i32
    %dma_start3A_2583 = tpu.memref_slice %arg3[%mul3A_2581, %dma_start3A_2582] : memref<131072x128xf32, #tpu.memory_space<hbm>> -> memref<128x128xf32, #tpu.memory_space<hbm>>
    %dma_start3A_2584 = arith.constant 0 : i32
    %dma_start3A_2585 = tpu.memref_slice %arg3[%mul3A_2581, %dma_start3A_2584] : memref<131072x128xf32, #tpu.memory_space<hbm>> -> memref<128x128xf32, #tpu.memory_space<hbm>>
    tpu.enqueue_dma source(%arg11 : memref<128x128xf32, #tpu.memory_space<vmem>>) target(%dma_start3A_2585 : memref<128x128xf32, #tpu.memory_space<hbm>>) target_semaphore(%arg23 : memref<!tpu.dma_semaphore, #tpu.memory_space<semaphore_mem>>)
    %add3A_2586 = arith.constant 23 : i32
    %add3A_2587 = arith.addi %mul3A_2, %add3A_2586 : i32
    %mul3A_2588 = arith.constant 128 : i32
    %mul3A_2589 = arith.muli %add3A_2587, %mul3A_2588 : i32
    %dma_wait3A_2590 = arith.constant 0 : i32
    %dma_wait3A_2591 = tpu.memref_slice %arg3[%mul3A_2589, %dma_wait3A_2590] : memref<131072x128xf32, #tpu.memory_space<hbm>> -> memref<128x128xf32, #tpu.memory_space<hbm>>
    %dma_wait3A_2592 = arith.constant 0 : i32
    %dma_wait3A_2593 = tpu.memref_slice %arg3[%mul3A_2589, %dma_wait3A_2592] : memref<131072x128xf32, #tpu.memory_space<hbm>> -> memref<128x128xf32, #tpu.memory_space<hbm>>
    tpu.wait_dma2 semaphore(%arg27 : memref<!tpu.dma_semaphore, #tpu.memory_space<semaphore_mem>>) src(%arg15 : memref<128x128xf32, #tpu.memory_space<vmem>>) dst(%dma_wait3A_2593 : memref<128x128xf32, #tpu.memory_space<hbm>>)
    %add3A_2594 = arith.constant 29 : i32
    %add3A_2595 = arith.addi %mul3A_2, %add3A_2594 : i32
    %mul3A_2596 = arith.constant 128 : i32
    %mul3A_2597 = arith.muli %add3A_2595, %mul3A_2596 : i32
    %add3A_2598 = arith.constant 127 : i32
    %add3A_2599 = arith.addi %mul3A_2597, %add3A_2598 : i32
    %sub3A_2600 = arith.constant 0 : i32
    %sub3A_2601 = arith.subi %add3A_2599, %sub3A_2600 : i32
    %sub3A_2602 = vector.broadcast %sub3A_2601 : i32 to vector<16xi32>
    %sub3A_2603 = arith.subi %sub3A_2602, %iota3A : vector<16xi32>
    %swap3A_2604 = arith.constant 0 : index
    %swap3A_2605 = tpu.vector_load %arg9[%swap3A_2604] {strides = array<i32>} : memref<128xi32, #tpu.memory_space<vmem>>, vector<16xi32>,
    %swap3A_2606 = vector.shape_cast %swap3A_2605 : vector<16xi32> to vector<16xi32>
    %swap3A_2607 = vector.shape_cast %sub3A_2603 : vector<16xi32> to vector<16xi32>
    tpu.vector_store %arg9[%swap3A_2604], %swap3A_2607 {strides = array<i32>} : memref<128xi32, #tpu.memory_space<vmem>>, vector<16xi32>,
    %sub3A_2608 = arith.constant 16 : i32
    %sub3A_2609 = arith.subi %add3A_2599, %sub3A_2608 : i32
    %sub3A_2610 = vector.broadcast %sub3A_2609 : i32 to vector<16xi32>
    %sub3A_2611 = arith.subi %sub3A_2610, %iota3A : vector<16xi32>
    %swap3A_2612 = arith.constant 16 : index
    %swap3A_2613 = tpu.vector_load %arg9[%swap3A_2612] {strides = array<i32>} : memref<128xi32, #tpu.memory_space<vmem>>, vector<16xi32>,
    %swap3A_2614 = vector.shape_cast %swap3A_2613 : vector<16xi32> to vector<16xi32>
    %swap3A_2615 = vector.shape_cast %sub3A_2611 : vector<16xi32> to vector<16xi32>
    tpu.vector_store %arg9[%swap3A_2612], %swap3A_2615 {strides = array<i32>} : memref<128xi32, #tpu.memory_space<vmem>>, vector<16xi32>,
    %sub3A_2616 = arith.constant 32 : i32
    %sub3A_2617 = arith.subi %add3A_2599, %sub3A_2616 : i32
    %sub3A_2618 = vector.broadcast %sub3A_2617 : i32 to vector<16xi32>
    %sub3A_2619 = arith.subi %sub3A_2618, %iota3A : vector<16xi32>
    %swap3A_2620 = arith.constant 32 : index
    %swap3A_2621 = tpu.vector_load %arg9[%swap3A_2620] {strides = array<i32>} : memref<128xi32, #tpu.memory_space<vmem>>, vector<16xi32>,
    %swap3A_2622 = vector.shape_cast %swap3A_2621 : vector<16xi32> to vector<16xi32>
    %swap3A_2623 = vector.shape_cast %sub3A_2619 : vector<16xi32> to vector<16xi32>
    tpu.vector_store %arg9[%swap3A_2620], %swap3A_2623 {strides = array<i32>} : memref<128xi32, #tpu.memory_space<vmem>>, vector<16xi32>,
    %sub3A_2624 = arith.constant 48 : i32
    %sub3A_2625 = arith.subi %add3A_2599, %sub3A_2624 : i32
    %sub3A_2626 = vector.broadcast %sub3A_2625 : i32 to vector<16xi32>
    %sub3A_2627 = arith.subi %sub3A_2626, %iota3A : vector<16xi32>
    %swap3A_2628 = arith.constant 48 : index
    %swap3A_2629 = tpu.vector_load %arg9[%swap3A_2628] {strides = array<i32>} : memref<128xi32, #tpu.memory_space<vmem>>, vector<16xi32>,
    %swap3A_2630 = vector.shape_cast %swap3A_2629 : vector<16xi32> to vector<16xi32>
    %swap3A_2631 = vector.shape_cast %sub3A_2627 : vector<16xi32> to vector<16xi32>
    tpu.vector_store %arg9[%swap3A_2628], %swap3A_2631 {strides = array<i32>} : memref<128xi32, #tpu.memory_space<vmem>>, vector<16xi32>,
    %sub3A_2632 = arith.constant 64 : i32
    %sub3A_2633 = arith.subi %add3A_2599, %sub3A_2632 : i32
    %sub3A_2634 = vector.broadcast %sub3A_2633 : i32 to vector<16xi32>
    %sub3A_2635 = arith.subi %sub3A_2634, %iota3A : vector<16xi32>
    %swap3A_2636 = arith.constant 64 : index
    %swap3A_2637 = tpu.vector_load %arg9[%swap3A_2636] {strides = array<i32>} : memref<128xi32, #tpu.memory_space<vmem>>, vector<16xi32>,
    %swap3A_2638 = vector.shape_cast %swap3A_2637 : vector<16xi32> to vector<16xi32>
    %swap3A_2639 = vector.shape_cast %sub3A_2635 : vector<16xi32> to vector<16xi32>
    tpu.vector_store %arg9[%swap3A_2636], %swap3A_2639 {strides = array<i32>} : memref<128xi32, #tpu.memory_space<vmem>>, vector<16xi32>,
    %sub3A_2640 = arith.constant 80 : i32
    %sub3A_2641 = arith.subi %add3A_2599, %sub3A_2640 : i32
    %sub3A_2642 = vector.broadcast %sub3A_2641 : i32 to vector<16xi32>
    %sub3A_2643 = arith.subi %sub3A_2642, %iota3A : vector<16xi32>
    %swap3A_2644 = arith.constant 80 : index
    %swap3A_2645 = tpu.vector_load %arg9[%swap3A_2644] {strides = array<i32>} : memref<128xi32, #tpu.memory_space<vmem>>, vector<16xi32>,
    %swap3A_2646 = vector.shape_cast %swap3A_2645 : vector<16xi32> to vector<16xi32>
    %swap3A_2647 = vector.shape_cast %sub3A_2643 : vector<16xi32> to vector<16xi32>
    tpu.vector_store %arg9[%swap3A_2644], %swap3A_2647 {strides = array<i32>} : memref<128xi32, #tpu.memory_space<vmem>>, vector<16xi32>,
    %sub3A_2648 = arith.constant 96 : i32
    %sub3A_2649 = arith.subi %add3A_2599, %sub3A_2648 : i32
    %sub3A_2650 = vector.broadcast %sub3A_2649 : i32 to vector<16xi32>
    %sub3A_2651 = arith.subi %sub3A_2650, %iota3A : vector<16xi32>
    %swap3A_2652 = arith.constant 96 : index
    %swap3A_2653 = tpu.vector_load %arg9[%swap3A_2652] {strides = array<i32>} : memref<128xi32, #tpu.memory_space<vmem>>, vector<16xi32>,
    %swap3A_2654 = vector.shape_cast %swap3A_2653 : vector<16xi32> to vector<16xi32>
    %swap3A_2655 = vector.shape_cast %sub3A_2651 : vector<16xi32> to vector<16xi32>
    tpu.vector_store %arg9[%swap3A_2652], %swap3A_2655 {strides = array<i32>} : memref<128xi32, #tpu.memory_space<vmem>>, vector<16xi32>,
    %sub3A_2656 = arith.constant 112 : i32
    %sub3A_2657 = arith.subi %add3A_2599, %sub3A_2656 : i32
    %sub3A_2658 = vector.broadcast %sub3A_2657 : i32 to vector<16xi32>
    %sub3A_2659 = arith.subi %sub3A_2658, %iota3A : vector<16xi32>
    %swap3A_2660 = arith.constant 112 : index
    %swap3A_2661 = tpu.vector_load %arg9[%swap3A_2660] {strides = array<i32>} : memref<128xi32, #tpu.memory_space<vmem>>, vector<16xi32>,
    %swap3A_2662 = vector.shape_cast %swap3A_2661 : vector<16xi32> to vector<16xi32>
    %swap3A_2663 = vector.shape_cast %sub3A_2659 : vector<16xi32> to vector<16xi32>
    tpu.vector_store %arg9[%swap3A_2660], %swap3A_2663 {strides = array<i32>} : memref<128xi32, #tpu.memory_space<vmem>>, vector<16xi32>,
    %dma_start3A_2664 = arith.constant 0 : i32
    %dma_start3A_2665 = arith.constant 0 : i32
    %dma_start3A_2666 = tpu.memref_slice %arg2[%dma_start3A_2664, %dma_start3A_2665] : memref<131072x128xf32, #tpu.memory_space<hbm>> -> memref<131072x128xf32, #tpu.memory_space<hbm>>
    tpu.enqueue_indirect_dma source(%dma_start3A_2666 : memref<131072x128xf32, #tpu.memory_space<hbm>>) target(%arg15 : memref<128x128xf32, #tpu.memory_space<vmem>>) offsets(%arg9 : memref<128xi32, #tpu.memory_space<vmem>>) semaphore(%arg21 : memref<!tpu.dma_semaphore, #tpu.memory_space<semaphore_mem>>)
    %dma_wait3A_2667 = arith.constant 0 : i32
    %dma_wait3A_2668 = arith.constant 0 : i32
    %dma_wait3A_2669 = tpu.memref_slice %arg2[%dma_wait3A_2667, %dma_wait3A_2668] : memref<131072x128xf32, #tpu.memory_space<hbm>> -> memref<131072x128xf32, #tpu.memory_space<hbm>>
    tpu.wait_indirect_dma semaphore(%arg18 : memref<!tpu.dma_semaphore, #tpu.memory_space<semaphore_mem>>) src(%dma_wait3A_2669 : memref<131072x128xf32, #tpu.memory_space<hbm>>) dst(%arg12 : memref<128x128xf32, #tpu.memory_space<vmem>>)
    %add3A_2670 = arith.constant 26 : i32
    %add3A_2671 = arith.addi %mul3A_2, %add3A_2670 : i32
    %mul3A_2672 = arith.constant 128 : i32
    %mul3A_2673 = arith.muli %add3A_2671, %mul3A_2672 : i32
    %dma_start3A_2674 = arith.constant 0 : i32
    %dma_start3A_2675 = tpu.memref_slice %arg3[%mul3A_2673, %dma_start3A_2674] : memref<131072x128xf32, #tpu.memory_space<hbm>> -> memref<128x128xf32, #tpu.memory_space<hbm>>
    %dma_start3A_2676 = arith.constant 0 : i32
    %dma_start3A_2677 = tpu.memref_slice %arg3[%mul3A_2673, %dma_start3A_2676] : memref<131072x128xf32, #tpu.memory_space<hbm>> -> memref<128x128xf32, #tpu.memory_space<hbm>>
    tpu.enqueue_dma source(%arg12 : memref<128x128xf32, #tpu.memory_space<vmem>>) target(%dma_start3A_2677 : memref<128x128xf32, #tpu.memory_space<hbm>>) target_semaphore(%arg24 : memref<!tpu.dma_semaphore, #tpu.memory_space<semaphore_mem>>)
    %add3A_2678 = arith.constant 24 : i32
    %add3A_2679 = arith.addi %mul3A_2, %add3A_2678 : i32
    %mul3A_2680 = arith.constant 128 : i32
    %mul3A_2681 = arith.muli %add3A_2679, %mul3A_2680 : i32
    %dma_wait3A_2682 = arith.constant 0 : i32
    %dma_wait3A_2683 = tpu.memref_slice %arg3[%mul3A_2681, %dma_wait3A_2682] : memref<131072x128xf32, #tpu.memory_space<hbm>> -> memref<128x128xf32, #tpu.memory_space<hbm>>
    %dma_wait3A_2684 = arith.constant 0 : i32
    %dma_wait3A_2685 = tpu.memref_slice %arg3[%mul3A_2681, %dma_wait3A_2684] : memref<131072x128xf32, #tpu.memory_space<hbm>> -> memref<128x128xf32, #tpu.memory_space<hbm>>
    tpu.wait_dma2 semaphore(%arg22 : memref<!tpu.dma_semaphore, #tpu.memory_space<semaphore_mem>>) src(%arg10 : memref<128x128xf32, #tpu.memory_space<vmem>>) dst(%dma_wait3A_2685 : memref<128x128xf32, #tpu.memory_space<hbm>>)
    %add3A_2686 = arith.constant 30 : i32
    %add3A_2687 = arith.addi %mul3A_2, %add3A_2686 : i32
    %mul3A_2688 = arith.constant 128 : i32
    %mul3A_2689 = arith.muli %add3A_2687, %mul3A_2688 : i32
    %add3A_2690 = arith.constant 127 : i32
    %add3A_2691 = arith.addi %mul3A_2689, %add3A_2690 : i32
    %sub3A_2692 = arith.constant 0 : i32
    %sub3A_2693 = arith.subi %add3A_2691, %sub3A_2692 : i32
    %sub3A_2694 = vector.broadcast %sub3A_2693 : i32 to vector<16xi32>
    %sub3A_2695 = arith.subi %sub3A_2694, %iota3A : vector<16xi32>
    %swap3A_2696 = arith.constant 0 : index
    %swap3A_2697 = tpu.vector_load %arg4[%swap3A_2696] {strides = array<i32>} : memref<128xi32, #tpu.memory_space<vmem>>, vector<16xi32>,
    %swap3A_2698 = vector.shape_cast %swap3A_2697 : vector<16xi32> to vector<16xi32>
    %swap3A_2699 = vector.shape_cast %sub3A_2695 : vector<16xi32> to vector<16xi32>
    tpu.vector_store %arg4[%swap3A_2696], %swap3A_2699 {strides = array<i32>} : memref<128xi32, #tpu.memory_space<vmem>>, vector<16xi32>,
    %sub3A_2700 = arith.constant 16 : i32
    %sub3A_2701 = arith.subi %add3A_2691, %sub3A_2700 : i32
    %sub3A_2702 = vector.broadcast %sub3A_2701 : i32 to vector<16xi32>
    %sub3A_2703 = arith.subi %sub3A_2702, %iota3A : vector<16xi32>
    %swap3A_2704 = arith.constant 16 : index
    %swap3A_2705 = tpu.vector_load %arg4[%swap3A_2704] {strides = array<i32>} : memref<128xi32, #tpu.memory_space<vmem>>, vector<16xi32>,
    %swap3A_2706 = vector.shape_cast %swap3A_2705 : vector<16xi32> to vector<16xi32>
    %swap3A_2707 = vector.shape_cast %sub3A_2703 : vector<16xi32> to vector<16xi32>
    tpu.vector_store %arg4[%swap3A_2704], %swap3A_2707 {strides = array<i32>} : memref<128xi32, #tpu.memory_space<vmem>>, vector<16xi32>,
    %sub3A_2708 = arith.constant 32 : i32
    %sub3A_2709 = arith.subi %add3A_2691, %sub3A_2708 : i32
    %sub3A_2710 = vector.broadcast %sub3A_2709 : i32 to vector<16xi32>
    %sub3A_2711 = arith.subi %sub3A_2710, %iota3A : vector<16xi32>
    %swap3A_2712 = arith.constant 32 : index
    %swap3A_2713 = tpu.vector_load %arg4[%swap3A_2712] {strides = array<i32>} : memref<128xi32, #tpu.memory_space<vmem>>, vector<16xi32>,
    %swap3A_2714 = vector.shape_cast %swap3A_2713 : vector<16xi32> to vector<16xi32>
    %swap3A_2715 = vector.shape_cast %sub3A_2711 : vector<16xi32> to vector<16xi32>
    tpu.vector_store %arg4[%swap3A_2712], %swap3A_2715 {strides = array<i32>} : memref<128xi32, #tpu.memory_space<vmem>>, vector<16xi32>,
    %sub3A_2716 = arith.constant 48 : i32
    %sub3A_2717 = arith.subi %add3A_2691, %sub3A_2716 : i32
    %sub3A_2718 = vector.broadcast %sub3A_2717 : i32 to vector<16xi32>
    %sub3A_2719 = arith.subi %sub3A_2718, %iota3A : vector<16xi32>
    %swap3A_2720 = arith.constant 48 : index
    %swap3A_2721 = tpu.vector_load %arg4[%swap3A_2720] {strides = array<i32>} : memref<128xi32, #tpu.memory_space<vmem>>, vector<16xi32>,
    %swap3A_2722 = vector.shape_cast %swap3A_2721 : vector<16xi32> to vector<16xi32>
    %swap3A_2723 = vector.shape_cast %sub3A_2719 : vector<16xi32> to vector<16xi32>
    tpu.vector_store %arg4[%swap3A_2720], %swap3A_2723 {strides = array<i32>} : memref<128xi32, #tpu.memory_space<vmem>>, vector<16xi32>,
    %sub3A_2724 = arith.constant 64 : i32
    %sub3A_2725 = arith.subi %add3A_2691, %sub3A_2724 : i32
    %sub3A_2726 = vector.broadcast %sub3A_2725 : i32 to vector<16xi32>
    %sub3A_2727 = arith.subi %sub3A_2726, %iota3A : vector<16xi32>
    %swap3A_2728 = arith.constant 64 : index
    %swap3A_2729 = tpu.vector_load %arg4[%swap3A_2728] {strides = array<i32>} : memref<128xi32, #tpu.memory_space<vmem>>, vector<16xi32>,
    %swap3A_2730 = vector.shape_cast %swap3A_2729 : vector<16xi32> to vector<16xi32>
    %swap3A_2731 = vector.shape_cast %sub3A_2727 : vector<16xi32> to vector<16xi32>
    tpu.vector_store %arg4[%swap3A_2728], %swap3A_2731 {strides = array<i32>} : memref<128xi32, #tpu.memory_space<vmem>>, vector<16xi32>,
    %sub3A_2732 = arith.constant 80 : i32
    %sub3A_2733 = arith.subi %add3A_2691, %sub3A_2732 : i32
    %sub3A_2734 = vector.broadcast %sub3A_2733 : i32 to vector<16xi32>
    %sub3A_2735 = arith.subi %sub3A_2734, %iota3A : vector<16xi32>
    %swap3A_2736 = arith.constant 80 : index
    %swap3A_2737 = tpu.vector_load %arg4[%swap3A_2736] {strides = array<i32>} : memref<128xi32, #tpu.memory_space<vmem>>, vector<16xi32>,
    %swap3A_2738 = vector.shape_cast %swap3A_2737 : vector<16xi32> to vector<16xi32>
    %swap3A_2739 = vector.shape_cast %sub3A_2735 : vector<16xi32> to vector<16xi32>
    tpu.vector_store %arg4[%swap3A_2736], %swap3A_2739 {strides = array<i32>} : memref<128xi32, #tpu.memory_space<vmem>>, vector<16xi32>,
    %sub3A_2740 = arith.constant 96 : i32
    %sub3A_2741 = arith.subi %add3A_2691, %sub3A_2740 : i32
    %sub3A_2742 = vector.broadcast %sub3A_2741 : i32 to vector<16xi32>
    %sub3A_2743 = arith.subi %sub3A_2742, %iota3A : vector<16xi32>
    %swap3A_2744 = arith.constant 96 : index
    %swap3A_2745 = tpu.vector_load %arg4[%swap3A_2744] {strides = array<i32>} : memref<128xi32, #tpu.memory_space<vmem>>, vector<16xi32>,
    %swap3A_2746 = vector.shape_cast %swap3A_2745 : vector<16xi32> to vector<16xi32>
    %swap3A_2747 = vector.shape_cast %sub3A_2743 : vector<16xi32> to vector<16xi32>
    tpu.vector_store %arg4[%swap3A_2744], %swap3A_2747 {strides = array<i32>} : memref<128xi32, #tpu.memory_space<vmem>>, vector<16xi32>,
    %sub3A_2748 = arith.constant 112 : i32
    %sub3A_2749 = arith.subi %add3A_2691, %sub3A_2748 : i32
    %sub3A_2750 = vector.broadcast %sub3A_2749 : i32 to vector<16xi32>
    %sub3A_2751 = arith.subi %sub3A_2750, %iota3A : vector<16xi32>
    %swap3A_2752 = arith.constant 112 : index
    %swap3A_2753 = tpu.vector_load %arg4[%swap3A_2752] {strides = array<i32>} : memref<128xi32, #tpu.memory_space<vmem>>, vector<16xi32>,
    %swap3A_2754 = vector.shape_cast %swap3A_2753 : vector<16xi32> to vector<16xi32>
    %swap3A_2755 = vector.shape_cast %sub3A_2751 : vector<16xi32> to vector<16xi32>
    tpu.vector_store %arg4[%swap3A_2752], %swap3A_2755 {strides = array<i32>} : memref<128xi32, #tpu.memory_space<vmem>>, vector<16xi32>,
    %dma_start3A_2756 = arith.constant 0 : i32
    %dma_start3A_2757 = arith.constant 0 : i32
    %dma_start3A_2758 = tpu.memref_slice %arg2[%dma_start3A_2756, %dma_start3A_2757] : memref<131072x128xf32, #tpu.memory_space<hbm>> -> memref<131072x128xf32, #tpu.memory_space<hbm>>
    tpu.enqueue_indirect_dma source(%dma_start3A_2758 : memref<131072x128xf32, #tpu.memory_space<hbm>>) target(%arg10 : memref<128x128xf32, #tpu.memory_space<vmem>>) offsets(%arg4 : memref<128xi32, #tpu.memory_space<vmem>>) semaphore(%arg16 : memref<!tpu.dma_semaphore, #tpu.memory_space<semaphore_mem>>)
    %dma_wait3A_2759 = arith.constant 0 : i32
    %dma_wait3A_2760 = arith.constant 0 : i32
    %dma_wait3A_2761 = tpu.memref_slice %arg2[%dma_wait3A_2759, %dma_wait3A_2760] : memref<131072x128xf32, #tpu.memory_space<hbm>> -> memref<131072x128xf32, #tpu.memory_space<hbm>>
    tpu.wait_indirect_dma semaphore(%arg19 : memref<!tpu.dma_semaphore, #tpu.memory_space<semaphore_mem>>) src(%dma_wait3A_2761 : memref<131072x128xf32, #tpu.memory_space<hbm>>) dst(%arg13 : memref<128x128xf32, #tpu.memory_space<vmem>>)
    %add3A_2762 = arith.constant 27 : i32
    %add3A_2763 = arith.addi %mul3A_2, %add3A_2762 : i32
    %mul3A_2764 = arith.constant 128 : i32
    %mul3A_2765 = arith.muli %add3A_2763, %mul3A_2764 : i32
    %dma_start3A_2766 = arith.constant 0 : i32
    %dma_start3A_2767 = tpu.memref_slice %arg3[%mul3A_2765, %dma_start3A_2766] : memref<131072x128xf32, #tpu.memory_space<hbm>> -> memref<128x128xf32, #tpu.memory_space<hbm>>
    %dma_start3A_2768 = arith.constant 0 : i32
    %dma_start3A_2769 = tpu.memref_slice %arg3[%mul3A_2765, %dma_start3A_2768] : memref<131072x128xf32, #tpu.memory_space<hbm>> -> memref<128x128xf32, #tpu.memory_space<hbm>>
    tpu.enqueue_dma source(%arg13 : memref<128x128xf32, #tpu.memory_space<vmem>>) target(%dma_start3A_2769 : memref<128x128xf32, #tpu.memory_space<hbm>>) target_semaphore(%arg25 : memref<!tpu.dma_semaphore, #tpu.memory_space<semaphore_mem>>)
    %add3A_2770 = arith.constant 25 : i32
    %add3A_2771 = arith.addi %mul3A_2, %add3A_2770 : i32
    %mul3A_2772 = arith.constant 128 : i32
    %mul3A_2773 = arith.muli %add3A_2771, %mul3A_2772 : i32
    %dma_wait3A_2774 = arith.constant 0 : i32
    %dma_wait3A_2775 = tpu.memref_slice %arg3[%mul3A_2773, %dma_wait3A_2774] : memref<131072x128xf32, #tpu.memory_space<hbm>> -> memref<128x128xf32, #tpu.memory_space<hbm>>
    %dma_wait3A_2776 = arith.constant 0 : i32
    %dma_wait3A_2777 = tpu.memref_slice %arg3[%mul3A_2773, %dma_wait3A_2776] : memref<131072x128xf32, #tpu.memory_space<hbm>> -> memref<128x128xf32, #tpu.memory_space<hbm>>
    tpu.wait_dma2 semaphore(%arg23 : memref<!tpu.dma_semaphore, #tpu.memory_space<semaphore_mem>>) src(%arg11 : memref<128x128xf32, #tpu.memory_space<vmem>>) dst(%dma_wait3A_2777 : memref<128x128xf32, #tpu.memory_space<hbm>>)
    %add3A_2778 = arith.constant 31 : i32
    %add3A_2779 = arith.addi %mul3A_2, %add3A_2778 : i32
    %mul3A_2780 = arith.constant 128 : i32
    %mul3A_2781 = arith.muli %add3A_2779, %mul3A_2780 : i32
    %add3A_2782 = arith.constant 127 : i32
    %add3A_2783 = arith.addi %mul3A_2781, %add3A_2782 : i32
    %sub3A_2784 = arith.constant 0 : i32
    %sub3A_2785 = arith.subi %add3A_2783, %sub3A_2784 : i32
    %sub3A_2786 = vector.broadcast %sub3A_2785 : i32 to vector<16xi32>
    %sub3A_2787 = arith.subi %sub3A_2786, %iota3A : vector<16xi32>
    %swap3A_2788 = arith.constant 0 : index
    %swap3A_2789 = tpu.vector_load %arg5[%swap3A_2788] {strides = array<i32>} : memref<128xi32, #tpu.memory_space<vmem>>, vector<16xi32>,
    %swap3A_2790 = vector.shape_cast %swap3A_2789 : vector<16xi32> to vector<16xi32>
    %swap3A_2791 = vector.shape_cast %sub3A_2787 : vector<16xi32> to vector<16xi32>
    tpu.vector_store %arg5[%swap3A_2788], %swap3A_2791 {strides = array<i32>} : memref<128xi32, #tpu.memory_space<vmem>>, vector<16xi32>,
    %sub3A_2792 = arith.constant 16 : i32
    %sub3A_2793 = arith.subi %add3A_2783, %sub3A_2792 : i32
    %sub3A_2794 = vector.broadcast %sub3A_2793 : i32 to vector<16xi32>
    %sub3A_2795 = arith.subi %sub3A_2794, %iota3A : vector<16xi32>
    %swap3A_2796 = arith.constant 16 : index
    %swap3A_2797 = tpu.vector_load %arg5[%swap3A_2796] {strides = array<i32>} : memref<128xi32, #tpu.memory_space<vmem>>, vector<16xi32>,
    %swap3A_2798 = vector.shape_cast %swap3A_2797 : vector<16xi32> to vector<16xi32>
    %swap3A_2799 = vector.shape_cast %sub3A_2795 : vector<16xi32> to vector<16xi32>
    tpu.vector_store %arg5[%swap3A_2796], %swap3A_2799 {strides = array<i32>} : memref<128xi32, #tpu.memory_space<vmem>>, vector<16xi32>,
    %sub3A_2800 = arith.constant 32 : i32
    %sub3A_2801 = arith.subi %add3A_2783, %sub3A_2800 : i32
    %sub3A_2802 = vector.broadcast %sub3A_2801 : i32 to vector<16xi32>
    %sub3A_2803 = arith.subi %sub3A_2802, %iota3A : vector<16xi32>
    %swap3A_2804 = arith.constant 32 : index
    %swap3A_2805 = tpu.vector_load %arg5[%swap3A_2804] {strides = array<i32>} : memref<128xi32, #tpu.memory_space<vmem>>, vector<16xi32>,
    %swap3A_2806 = vector.shape_cast %swap3A_2805 : vector<16xi32> to vector<16xi32>
    %swap3A_2807 = vector.shape_cast %sub3A_2803 : vector<16xi32> to vector<16xi32>
    tpu.vector_store %arg5[%swap3A_2804], %swap3A_2807 {strides = array<i32>} : memref<128xi32, #tpu.memory_space<vmem>>, vector<16xi32>,
    %sub3A_2808 = arith.constant 48 : i32
    %sub3A_2809 = arith.subi %add3A_2783, %sub3A_2808 : i32
    %sub3A_2810 = vector.broadcast %sub3A_2809 : i32 to vector<16xi32>
    %sub3A_2811 = arith.subi %sub3A_2810, %iota3A : vector<16xi32>
    %swap3A_2812 = arith.constant 48 : index
    %swap3A_2813 = tpu.vector_load %arg5[%swap3A_2812] {strides = array<i32>} : memref<128xi32, #tpu.memory_space<vmem>>, vector<16xi32>,
    %swap3A_2814 = vector.shape_cast %swap3A_2813 : vector<16xi32> to vector<16xi32>
    %swap3A_2815 = vector.shape_cast %sub3A_2811 : vector<16xi32> to vector<16xi32>
    tpu.vector_store %arg5[%swap3A_2812], %swap3A_2815 {strides = array<i32>} : memref<128xi32, #tpu.memory_space<vmem>>, vector<16xi32>,
    %sub3A_2816 = arith.constant 64 : i32
    %sub3A_2817 = arith.subi %add3A_2783, %sub3A_2816 : i32
    %sub3A_2818 = vector.broadcast %sub3A_2817 : i32 to vector<16xi32>
    %sub3A_2819 = arith.subi %sub3A_2818, %iota3A : vector<16xi32>
    %swap3A_2820 = arith.constant 64 : index
    %swap3A_2821 = tpu.vector_load %arg5[%swap3A_2820] {strides = array<i32>} : memref<128xi32, #tpu.memory_space<vmem>>, vector<16xi32>,
    %swap3A_2822 = vector.shape_cast %swap3A_2821 : vector<16xi32> to vector<16xi32>
    %swap3A_2823 = vector.shape_cast %sub3A_2819 : vector<16xi32> to vector<16xi32>
    tpu.vector_store %arg5[%swap3A_2820], %swap3A_2823 {strides = array<i32>} : memref<128xi32, #tpu.memory_space<vmem>>, vector<16xi32>,
    %sub3A_2824 = arith.constant 80 : i32
    %sub3A_2825 = arith.subi %add3A_2783, %sub3A_2824 : i32
    %sub3A_2826 = vector.broadcast %sub3A_2825 : i32 to vector<16xi32>
    %sub3A_2827 = arith.subi %sub3A_2826, %iota3A : vector<16xi32>
    %swap3A_2828 = arith.constant 80 : index
    %swap3A_2829 = tpu.vector_load %arg5[%swap3A_2828] {strides = array<i32>} : memref<128xi32, #tpu.memory_space<vmem>>, vector<16xi32>,
    %swap3A_2830 = vector.shape_cast %swap3A_2829 : vector<16xi32> to vector<16xi32>
    %swap3A_2831 = vector.shape_cast %sub3A_2827 : vector<16xi32> to vector<16xi32>
    tpu.vector_store %arg5[%swap3A_2828], %swap3A_2831 {strides = array<i32>} : memref<128xi32, #tpu.memory_space<vmem>>, vector<16xi32>,
    %sub3A_2832 = arith.constant 96 : i32
    %sub3A_2833 = arith.subi %add3A_2783, %sub3A_2832 : i32
    %sub3A_2834 = vector.broadcast %sub3A_2833 : i32 to vector<16xi32>
    %sub3A_2835 = arith.subi %sub3A_2834, %iota3A : vector<16xi32>
    %swap3A_2836 = arith.constant 96 : index
    %swap3A_2837 = tpu.vector_load %arg5[%swap3A_2836] {strides = array<i32>} : memref<128xi32, #tpu.memory_space<vmem>>, vector<16xi32>,
    %swap3A_2838 = vector.shape_cast %swap3A_2837 : vector<16xi32> to vector<16xi32>
    %swap3A_2839 = vector.shape_cast %sub3A_2835 : vector<16xi32> to vector<16xi32>
    tpu.vector_store %arg5[%swap3A_2836], %swap3A_2839 {strides = array<i32>} : memref<128xi32, #tpu.memory_space<vmem>>, vector<16xi32>,
    %sub3A_2840 = arith.constant 112 : i32
    %sub3A_2841 = arith.subi %add3A_2783, %sub3A_2840 : i32
    %sub3A_2842 = vector.broadcast %sub3A_2841 : i32 to vector<16xi32>
    %sub3A_2843 = arith.subi %sub3A_2842, %iota3A : vector<16xi32>
    %swap3A_2844 = arith.constant 112 : index
    %swap3A_2845 = tpu.vector_load %arg5[%swap3A_2844] {strides = array<i32>} : memref<128xi32, #tpu.memory_space<vmem>>, vector<16xi32>,
    %swap3A_2846 = vector.shape_cast %swap3A_2845 : vector<16xi32> to vector<16xi32>
    %swap3A_2847 = vector.shape_cast %sub3A_2843 : vector<16xi32> to vector<16xi32>
    tpu.vector_store %arg5[%swap3A_2844], %swap3A_2847 {strides = array<i32>} : memref<128xi32, #tpu.memory_space<vmem>>, vector<16xi32>,
    %dma_start3A_2848 = arith.constant 0 : i32
    %dma_start3A_2849 = arith.constant 0 : i32
    %dma_start3A_2850 = tpu.memref_slice %arg2[%dma_start3A_2848, %dma_start3A_2849] : memref<131072x128xf32, #tpu.memory_space<hbm>> -> memref<131072x128xf32, #tpu.memory_space<hbm>>
    tpu.enqueue_indirect_dma source(%dma_start3A_2850 : memref<131072x128xf32, #tpu.memory_space<hbm>>) target(%arg11 : memref<128x128xf32, #tpu.memory_space<vmem>>) offsets(%arg5 : memref<128xi32, #tpu.memory_space<vmem>>) semaphore(%arg17 : memref<!tpu.dma_semaphore, #tpu.memory_space<semaphore_mem>>)
    %dma_wait3A_2851 = arith.constant 0 : i32
    %dma_wait3A_2852 = arith.constant 0 : i32
    %dma_wait3A_2853 = tpu.memref_slice %arg2[%dma_wait3A_2851, %dma_wait3A_2852] : memref<131072x128xf32, #tpu.memory_space<hbm>> -> memref<131072x128xf32, #tpu.memory_space<hbm>>
    tpu.wait_indirect_dma semaphore(%arg20 : memref<!tpu.dma_semaphore, #tpu.memory_space<semaphore_mem>>) src(%dma_wait3A_2853 : memref<131072x128xf32, #tpu.memory_space<hbm>>) dst(%arg14 : memref<128x128xf32, #tpu.memory_space<vmem>>)
    %add3A_2854 = arith.constant 28 : i32
    %add3A_2855 = arith.addi %mul3A_2, %add3A_2854 : i32
    %mul3A_2856 = arith.constant 128 : i32
    %mul3A_2857 = arith.muli %add3A_2855, %mul3A_2856 : i32
    %dma_start3A_2858 = arith.constant 0 : i32
    %dma_start3A_2859 = tpu.memref_slice %arg3[%mul3A_2857, %dma_start3A_2858] : memref<131072x128xf32, #tpu.memory_space<hbm>> -> memref<128x128xf32, #tpu.memory_space<hbm>>
    %dma_start3A_2860 = arith.constant 0 : i32
    %dma_start3A_2861 = tpu.memref_slice %arg3[%mul3A_2857, %dma_start3A_2860] : memref<131072x128xf32, #tpu.memory_space<hbm>> -> memref<128x128xf32, #tpu.memory_space<hbm>>
    tpu.enqueue_dma source(%arg14 : memref<128x128xf32, #tpu.memory_space<vmem>>) target(%dma_start3A_2861 : memref<128x128xf32, #tpu.memory_space<hbm>>) target_semaphore(%arg26 : memref<!tpu.dma_semaphore, #tpu.memory_space<semaphore_mem>>)
    %dma_wait3A_2862 = arith.constant 0 : i32
    %dma_wait3A_2863 = arith.constant 0 : i32
    %dma_wait3A_2864 = tpu.memref_slice %arg2[%dma_wait3A_2862, %dma_wait3A_2863] : memref<131072x128xf32, #tpu.memory_space<hbm>> -> memref<131072x128xf32, #tpu.memory_space<hbm>>
    tpu.wait_indirect_dma semaphore(%arg21 : memref<!tpu.dma_semaphore, #tpu.memory_space<semaphore_mem>>) src(%dma_wait3A_2864 : memref<131072x128xf32, #tpu.memory_space<hbm>>) dst(%arg15 : memref<128x128xf32, #tpu.memory_space<vmem>>)
    %add3A_2865 = arith.constant 29 : i32
    %add3A_2866 = arith.addi %mul3A_2, %add3A_2865 : i32
    %mul3A_2867 = arith.constant 128 : i32
    %mul3A_2868 = arith.muli %add3A_2866, %mul3A_2867 : i32
    %dma_start3A_2869 = arith.constant 0 : i32
    %dma_start3A_2870 = tpu.memref_slice %arg3[%mul3A_2868, %dma_start3A_2869] : memref<131072x128xf32, #tpu.memory_space<hbm>> -> memref<128x128xf32, #tpu.memory_space<hbm>>
    %dma_start3A_2871 = arith.constant 0 : i32
    %dma_start3A_2872 = tpu.memref_slice %arg3[%mul3A_2868, %dma_start3A_2871] : memref<131072x128xf32, #tpu.memory_space<hbm>> -> memref<128x128xf32, #tpu.memory_space<hbm>>
    tpu.enqueue_dma source(%arg15 : memref<128x128xf32, #tpu.memory_space<vmem>>) target(%dma_start3A_2872 : memref<128x128xf32, #tpu.memory_space<hbm>>) target_semaphore(%arg27 : memref<!tpu.dma_semaphore, #tpu.memory_space<semaphore_mem>>)
    %dma_wait3A_2873 = arith.constant 0 : i32
    %dma_wait3A_2874 = arith.constant 0 : i32
    %dma_wait3A_2875 = tpu.memref_slice %arg2[%dma_wait3A_2873, %dma_wait3A_2874] : memref<131072x128xf32, #tpu.memory_space<hbm>> -> memref<131072x128xf32, #tpu.memory_space<hbm>>
    tpu.wait_indirect_dma semaphore(%arg16 : memref<!tpu.dma_semaphore, #tpu.memory_space<semaphore_mem>>) src(%dma_wait3A_2875 : memref<131072x128xf32, #tpu.memory_space<hbm>>) dst(%arg10 : memref<128x128xf32, #tpu.memory_space<vmem>>)
    %add3A_2876 = arith.constant 30 : i32
    %add3A_2877 = arith.addi %mul3A_2, %add3A_2876 : i32
    %mul3A_2878 = arith.constant 128 : i32
    %mul3A_2879 = arith.muli %add3A_2877, %mul3A_2878 : i32
    %dma_start3A_2880 = arith.constant 0 : i32
    %dma_start3A_2881 = tpu.memref_slice %arg3[%mul3A_2879, %dma_start3A_2880] : memref<131072x128xf32, #tpu.memory_space<hbm>> -> memref<128x128xf32, #tpu.memory_space<hbm>>
    %dma_start3A_2882 = arith.constant 0 : i32
    %dma_start3A_2883 = tpu.memref_slice %arg3[%mul3A_2879, %dma_start3A_2882] : memref<131072x128xf32, #tpu.memory_space<hbm>> -> memref<128x128xf32, #tpu.memory_space<hbm>>
    tpu.enqueue_dma source(%arg10 : memref<128x128xf32, #tpu.memory_space<vmem>>) target(%dma_start3A_2883 : memref<128x128xf32, #tpu.memory_space<hbm>>) target_semaphore(%arg22 : memref<!tpu.dma_semaphore, #tpu.memory_space<semaphore_mem>>)
    %dma_wait3A_2884 = arith.constant 0 : i32
    %dma_wait3A_2885 = arith.constant 0 : i32
    %dma_wait3A_2886 = tpu.memref_slice %arg2[%dma_wait3A_2884, %dma_wait3A_2885] : memref<131072x128xf32, #tpu.memory_space<hbm>> -> memref<131072x128xf32, #tpu.memory_space<hbm>>
    tpu.wait_indirect_dma semaphore(%arg17 : memref<!tpu.dma_semaphore, #tpu.memory_space<semaphore_mem>>) src(%dma_wait3A_2886 : memref<131072x128xf32, #tpu.memory_space<hbm>>) dst(%arg11 : memref<128x128xf32, #tpu.memory_space<vmem>>)
    %add3A_2887 = arith.constant 31 : i32
    %add3A_2888 = arith.addi %mul3A_2, %add3A_2887 : i32
    %mul3A_2889 = arith.constant 128 : i32
    %mul3A_2890 = arith.muli %add3A_2888, %mul3A_2889 : i32
    %dma_start3A_2891 = arith.constant 0 : i32
    %dma_start3A_2892 = tpu.memref_slice %arg3[%mul3A_2890, %dma_start3A_2891] : memref<131072x128xf32, #tpu.memory_space<hbm>> -> memref<128x128xf32, #tpu.memory_space<hbm>>
    %dma_start3A_2893 = arith.constant 0 : i32
    %dma_start3A_2894 = tpu.memref_slice %arg3[%mul3A_2890, %dma_start3A_2893] : memref<131072x128xf32, #tpu.memory_space<hbm>> -> memref<128x128xf32, #tpu.memory_space<hbm>>
    tpu.enqueue_dma source(%arg11 : memref<128x128xf32, #tpu.memory_space<vmem>>) target(%dma_start3A_2894 : memref<128x128xf32, #tpu.memory_space<hbm>>) target_semaphore(%arg23 : memref<!tpu.dma_semaphore, #tpu.memory_space<semaphore_mem>>)
    %add3A_2895 = arith.constant 26 : i32
    %add3A_2896 = arith.addi %mul3A_2, %add3A_2895 : i32
    %mul3A_2897 = arith.constant 128 : i32
    %mul3A_2898 = arith.muli %add3A_2896, %mul3A_2897 : i32
    %dma_wait3A_2899 = arith.constant 0 : i32
    %dma_wait3A_2900 = tpu.memref_slice %arg3[%mul3A_2898, %dma_wait3A_2899] : memref<131072x128xf32, #tpu.memory_space<hbm>> -> memref<128x128xf32, #tpu.memory_space<hbm>>
    %dma_wait3A_2901 = arith.constant 0 : i32
    %dma_wait3A_2902 = tpu.memref_slice %arg3[%mul3A_2898, %dma_wait3A_2901] : memref<131072x128xf32, #tpu.memory_space<hbm>> -> memref<128x128xf32, #tpu.memory_space<hbm>>
    tpu.wait_dma2 semaphore(%arg24 : memref<!tpu.dma_semaphore, #tpu.memory_space<semaphore_mem>>) src(%arg12 : memref<128x128xf32, #tpu.memory_space<vmem>>) dst(%dma_wait3A_2902 : memref<128x128xf32, #tpu.memory_space<hbm>>)
    %add3A_2903 = arith.constant 27 : i32
    %add3A_2904 = arith.addi %mul3A_2, %add3A_2903 : i32
    %mul3A_2905 = arith.constant 128 : i32
    %mul3A_2906 = arith.muli %add3A_2904, %mul3A_2905 : i32
    %dma_wait3A_2907 = arith.constant 0 : i32
    %dma_wait3A_2908 = tpu.memref_slice %arg3[%mul3A_2906, %dma_wait3A_2907] : memref<131072x128xf32, #tpu.memory_space<hbm>> -> memref<128x128xf32, #tpu.memory_space<hbm>>
    %dma_wait3A_2909 = arith.constant 0 : i32
    %dma_wait3A_2910 = tpu.memref_slice %arg3[%mul3A_2906, %dma_wait3A_2909] : memref<131072x128xf32, #tpu.memory_space<hbm>> -> memref<128x128xf32, #tpu.memory_space<hbm>>
    tpu.wait_dma2 semaphore(%arg25 : memref<!tpu.dma_semaphore, #tpu.memory_space<semaphore_mem>>) src(%arg13 : memref<128x128xf32, #tpu.memory_space<vmem>>) dst(%dma_wait3A_2910 : memref<128x128xf32, #tpu.memory_space<hbm>>)
    %add3A_2911 = arith.constant 28 : i32
    %add3A_2912 = arith.addi %mul3A_2, %add3A_2911 : i32
    %mul3A_2913 = arith.constant 128 : i32
    %mul3A_2914 = arith.muli %add3A_2912, %mul3A_2913 : i32
    %dma_wait3A_2915 = arith.constant 0 : i32
    %dma_wait3A_2916 = tpu.memref_slice %arg3[%mul3A_2914, %dma_wait3A_2915] : memref<131072x128xf32, #tpu.memory_space<hbm>> -> memref<128x128xf32, #tpu.memory_space<hbm>>
    %dma_wait3A_2917 = arith.constant 0 : i32
    %dma_wait3A_2918 = tpu.memref_slice %arg3[%mul3A_2914, %dma_wait3A_2917] : memref<131072x128xf32, #tpu.memory_space<hbm>> -> memref<128x128xf32, #tpu.memory_space<hbm>>
    tpu.wait_dma2 semaphore(%arg26 : memref<!tpu.dma_semaphore, #tpu.memory_space<semaphore_mem>>) src(%arg14 : memref<128x128xf32, #tpu.memory_space<vmem>>) dst(%dma_wait3A_2918 : memref<128x128xf32, #tpu.memory_space<hbm>>)
    %add3A_2919 = arith.constant 29 : i32
    %add3A_2920 = arith.addi %mul3A_2, %add3A_2919 : i32
    %mul3A_2921 = arith.constant 128 : i32
    %mul3A_2922 = arith.muli %add3A_2920, %mul3A_2921 : i32
    %dma_wait3A_2923 = arith.constant 0 : i32
    %dma_wait3A_2924 = tpu.memref_slice %arg3[%mul3A_2922, %dma_wait3A_2923] : memref<131072x128xf32, #tpu.memory_space<hbm>> -> memref<128x128xf32, #tpu.memory_space<hbm>>
    %dma_wait3A_2925 = arith.constant 0 : i32
    %dma_wait3A_2926 = tpu.memref_slice %arg3[%mul3A_2922, %dma_wait3A_2925] : memref<131072x128xf32, #tpu.memory_space<hbm>> -> memref<128x128xf32, #tpu.memory_space<hbm>>
    tpu.wait_dma2 semaphore(%arg27 : memref<!tpu.dma_semaphore, #tpu.memory_space<semaphore_mem>>) src(%arg15 : memref<128x128xf32, #tpu.memory_space<vmem>>) dst(%dma_wait3A_2926 : memref<128x128xf32, #tpu.memory_space<hbm>>)
    %add3A_2927 = arith.constant 30 : i32
    %add3A_2928 = arith.addi %mul3A_2, %add3A_2927 : i32
    %mul3A_2929 = arith.constant 128 : i32
    %mul3A_2930 = arith.muli %add3A_2928, %mul3A_2929 : i32
    %dma_wait3A_2931 = arith.constant 0 : i32
    %dma_wait3A_2932 = tpu.memref_slice %arg3[%mul3A_2930, %dma_wait3A_2931] : memref<131072x128xf32, #tpu.memory_space<hbm>> -> memref<128x128xf32, #tpu.memory_space<hbm>>
    %dma_wait3A_2933 = arith.constant 0 : i32
    %dma_wait3A_2934 = tpu.memref_slice %arg3[%mul3A_2930, %dma_wait3A_2933] : memref<131072x128xf32, #tpu.memory_space<hbm>> -> memref<128x128xf32, #tpu.memory_space<hbm>>
    tpu.wait_dma2 semaphore(%arg22 : memref<!tpu.dma_semaphore, #tpu.memory_space<semaphore_mem>>) src(%arg10 : memref<128x128xf32, #tpu.memory_space<vmem>>) dst(%dma_wait3A_2934 : memref<128x128xf32, #tpu.memory_space<hbm>>)
    %add3A_2935 = arith.constant 31 : i32
    %add3A_2936 = arith.addi %mul3A_2, %add3A_2935 : i32
    %mul3A_2937 = arith.constant 128 : i32
    %mul3A_2938 = arith.muli %add3A_2936, %mul3A_2937 : i32
    %dma_wait3A_2939 = arith.constant 0 : i32
    %dma_wait3A_2940 = tpu.memref_slice %arg3[%mul3A_2938, %dma_wait3A_2939] : memref<131072x128xf32, #tpu.memory_space<hbm>> -> memref<128x128xf32, #tpu.memory_space<hbm>>
    %dma_wait3A_2941 = arith.constant 0 : i32
    %dma_wait3A_2942 = tpu.memref_slice %arg3[%mul3A_2938, %dma_wait3A_2941] : memref<131072x128xf32, #tpu.memory_space<hbm>> -> memref<128x128xf32, #tpu.memory_space<hbm>>
    tpu.wait_dma2 semaphore(%arg23 : memref<!tpu.dma_semaphore, #tpu.memory_space<semaphore_mem>>) src(%arg11 : memref<128x128xf32, #tpu.memory_space<vmem>>) dst(%dma_wait3A_2942 : memref<128x128xf32, #tpu.memory_space<hbm>>)
    return
  }
}

</mosaic_0001>

<sc_bundles>
// kernel: kernel.3.cloned.1.call-start
scs
__scs_entry_jumppad:
0x0: {  	(pc) =	sbr.rel $0x88, $3  }
0x1: {  	(tag) =	ssettag $0x0;
	lr =	simm.s32 $0x1  }
0x2: {  	[smem:$0x3FA0] =	sst lr;
	_ =	strace $0xD0000000  }
0x3: {  	_ = 	snop  }
0x4: {  	_ = 	snop  }
0x5: {  	_ = 	snop  }
0x6: {  	_ = 	snop  }
0x7: {  	_ = 	snop  }
__scs_overlays_trampoline_lowered:
0x8: {  	[smem:$0x3FAF] =	sst s0  }
0x9: {  	[smem:$0x3FB0] =	sst s1  }
0xa: {  	[smem:$0x3FB1] =	sst s2  }
0xb: {  	[smem:$0x3FB2] =	sst s3  }
0xc: {  	[smem:$0x3FB3] =	sst s4  }
0xd: {  	[smem:$0x3FB4] =	sst s5  }
0xe: {  	[smem:$0x3FB5] =	sst s6  }
0xf: {  	[smem:$0x3FB6] =	sst s7  }
0x10: {  	[smem:$0x3FB7] =	sst s8  }
0x11: {  	[smem:$0x3FB8] =	sst s9;
	s0 =	simm.s32 @!p0 $0x0  }
0x12: {  	s1 =	sld [smem:$0x3F9E];
	s0 =	simm.s32 @p0 $0x1  }
0x13: {  	[smem:$0x3FB9] =	sst s0;
	s0 =	simm.s32 @!p1 $0x0  }
0x14: {  	s2 =	sld [smem:$0x3F9D];
	s0 =	simm.s32 @p1 $0x1  }
0x15: {  	[smem:$0x3FBA] =	sst s0;
	s0 =	simm.s32 @!p2 $0x0  }
0x16: {  	s3 =	sld [smem:$0x3FDB];
	s0 =	simm.s32 @p2 $0x1  }
0x17: {  	s4 =	simm.s32 $0x1BF5;
	[smem:$0x3FBC] =	sst s0  }
0x18: {  	s0 =	sld [smem:$0x3F9F];
	_ =	swait.ge [sflag:s4], $0x0  }
0x19: {  	s7 =	sld [smem:$0x3FA0]  }
0x1a: {  	s8 =	sadd.s32 $0xFFFFE003, lr  }
0x1b: {  	s9 =	sadd.s32 $0xFFFFFEF7, lr;
	s5 =	simm.s32 $0xFFFFFFFF;
	p2 =	slt.u32 s8, $0xFFFFF086  }
0x1c: {  	p1 =	slt.u32 s9, $0xF7A;
	s5 =	simm.s32 @!p2 $0x0  }
0x1d: {  	s5 =	simm.s32 @p1 $0x1;
	p0 =	seq.s32 s7, s2  }
0x1e: {  	s7 =	smul.u32 @!p0 $0xF7A, s2;
	p2 =	seq.s32 @!p0 s5, $0x0  }
0x1f: {  	s9 =	smul.u32 $0xF7A, s1;
	s8 =	simm.s32 @!p0 $0x1BF5;
	p2 =	por !p2, p0  }
0x20: {  	[sflag:s8] =	ssyncset.s32 @!p0 $0xFFFFF086;
	s6 =	sadd.s32 @!p0 s3, s7;
	s7 =	simm.s32 @!p0 $0x108  }
0x21: {  	s3 =	sadd.s32 s3, s9;
	s6 =	sadd.s32 @!p0 $0x88, s6;
	s7 =	simm.s32 @p2 $0x1082  }
0x22: {  	[simem:s7], [sflag:s8] =	dma.local @!p0 [hbm:s6], $0xF7A  }
0x23: {  	s9 =	sor.u32 $0xD0000000, s2;
	s6 =	simm.s32 $0x108;
	_ =	swait.ge @!p0 [sflag:s8], $0x0  }
0x24: {  	s3 =	sadd.s32 $0x88, s3;
	s6 =	simm.s32 @!p1 $0x1082;
	[sflag:s4] =	ssyncset.s32 $0xFFFFF086  }
0x25: {  	[simem:s6], [sflag:s4] =	dma.local [hbm:s3], $0xF7A  }
0x26: {  	[smem:$0x3FA0] =	sst s1;
	(tag) =	ssettag s2;
	_ =	strace s9  }
0x27: {  	s1 =	sld [smem:$0x3FB0]  }
0x28: {  	s2 =	sld [smem:$0x3FB1]  }
0x29: {  	s4 =	sld [smem:$0x3FB3]  }
0x2a: {  	p0 =	seq.s32 s5, $0x0;
	s5 =	sld [smem:$0x3FB4]  }
0x2b: {  	s6 =	sld [smem:$0x3FB5]  }
0x2c: {  	s7 =	sld [smem:$0x3FB6]  }
0x2d: {  	s3 =	simm.s32 $0x108;
	s8 =	sld [smem:$0x3FB7]  }
0x2e: {  	s3 =	simm.s32 @!p0 $0x1082;
	s9 =	sld [smem:$0x3FB8]  }
0x2f: {  	lr =	sadd.s32 s0, s3;
	s0 =	sld [smem:$0x3FAF]  }
0x30: {  	s3 =	sld [smem:$0x3FB2]  }
0x31: {  	[smem:$0x3FBB] =	sst s10  }
0x32: {  	s10 =	sld [smem:$0x3FB9];
	_ =	sdelay $0x3  }
0x33: {  	p0 =	seq.s32 s10, $0x1;
	s10 =	sld [smem:$0x3FBB];
	_ =	sdelay $0x3  }
0x34: {  	[smem:$0x3FBB] =	sst s10  }
0x35: {  	s10 =	sld [smem:$0x3FBA];
	_ =	sdelay $0x3  }
0x36: {  	p1 =	seq.s32 s10, $0x1;
	s10 =	sld [smem:$0x3FBB];
	_ =	sdelay $0x3  }
0x37: {  	[smem:$0x3FBB] =	sst s10  }
0x38: {  	s10 =	sld [smem:$0x3FBC]  }
0x39: {  	_ = 	snop;
	(pc) =	sbr.ind lr, $3  }
0x3a: {  	_ = 	snop  }
0x3b: {  	_ = 	snop  }
0x3c: {  	p2 =	seq.s32 s10, $0x1;
	s10 =	sld [smem:$0x3FBB]  }
0x3d: {  	_ =	shalt  }
0x3e: {  	_ =	shalt  }
0x3f: {  	_ =	shalt  }
0x40: {  	_ =	shalt  }
0x41: {  	_ =	shalt  }
0x42: {  	_ =	shalt  }
0x43: {  	_ =	shalt  }
0x44: {  	_ =	shalt  }
0x45: {  	_ =	shalt  }
0x46: {  	_ =	shalt  }
0x47: {  	_ =	shalt  }
0x48: {  	_ =	shalt  }
0x49: {  	_ =	shalt  }
0x4a: {  	_ =	shalt  }
0x4b: {  	_ =	shalt  }
0x4c: {  	_ =	shalt  }
0x4d: {  	_ =	shalt  }
0x4e: {  	_ =	shalt  }
0x4f: {  	_ =	shalt  }
0x50: {  	_ =	shalt  }
0x51: {  	_ =	shalt  }
0x52: {  	_ =	shalt  }
0x53: {  	_ =	shalt  }
0x54: {  	_ =	shalt  }
0x55: {  	_ =	shalt  }
0x56: {  	_ =	shalt  }
0x57: {  	_ =	shalt  }
0x58: {  	_ =	shalt  }
0x59: {  	_ =	shalt  }
0x5a: {  	_ =	shalt  }
0x5b: {  	_ =	shalt  }
0x5c: {  	_ =	shalt  }
0x5d: {  	_ =	shalt  }
0x5e: {  	_ =	shalt  }
0x5f: {  	_ =	shalt  }
0x60: {  	_ =	shalt  }
0x61: {  	_ =	shalt  }
0x62: {  	_ =	shalt  }
0x63: {  	_ =	shalt  }
0x64: {  	_ =	shalt  }
0x65: {  	_ =	shalt  }
0x66: {  	_ =	shalt  }
0x67: {  	_ =	shalt  }
0x68: {  	_ =	shalt  }
0x69: {  	_ =	shalt  }
0x6a: {  	_ =	shalt  }
0x6b: {  	_ =	shalt  }
0x6c: {  	_ =	shalt  }
0x6d: {  	_ =	shalt  }
0x6e: {  	_ =	shalt  }
0x6f: {  	_ =	shalt  }
0x70: {  	_ =	shalt  }
0x71: {  	_ =	shalt  }
0x72: {  	_ =	shalt  }
0x73: {  	_ =	shalt  }
0x74: {  	_ =	shalt  }
0x75: {  	_ =	shalt  }
0x76: {  	_ =	shalt  }
0x77: {  	_ =	shalt  }
0x78: {  	_ =	shalt  }
0x79: {  	_ =	shalt  }
0x7a: {  	_ =	shalt  }
0x7b: {  	_ =	shalt  }
0x7c: {  	_ =	shalt  }
0x7d: {  	_ =	shalt  }
0x7e: {  	_ =	shalt  }
0x7f: {  	_ =	shalt  }
0x80: {  	_ =	shalt  }
0x81: {  	_ =	shalt  }
0x82: {  	_ =	shalt  }
0x83: {  	_ =	shalt  }
0x84: {  	_ =	shalt  }
0x85: {  	_ =	shalt  }
0x86: {  	_ =	shalt  }
0x87: {  	_ =	shalt  }
.Lfunc_end0:
.L_simem_size_0:
called_computation_lowered:
.L_overlay_start_0:
0x88: {  	s2 =	sld [smem:$0x3FD9]  }
0x89: {  	s3 =	sld [smem:$0x3FFE];
	_ =	sdelay $0x1  }
0x8a: {  	s1 =	srdreg.scid  }
0x8b: {  	s0 =	sand.u32 $0x1, s1  }
0x8c: {  	s18 =	sshll.u32 s0, $0xA;
	s2 =	sadd.s32 s3, s2  }
0x8d: {  	s2 =	sadd.s32 s2, s18  }
0x8e: {  	[smem:$0x3FC7] =	sst s2  }
0x8f: {  	_ = 	snop  }
0x90: {  	s2 =	sld [smem:$0x3FC9]  }
0x91: {  	s19 =	sld [smem:$0x3FD0];
	(tm) =	ssettm $0x1  }
0x92: {  	s4 =	sld [smem:$0x3FFB];
	_ =	sdelay $0x3  }
0x93: {  	_ =	strace s4  }
0x94: {  	s4 =	sld [smem:$0x3FFC];
	_ =	sdelay $0x3  }
0x95: {  	_ =	strace s4  }
0x96: {  	s4 =	sld [smem:$0x3FFD];
	_ =	sdelay $0x3  }
0x97: {  	_ =	strace s4  }
0x98: {  	_ =	strace $0x8FFFFFFF  }
0x99: {  	s20 =	sld [smem:$0x3FDB];
	_ =	sdelay $0x1  }
0x9a: {  	s5 =	simm.s32 $_scs_section_size  }
0x9b: {  	s6 =	simm.s32 $_size__tile_overlayer_lowered;
	s7 =	simm.s32 $_tile_overlayer_lowered  }
0x9c: {  	s23 =	simm.s32 $0x1BFF;
	s22 =	sshll.u32 s7, $0x1;
	s4 =	sadd.s32 s5, s20  }
0x9d: {  	s8 =	simm.s32 $0x0;
	s21 =	sshll.u32 s6, $0x1;
	s6 =	sadd.s32 s22, s4  }
0x9e: {  	[timem:s8], [sflag:s23] =	dma.local [hbm:s6], s21  }
0x9f: {  	_ =	swait.ge [sflag:s23], s21  }
0xa0: {  	s5 =	ssub.s32 $0x0, s21;
	[sflag:s23] =	ssyncset.done $0x0  }
0xa1: {  	[sflag:s23] =	ssyncadd.s32 s5;
	_ =	sdelay $0x1  }
0xa2: {  	s24 =	simm.s32 $0x1B8B  }
0xa3: {  	_ =	swait.ge [sflag:s24], $0x1  }
0xa4: {  	[sflag:s24] =	ssyncset.done $0x0  }
0xa5: {  	s25 =	simm.s32 $0x1B8E;
	[sflag:s24] =	ssyncadd.s32 $0xFFFFFFFF  }
0xa6: {  	s26 =	simm.s32 $execute0_lowered;
	[smem:$0x3FD2] =	sst s25  }
0xa7: {  	s5 =	sshll.u32 s26, $0x1;
	_ =	strace $0x80000046;
	[dreg:$0x1] =	wrdreg $0xFFFFFFFF  }
0xa8: {  	s28 =	simm.s32 $_size_execute0_lowered;
	s4 =	sadd.s32 s4, s5;
	[dreg:$0x0] =	wrdreg $0x0  }
0xa9: {  	s5 =	sshll.u32 s28, $0x1;
	[dreg:$0x2] =	wrdreg s4  }
0xaa: {  	[dreg:$0x3] =	wrdreg s5  }
0xab: {  	[dreg:$0x4] =	wrdreg $0xC0  }
0xac: {  	_ =	task [dreg:s8], $0x5FFFF  }
0xad: {  	[dreg:$0x1] =	wrdreg $0xFFFFFFFF  }
0xae: {  	[dreg:$0x0] =	wrdreg $0x60  }
0xaf: {  	[dreg:$0x2] =	wrdreg s2  }
0xb0: {  	[dreg:$0x3] =	wrdreg s19  }
0xb1: {  	[dreg:$0x4] =	wrdreg $0x9  }
0xb2: {  	_ =	task.clear_ibuf [dreg:s8], $0x5FFFF;
	_ =	strace $0x90000046  }
0xb3: {  	s29 =	simm.s32 $0x9;
	_ =	strace $0x80000048  }
0xb4: {  	_ =	swait.ge [sflag:s29], $0x1  }
0xb5: {  	[sflag:s29] =	ssyncadd.s32 $0xFFFFFFFF  }
0xb6: {  	_ =	strace $0x90000048  }
0xb7: {  	_ =	sfence  }
0xb8: {  	s30 =	sld [smem:$0x0];
	_ =	sdelay $0x2  }
0xb9: {  	s31 =	sshll.u32 s1, $0xD;
	s1 =	sshrl.u32 s1, $0x2  }
0xba: {  	s3 =	sand.u32 $0x4000, s31;
	s1 =	sadd.s32 s1, s30  }
0xbb: {  	s0 =	sor.u32 s3, s0;
	s1 =	sshll.u32 s1, $0x11  }
0xbc: {  	s0 =	sor.u32 s1, s0  }
0xbd: {  	s0 =	sadd.s32 $0x8F2B, s0  }
0xbe: {  	[sflag:s0] =	ssyncadd.remote.s32 $0x1  }
0xbf: {  	_ =	sfence.sel $0xFFFF  }
0xc0: {  	[dreg:$0x0] =	wrdreg $0xFFFFFFFF;
	(pc) =	sbr.abs _section_cstart, $3  }
0xc1: {  	[dreg:$0x1] =	wrdreg $0xFFFFFFFF  }
0xc2: {  	_ =	task.clear_ibuf [dreg:s8], $0x2FFFF;
	_ =	strace $0x9FFFFFFF  }
0xc3: {  	(tm) =	ssettm $0x7FFFFFFF  }
tec
execute0_lowered:
.L_overlay_start_1:
0x0: {  	(tag) =	ssettag $0x1  }
0x1: {  	s1 =	srdreg.scid;
	s0 =	stileid.u32  }
0x2: {  	s5 =	sand.u32 $0x1, s1;
	s20 =	sshll.u32 s0, $0x1  }
0x3: {  	s1 =	sor.u32 s5, s20  }
0x4: {  	s4 =	rddreg [dreg:$0x1];
	s6 =	sshll.u32 s1, $0x10  }
0x5: {  	s2 =	rddreg [dreg:$0x0];
	s3 =	simm.s32 $0x0;
	s4 =	sadd.s32 s4, s6  }
0x6: {  	[smem:$0x7FF] =	sst s3;
	s6 =	sadd.s32 $0x800, s4  }
0x7: {  	_ =	strace $0x80000047;
	s21 =	sadd.s32 $0x1000, s4;
	[dreg:$0x3] =	wrdreg s6  }
0x8: {  	s22 =	sadd.s32 $0x1800, s4;
	[dreg:$0x4] =	wrdreg s21  }
0x9: {  	s5 =	ssub.s32 $0x2, s5;
	s23 =	sadd.s32 $0x2000, s4;
	[dreg:$0x5] =	wrdreg s22  }
0xa: {  	s7 =	sshrl.u32 s5, $0x1;
	s24 =	sadd.s32 $0x2800, s4;
	[dreg:$0x6] =	wrdreg s23  }
0xb: {  	v0 =	vlaneseq.u32;
	s19 =	sshll.u32 s1, $0xC;
	s25 =	sadd.s32 $0x3000, s4;
	[dreg:$0x7] =	wrdreg s24  }
0xc: {  	v63 =	vmul.u32 $0xFFFFFFFF, v0;
	s5 =	ssub.s32 s5, s7;
	s26 =	sadd.s32 $0x3800, s4;
	[dreg:$0x8] =	wrdreg s25  }
0xd: {  	s7 =	sor.u32 $0x7F, s19;
	s8 =	sadd.s32 $0x4800, s4;
	[dreg:$0x9] =	wrdreg s26  }
0xe: {  	s9 =	sadd.s32 $0x5000, s4;
	v0 =	vadd.s32 s7, v63;
	[dreg:$0xb] =	wrdreg s8;
	s6 =	sor.u32 $0x6F, s19  }
0xf: {  	s10 =	sadd.s32 $0x5800, s4;
	[dreg:$0xc] =	wrdreg s9;
	s9 =	sor.u32 $0x5F, s19;
	[tilespmem:$0x1F3F0] =	vst v0;
	v0 =	vadd.s32 s6, v63  }
0x10: {  	s11 =	sadd.s32 $0x6800, s4;
	[dreg:$0xd] =	wrdreg s10;
	s10 =	sor.u32 $0x4F, s19;
	[tilespmem:$0x1F400] =	vst v0;
	v0 =	vadd.s32 s9, v63  }
0x11: {  	s12 =	sadd.s32 $0x7000, s4;
	[dreg:$0xf] =	wrdreg s11;
	s11 =	sor.u32 $0x3F, s19;
	[tilespmem:$0x1F410] =	vst v0;
	v0 =	vadd.s32 s10, v63  }
0x12: {  	s13 =	sadd.s32 $0x7800, s4;
	[dreg:$0x10] =	wrdreg s12;
	s12 =	sor.u32 $0x2F, s19;
	[tilespmem:$0x1F420] =	vst v0;
	v0 =	vadd.s32 s11, v63  }
0x13: {  	s14 =	sadd.s32 $0x8000, s4;
	[dreg:$0x11] =	wrdreg s13;
	s13 =	sor.u32 $0x1F, s19;
	[tilespmem:$0x1F430] =	vst v0;
	v0 =	vadd.s32 s12, v63  }
0x14: {  	s15 =	sadd.s32 $0x8800, s4;
	[dreg:$0x12] =	wrdreg s14;
	s14 =	sor.u32 $0xF, s19;
	[tilespmem:$0x1F440] =	vst v0;
	v0 =	vadd.s32 s13, v63  }
0x15: {  	s16 =	sadd.s32 $0x9000, s4;
	[dreg:$0x13] =	wrdreg s15;
	s15 =	sor.u32 $0xFF, s19;
	[tilespmem:$0x1F450] =	vst v0;
	v0 =	vadd.s32 s14, v63  }
0x16: {  	s17 =	sadd.s32 $0x9800, s4;
	[dreg:$0x14] =	wrdreg s16;
	s16 =	sor.u32 $0xEF, s19;
	[tilespmem:$0x1F460] =	vst v0;
	v0 =	vadd.s32 s15, v63  }
0x17: {  	s18 =	sadd.s32 $0xA000, s4;
	[dreg:$0x15] =	wrdreg s17;
	s17 =	sor.u32 $0xDF, s19;
	[tilespmem:$0x1F470] =	vst v0;
	v0 =	vadd.s32 s16, v63  }
0x18: {  	s20 =	sadd.s32 $0xA800, s4;
	[dreg:$0x16] =	wrdreg s18;
	s18 =	sor.u32 $0xCF, s19;
	[tilespmem:$0x1F480] =	vst v0;
	v0 =	vadd.s32 s17, v63  }
0x19: {  	[dreg:$0x17] =	wrdreg s20;
	s21 =	sadd.s32 $0xB000, s4;
	s20 =	sor.u32 $0xBF, s19;
	[tilespmem:$0x1F490] =	vst v0;
	v0 =	vadd.s32 s18, v63  }
0x1a: {  	s22 =	sadd.s32 $0xB800, s4;
	[dreg:$0x18] =	wrdreg s21;
	s21 =	sor.u32 $0xAF, s19;
	[tilespmem:$0x1F4A0] =	vst v0;
	v0 =	vadd.s32 s20, v63  }
0x1b: {  	s23 =	sadd.s32 $0xC000, s4;
	[dreg:$0x19] =	wrdreg s22;
	s22 =	sor.u32 $0x9F, s19;
	[tilespmem:$0x1F4B0] =	vst v0;
	v0 =	vadd.s32 s21, v63  }
0x1c: {  	s24 =	sadd.s32 $0xC800, s4;
	[dreg:$0x1a] =	wrdreg s23;
	s23 =	sor.u32 $0x8F, s19;
	[tilespmem:$0x1F4C0] =	vst v0;
	v0 =	vadd.s32 s22, v63  }
0x1d: {  	s8 =	sadd.s32 $0x6000, s4;
	[dreg:$0x1b] =	wrdreg s24;
	s24 =	sor.u32 $0x17F, s19;
	[tilespmem:$0x1F4D0] =	vst v0;
	v0 =	vadd.s32 s23, v63  }
0x1e: {  	s25 =	sadd.s32 $0xD000, s4;
	[dreg:$0xe] =	wrdreg s8;
	s8 =	sor.u32 $0x16F, s19;
	[tilespmem:$0x1F4E0] =	vst v0;
	v0 =	vadd.s32 s24, v63  }
0x1f: {  	s26 =	sadd.s32 $0xD800, s4;
	[dreg:$0x1c] =	wrdreg s25;
	s25 =	sor.u32 $0x15F, s19;
	[tilespmem:$0x1F4F0] =	vst v0;
	v0 =	vadd.s32 s8, v63  }
0x20: {  	[dreg:$0x1d] =	wrdreg s26;
	s26 =	sor.u32 $0x14F, s19;
	[tilespmem:$0x1F500] =	vst v0;
	v0 =	vadd.s32 s25, v63  }
0x21: {  	s28 =	sor.u32 $0x13F, s19;
	[tilespmem:$0x1F510] =	vst v0;
	v0 =	vadd.s32 s26, v63  }
0x22: {  	s29 =	sor.u32 $0x12F, s19;
	[tilespmem:$0x1F520] =	vst v0;
	v0 =	vadd.s32 s28, v63  }
0x23: {  	s30 =	sor.u32 $0x11F, s19;
	[tilespmem:$0x1F530] =	vst v0;
	v0 =	vadd.s32 s29, v63  }
0x24: {  	s0 =	sadd.s32 $0x4000, s4;
	s7 =	sor.u32 $0x10F, s19;
	[tilespmem:$0x1F540] =	vst v0;
	v0 =	vadd.s32 s30, v63  }
0x25: {  	s31 =	sor.u32 $0x1FF, s19;
	[dreg:$0xa] =	wrdreg s0;
	s0 =	sadd.s32 $0xE000, s4;
	[tilespmem:$0x1F550] =	vst v0;
	v0 =	vadd.s32 s7, v63  }
0x26: {  	[dreg:$0x1e] =	wrdreg s0;
	s0 =	sor.u32 $0x1EF, s19;
	[tilespmem:$0x1F560] =	vst v0;
	v0 =	vadd.s32 s31, v63  }
0x27: {  	s6 =	sor.u32 $0x1DF, s19;
	[tilespmem:$0x1F570] =	vst v0;
	v0 =	vadd.s32 s0, v63  }
0x28: {  	s9 =	sor.u32 $0x1CF, s19;
	[tilespmem:$0x1F580] =	vst v0;
	v0 =	vadd.s32 s6, v63  }
0x29: {  	s10 =	sor.u32 $0x1BF, s19;
	[tilespmem:$0x1F590] =	vst v0;
	v0 =	vadd.s32 s9, v63  }
0x2a: {  	s1 =	sshllo.u32 s1, $0xC;
	s12 =	sor.u32 $0x1AF, s19;
	[tilespmem:$0x1F5A0] =	vst v0;
	v0 =	vadd.s32 s10, v63  }
0x2b: {  	[dreg:$0x1f] =	wrdreg s1;
	s1 =	sor.u32 $0x19F, s19;
	[tilespmem:$0x1F5B0] =	vst v0;
	v0 =	vadd.s32 s12, v63  }
0x2c: {  	s13 =	sor.u32 $0x18F, s19;
	[tilespmem:$0x1F5C0] =	vst v0;
	v0 =	vadd.s32 s1, v63  }
0x2d: {  	s14 =	sor.u32 $0x27F, s19;
	[tilespmem:$0x1F5D0] =	vst v0;
	v0 =	vadd.s32 s13, v63  }
0x2e: {  	s15 =	sor.u32 $0x26F, s19;
	[tilespmem:$0x1F5E0] =	vst v0;
	v0 =	vadd.s32 s14, v63  }
0x2f: {  	s16 =	sor.u32 $0x25F, s19;
	[tilespmem:$0x1F5F0] =	vst v0;
	v0 =	vadd.s32 s15, v63  }
0x30: {  	s17 =	sor.u32 $0x24F, s19;
	[tilespmem:$0x1F600] =	vst v0;
	v0 =	vadd.s32 s16, v63  }
0x31: {  	s18 =	sor.u32 $0x23F, s19;
	[tilespmem:$0x1F610] =	vst v0;
	v0 =	vadd.s32 s17, v63  }
0x32: {  	s20 =	sor.u32 $0x22F, s19;
	[tilespmem:$0x1F620] =	vst v0;
	v0 =	vadd.s32 s18, v63  }
0x33: {  	s21 =	sor.u32 $0x21F, s19;
	[tilespmem:$0x1F630] =	vst v0;
	v0 =	vadd.s32 s20, v63  }
0x34: {  	s22 =	sor.u32 $0x20F, s19;
	[tilespmem:$0x1F640] =	vst v0;
	v0 =	vadd.s32 s21, v63  }
0x35: {  	s23 =	sor.u32 $0x2FF, s19;
	[tilespmem:$0x1F650] =	vst v0;
	v0 =	vadd.s32 s22, v63  }
0x36: {  	s8 =	sor.u32 $0x2EF, s19;
	[tilespmem:$0x1F660] =	vst v0;
	v0 =	vadd.s32 s23, v63  }
0x37: {  	s24 =	sor.u32 $0x2DF, s19;
	[tilespmem:$0x1F670] =	vst v0;
	v0 =	vadd.s32 s8, v63  }
0x38: {  	s25 =	sor.u32 $0x2CF, s19;
	[tilespmem:$0x1F680] =	vst v0;
	v0 =	vadd.s32 s24, v63  }
0x39: {  	s26 =	sor.u32 $0x2BF, s19;
	[tilespmem:$0x1F690] =	vst v0;
	v0 =	vadd.s32 s25, v63  }
0x3a: {  	s28 =	sor.u32 $0x2AF, s19;
	[tilespmem:$0x1F6A0] =	vst v0;
	v0 =	vadd.s32 s26, v63  }
0x3b: {  	s29 =	sor.u32 $0x29F, s19;
	[tilespmem:$0x1F6B0] =	vst v0;
	v0 =	vadd.s32 s28, v63  }
0x3c: {  	s7 =	sor.u32 $0x28F, s19;
	[tilespmem:$0x1F6C0] =	vst v0;
	v0 =	vadd.s32 s29, v63  }
0x3d: {  	s30 =	sor.u32 $0x37F, s19;
	[tilespmem:$0x1F6D0] =	vst v0;
	v0 =	vadd.s32 s7, v63  }
0x3e: {  	s31 =	sor.u32 $0x36F, s19;
	[tilespmem:$0x1F6E0] =	vst v0;
	v0 =	vadd.s32 s30, v63  }
0x3f: {  	s0 =	sor.u32 $0x35F, s19;
	[tilespmem:$0x1F6F0] =	vst v0;
	v0 =	vadd.s32 s31, v63  }
0x40: {  	s6 =	sor.u32 $0x34F, s19;
	[tilespmem:$0x1F700] =	vst v0;
	v0 =	vadd.s32 s0, v63  }
0x41: {  	s9 =	sor.u32 $0x33F, s19;
	[tilespmem:$0x1F710] =	vst v0;
	v0 =	vadd.s32 s6, v63  }
0x42: {  	s11 =	sor.u32 $0x32F, s19;
	[tilespmem:$0x1F720] =	vst v0;
	v0 =	vadd.s32 s9, v63  }
0x43: {  	s1 =	sor.u32 $0x31F, s19;
	[tilespmem:$0x1F730] =	vst v0;
	v0 =	vadd.s32 s11, v63  }
0x44: {  	s12 =	sor.u32 $0x30F, s19;
	[tilespmem:$0x1F740] =	vst v0;
	v0 =	vadd.s32 s1, v63  }
0x45: {  	s13 =	sor.u32 $0x3FF, s19;
	[tilespmem:$0x1F750] =	vst v0;
	v0 =	vadd.s32 s12, v63  }
0x46: {  	s14 =	sor.u32 $0x3EF, s19;
	[tilespmem:$0x1F760] =	vst v0;
	v0 =	vadd.s32 s13, v63  }
0x47: {  	s15 =	sor.u32 $0x3DF, s19;
	[tilespmem:$0x1F770] =	vst v0;
	v0 =	vadd.s32 s14, v63  }
0x48: {  	s16 =	sor.u32 $0x3CF, s19;
	[tilespmem:$0x1F780] =	vst v0;
	v0 =	vadd.s32 s15, v63  }
0x49: {  	s17 =	sor.u32 $0x3BF, s19;
	[tilespmem:$0x1F790] =	vst v0;
	v0 =	vadd.s32 s16, v63  }
0x4a: {  	s18 =	sor.u32 $0x3AF, s19;
	[tilespmem:$0x1F7A0] =	vst v0;
	v0 =	vadd.s32 s17, v63  }
0x4b: {  	s20 =	sor.u32 $0x39F, s19;
	[tilespmem:$0x1F7B0] =	vst v0;
	v0 =	vadd.s32 s18, v63  }
0x4c: {  	s21 =	sor.u32 $0x38F, s19;
	[tilespmem:$0x1F7C0] =	vst v0;
	v0 =	vadd.s32 s20, v63  }
0x4d: {  	s22 =	sor.u32 $0x47F, s19;
	[tilespmem:$0x1F7D0] =	vst v0;
	v0 =	vadd.s32 s21, v63  }
0x4e: {  	s8 =	sor.u32 $0x46F, s19;
	[tilespmem:$0x1F7E0] =	vst v0;
	v0 =	vadd.s32 s22, v63  }
0x4f: {  	s23 =	sor.u32 $0x45F, s19;
	[tilespmem:$0x1F7F0] =	vst v0;
	v0 =	vadd.s32 s8, v63  }
0x50: {  	s24 =	sor.u32 $0x44F, s19;
	[tilespmem:$0x1F800] =	vst v0;
	v0 =	vadd.s32 s23, v63  }
0x51: {  	s25 =	sor.u32 $0x43F, s19;
	[tilespmem:$0x1F810] =	vst v0;
	v0 =	vadd.s32 s24, v63  }
0x52: {  	s26 =	sor.u32 $0x42F, s19;
	[tilespmem:$0x1F820] =	vst v0;
	v0 =	vadd.s32 s25, v63  }
0x53: {  	s28 =	sor.u32 $0x41F, s19;
	[tilespmem:$0x1F830] =	vst v0;
	v0 =	vadd.s32 s26, v63  }
0x54: {  	s7 =	sor.u32 $0x40F, s19;
	[tilespmem:$0x1F840] =	vst v0;
	v0 =	vadd.s32 s28, v63  }
0x55: {  	s29 =	sor.u32 $0x4FF, s19;
	[tilespmem:$0x1F850] =	vst v0;
	v0 =	vadd.s32 s7, v63  }
0x56: {  	s30 =	sor.u32 $0x4EF, s19;
	[tilespmem:$0x1F860] =	vst v0;
	v0 =	vadd.s32 s29, v63  }
0x57: {  	s0 =	sor.u32 $0x4DF, s19;
	[tilespmem:$0x1F870] =	vst v0;
	v0 =	vadd.s32 s30, v63  }
0x58: {  	s6 =	sor.u32 $0x4CF, s19;
	[tilespmem:$0x1F880] =	vst v0;
	v0 =	vadd.s32 s0, v63  }
0x59: {  	s31 =	sor.u32 $0x4BF, s19;
	[tilespmem:$0x1F890] =	vst v0;
	v0 =	vadd.s32 s6, v63  }
0x5a: {  	s10 =	sor.u32 $0x4AF, s19;
	[tilespmem:$0x1F8A0] =	vst v0;
	v0 =	vadd.s32 s31, v63  }
0x5b: {  	s1 =	sor.u32 $0x49F, s19;
	[tilespmem:$0x1F8B0] =	vst v0;
	v0 =	vadd.s32 s10, v63  }
0x5c: {  	s11 =	sor.u32 $0x48F, s19;
	[tilespmem:$0x1F8C0] =	vst v0;
	v0 =	vadd.s32 s1, v63  }
0x5d: {  	s12 =	sor.u32 $0x57F, s19;
	[tilespmem:$0x1F8D0] =	vst v0;
	v0 =	vadd.s32 s11, v63  }
0x5e: {  	s13 =	sor.u32 $0x56F, s19;
	[tilespmem:$0x1F8E0] =	vst v0;
	v0 =	vadd.s32 s12, v63  }
0x5f: {  	s14 =	sor.u32 $0x55F, s19;
	[tilespmem:$0x1F8F0] =	vst v0;
	v0 =	vadd.s32 s13, v63  }
0x60: {  	s15 =	sor.u32 $0x54F, s19;
	[tilespmem:$0x1F900] =	vst v0;
	v0 =	vadd.s32 s14, v63  }
0x61: {  	s16 =	sor.u32 $0x53F, s19;
	[tilespmem:$0x1F910] =	vst v0;
	v0 =	vadd.s32 s15, v63  }
0x62: {  	s17 =	sor.u32 $0x52F, s19;
	[tilespmem:$0x1F920] =	vst v0;
	v0 =	vadd.s32 s16, v63  }
0x63: {  	s18 =	sor.u32 $0x51F, s19;
	[tilespmem:$0x1F930] =	vst v0;
	v0 =	vadd.s32 s17, v63  }
0x64: {  	s20 =	sor.u32 $0x50F, s19;
	[tilespmem:$0x1F940] =	vst v0;
	v0 =	vadd.s32 s18, v63  }
0x65: {  	s21 =	sor.u32 $0x5FF, s19;
	[tilespmem:$0x1F950] =	vst v0;
	v0 =	vadd.s32 s20, v63  }
0x66: {  	s8 =	sor.u32 $0x5EF, s19;
	[tilespmem:$0x1F960] =	vst v0;
	v0 =	vadd.s32 s21, v63  }
0x67: {  	s22 =	sor.u32 $0x5DF, s19;
	[tilespmem:$0x1F970] =	vst v0;
	v0 =	vadd.s32 s8, v63  }
0x68: {  	s23 =	sor.u32 $0x5CF, s19;
	[tilespmem:$0x1F980] =	vst v0;
	v0 =	vadd.s32 s22, v63  }
0x69: {  	s24 =	sor.u32 $0x5BF, s19;
	[tilespmem:$0x1F990] =	vst v0;
	v0 =	vadd.s32 s23, v63  }
0x6a: {  	s25 =	sor.u32 $0x5AF, s19;
	[tilespmem:$0x1F9A0] =	vst v0;
	v0 =	vadd.s32 s24, v63  }
0x6b: {  	s26 =	sor.u32 $0x59F, s19;
	[tilespmem:$0x1F9B0] =	vst v0;
	v0 =	vadd.s32 s25, v63  }
0x6c: {  	s7 =	sor.u32 $0x58F, s19;
	[tilespmem:$0x1F9C0] =	vst v0;
	v0 =	vadd.s32 s26, v63  }
0x6d: {  	s28 =	sor.u32 $0x67F, s19;
	[tilespmem:$0x1F9D0] =	vst v0;
	v0 =	vadd.s32 s7, v63  }
0x6e: {  	s29 =	sor.u32 $0x66F, s19;
	[tilespmem:$0x1F9E0] =	vst v0;
	v0 =	vadd.s32 s28, v63  }
0x6f: {  	s0 =	sor.u32 $0x65F, s19;
	[tilespmem:$0x1F9F0] =	vst v0;
	v0 =	vadd.s32 s29, v63  }
0x70: {  	s6 =	sor.u32 $0x64F, s19;
	[tilespmem:$0x1FA00] =	vst v0;
	v0 =	vadd.s32 s0, v63  }
0x71: {  	s30 =	sor.u32 $0x63F, s19;
	[tilespmem:$0x1FA10] =	vst v0;
	v0 =	vadd.s32 s6, v63  }
0x72: {  	s10 =	sor.u32 $0x62F, s19;
	[tilespmem:$0x1FA20] =	vst v0;
	v0 =	vadd.s32 s30, v63  }
0x73: {  	s1 =	sor.u32 $0x61F, s19;
	[tilespmem:$0x1FA30] =	vst v0;
	v0 =	vadd.s32 s10, v63  }
0x74: {  	s31 =	sor.u32 $0x60F, s19;
	[tilespmem:$0x1FA40] =	vst v0;
	v0 =	vadd.s32 s1, v63  }
0x75: {  	s11 =	sor.u32 $0x6FF, s19;
	[tilespmem:$0x1FA50] =	vst v0;
	v0 =	vadd.s32 s31, v63  }
0x76: {  	s12 =	sor.u32 $0x6EF, s19;
	[tilespmem:$0x1FA60] =	vst v0;
	v0 =	vadd.s32 s11, v63  }
0x77: {  	s13 =	sor.u32 $0x6DF, s19;
	[tilespmem:$0x1FA70] =	vst v0;
	v0 =	vadd.s32 s12, v63  }
0x78: {  	s14 =	sor.u32 $0x6CF, s19;
	[tilespmem:$0x1FA80] =	vst v0;
	v0 =	vadd.s32 s13, v63  }
0x79: {  	s15 =	sor.u32 $0x6BF, s19;
	[tilespmem:$0x1FA90] =	vst v0;
	v0 =	vadd.s32 s14, v63  }
0x7a: {  	s16 =	sor.u32 $0x6AF, s19;
	[tilespmem:$0x1FAA0] =	vst v0;
	v0 =	vadd.s32 s15, v63  }
0x7b: {  	s17 =	sor.u32 $0x69F, s19;
	[tilespmem:$0x1FAB0] =	vst v0;
	v0 =	vadd.s32 s16, v63  }
0x7c: {  	s18 =	sor.u32 $0x68F, s19;
	[tilespmem:$0x1FAC0] =	vst v0;
	v0 =	vadd.s32 s17, v63  }
0x7d: {  	s20 =	sor.u32 $0x77F, s19;
	[tilespmem:$0x1FAD0] =	vst v0;
	v0 =	vadd.s32 s18, v63  }
0x7e: {  	s8 =	sor.u32 $0x76F, s19;
	[tilespmem:$0x1FAE0] =	vst v0;
	v0 =	vadd.s32 s20, v63  }
0x7f: {  	s21 =	sor.u32 $0x75F, s19;
	[tilespmem:$0x1FAF0] =	vst v0;
	v0 =	vadd.s32 s8, v63  }
0x80: {  	s22 =	sor.u32 $0x74F, s19;
	[tilespmem:$0x1FB00] =	vst v0;
	v0 =	vadd.s32 s21, v63  }
0x81: {  	s23 =	sor.u32 $0x73F, s19;
	[tilespmem:$0x1FB10] =	vst v0;
	v0 =	vadd.s32 s22, v63  }
0x82: {  	s24 =	sor.u32 $0x72F, s19;
	[tilespmem:$0x1FB20] =	vst v0;
	v0 =	vadd.s32 s23, v63  }
0x83: {  	s25 =	sor.u32 $0x71F, s19;
	[tilespmem:$0x1FB30] =	vst v0;
	v0 =	vadd.s32 s24, v63  }
0x84: {  	s7 =	sor.u32 $0x70F, s19;
	[tilespmem:$0x1FB40] =	vst v0;
	v0 =	vadd.s32 s25, v63  }
0x85: {  	s26 =	sor.u32 $0x7FF, s19;
	[tilespmem:$0x1FB50] =	vst v0;
	v0 =	vadd.s32 s7, v63  }
0x86: {  	s28 =	sor.u32 $0x7EF, s19;
	[tilespmem:$0x1FB60] =	vst v0;
	v0 =	vadd.s32 s26, v63  }
0x87: {  	s0 =	sor.u32 $0x7DF, s19;
	[tilespmem:$0x1FB70] =	vst v0;
	v0 =	vadd.s32 s28, v63  }
0x88: {  	s6 =	sor.u32 $0x7CF, s19;
	[tilespmem:$0x1FB80] =	vst v0;
	v0 =	vadd.s32 s0, v63  }
0x89: {  	s29 =	sor.u32 $0x7BF, s19;
	[tilespmem:$0x1FB90] =	vst v0;
	v0 =	vadd.s32 s6, v63  }
0x8a: {  	s10 =	sor.u32 $0x7AF, s19;
	[tilespmem:$0x1FBA0] =	vst v0;
	v0 =	vadd.s32 s29, v63  }
0x8b: {  	s1 =	sor.u32 $0x79F, s19;
	[tilespmem:$0x1FBB0] =	vst v0;
	v0 =	vadd.s32 s10, v63  }
0x8c: {  	s30 =	sor.u32 $0x78F, s19;
	[tilespmem:$0x1FBC0] =	vst v0;
	v0 =	vadd.s32 s1, v63  }
0x8d: {  	s11 =	sor.u32 $0x87F, s19;
	[tilespmem:$0x1FBD0] =	vst v0;
	v0 =	vadd.s32 s30, v63  }
0x8e: {  	s12 =	sor.u32 $0x86F, s19;
	[tilespmem:$0x1FBE0] =	vst v0;
	v0 =	vadd.s32 s11, v63  }
0x8f: {  	s31 =	sor.u32 $0x85F, s19;
	[tilespmem:$0x1FBF0] =	vst v0;
	v0 =	vadd.s32 s12, v63  }
0x90: {  	s13 =	sor.u32 $0x84F, s19;
	[tilespmem:$0x1FC00] =	vst v0;
	v0 =	vadd.s32 s31, v63  }
0x91: {  	s14 =	sor.u32 $0x83F, s19;
	[tilespmem:$0x1FC10] =	vst v0;
	v0 =	vadd.s32 s13, v63  }
0x92: {  	s15 =	sor.u32 $0x82F, s19;
	[tilespmem:$0x1FC20] =	vst v0;
	v0 =	vadd.s32 s14, v63  }
0x93: {  	s16 =	sor.u32 $0x81F, s19;
	[tilespmem:$0x1FC30] =	vst v0;
	v0 =	vadd.s32 s15, v63  }
0x94: {  	s17 =	sor.u32 $0x80F, s19;
	[tilespmem:$0x1FC40] =	vst v0;
	v0 =	vadd.s32 s16, v63  }
0x95: {  	s18 =	sor.u32 $0x8FF, s19;
	[tilespmem:$0x1FC50] =	vst v0;
	v0 =	vadd.s32 s17, v63  }
0x96: {  	s8 =	sor.u32 $0x8EF, s19;
	[tilespmem:$0x1FC60] =	vst v0;
	v0 =	vadd.s32 s18, v63  }
0x97: {  	s20 =	sor.u32 $0x8DF, s19;
	[tilespmem:$0x1FC70] =	vst v0;
	v0 =	vadd.s32 s8, v63  }
0x98: {  	s21 =	sor.u32 $0x8CF, s19;
	[tilespmem:$0x1FC80] =	vst v0;
	v0 =	vadd.s32 s20, v63  }
0x99: {  	s22 =	sor.u32 $0x8BF, s19;
	[tilespmem:$0x1FC90] =	vst v0;
	v0 =	vadd.s32 s21, v63  }
0x9a: {  	s23 =	sor.u32 $0x8AF, s19;
	[tilespmem:$0x1FCA0] =	vst v0;
	v0 =	vadd.s32 s22, v63  }
0x9b: {  	s24 =	sor.u32 $0x89F, s19;
	[tilespmem:$0x1FCB0] =	vst v0;
	v0 =	vadd.s32 s23, v63  }
0x9c: {  	s7 =	sor.u32 $0x88F, s19;
	[tilespmem:$0x1FCC0] =	vst v0;
	v0 =	vadd.s32 s24, v63  }
0x9d: {  	s25 =	sor.u32 $0x97F, s19;
	[tilespmem:$0x1FCD0] =	vst v0;
	v0 =	vadd.s32 s7, v63  }
0x9e: {  	s26 =	sor.u32 $0x96F, s19;
	[tilespmem:$0x1FCE0] =	vst v0;
	v0 =	vadd.s32 s25, v63  }
0x9f: {  	s0 =	sor.u32 $0x95F, s19;
	[tilespmem:$0x1FCF0] =	vst v0;
	v0 =	vadd.s32 s26, v63  }
0xa0: {  	s6 =	sor.u32 $0x94F, s19;
	[tilespmem:$0x1FD00] =	vst v0;
	v0 =	vadd.s32 s0, v63  }
0xa1: {  	s28 =	sor.u32 $0x93F, s19;
	[tilespmem:$0x1FD10] =	vst v0;
	v0 =	vadd.s32 s6, v63  }
0xa2: {  	s10 =	sor.u32 $0x92F, s19;
	[tilespmem:$0x1FD20] =	vst v0;
	v0 =	vadd.s32 s28, v63  }
0xa3: {  	s1 =	sor.u32 $0x91F, s19;
	[tilespmem:$0x1FD30] =	vst v0;
	v0 =	vadd.s32 s10, v63  }
0xa4: {  	s29 =	sor.u32 $0x90F, s19;
	[tilespmem:$0x1FD40] =	vst v0;
	v0 =	vadd.s32 s1, v63  }
0xa5: {  	s11 =	sor.u32 $0x9FF, s19;
	[tilespmem:$0x1FD50] =	vst v0;
	v0 =	vadd.s32 s29, v63  }
0xa6: {  	s12 =	sor.u32 $0x9EF, s19;
	[tilespmem:$0x1FD60] =	vst v0;
	v0 =	vadd.s32 s11, v63  }
0xa7: {  	s30 =	sor.u32 $0x9DF, s19;
	[tilespmem:$0x1FD70] =	vst v0;
	v0 =	vadd.s32 s12, v63  }
0xa8: {  	s13 =	sor.u32 $0x9CF, s19;
	[tilespmem:$0x1FD80] =	vst v0;
	v0 =	vadd.s32 s30, v63  }
0xa9: {  	s14 =	sor.u32 $0x9BF, s19;
	[tilespmem:$0x1FD90] =	vst v0;
	v0 =	vadd.s32 s13, v63  }
0xaa: {  	s31 =	sor.u32 $0x9AF, s19;
	[tilespmem:$0x1FDA0] =	vst v0;
	v0 =	vadd.s32 s14, v63  }
0xab: {  	s5 =	smax.u32 s5, $0x1;
	s9 =	sor.u32 $0xDAF, s19;
	s15 =	sor.u32 $0x99F, s19;
	[tilespmem:$0x1FDB0] =	vst v0;
	v0 =	vadd.s32 s31, v63  }
0xac: {  	v29 =	vadd.s32 s9, v63;
	s9 =	simm.s32 $0x80;
	s16 =	sor.u32 $0x98F, s19;
	s17 =	sor.u32 $0xA7F, s19;
	[tilespmem:$0x1FDC0] =	vst v0;
	v0 =	vadd.s32 s15, v63  }
0xad: {  	s18 =	sor.u32 $0xA5F, s19;
	s8 =	sor.u32 $0xA6F, s19;
	s20 =	sor.u32 $0xA4F, s19;
	[tilespmem:$0x1FDD0] =	vst v0;
	v0 =	vadd.s32 s16, v63  }
0xae: {  	s21 =	sor.u32 $0xA3F, s19;
	s22 =	sor.u32 $0xA2F, s19;
	s23 =	sor.u32 $0xA1F, s19;
	[tilespmem:$0x1FDE0] =	vst v0;
	v0 =	vadd.s32 s17, v63  }
0xaf: {  	s24 =	sor.u32 $0xAFF, s19;
	s7 =	sor.u32 $0xA0F, s19;
	s25 =	sor.u32 $0xAEF, s19;
	[tilespmem:$0x1FDF0] =	vst v0;
	v0 =	vadd.s32 s8, v63  }
0xb0: {  	s26 =	sor.u32 $0xABF, s19;
	s0 =	sor.u32 $0xADF, s19;
	s6 =	sor.u32 $0xACF, s19;
	[tilespmem:$0x1FE00] =	vst v0;
	v0 =	vadd.s32 s18, v63  }
0xb1: {  	s28 =	sor.u32 $0xA8F, s19;
	s10 =	sor.u32 $0xAAF, s19;
	s1 =	sor.u32 $0xA9F, s19;
	[tilespmem:$0x1FE10] =	vst v0;
	v0 =	vadd.s32 s20, v63  }
0xb2: {  	s29 =	sor.u32 $0xB5F, s19;
	s11 =	sor.u32 $0xB7F, s19;
	s12 =	sor.u32 $0xB6F, s19;
	[tilespmem:$0x1FE20] =	vst v0;
	v0 =	vadd.s32 s21, v63  }
0xb3: {  	s30 =	sor.u32 $0xB2F, s19;
	s13 =	sor.u32 $0xB4F, s19;
	s14 =	sor.u32 $0xB3F, s19;
	[tilespmem:$0x1FE30] =	vst v0;
	v0 =	vadd.s32 s22, v63  }
0xb4: {  	s31 =	sor.u32 $0xBFF, s19;
	s15 =	sor.u32 $0xB1F, s19;
	s16 =	sor.u32 $0xB0F, s19;
	[tilespmem:$0x1FE40] =	vst v0;
	v0 =	vadd.s32 s23, v63  }
0xb5: {  	s17 =	sor.u32 $0xBDF, s19;
	s8 =	sor.u32 $0xBEF, s19;
	s18 =	sor.u32 $0xBCF, s19;
	[tilespmem:$0x1FE50] =	vst v0;
	v0 =	vadd.s32 s7, v63  }
0xb6: {  	s20 =	sor.u32 $0xBBF, s19;
	s21 =	sor.u32 $0xBAF, s19;
	s22 =	sor.u32 $0xB9F, s19;
	[tilespmem:$0x1FE60] =	vst v0;
	v0 =	vadd.s32 s24, v63  }
0xb7: {  	s23 =	sor.u32 $0xC7F, s19;
	s7 =	sor.u32 $0xB8F, s19;
	s24 =	sor.u32 $0xC6F, s19;
	[tilespmem:$0x1FE70] =	vst v0;
	v0 =	vadd.s32 s25, v63  }
0xb8: {  	s25 =	sor.u32 $0xC3F, s19;
	v1 =	vadd.s32 s24, v63;
	s24 =	sor.u32 $0xDBF, s19;
	[tilespmem:$0x1FE80] =	vst v0;
	v0 =	vadd.s32 s0, v63;
	s0 =	sor.u32 $0xC5F, s19  }
0xb9: {  	v4 =	vadd.s32 s25, v63;
	s25 =	sor.u32 $0xECF, s19;
	v28 =	vadd.s32 s24, v63;
	s24 =	sor.u32 $0xF2F, s19;
	[tilespmem:$0x1FE90] =	vst v0;
	v0 =	vadd.s32 s6, v63;
	s6 =	sor.u32 $0xC4F, s19  }
0xba: {  	v2 =	vadd.s32 s0, v63;
	s0 =	sor.u32 $0xDDF, s19;
	[smem:$0x7F9] =	sst s25;
	s25 =	sor.u32 $0xF5F, s19  }
0xbb: {  	v53 =	vadd.s32 s24, v63;
	s24 =	simm.s32 $0x7;
	[tilespmem:$0x1FEA0] =	vst v0;
	v0 =	vadd.s32 s26, v63;
	s26 =	sor.u32 $0xC0F, s19;
	v3 =	vadd.s32 s6, v63;
	s6 =	sor.u32 $0xDCF, s19  }
0xbc: {  	v26 =	vadd.s32 s0, v63;
	s0 =	sor.u32 $0xF9F, s19;
	[tilespmem:$0x1FEB0] =	vst v0;
	v0 =	vadd.s32 s10, v63;
	s10 =	sor.u32 $0xC2F, s19;
	v7 =	vadd.s32 s26, v63;
	s26 =	sor.u32 $0xE5F, s19  }
0xbd: {  	v27 =	vadd.s32 s6, v63;
	s6 =	sadd.s32 $0xE800, s4;
	[tilespmem:$0x1FEC0] =	vst v0;
	v0 =	vadd.s32 s1, v63;
	s1 =	sor.u32 $0xC1F, s19;
	v5 =	vadd.s32 s10, v63;
	s10 =	sor.u32 $0xD9F, s19  }
0xbe: {  	[smem:$0x7F6] =	sst s26;
	s26 =	sor.u32 $0xE2F, s19;
	[tilespmem:$0x1FED0] =	vst v0;
	v0 =	vadd.s32 s28, v63;
	s28 =	sor.u32 $0xCDF, s19  }
0xbf: {  	v6 =	vadd.s32 s1, v63;
	s1 =	sor.u32 $0xD8F, s19;
	[smem:$0x7F7] =	sst s26;
	s26 =	sor.u32 $0xEFF, s19  }
0xc0: {  	v30 =	vadd.s32 s10, v63;
	s10 =	sor.u32 $0xF0F, s19;
	[tilespmem:$0x1FEE0] =	vst v0;
	v0 =	vadd.s32 s11, v63;
	s11 =	sor.u32 $0xCFF, s19;
	[smem:$0x7F8] =	sst s26  }
0xc1: {  	v10 =	vadd.s32 s28, v63;
	s26 =	sor.u32 $0xF6F, s19;
	[smem:$0x7FC] =	sst s10;
	s28 =	sor.u32 $0xFEF, s19  }
0xc2: {  	v31 =	vadd.s32 s1, v63;
	s1 =	sor.u32 $0xFBF, s19;
	s10 =	simm.s32 $0x300;
	[tilespmem:$0x1FEF0] =	vst v0;
	v0 =	vadd.s32 s12, v63;
	s12 =	sor.u32 $0xCEF, s19  }
0xc3: {  	v8 =	vadd.s32 s11, v63;
	s11 =	sor.u32 $0xE7F, s19;
	[smem:$0x7FA] =	sst s26;
	s26 =	sor.u32 $0xF1F, s19  }
0xc4: {  	v57 =	vadd.s32 s28, v63;
	s28 =	simm.s32 $0x5;
	v32 =	vadd.s32 s11, v63;
	s11 =	sor.u32 $0xFDF, s19;
	v54 =	vadd.s32 s26, v63;
	s26 =	sld [smem:$0x7FC]  }
0xc5: {  	v60 =	vadd.s32 s1, v63;
	s1 =	simm.s32 $0xC;
	[tilespmem:$0x1FF00] =	vst v0;
	v0 =	vadd.s32 s29, v63;
	v9 =	vadd.s32 s12, v63;
	s12 =	sor.u32 $0xE6F, s19;
	[smem:$0x7FD] =	sst s11  }
0xc6: {  	s29 =	sor.u32 $0xCAF, s19;
	[tilespmem:$0x1FF10] =	vst v0;
	v0 =	vadd.s32 s13, v63;
	s13 =	sor.u32 $0xCCF, s19;
	v33 =	vadd.s32 s12, v63;
	s12 =	sld [smem:$0x7F6]  }
0xc7: {  	v13 =	vadd.s32 s29, v63;
	s29 =	sor.u32 $0xFCF, s19;
	s11 =	simm.s32 $0x4300;
	[tilespmem:$0x1FF20] =	vst v0;
	v0 =	vadd.s32 s14, v63;
	s14 =	sor.u32 $0xCBF, s19  }
0xc8: {  	v11 =	vadd.s32 s13, v63;
	s13 =	sor.u32 $0xE4F, s19;
	v59 =	vadd.s32 s29, v63;
	s29 =	simm.s32 $0x9;
	[tilespmem:$0x1FF30] =	vst v0;
	v0 =	vadd.s32 s30, v63;
	s30 =	sor.u32 $0xD7F, s19  }
0xc9: {  	v12 =	vadd.s32 s14, v63;
	s14 =	sor.u32 $0xE3F, s19;
	v35 =	vadd.s32 s13, v63;
	s13 =	simm.s32 $0x8300;
	v55 =	vadd.s32 s26, v63;
	s26 =	rddreg [dreg:$0x1f]  }
0xca: {  	[tilespmem:$0x1FF40] =	vst v0;
	v0 =	vadd.s32 s15, v63;
	s15 =	sor.u32 $0xC9F, s19;
	v16 =	vadd.s32 s30, v63;
	s30 =	sor.u32 $0xEDF, s19;
	v36 =	vadd.s32 s14, v63;
	s14 =	sld [smem:$0x7F7]  }
0xcb: {  	v34 =	vadd.s32 s12, v63;
	s12 =	simm.s32 $0x100;
	v56 =	vadd.s32 s26, v63;
	s26 =	simm.s32 $0x8;
	[tilespmem:$0x1FF50] =	vst v0;
	v0 =	vadd.s32 s16, v63;
	s16 =	sor.u32 $0xC8F, s19  }
0xcc: {  	v14 =	vadd.s32 s15, v63;
	s15 =	sor.u32 $0xE1F, s19;
	v42 =	vadd.s32 s30, v63;
	s30 =	sld [smem:$0x7FD];
	[tilespmem:$0x1FF60] =	vst v0;
	v0 =	vadd.s32 s31, v63;
	s31 =	sor.u32 $0xD4F, s19  }
0xcd: {  	v15 =	vadd.s32 s16, v63;
	s16 =	sor.u32 $0xE0F, s19;
	v38 =	vadd.s32 s15, v63;
	s15 =	simm.s32 $0xC300;
	[tilespmem:$0x1FF70] =	vst v0;
	v0 =	vadd.s32 s8, v63;
	s8 =	sor.u32 $0xD6F, s19  }
0xce: {  	v19 =	vadd.s32 s31, v63;
	s31 =	sor.u32 $0xE9F, s19;
	v37 =	vadd.s32 s14, v63;
	v39 =	vadd.s32 s16, v63;
	s16 =	sld [smem:$0x7F8];
	s14 =	simm.s32 $0x180  }
0xcf: {  	[tilespmem:$0x1FF80] =	vst v0;
	v0 =	vadd.s32 s17, v63;
	s17 =	sor.u32 $0xD5F, s19;
	v17 =	vadd.s32 s8, v63;
	s8 =	sor.u32 $0xF3F, s19;
	v46 =	vadd.s32 s31, v63;
	s31 =	sor.u32 $0xFAF, s19  }
0xd0: {  	v58 =	vadd.s32 s30, v63;
	s30 =	simm.s32 $0x6;
	[tilespmem:$0x1FF90] =	vst v0;
	v0 =	vadd.s32 s18, v63;
	s18 =	sor.u32 $0xD3F, s19;
	v18 =	vadd.s32 s17, v63;
	s17 =	sor.u32 $0xEEF, s19  }
0xd1: {  	[smem:$0x7FB] =	sst s8;
	s8 =	sadd.s32 $0xF800, s4;
	v61 =	vadd.s32 s31, v63;
	s31 =	simm.s32 $0xB  }
0xd2: {  	[tilespmem:$0x1FFA0] =	vst v0;
	v0 =	vadd.s32 s20, v63;
	s20 =	sor.u32 $0xD2F, s19;
	v20 =	vadd.s32 s18, v63;
	s18 =	sor.u32 $0xEBF, s19;
	v41 =	vadd.s32 s17, v63;
	s17 =	sld [smem:$0x7F9]  }
0xd3: {  	v50 =	vadd.s32 s25, v63;
	v40 =	vadd.s32 s16, v63;
	s16 =	simm.s32 $0x1;
	s25 =	sld [smem:$0x7FB];
	[tilespmem:$0x1FFB0] =	vst v0;
	v0 =	vadd.s32 s21, v63;
	s21 =	sor.u32 $0xD1F, s19  }
0xd4: {  	v21 =	vadd.s32 s20, v63;
	s20 =	sor.u32 $0xEAF, s19;
	v44 =	vadd.s32 s18, v63;
	s18 =	simm.s32 $0x10300;
	[tilespmem:$0x1FFC0] =	vst v0;
	v0 =	vadd.s32 s22, v63;
	s22 =	sor.u32 $0xDFF, s19  }
0xd5: {  	v22 =	vadd.s32 s21, v63;
	s21 =	sor.u32 $0xE8F, s19;
	v45 =	vadd.s32 s20, v63;
	s20 =	simm.s32 $0x2;
	v24 =	vadd.s32 s22, v63;
	s22 =	sor.u32 $0xF7F, s19  }
0xd6: {  	[tilespmem:$0x1FFD0] =	vst v0;
	v0 =	vadd.s32 s7, v63;
	s7 =	sor.u32 $0xD0F, s19;
	v43 =	vadd.s32 s17, v63;
	s17 =	simm.s32 $0x200;
	v48 =	vadd.s32 s22, v63;
	s22 =	sld [smem:$0x7FA]  }
0xd7: {  	v47 =	vadd.s32 s21, v63;
	s21 =	simm.s32 $0x280;
	v52 =	vadd.s32 s25, v63;
	s25 =	simm.s32 $0x4;
	[tilespmem:$0x1FFE0] =	vst v0;
	v0 =	vadd.s32 s23, v63;
	s23 =	sor.u32 $0xDEF, s19  }
0xd8: {  	v62 =	vadd.s32 s0, v63;
	v23 =	vadd.s32 s7, v63;
	s7 =	sadd.s32 $0xF000, s4;
	v25 =	vadd.s32 s23, v63;
	s23 =	sor.u32 $0xF4F, s19;
	s19 =	sor.u32 $0xF8F, s19  }
0xd9: {  	[tilespmem:$0x1FFF0] =	vst v0;
	v51 =	vadd.s32 s23, v63;
	s23 =	simm.s32 $0x3;
	v49 =	vadd.s32 s22, v63;
	s22 =	simm.s32 $0x14300;
	v63 =	vadd.s32 s19, v63;
	s19 =	simm.s32 $0xA  }
.LBB2_1:
0xda: {  	v0 =	vld [tilespmem:$0x1F3F0];
	_ =	sdelay $0x4  }
0xdb: {  	[tilespmem:$0x0] =	vst v0;
	v0 =	vld [tilespmem:$0x1F400];
	_ =	sdelay $0x4  }
0xdc: {  	[tilespmem:$0x10] =	vst v0;
	v0 =	vld [tilespmem:$0x1F410];
	_ =	sdelay $0x4  }
0xdd: {  	[tilespmem:$0x20] =	vst v0;
	v0 =	vld [tilespmem:$0x1F420];
	_ =	sdelay $0x4  }
0xde: {  	[tilespmem:$0x30] =	vst v0;
	v0 =	vld [tilespmem:$0x1F430];
	_ =	sdelay $0x4  }
0xdf: {  	[tilespmem:$0x40] =	vst v0;
	v0 =	vld [tilespmem:$0x1F440];
	_ =	sdelay $0x4  }
0xe0: {  	[tilespmem:$0x50] =	vst v0;
	v0 =	vld [tilespmem:$0x1F450];
	_ =	sdelay $0x4  }
0xe1: {  	[tilespmem:$0x60] =	vst v0;
	v0 =	vld [tilespmem:$0x1F460];
	_ =	sdelay $0x4  }
0xe2: {  	[tilespmem:$0x70] =	vst v0;
	v0 =	vld [tilespmem:$0x1F470];
	_ =	sdelay $0x3  }
0xe3: {  	[tilespmem:s10], [sflag:$0x1] =	stream.indirect.gather [hbm4b:s2+s9], $0x80, s3, s9, $0xb8;
	[tilespmem:$0x18300] =	vst v63  }
0xe4: {  	[tilespmem:$0x80] =	vst v0;
	v0 =	vld [tilespmem:$0x1F480];
	_ =	sdelay $0x4  }
0xe5: {  	[tilespmem:$0x90] =	vst v0;
	v0 =	vld [tilespmem:$0x1F490];
	_ =	sdelay $0x4  }
0xe6: {  	[tilespmem:$0xA0] =	vst v0;
	v0 =	vld [tilespmem:$0x1F4A0];
	_ =	sdelay $0x4  }
0xe7: {  	[tilespmem:$0xB0] =	vst v0;
	v0 =	vld [tilespmem:$0x1F4B0];
	_ =	sdelay $0x4  }
0xe8: {  	[tilespmem:$0xC0] =	vst v0;
	v0 =	vld [tilespmem:$0x1F4C0];
	_ =	sdelay $0x4  }
0xe9: {  	[tilespmem:$0xD0] =	vst v0;
	v0 =	vld [tilespmem:$0x1F4D0];
	_ =	sdelay $0x4  }
0xea: {  	[tilespmem:$0xE0] =	vst v0;
	v0 =	vld [tilespmem:$0x1F4E0];
	_ =	sdelay $0x4  }
0xeb: {  	[tilespmem:$0xF0] =	vst v0;
	v0 =	vld [tilespmem:$0x1F4F0];
	_ =	sdelay $0x3  }
0xec: {  	[tilespmem:s11], [sflag:$0x2] =	stream.indirect.gather [hbm4b:s2+s9], $0x80, s9, s9, $0xb8;
	[tilespmem:$0x18300] =	vst v63  }
0xed: {  	[tilespmem:$0x100] =	vst v0;
	v0 =	vld [tilespmem:$0x1F500];
	_ =	sdelay $0x4  }
0xee: {  	[tilespmem:$0x110] =	vst v0;
	v0 =	vld [tilespmem:$0x1F510];
	_ =	sdelay $0x4  }
0xef: {  	[tilespmem:$0x120] =	vst v0;
	v0 =	vld [tilespmem:$0x1F520];
	_ =	sdelay $0x4  }
0xf0: {  	[tilespmem:$0x130] =	vst v0;
	v0 =	vld [tilespmem:$0x1F530];
	_ =	sdelay $0x4  }
0xf1: {  	[tilespmem:$0x140] =	vst v0;
	v0 =	vld [tilespmem:$0x1F540];
	_ =	sdelay $0x4  }
0xf2: {  	[tilespmem:$0x150] =	vst v0;
	v0 =	vld [tilespmem:$0x1F550];
	_ =	sdelay $0x4  }
0xf3: {  	[tilespmem:$0x160] =	vst v0;
	v0 =	vld [tilespmem:$0x1F560];
	_ =	sdelay $0x4  }
0xf4: {  	[tilespmem:$0x170] =	vst v0;
	v0 =	vld [tilespmem:$0x1F570];
	_ =	sdelay $0x3  }
0xf5: {  	[tilespmem:s13], [sflag:$0x3] =	stream.indirect.gather [hbm4b:s2+s9], $0x80, s12, s9, $0xb8;
	[tilespmem:$0x18300] =	vst v63  }
0xf6: {  	[tilespmem:$0x180] =	vst v0;
	v0 =	vld [tilespmem:$0x1F580];
	_ =	sdelay $0x4  }
0xf7: {  	[tilespmem:$0x190] =	vst v0;
	v0 =	vld [tilespmem:$0x1F590];
	_ =	sdelay $0x4  }
0xf8: {  	[tilespmem:$0x1A0] =	vst v0;
	v0 =	vld [tilespmem:$0x1F5A0];
	_ =	sdelay $0x4  }
0xf9: {  	[tilespmem:$0x1B0] =	vst v0;
	v0 =	vld [tilespmem:$0x1F5B0];
	_ =	sdelay $0x4  }
0xfa: {  	[tilespmem:$0x1C0] =	vst v0;
	v0 =	vld [tilespmem:$0x1F5C0];
	_ =	sdelay $0x4  }
0xfb: {  	[tilespmem:$0x1D0] =	vst v0;
	v0 =	vld [tilespmem:$0x1F5D0];
	_ =	sdelay $0x4  }
0xfc: {  	[tilespmem:$0x1E0] =	vst v0;
	v0 =	vld [tilespmem:$0x1F5E0];
	_ =	sdelay $0x4  }
0xfd: {  	[tilespmem:$0x1F0] =	vst v0  }
0xfe: {  	[tilespmem:s15], [sflag:$0x4] =	stream.indirect.gather [hbm4b:s2+s9], $0x80, s14, s9, $0xb8;
	[tilespmem:$0x18300] =	vst v63  }
0xff: {  	_ =	swait.ge [sflag:s16], $0x4000  }
0x100: {  	v0 =	vld [tilespmem:$0x1F5F0];
	_ =	sdelay $0x1  }
0x101: {  	[sflag:s16] =	ssyncset.done $0x0  }
0x102: {  	[sflag:s16] =	ssyncadd.s32 $0xFFFFC000  }
0x103: {  	[hbm4b:s4+s3] =	stream.linear.scatter [tilespmem:s10], [sflag:$0x7], $0x4000, $0x38;
	[tilespmem:$0x18300] =	vst v63  }
0x104: {  	[tilespmem:$0x200] =	vst v0;
	v0 =	vld [tilespmem:$0x1F600];
	_ =	sdelay $0x4  }
0x105: {  	[tilespmem:$0x210] =	vst v0;
	v0 =	vld [tilespmem:$0x1F610];
	_ =	sdelay $0x4  }
0x106: {  	[tilespmem:$0x220] =	vst v0;
	v0 =	vld [tilespmem:$0x1F620];
	_ =	sdelay $0x4  }
0x107: {  	[tilespmem:$0x230] =	vst v0;
	v0 =	vld [tilespmem:$0x1F630];
	_ =	sdelay $0x4  }
0x108: {  	[tilespmem:$0x240] =	vst v0;
	v0 =	vld [tilespmem:$0x1F640];
	_ =	sdelay $0x4  }
0x109: {  	[tilespmem:$0x250] =	vst v0;
	v0 =	vld [tilespmem:$0x1F650];
	_ =	sdelay $0x4  }
0x10a: {  	[tilespmem:$0x260] =	vst v0;
	v0 =	vld [tilespmem:$0x1F660];
	_ =	sdelay $0x4  }
0x10b: {  	[tilespmem:$0x270] =	vst v0  }
0x10c: {  	[tilespmem:s18], [sflag:$0x5] =	stream.indirect.gather [hbm4b:s2+s9], $0x80, s17, s9, $0xb8;
	[tilespmem:$0x18300] =	vst v63  }
0x10d: {  	_ =	swait.ge [sflag:s20], $0x4000  }
0x10e: {  	v0 =	vld [tilespmem:$0x1F670];
	_ =	sdelay $0x1  }
0x10f: {  	[sflag:s20] =	ssyncset.done $0x0  }
0x110: {  	s0 =	rddreg [dreg:$0x3];
	[sflag:s20] =	ssyncadd.s32 $0xFFFFC000  }
0x111: {  	[hbm4b:s0+s3] =	stream.linear.scatter [tilespmem:s11], [sflag:$0x8], $0x4000, $0x38;
	[tilespmem:$0x18300] =	vst v63  }
0x112: {  	[tilespmem:$0x280] =	vst v0;
	v0 =	vld [tilespmem:$0x1F680];
	_ =	sdelay $0x4  }
0x113: {  	[tilespmem:$0x290] =	vst v0;
	v0 =	vld [tilespmem:$0x1F690];
	_ =	sdelay $0x4  }
0x114: {  	[tilespmem:$0x2A0] =	vst v0;
	v0 =	vld [tilespmem:$0x1F6A0];
	_ =	sdelay $0x4  }
0x115: {  	[tilespmem:$0x2B0] =	vst v0;
	v0 =	vld [tilespmem:$0x1F6B0];
	_ =	sdelay $0x4  }
0x116: {  	[tilespmem:$0x2C0] =	vst v0;
	v0 =	vld [tilespmem:$0x1F6C0];
	_ =	sdelay $0x4  }
0x117: {  	[tilespmem:$0x2D0] =	vst v0;
	v0 =	vld [tilespmem:$0x1F6D0];
	_ =	sdelay $0x4  }
0x118: {  	[tilespmem:$0x2E0] =	vst v0;
	v0 =	vld [tilespmem:$0x1F6E0];
	_ =	sdelay $0x4  }
0x119: {  	[tilespmem:$0x2F0] =	vst v0  }
0x11a: {  	[tilespmem:s22], [sflag:$0x6] =	stream.indirect.gather [hbm4b:s2+s9], $0x80, s21, s9, $0xb8;
	[tilespmem:$0x18300] =	vst v63  }
0x11b: {  	_ =	swait.ge [sflag:s23], $0x4000  }
0x11c: {  	[sflag:s23] =	ssyncset.done $0x0  }
0x11d: {  	s0 =	rddreg [dreg:$0x4];
	[sflag:s23] =	ssyncadd.s32 $0xFFFFC000  }
0x11e: {  	[hbm4b:s0+s3] =	stream.linear.scatter [tilespmem:s13], [sflag:$0x9], $0x4000, $0x38;
	[tilespmem:$0x18300] =	vst v63  }
0x11f: {  	_ =	swait.ge [sflag:s24], $0x4000  }
0x120: {  	v0 =	vld [tilespmem:$0x1F6F0];
	_ =	sdelay $0x2  }
0x121: {  	[sflag:s24] =	ssyncset.done $0x0  }
0x122: {  	[sflag:s24] =	ssyncadd.s32 $0xFFFFC000  }
0x123: {  	[tilespmem:$0x0] =	vst v0;
	v0 =	vld [tilespmem:$0x1F700];
	_ =	sdelay $0x4  }
0x124: {  	[tilespmem:$0x10] =	vst v0;
	v0 =	vld [tilespmem:$0x1F710];
	_ =	sdelay $0x4  }
0x125: {  	[tilespmem:$0x20] =	vst v0;
	v0 =	vld [tilespmem:$0x1F720];
	_ =	sdelay $0x4  }
0x126: {  	[tilespmem:$0x30] =	vst v0;
	v0 =	vld [tilespmem:$0x1F730];
	_ =	sdelay $0x4  }
0x127: {  	[tilespmem:$0x40] =	vst v0;
	v0 =	vld [tilespmem:$0x1F740];
	_ =	sdelay $0x4  }
0x128: {  	[tilespmem:$0x50] =	vst v0;
	v0 =	vld [tilespmem:$0x1F750];
	_ =	sdelay $0x4  }
0x129: {  	[tilespmem:$0x60] =	vst v0;
	v0 =	vld [tilespmem:$0x1F760];
	_ =	sdelay $0x4  }
0x12a: {  	[tilespmem:$0x70] =	vst v0  }
0x12b: {  	[tilespmem:s10], [sflag:$0x1] =	stream.indirect.gather [hbm4b:s2+s9], $0x80, s3, s9, $0xb8;
	[tilespmem:$0x18300] =	vst v63  }
0x12c: {  	_ =	swait.ge [sflag:s25], $0x4000  }
0x12d: {  	[sflag:s25] =	ssyncset.done $0x0  }
0x12e: {  	s0 =	rddreg [dreg:$0x5];
	[sflag:s25] =	ssyncadd.s32 $0xFFFFC000  }
0x12f: {  	[hbm4b:s0+s3] =	stream.linear.scatter [tilespmem:s15], [sflag:$0xA], $0x4000, $0x38;
	[tilespmem:$0x18300] =	vst v63  }
0x130: {  	_ =	swait.ge [sflag:s26], $0x4000  }
0x131: {  	v0 =	vld [tilespmem:$0x1F770];
	_ =	sdelay $0x2  }
0x132: {  	[sflag:s26] =	ssyncset.done $0x0  }
0x133: {  	[sflag:s26] =	ssyncadd.s32 $0xFFFFC000  }
0x134: {  	[tilespmem:$0x80] =	vst v0;
	v0 =	vld [tilespmem:$0x1F780];
	_ =	sdelay $0x4  }
0x135: {  	[tilespmem:$0x90] =	vst v0;
	v0 =	vld [tilespmem:$0x1F790];
	_ =	sdelay $0x4  }
0x136: {  	[tilespmem:$0xA0] =	vst v0;
	v0 =	vld [tilespmem:$0x1F7A0];
	_ =	sdelay $0x4  }
0x137: {  	[tilespmem:$0xB0] =	vst v0;
	v0 =	vld [tilespmem:$0x1F7B0];
	_ =	sdelay $0x4  }
0x138: {  	[tilespmem:$0xC0] =	vst v0;
	v0 =	vld [tilespmem:$0x1F7C0];
	_ =	sdelay $0x4  }
0x139: {  	[tilespmem:$0xD0] =	vst v0;
	v0 =	vld [tilespmem:$0x1F7D0];
	_ =	sdelay $0x4  }
0x13a: {  	[tilespmem:$0xE0] =	vst v0;
	v0 =	vld [tilespmem:$0x1F7E0];
	_ =	sdelay $0x4  }
0x13b: {  	[tilespmem:$0xF0] =	vst v0  }
0x13c: {  	[tilespmem:s11], [sflag:$0x2] =	stream.indirect.gather [hbm4b:s2+s9], $0x80, s9, s9, $0xb8;
	[tilespmem:$0x18300] =	vst v63  }
0x13d: {  	_ =	swait.ge [sflag:s28], $0x4000  }
0x13e: {  	[sflag:s28] =	ssyncset.done $0x0  }
0x13f: {  	s0 =	rddreg [dreg:$0x6];
	[sflag:s28] =	ssyncadd.s32 $0xFFFFC000  }
0x140: {  	[hbm4b:s0+s3] =	stream.linear.scatter [tilespmem:s18], [sflag:$0xB], $0x4000, $0x38;
	[tilespmem:$0x18300] =	vst v63  }
0x141: {  	_ =	swait.ge [sflag:s29], $0x4000  }
0x142: {  	v0 =	vld [tilespmem:$0x1F7F0];
	_ =	sdelay $0x2  }
0x143: {  	[sflag:s29] =	ssyncset.done $0x0  }
0x144: {  	[sflag:s29] =	ssyncadd.s32 $0xFFFFC000  }
0x145: {  	[tilespmem:$0x100] =	vst v0;
	v0 =	vld [tilespmem:$0x1F800];
	_ =	sdelay $0x4  }
0x146: {  	[tilespmem:$0x110] =	vst v0;
	v0 =	vld [tilespmem:$0x1F810];
	_ =	sdelay $0x4  }
0x147: {  	[tilespmem:$0x120] =	vst v0;
	v0 =	vld [tilespmem:$0x1F820];
	_ =	sdelay $0x4  }
0x148: {  	[tilespmem:$0x130] =	vst v0  }
0x149: {  	v0 =	vld [tilespmem:$0x1F830];
	_ =	sdelay $0x4  }
0x14a: {  	[tilespmem:$0x140] =	vst v0;
	v0 =	vld [tilespmem:$0x1F840];
	_ =	sdelay $0x4  }
0x14b: {  	[tilespmem:$0x150] =	vst v0;
	v0 =	vld [tilespmem:$0x1F850];
	_ =	sdelay $0x4  }
0x14c: {  	[tilespmem:$0x160] =	vst v0;
	v0 =	vld [tilespmem:$0x1F860];
	_ =	sdelay $0x4  }
0x14d: {  	[tilespmem:$0x170] =	vst v0  }
0x14e: {  	[tilespmem:s13], [sflag:$0x3] =	stream.indirect.gather [hbm4b:s2+s9], $0x80, s12, s9, $0xb8;
	[tilespmem:$0x18300] =	vst v63  }
0x14f: {  	_ =	swait.ge [sflag:s30], $0x4000  }
0x150: {  	[sflag:s30] =	ssyncset.done $0x0  }
0x151: {  	s0 =	rddreg [dreg:$0x7];
	[sflag:s30] =	ssyncadd.s32 $0xFFFFC000  }
0x152: {  	[hbm4b:s0+s3] =	stream.linear.scatter [tilespmem:s22], [sflag:$0xC], $0x4000, $0x38;
	[tilespmem:$0x18300] =	vst v63  }
0x153: {  	_ =	swait.ge [sflag:s19], $0x4000  }
0x154: {  	v0 =	vld [tilespmem:$0x1F870];
	_ =	sdelay $0x2  }
0x155: {  	[sflag:s19] =	ssyncset.done $0x0  }
0x156: {  	[sflag:s19] =	ssyncadd.s32 $0xFFFFC000  }
0x157: {  	[tilespmem:$0x180] =	vst v0;
	v0 =	vld [tilespmem:$0x1F880];
	_ =	sdelay $0x4  }
0x158: {  	[tilespmem:$0x190] =	vst v0;
	v0 =	vld [tilespmem:$0x1F890];
	_ =	sdelay $0x4  }
0x159: {  	[tilespmem:$0x1A0] =	vst v0;
	v0 =	vld [tilespmem:$0x1F8A0];
	_ =	sdelay $0x4  }
0x15a: {  	[tilespmem:$0x1B0] =	vst v0;
	v0 =	vld [tilespmem:$0x1F8B0];
	_ =	sdelay $0x4  }
0x15b: {  	[tilespmem:$0x1C0] =	vst v0;
	v0 =	vld [tilespmem:$0x1F8C0];
	_ =	sdelay $0x4  }
0x15c: {  	[tilespmem:$0x1D0] =	vst v0;
	v0 =	vld [tilespmem:$0x1F8D0];
	_ =	sdelay $0x4  }
0x15d: {  	[tilespmem:$0x1E0] =	vst v0;
	v0 =	vld [tilespmem:$0x1F8E0];
	_ =	sdelay $0x4  }
0x15e: {  	[tilespmem:$0x1F0] =	vst v0  }
0x15f: {  	[tilespmem:s15], [sflag:$0x4] =	stream.indirect.gather [hbm4b:s2+s9], $0x80, s14, s9, $0xb8;
	[tilespmem:$0x18300] =	vst v63  }
0x160: {  	_ =	swait.ge [sflag:s16], $0x4000  }
0x161: {  	[sflag:s16] =	ssyncset.done $0x0  }
0x162: {  	s0 =	rddreg [dreg:$0x8];
	[sflag:s16] =	ssyncadd.s32 $0xFFFFC000  }
0x163: {  	[hbm4b:s0+s3] =	stream.linear.scatter [tilespmem:s10], [sflag:$0x7], $0x4000, $0x38;
	[tilespmem:$0x18300] =	vst v63  }
0x164: {  	_ =	swait.ge [sflag:s31], $0x4000  }
0x165: {  	v0 =	vld [tilespmem:$0x1F8F0];
	_ =	sdelay $0x2  }
0x166: {  	[sflag:s31] =	ssyncset.done $0x0  }
0x167: {  	[sflag:s31] =	ssyncadd.s32 $0xFFFFC000  }
0x168: {  	[tilespmem:$0x200] =	vst v0;
	v0 =	vld [tilespmem:$0x1F900];
	_ =	sdelay $0x4  }
0x169: {  	[tilespmem:$0x210] =	vst v0;
	v0 =	vld [tilespmem:$0x1F910];
	_ =	sdelay $0x4  }
0x16a: {  	[tilespmem:$0x220] =	vst v0;
	v0 =	vld [tilespmem:$0x1F920];
	_ =	sdelay $0x4  }
0x16b: {  	[tilespmem:$0x230] =	vst v0;
	v0 =	vld [tilespmem:$0x1F930];
	_ =	sdelay $0x4  }
0x16c: {  	[tilespmem:$0x240] =	vst v0;
	v0 =	vld [tilespmem:$0x1F940];
	_ =	sdelay $0x4  }
0x16d: {  	[tilespmem:$0x250] =	vst v0;
	v0 =	vld [tilespmem:$0x1F950];
	_ =	sdelay $0x4  }
0x16e: {  	[tilespmem:$0x260] =	vst v0;
	v0 =	vld [tilespmem:$0x1F960];
	_ =	sdelay $0x4  }
0x16f: {  	[tilespmem:$0x270] =	vst v0  }
0x170: {  	[tilespmem:s18], [sflag:$0x5] =	stream.indirect.gather [hbm4b:s2+s9], $0x80, s17, s9, $0xb8;
	[tilespmem:$0x18300] =	vst v63  }
0x171: {  	_ =	swait.ge [sflag:s20], $0x4000  }
0x172: {  	[sflag:s20] =	ssyncset.done $0x0  }
0x173: {  	s0 =	rddreg [dreg:$0x9];
	[sflag:s20] =	ssyncadd.s32 $0xFFFFC000  }
0x174: {  	[hbm4b:s0+s3] =	stream.linear.scatter [tilespmem:s11], [sflag:$0x8], $0x4000, $0x38;
	[tilespmem:$0x18300] =	vst v63  }
0x175: {  	_ =	swait.ge [sflag:s1], $0x4000  }
0x176: {  	v0 =	vld [tilespmem:$0x1F970];
	_ =	sdelay $0x2  }
0x177: {  	[sflag:s1] =	ssyncset.done $0x0  }
0x178: {  	[sflag:s1] =	ssyncadd.s32 $0xFFFFC000  }
0x179: {  	[tilespmem:$0x280] =	vst v0;
	v0 =	vld [tilespmem:$0x1F980];
	_ =	sdelay $0x4  }
0x17a: {  	[tilespmem:$0x290] =	vst v0;
	v0 =	vld [tilespmem:$0x1F990];
	_ =	sdelay $0x4  }
0x17b: {  	[tilespmem:$0x2A0] =	vst v0;
	v0 =	vld [tilespmem:$0x1F9A0];
	_ =	sdelay $0x4  }
0x17c: {  	[tilespmem:$0x2B0] =	vst v0;
	v0 =	vld [tilespmem:$0x1F9B0];
	_ =	sdelay $0x4  }
0x17d: {  	[tilespmem:$0x2C0] =	vst v0;
	v0 =	vld [tilespmem:$0x1F9C0];
	_ =	sdelay $0x4  }
0x17e: {  	[tilespmem:$0x2D0] =	vst v0;
	v0 =	vld [tilespmem:$0x1F9D0];
	_ =	sdelay $0x4  }
0x17f: {  	[tilespmem:$0x2E0] =	vst v0;
	v0 =	vld [tilespmem:$0x1F9E0];
	_ =	sdelay $0x4  }
0x180: {  	[tilespmem:$0x2F0] =	vst v0  }
0x181: {  	[tilespmem:s22], [sflag:$0x6] =	stream.indirect.gather [hbm4b:s2+s9], $0x80, s21, s9, $0xb8;
	[tilespmem:$0x18300] =	vst v63  }
0x182: {  	_ =	swait.ge [sflag:s23], $0x4000  }
0x183: {  	[sflag:s23] =	ssyncset.done $0x0  }
0x184: {  	s0 =	rddreg [dreg:$0xa];
	[sflag:s23] =	ssyncadd.s32 $0xFFFFC000  }
0x185: {  	[hbm4b:s0+s3] =	stream.linear.scatter [tilespmem:s13], [sflag:$0x9], $0x4000, $0x38;
	[tilespmem:$0x18300] =	vst v63  }
0x186: {  	_ =	swait.ge [sflag:s24], $0x4000  }
0x187: {  	v0 =	vld [tilespmem:$0x1F9F0];
	_ =	sdelay $0x2  }
0x188: {  	[sflag:s24] =	ssyncset.done $0x0  }
0x189: {  	[sflag:s24] =	ssyncadd.s32 $0xFFFFC000  }
0x18a: {  	[tilespmem:$0x0] =	vst v0;
	v0 =	vld [tilespmem:$0x1FA00];
	_ =	sdelay $0x4  }
0x18b: {  	[tilespmem:$0x10] =	vst v0;
	v0 =	vld [tilespmem:$0x1FA10];
	_ =	sdelay $0x4  }
0x18c: {  	[tilespmem:$0x20] =	vst v0;
	v0 =	vld [tilespmem:$0x1FA20];
	_ =	sdelay $0x4  }
0x18d: {  	[tilespmem:$0x30] =	vst v0;
	v0 =	vld [tilespmem:$0x1FA30];
	_ =	sdelay $0x4  }
0x18e: {  	[tilespmem:$0x40] =	vst v0;
	v0 =	vld [tilespmem:$0x1FA40];
	_ =	sdelay $0x4  }
0x18f: {  	[tilespmem:$0x50] =	vst v0;
	v0 =	vld [tilespmem:$0x1FA50];
	_ =	sdelay $0x4  }
0x190: {  	[tilespmem:$0x60] =	vst v0;
	v0 =	vld [tilespmem:$0x1FA60];
	_ =	sdelay $0x4  }
0x191: {  	[tilespmem:$0x70] =	vst v0  }
0x192: {  	[tilespmem:s10], [sflag:$0x1] =	stream.indirect.gather [hbm4b:s2+s9], $0x80, s3, s9, $0xb8;
	[tilespmem:$0x18300] =	vst v63  }
0x193: {  	_ =	swait.ge [sflag:s25], $0x4000  }
0x194: {  	[sflag:s25] =	ssyncset.done $0x0  }
0x195: {  	s0 =	rddreg [dreg:$0xb];
	[sflag:s25] =	ssyncadd.s32 $0xFFFFC000  }
0x196: {  	[hbm4b:s0+s3] =	stream.linear.scatter [tilespmem:s15], [sflag:$0xA], $0x4000, $0x38;
	[tilespmem:$0x18300] =	vst v63  }
0x197: {  	_ =	swait.ge [sflag:s26], $0x4000  }
0x198: {  	v0 =	vld [tilespmem:$0x1FA70];
	_ =	sdelay $0x2  }
0x199: {  	[sflag:s26] =	ssyncset.done $0x0  }
0x19a: {  	[sflag:s26] =	ssyncadd.s32 $0xFFFFC000  }
0x19b: {  	[tilespmem:$0x80] =	vst v0;
	v0 =	vld [tilespmem:$0x1FA80];
	_ =	sdelay $0x4  }
0x19c: {  	[tilespmem:$0x90] =	vst v0;
	v0 =	vld [tilespmem:$0x1FA90];
	_ =	sdelay $0x4  }
0x19d: {  	[tilespmem:$0xA0] =	vst v0;
	v0 =	vld [tilespmem:$0x1FAA0];
	_ =	sdelay $0x4  }
0x19e: {  	[tilespmem:$0xB0] =	vst v0;
	v0 =	vld [tilespmem:$0x1FAB0];
	_ =	sdelay $0x4  }
0x19f: {  	[tilespmem:$0xC0] =	vst v0;
	v0 =	vld [tilespmem:$0x1FAC0];
	_ =	sdelay $0x4  }
0x1a0: {  	[tilespmem:$0xD0] =	vst v0;
	v0 =	vld [tilespmem:$0x1FAD0];
	_ =	sdelay $0x4  }
0x1a1: {  	[tilespmem:$0xE0] =	vst v0;
	v0 =	vld [tilespmem:$0x1FAE0];
	_ =	sdelay $0x4  }
0x1a2: {  	[tilespmem:$0xF0] =	vst v0  }
0x1a3: {  	[tilespmem:s11], [sflag:$0x2] =	stream.indirect.gather [hbm4b:s2+s9], $0x80, s9, s9, $0xb8;
	[tilespmem:$0x18300] =	vst v63  }
0x1a4: {  	_ =	swait.ge [sflag:s28], $0x4000  }
0x1a5: {  	[sflag:s28] =	ssyncset.done $0x0  }
0x1a6: {  	s0 =	rddreg [dreg:$0xc];
	[sflag:s28] =	ssyncadd.s32 $0xFFFFC000  }
0x1a7: {  	[hbm4b:s0+s3] =	stream.linear.scatter [tilespmem:s18], [sflag:$0xB], $0x4000, $0x38;
	[tilespmem:$0x18300] =	vst v63  }
0x1a8: {  	_ =	swait.ge [sflag:s29], $0x4000  }
0x1a9: {  	v0 =	vld [tilespmem:$0x1FAF0];
	_ =	sdelay $0x2  }
0x1aa: {  	[sflag:s29] =	ssyncset.done $0x0  }
0x1ab: {  	[sflag:s29] =	ssyncadd.s32 $0xFFFFC000  }
0x1ac: {  	[tilespmem:$0x100] =	vst v0;
	v0 =	vld [tilespmem:$0x1FB00];
	_ =	sdelay $0x4  }
0x1ad: {  	[tilespmem:$0x110] =	vst v0;
	v0 =	vld [tilespmem:$0x1FB10];
	_ =	sdelay $0x4  }
0x1ae: {  	[tilespmem:$0x120] =	vst v0;
	v0 =	vld [tilespmem:$0x1FB20];
	_ =	sdelay $0x4  }
0x1af: {  	[tilespmem:$0x130] =	vst v0;
	v0 =	vld [tilespmem:$0x1FB30];
	_ =	sdelay $0x4  }
0x1b0: {  	[tilespmem:$0x140] =	vst v0;
	v0 =	vld [tilespmem:$0x1FB40];
	_ =	sdelay $0x4  }
0x1b1: {  	[tilespmem:$0x150] =	vst v0;
	v0 =	vld [tilespmem:$0x1FB50];
	_ =	sdelay $0x4  }
0x1b2: {  	[tilespmem:$0x160] =	vst v0;
	v0 =	vld [tilespmem:$0x1FB60];
	_ =	sdelay $0x4  }
0x1b3: {  	[tilespmem:$0x170] =	vst v0  }
0x1b4: {  	[tilespmem:s13], [sflag:$0x3] =	stream.indirect.gather [hbm4b:s2+s9], $0x80, s12, s9, $0xb8;
	[tilespmem:$0x18300] =	vst v63  }
0x1b5: {  	_ =	swait.ge [sflag:s30], $0x4000  }
0x1b6: {  	[sflag:s30] =	ssyncset.done $0x0  }
0x1b7: {  	s0 =	rddreg [dreg:$0xd];
	[sflag:s30] =	ssyncadd.s32 $0xFFFFC000  }
0x1b8: {  	[hbm4b:s0+s3] =	stream.linear.scatter [tilespmem:s22], [sflag:$0xC], $0x4000, $0x38;
	[tilespmem:$0x18300] =	vst v63  }
0x1b9: {  	_ =	swait.ge [sflag:s19], $0x4000  }
0x1ba: {  	v0 =	vld [tilespmem:$0x1FB70];
	_ =	sdelay $0x2  }
0x1bb: {  	[sflag:s19] =	ssyncset.done $0x0  }
0x1bc: {  	[sflag:s19] =	ssyncadd.s32 $0xFFFFC000  }
0x1bd: {  	[tilespmem:$0x180] =	vst v0;
	v0 =	vld [tilespmem:$0x1FB80];
	_ =	sdelay $0x4  }
0x1be: {  	[tilespmem:$0x190] =	vst v0;
	v0 =	vld [tilespmem:$0x1FB90];
	_ =	sdelay $0x4  }
0x1bf: {  	[tilespmem:$0x1A0] =	vst v0;
	v0 =	vld [tilespmem:$0x1FBA0];
	_ =	sdelay $0x4  }
0x1c0: {  	[tilespmem:$0x1B0] =	vst v0;
	v0 =	vld [tilespmem:$0x1FBB0];
	_ =	sdelay $0x4  }
0x1c1: {  	[tilespmem:$0x1C0] =	vst v0;
	v0 =	vld [tilespmem:$0x1FBC0];
	_ =	sdelay $0x4  }
0x1c2: {  	[tilespmem:$0x1D0] =	vst v0;
	v0 =	vld [tilespmem:$0x1FBD0];
	_ =	sdelay $0x4  }
0x1c3: {  	[tilespmem:$0x1E0] =	vst v0;
	v0 =	vld [tilespmem:$0x1FBE0];
	_ =	sdelay $0x4  }
0x1c4: {  	[tilespmem:$0x1F0] =	vst v0  }
0x1c5: {  	[tilespmem:s15], [sflag:$0x4] =	stream.indirect.gather [hbm4b:s2+s9], $0x80, s14, s9, $0xb8;
	[tilespmem:$0x18300] =	vst v63  }
0x1c6: {  	_ =	swait.ge [sflag:s16], $0x4000  }
0x1c7: {  	[sflag:s16] =	ssyncset.done $0x0  }
0x1c8: {  	s0 =	rddreg [dreg:$0xe];
	[sflag:s16] =	ssyncadd.s32 $0xFFFFC000  }
0x1c9: {  	[hbm4b:s0+s3] =	stream.linear.scatter [tilespmem:s10], [sflag:$0x7], $0x4000, $0x38;
	[tilespmem:$0x18300] =	vst v63  }
0x1ca: {  	_ =	swait.ge [sflag:s31], $0x4000  }
0x1cb: {  	v0 =	vld [tilespmem:$0x1FBF0];
	_ =	sdelay $0x2  }
0x1cc: {  	[sflag:s31] =	ssyncset.done $0x0  }
0x1cd: {  	[sflag:s31] =	ssyncadd.s32 $0xFFFFC000  }
0x1ce: {  	[tilespmem:$0x200] =	vst v0;
	v0 =	vld [tilespmem:$0x1FC00];
	_ =	sdelay $0x4  }
0x1cf: {  	[tilespmem:$0x210] =	vst v0;
	v0 =	vld [tilespmem:$0x1FC10];
	_ =	sdelay $0x4  }
0x1d0: {  	[tilespmem:$0x220] =	vst v0;
	v0 =	vld [tilespmem:$0x1FC20];
	_ =	sdelay $0x4  }
0x1d1: {  	[tilespmem:$0x230] =	vst v0;
	v0 =	vld [tilespmem:$0x1FC30];
	_ =	sdelay $0x4  }
0x1d2: {  	[tilespmem:$0x240] =	vst v0;
	v0 =	vld [tilespmem:$0x1FC40];
	_ =	sdelay $0x4  }
0x1d3: {  	[tilespmem:$0x250] =	vst v0;
	v0 =	vld [tilespmem:$0x1FC50];
	_ =	sdelay $0x4  }
0x1d4: {  	[tilespmem:$0x260] =	vst v0;
	v0 =	vld [tilespmem:$0x1FC60];
	_ =	sdelay $0x4  }
0x1d5: {  	[tilespmem:$0x270] =	vst v0  }
0x1d6: {  	[tilespmem:s18], [sflag:$0x5] =	stream.indirect.gather [hbm4b:s2+s9], $0x80, s17, s9, $0xb8;
	[tilespmem:$0x18300] =	vst v63  }
0x1d7: {  	_ =	swait.ge [sflag:s20], $0x4000  }
0x1d8: {  	[sflag:s20] =	ssyncset.done $0x0  }
0x1d9: {  	s0 =	rddreg [dreg:$0xf];
	[sflag:s20] =	ssyncadd.s32 $0xFFFFC000  }
0x1da: {  	[hbm4b:s0+s3] =	stream.linear.scatter [tilespmem:s11], [sflag:$0x8], $0x4000, $0x38;
	[tilespmem:$0x18300] =	vst v63  }
0x1db: {  	_ =	swait.ge [sflag:s1], $0x4000  }
0x1dc: {  	v0 =	vld [tilespmem:$0x1FC70];
	_ =	sdelay $0x2  }
0x1dd: {  	[sflag:s1] =	ssyncset.done $0x0  }
0x1de: {  	[sflag:s1] =	ssyncadd.s32 $0xFFFFC000  }
0x1df: {  	[tilespmem:$0x280] =	vst v0;
	v0 =	vld [tilespmem:$0x1FC80];
	_ =	sdelay $0x4  }
0x1e0: {  	[tilespmem:$0x290] =	vst v0;
	v0 =	vld [tilespmem:$0x1FC90];
	_ =	sdelay $0x4  }
0x1e1: {  	[tilespmem:$0x2A0] =	vst v0;
	v0 =	vld [tilespmem:$0x1FCA0];
	_ =	sdelay $0x4  }
0x1e2: {  	[tilespmem:$0x2B0] =	vst v0;
	v0 =	vld [tilespmem:$0x1FCB0];
	_ =	sdelay $0x4  }
0x1e3: {  	[tilespmem:$0x2C0] =	vst v0;
	v0 =	vld [tilespmem:$0x1FCC0];
	_ =	sdelay $0x4  }
0x1e4: {  	[tilespmem:$0x2D0] =	vst v0;
	v0 =	vld [tilespmem:$0x1FCD0];
	_ =	sdelay $0x4  }
0x1e5: {  	[tilespmem:$0x2E0] =	vst v0;
	v0 =	vld [tilespmem:$0x1FCE0];
	_ =	sdelay $0x4  }
0x1e6: {  	[tilespmem:$0x2F0] =	vst v0  }
0x1e7: {  	[tilespmem:s22], [sflag:$0x6] =	stream.indirect.gather [hbm4b:s2+s9], $0x80, s21, s9, $0xb8;
	[tilespmem:$0x18300] =	vst v63  }
0x1e8: {  	_ =	swait.ge [sflag:s23], $0x4000  }
0x1e9: {  	[sflag:s23] =	ssyncset.done $0x0  }
0x1ea: {  	s0 =	rddreg [dreg:$0x10];
	[sflag:s23] =	ssyncadd.s32 $0xFFFFC000  }
0x1eb: {  	[hbm4b:s0+s3] =	stream.linear.scatter [tilespmem:s13], [sflag:$0x9], $0x4000, $0x38;
	[tilespmem:$0x18300] =	vst v63  }
0x1ec: {  	_ =	swait.ge [sflag:s24], $0x4000  }
0x1ed: {  	v0 =	vld [tilespmem:$0x1FCF0];
	_ =	sdelay $0x2  }
0x1ee: {  	[sflag:s24] =	ssyncset.done $0x0  }
0x1ef: {  	[sflag:s24] =	ssyncadd.s32 $0xFFFFC000  }
0x1f0: {  	[tilespmem:$0x0] =	vst v0;
	v0 =	vld [tilespmem:$0x1FD00];
	_ =	sdelay $0x4  }
0x1f1: {  	[tilespmem:$0x10] =	vst v0;
	v0 =	vld [tilespmem:$0x1FD10];
	_ =	sdelay $0x4  }
0x1f2: {  	[tilespmem:$0x20] =	vst v0;
	v0 =	vld [tilespmem:$0x1FD20];
	_ =	sdelay $0x4  }
0x1f3: {  	[tilespmem:$0x30] =	vst v0;
	v0 =	vld [tilespmem:$0x1FD30];
	_ =	sdelay $0x4  }
0x1f4: {  	[tilespmem:$0x40] =	vst v0;
	v0 =	vld [tilespmem:$0x1FD40];
	_ =	sdelay $0x4  }
0x1f5: {  	[tilespmem:$0x50] =	vst v0;
	v0 =	vld [tilespmem:$0x1FD50];
	_ =	sdelay $0x4  }
0x1f6: {  	[tilespmem:$0x60] =	vst v0;
	v0 =	vld [tilespmem:$0x1FD60];
	_ =	sdelay $0x4  }
0x1f7: {  	[tilespmem:$0x70] =	vst v0  }
0x1f8: {  	[tilespmem:s10], [sflag:$0x1] =	stream.indirect.gather [hbm4b:s2+s9], $0x80, s3, s9, $0xb8;
	[tilespmem:$0x18300] =	vst v63  }
0x1f9: {  	_ =	swait.ge [sflag:s25], $0x4000  }
0x1fa: {  	[sflag:s25] =	ssyncset.done $0x0  }
0x1fb: {  	s0 =	rddreg [dreg:$0x11];
	[sflag:s25] =	ssyncadd.s32 $0xFFFFC000  }
0x1fc: {  	[hbm4b:s0+s3] =	stream.linear.scatter [tilespmem:s15], [sflag:$0xA], $0x4000, $0x38;
	[tilespmem:$0x18300] =	vst v63  }
0x1fd: {  	_ =	swait.ge [sflag:s26], $0x4000  }
0x1fe: {  	v0 =	vld [tilespmem:$0x1FD70];
	_ =	sdelay $0x2  }
0x1ff: {  	[sflag:s26] =	ssyncset.done $0x0  }
0x200: {  	[sflag:s26] =	ssyncadd.s32 $0xFFFFC000  }
0x201: {  	[tilespmem:$0x80] =	vst v0;
	v0 =	vld [tilespmem:$0x1FD80];
	_ =	sdelay $0x4  }
0x202: {  	[tilespmem:$0x90] =	vst v0;
	v0 =	vld [tilespmem:$0x1FD90];
	_ =	sdelay $0x4  }
0x203: {  	[tilespmem:$0xA0] =	vst v0;
	v0 =	vld [tilespmem:$0x1FDA0];
	_ =	sdelay $0x4  }
0x204: {  	[tilespmem:$0xB0] =	vst v0;
	v0 =	vld [tilespmem:$0x1FDB0];
	_ =	sdelay $0x4  }
0x205: {  	[tilespmem:$0xC0] =	vst v0;
	v0 =	vld [tilespmem:$0x1FDC0];
	_ =	sdelay $0x4  }
0x206: {  	[tilespmem:$0xD0] =	vst v0;
	v0 =	vld [tilespmem:$0x1FDD0];
	_ =	sdelay $0x4  }
0x207: {  	[tilespmem:$0xE0] =	vst v0;
	v0 =	vld [tilespmem:$0x1FDE0];
	_ =	sdelay $0x4  }
0x208: {  	[tilespmem:$0xF0] =	vst v0  }
0x209: {  	[tilespmem:s11], [sflag:$0x2] =	stream.indirect.gather [hbm4b:s2+s9], $0x80, s9, s9, $0xb8;
	[tilespmem:$0x18300] =	vst v63  }
0x20a: {  	_ =	swait.ge [sflag:s28], $0x4000  }
0x20b: {  	[sflag:s28] =	ssyncset.done $0x0  }
0x20c: {  	s0 =	rddreg [dreg:$0x12];
	[sflag:s28] =	ssyncadd.s32 $0xFFFFC000  }
0x20d: {  	[hbm4b:s0+s3] =	stream.linear.scatter [tilespmem:s18], [sflag:$0xB], $0x4000, $0x38;
	[tilespmem:$0x18300] =	vst v63  }
0x20e: {  	_ =	swait.ge [sflag:s29], $0x4000  }
0x20f: {  	v0 =	vld [tilespmem:$0x1FDF0];
	_ =	sdelay $0x2  }
0x210: {  	[sflag:s29] =	ssyncset.done $0x0  }
0x211: {  	[sflag:s29] =	ssyncadd.s32 $0xFFFFC000  }
0x212: {  	[tilespmem:$0x100] =	vst v0;
	v0 =	vld [tilespmem:$0x1FE00];
	_ =	sdelay $0x4  }
0x213: {  	[tilespmem:$0x110] =	vst v0;
	v0 =	vld [tilespmem:$0x1FE10];
	_ =	sdelay $0x4  }
0x214: {  	[tilespmem:$0x120] =	vst v0;
	v0 =	vld [tilespmem:$0x1FE20];
	_ =	sdelay $0x4  }
0x215: {  	[tilespmem:$0x130] =	vst v0;
	v0 =	vld [tilespmem:$0x1FE30];
	_ =	sdelay $0x4  }
0x216: {  	[tilespmem:$0x140] =	vst v0;
	v0 =	vld [tilespmem:$0x1FE40];
	_ =	sdelay $0x4  }
0x217: {  	[tilespmem:$0x150] =	vst v0;
	v0 =	vld [tilespmem:$0x1FE50];
	_ =	sdelay $0x4  }
0x218: {  	[tilespmem:$0x160] =	vst v0;
	v0 =	vld [tilespmem:$0x1FE60];
	_ =	sdelay $0x4  }
0x219: {  	[tilespmem:$0x170] =	vst v0  }
0x21a: {  	[tilespmem:s13], [sflag:$0x3] =	stream.indirect.gather [hbm4b:s2+s9], $0x80, s12, s9, $0xb8;
	[tilespmem:$0x18300] =	vst v63  }
0x21b: {  	_ =	swait.ge [sflag:s30], $0x4000  }
0x21c: {  	[sflag:s30] =	ssyncset.done $0x0  }
0x21d: {  	s0 =	rddreg [dreg:$0x13];
	[sflag:s30] =	ssyncadd.s32 $0xFFFFC000  }
0x21e: {  	[hbm4b:s0+s3] =	stream.linear.scatter [tilespmem:s22], [sflag:$0xC], $0x4000, $0x38;
	[tilespmem:$0x18300] =	vst v63  }
0x21f: {  	_ =	swait.ge [sflag:s19], $0x4000  }
0x220: {  	v0 =	vld [tilespmem:$0x1FE70];
	_ =	sdelay $0x2  }
0x221: {  	[sflag:s19] =	ssyncset.done $0x0  }
0x222: {  	[sflag:s19] =	ssyncadd.s32 $0xFFFFC000  }
0x223: {  	[tilespmem:$0x180] =	vst v0;
	v0 =	vld [tilespmem:$0x1FE80];
	_ =	sdelay $0x4  }
0x224: {  	[tilespmem:$0x190] =	vst v0;
	v0 =	vld [tilespmem:$0x1FE90];
	_ =	sdelay $0x4  }
0x225: {  	[tilespmem:$0x1A0] =	vst v0;
	v0 =	vld [tilespmem:$0x1FEA0];
	_ =	sdelay $0x4  }
0x226: {  	[tilespmem:$0x1B0] =	vst v0;
	v0 =	vld [tilespmem:$0x1FEB0];
	_ =	sdelay $0x4  }
0x227: {  	[tilespmem:$0x1C0] =	vst v0;
	v0 =	vld [tilespmem:$0x1FEC0];
	_ =	sdelay $0x4  }
0x228: {  	[tilespmem:$0x1D0] =	vst v0;
	v0 =	vld [tilespmem:$0x1FED0];
	_ =	sdelay $0x4  }
0x229: {  	[tilespmem:$0x1E0] =	vst v0;
	v0 =	vld [tilespmem:$0x1FEE0];
	_ =	sdelay $0x4  }
0x22a: {  	[tilespmem:$0x1F0] =	vst v0  }
0x22b: {  	[tilespmem:s15], [sflag:$0x4] =	stream.indirect.gather [hbm4b:s2+s9], $0x80, s14, s9, $0xb8;
	[tilespmem:$0x18300] =	vst v63  }
0x22c: {  	_ =	swait.ge [sflag:s16], $0x4000  }
0x22d: {  	[sflag:s16] =	ssyncset.done $0x0  }
0x22e: {  	s0 =	rddreg [dreg:$0x14];
	[sflag:s16] =	ssyncadd.s32 $0xFFFFC000  }
0x22f: {  	[hbm4b:s0+s3] =	stream.linear.scatter [tilespmem:s10], [sflag:$0x7], $0x4000, $0x38;
	[tilespmem:$0x18300] =	vst v63  }
0x230: {  	_ =	swait.ge [sflag:s31], $0x4000  }
0x231: {  	v0 =	vld [tilespmem:$0x1FEF0];
	_ =	sdelay $0x2  }
0x232: {  	[sflag:s31] =	ssyncset.done $0x0  }
0x233: {  	[sflag:s31] =	ssyncadd.s32 $0xFFFFC000  }
0x234: {  	[tilespmem:$0x200] =	vst v0;
	v0 =	vld [tilespmem:$0x1FF00];
	_ =	sdelay $0x4  }
0x235: {  	[tilespmem:$0x210] =	vst v0;
	v0 =	vld [tilespmem:$0x1FF10];
	_ =	sdelay $0x4  }
0x236: {  	[tilespmem:$0x220] =	vst v0;
	v0 =	vld [tilespmem:$0x1FF20];
	_ =	sdelay $0x4  }
0x237: {  	[tilespmem:$0x230] =	vst v0;
	v0 =	vld [tilespmem:$0x1FF30];
	_ =	sdelay $0x4  }
0x238: {  	[tilespmem:$0x240] =	vst v0;
	v0 =	vld [tilespmem:$0x1FF40];
	_ =	sdelay $0x4  }
0x239: {  	[tilespmem:$0x250] =	vst v0;
	v0 =	vld [tilespmem:$0x1FF50];
	_ =	sdelay $0x4  }
0x23a: {  	[tilespmem:$0x260] =	vst v0;
	v0 =	vld [tilespmem:$0x1FF60];
	_ =	sdelay $0x4  }
0x23b: {  	[tilespmem:$0x270] =	vst v0  }
0x23c: {  	[tilespmem:s18], [sflag:$0x5] =	stream.indirect.gather [hbm4b:s2+s9], $0x80, s17, s9, $0xb8;
	[tilespmem:$0x18300] =	vst v63  }
0x23d: {  	_ =	swait.ge [sflag:s20], $0x4000  }
0x23e: {  	[sflag:s20] =	ssyncset.done $0x0  }
0x23f: {  	s0 =	rddreg [dreg:$0x15];
	[sflag:s20] =	ssyncadd.s32 $0xFFFFC000  }
0x240: {  	[hbm4b:s0+s3] =	stream.linear.scatter [tilespmem:s11], [sflag:$0x8], $0x4000, $0x38;
	[tilespmem:$0x18300] =	vst v63  }
0x241: {  	_ =	swait.ge [sflag:s1], $0x4000  }
0x242: {  	v0 =	vld [tilespmem:$0x1FF70];
	_ =	sdelay $0x2  }
0x243: {  	[sflag:s1] =	ssyncset.done $0x0  }
0x244: {  	[sflag:s1] =	ssyncadd.s32 $0xFFFFC000  }
0x245: {  	[tilespmem:$0x280] =	vst v0;
	v0 =	vld [tilespmem:$0x1FF80];
	_ =	sdelay $0x4  }
0x246: {  	[tilespmem:$0x290] =	vst v0;
	v0 =	vld [tilespmem:$0x1FF90];
	_ =	sdelay $0x4  }
0x247: {  	[tilespmem:$0x2A0] =	vst v0;
	v0 =	vld [tilespmem:$0x1FFA0];
	_ =	sdelay $0x4  }
0x248: {  	[tilespmem:$0x2B0] =	vst v0;
	v0 =	vld [tilespmem:$0x1FFB0];
	_ =	sdelay $0x4  }
0x249: {  	[tilespmem:$0x2C0] =	vst v0;
	v0 =	vld [tilespmem:$0x1FFC0];
	_ =	sdelay $0x4  }
0x24a: {  	[tilespmem:$0x2D0] =	vst v0;
	v0 =	vld [tilespmem:$0x1FFD0];
	_ =	sdelay $0x4  }
0x24b: {  	[tilespmem:$0x2E0] =	vst v0;
	v0 =	vld [tilespmem:$0x1FFE0];
	_ =	sdelay $0x4  }
0x24c: {  	[tilespmem:$0x2F0] =	vst v0  }
0x24d: {  	[tilespmem:s22], [sflag:$0x6] =	stream.indirect.gather [hbm4b:s2+s9], $0x80, s21, s9, $0xb8;
	[tilespmem:$0x18300] =	vst v63  }
0x24e: {  	_ =	swait.ge [sflag:s23], $0x4000  }
0x24f: {  	[sflag:s23] =	ssyncset.done $0x0  }
0x250: {  	s0 =	rddreg [dreg:$0x16];
	[sflag:s23] =	ssyncadd.s32 $0xFFFFC000  }
0x251: {  	[hbm4b:s0+s3] =	stream.linear.scatter [tilespmem:s13], [sflag:$0x9], $0x4000, $0x38;
	[tilespmem:$0x18300] =	vst v63  }
0x252: {  	_ =	swait.ge [sflag:s24], $0x4000  }
0x253: {  	[sflag:s24] =	ssyncset.done $0x0  }
0x254: {  	[sflag:s24] =	ssyncadd.s32 $0xFFFFC000  }
0x255: {  	[tilespmem:$0x10] =	vst v1  }
0x256: {  	[tilespmem:$0x20] =	vst v2  }
0x257: {  	v0 =	vld [tilespmem:$0x1FFF0];
	[tilespmem:$0x30] =	vst v3  }
0x258: {  	[tilespmem:$0x40] =	vst v4  }
0x259: {  	[tilespmem:$0x50] =	vst v5  }
0x25a: {  	[tilespmem:$0x60] =	vst v6  }
0x25b: {  	[tilespmem:$0x70] =	vst v7  }
0x25c: {  	[tilespmem:$0x0] =	vst v0  }
0x25d: {  	[tilespmem:s10], [sflag:$0x1] =	stream.indirect.gather [hbm4b:s2+s9], $0x80, s3, s9, $0xb8;
	[tilespmem:$0x18300] =	vst v63  }
0x25e: {  	_ =	swait.ge [sflag:s25], $0x4000  }
0x25f: {  	[sflag:s25] =	ssyncset.done $0x0  }
0x260: {  	s0 =	rddreg [dreg:$0x17];
	[sflag:s25] =	ssyncadd.s32 $0xFFFFC000  }
0x261: {  	[hbm4b:s0+s3] =	stream.linear.scatter [tilespmem:s15], [sflag:$0xA], $0x4000, $0x38;
	[tilespmem:$0x18300] =	vst v63  }
0x262: {  	_ =	swait.ge [sflag:s26], $0x4000  }
0x263: {  	[sflag:s26] =	ssyncset.done $0x0  }
0x264: {  	[sflag:s26] =	ssyncadd.s32 $0xFFFFC000  }
0x265: {  	[tilespmem:$0x80] =	vst v8  }
0x266: {  	[tilespmem:$0x90] =	vst v9  }
0x267: {  	[tilespmem:$0xA0] =	vst v10  }
0x268: {  	[tilespmem:$0xB0] =	vst v11  }
0x269: {  	[tilespmem:$0xC0] =	vst v12  }
0x26a: {  	[tilespmem:$0xD0] =	vst v13  }
0x26b: {  	[tilespmem:$0xE0] =	vst v14  }
0x26c: {  	[tilespmem:$0xF0] =	vst v15  }
0x26d: {  	[tilespmem:s11], [sflag:$0x2] =	stream.indirect.gather [hbm4b:s2+s9], $0x80, s9, s9, $0xb8;
	[tilespmem:$0x18300] =	vst v63  }
0x26e: {  	_ =	swait.ge [sflag:s28], $0x4000  }
0x26f: {  	[sflag:s28] =	ssyncset.done $0x0  }
0x270: {  	s0 =	rddreg [dreg:$0x18];
	[sflag:s28] =	ssyncadd.s32 $0xFFFFC000  }
0x271: {  	[hbm4b:s0+s3] =	stream.linear.scatter [tilespmem:s18], [sflag:$0xB], $0x4000, $0x38;
	[tilespmem:$0x18300] =	vst v63  }
0x272: {  	_ =	swait.ge [sflag:s29], $0x4000  }
0x273: {  	[sflag:s29] =	ssyncset.done $0x0  }
0x274: {  	[sflag:s29] =	ssyncadd.s32 $0xFFFFC000  }
0x275: {  	[tilespmem:$0x100] =	vst v16  }
0x276: {  	[tilespmem:$0x110] =	vst v17  }
0x277: {  	[tilespmem:$0x120] =	vst v18  }
0x278: {  	[tilespmem:$0x130] =	vst v19  }
0x279: {  	[tilespmem:$0x140] =	vst v20  }
0x27a: {  	[tilespmem:$0x150] =	vst v21  }
0x27b: {  	[tilespmem:$0x160] =	vst v22  }
0x27c: {  	[tilespmem:$0x170] =	vst v23  }
0x27d: {  	[tilespmem:s13], [sflag:$0x3] =	stream.indirect.gather [hbm4b:s2+s9], $0x80, s12, s9, $0xb8;
	[tilespmem:$0x18300] =	vst v63  }
0x27e: {  	_ =	swait.ge [sflag:s30], $0x4000  }
0x27f: {  	[sflag:s30] =	ssyncset.done $0x0  }
0x280: {  	s0 =	rddreg [dreg:$0x19];
	[sflag:s30] =	ssyncadd.s32 $0xFFFFC000  }
0x281: {  	[hbm4b:s0+s3] =	stream.linear.scatter [tilespmem:s22], [sflag:$0xC], $0x4000, $0x38;
	[tilespmem:$0x18300] =	vst v63  }
0x282: {  	_ =	swait.ge [sflag:s19], $0x4000  }
0x283: {  	[sflag:s19] =	ssyncset.done $0x0  }
0x284: {  	[sflag:s19] =	ssyncadd.s32 $0xFFFFC000  }
0x285: {  	[tilespmem:$0x180] =	vst v24  }
0x286: {  	[tilespmem:$0x190] =	vst v25  }
0x287: {  	[tilespmem:$0x1A0] =	vst v26  }
0x288: {  	[tilespmem:$0x1B0] =	vst v27  }
0x289: {  	[tilespmem:$0x1C0] =	vst v28  }
0x28a: {  	[tilespmem:$0x1D0] =	vst v29  }
0x28b: {  	[tilespmem:$0x1E0] =	vst v30  }
0x28c: {  	[tilespmem:$0x1F0] =	vst v31  }
0x28d: {  	[tilespmem:s15], [sflag:$0x4] =	stream.indirect.gather [hbm4b:s2+s9], $0x80, s14, s9, $0xb8;
	[tilespmem:$0x18300] =	vst v63  }
0x28e: {  	_ =	swait.ge [sflag:s16], $0x4000  }
0x28f: {  	[sflag:s16] =	ssyncset.done $0x0  }
0x290: {  	s0 =	rddreg [dreg:$0x1a];
	[sflag:s16] =	ssyncadd.s32 $0xFFFFC000  }
0x291: {  	[hbm4b:s0+s3] =	stream.linear.scatter [tilespmem:s10], [sflag:$0x7], $0x4000, $0x38;
	[tilespmem:$0x18300] =	vst v63  }
0x292: {  	_ =	swait.ge [sflag:s31], $0x4000  }
0x293: {  	[sflag:s31] =	ssyncset.done $0x0  }
0x294: {  	[sflag:s31] =	ssyncadd.s32 $0xFFFFC000  }
0x295: {  	[tilespmem:$0x200] =	vst v32  }
0x296: {  	[tilespmem:$0x210] =	vst v33  }
0x297: {  	[tilespmem:$0x220] =	vst v34  }
0x298: {  	[tilespmem:$0x230] =	vst v35  }
0x299: {  	[tilespmem:$0x240] =	vst v36  }
0x29a: {  	[tilespmem:$0x250] =	vst v37  }
0x29b: {  	[tilespmem:$0x260] =	vst v38  }
0x29c: {  	[tilespmem:$0x270] =	vst v39  }
0x29d: {  	[tilespmem:s18], [sflag:$0x5] =	stream.indirect.gather [hbm4b:s2+s9], $0x80, s17, s9, $0xb8;
	[tilespmem:$0x18300] =	vst v63  }
0x29e: {  	_ =	swait.ge [sflag:s20], $0x4000  }
0x29f: {  	[sflag:s20] =	ssyncset.done $0x0  }
0x2a0: {  	s0 =	rddreg [dreg:$0x1b];
	[sflag:s20] =	ssyncadd.s32 $0xFFFFC000  }
0x2a1: {  	[hbm4b:s0+s3] =	stream.linear.scatter [tilespmem:s11], [sflag:$0x8], $0x4000, $0x38;
	[tilespmem:$0x18300] =	vst v63  }
0x2a2: {  	_ =	swait.ge [sflag:s1], $0x4000  }
0x2a3: {  	[sflag:s1] =	ssyncset.done $0x0  }
0x2a4: {  	[sflag:s1] =	ssyncadd.s32 $0xFFFFC000  }
0x2a5: {  	[tilespmem:$0x280] =	vst v40  }
0x2a6: {  	[tilespmem:$0x290] =	vst v41  }
0x2a7: {  	[tilespmem:$0x2A0] =	vst v42  }
0x2a8: {  	[tilespmem:$0x2B0] =	vst v43  }
0x2a9: {  	[tilespmem:$0x2C0] =	vst v44  }
0x2aa: {  	[tilespmem:$0x2D0] =	vst v45  }
0x2ab: {  	[tilespmem:$0x2E0] =	vst v46  }
0x2ac: {  	[tilespmem:$0x2F0] =	vst v47  }
0x2ad: {  	[tilespmem:s22], [sflag:$0x6] =	stream.indirect.gather [hbm4b:s2+s9], $0x80, s21, s9, $0xb8;
	[tilespmem:$0x18300] =	vst v63  }
0x2ae: {  	_ =	swait.ge [sflag:s23], $0x4000  }
0x2af: {  	[sflag:s23] =	ssyncset.done $0x0  }
0x2b0: {  	s0 =	rddreg [dreg:$0x1c];
	[sflag:s23] =	ssyncadd.s32 $0xFFFFC000  }
0x2b1: {  	[hbm4b:s0+s3] =	stream.linear.scatter [tilespmem:s13], [sflag:$0x9], $0x4000, $0x38;
	[tilespmem:$0x18300] =	vst v63  }
0x2b2: {  	_ =	swait.ge [sflag:s24], $0x4000  }
0x2b3: {  	[sflag:s24] =	ssyncset.done $0x0  }
0x2b4: {  	[sflag:s24] =	ssyncadd.s32 $0xFFFFC000  }
0x2b5: {  	[tilespmem:$0x0] =	vst v48  }
0x2b6: {  	[tilespmem:$0x10] =	vst v49  }
0x2b7: {  	[tilespmem:$0x20] =	vst v50  }
0x2b8: {  	[tilespmem:$0x30] =	vst v51  }
0x2b9: {  	[tilespmem:$0x40] =	vst v52  }
0x2ba: {  	[tilespmem:$0x50] =	vst v53  }
0x2bb: {  	[tilespmem:$0x60] =	vst v54  }
0x2bc: {  	[tilespmem:$0x70] =	vst v55  }
0x2bd: {  	[tilespmem:s10], [sflag:$0x1] =	stream.indirect.gather [hbm4b:s2+s9], $0x80, s3, s9, $0xb8;
	[tilespmem:$0x18300] =	vst v63  }
0x2be: {  	_ =	swait.ge [sflag:s25], $0x4000  }
0x2bf: {  	[sflag:s25] =	ssyncset.done $0x0  }
0x2c0: {  	s0 =	rddreg [dreg:$0x1d];
	[sflag:s25] =	ssyncadd.s32 $0xFFFFC000  }
0x2c1: {  	[hbm4b:s0+s3] =	stream.linear.scatter [tilespmem:s15], [sflag:$0xA], $0x4000, $0x38;
	[tilespmem:$0x18300] =	vst v63  }
0x2c2: {  	_ =	swait.ge [sflag:s26], $0x4000  }
0x2c3: {  	[sflag:s26] =	ssyncset.done $0x0  }
0x2c4: {  	[sflag:s26] =	ssyncadd.s32 $0xFFFFC000  }
0x2c5: {  	[tilespmem:$0x80] =	vst v56  }
0x2c6: {  	[tilespmem:$0x90] =	vst v57  }
0x2c7: {  	[tilespmem:$0xA0] =	vst v58  }
0x2c8: {  	[tilespmem:$0xB0] =	vst v59  }
0x2c9: {  	[tilespmem:$0xC0] =	vst v60  }
0x2ca: {  	[tilespmem:$0xD0] =	vst v61  }
0x2cb: {  	[tilespmem:$0xE0] =	vst v62  }
0x2cc: {  	[tilespmem:$0xF0] =	vst v63  }
0x2cd: {  	[tilespmem:s11], [sflag:$0x2] =	stream.indirect.gather [hbm4b:s2+s9], $0x80, s9, s9, $0xb8;
	[tilespmem:$0x18300] =	vst v63  }
0x2ce: {  	_ =	swait.ge [sflag:s28], $0x4000  }
0x2cf: {  	[sflag:s28] =	ssyncset.done $0x0  }
0x2d0: {  	s0 =	rddreg [dreg:$0x1e];
	[sflag:s28] =	ssyncadd.s32 $0xFFFFC000  }
0x2d1: {  	[hbm4b:s0+s3] =	stream.linear.scatter [tilespmem:s18], [sflag:$0xB], $0x4000, $0x38;
	[tilespmem:$0x18300] =	vst v63  }
0x2d2: {  	_ =	swait.ge [sflag:s30], $0x4000  }
0x2d3: {  	[sflag:s30] =	ssyncset.done $0x0  }
0x2d4: {  	[sflag:s30] =	ssyncadd.s32 $0xFFFFC000  }
0x2d5: {  	[hbm4b:s6+s3] =	stream.linear.scatter [tilespmem:s22], [sflag:$0xC], $0x4000, $0x38;
	[tilespmem:$0x18300] =	vst v63  }
0x2d6: {  	_ =	swait.ge [sflag:s16], $0x4000  }
0x2d7: {  	[sflag:s16] =	ssyncset.done $0x0  }
0x2d8: {  	[sflag:s16] =	ssyncadd.s32 $0xFFFFC000  }
0x2d9: {  	[hbm4b:s7+s3] =	stream.linear.scatter [tilespmem:s10], [sflag:$0x7], $0x4000, $0x38;
	[tilespmem:$0x18300] =	vst v63  }
0x2da: {  	_ =	swait.ge [sflag:s20], $0x4000  }
0x2db: {  	[sflag:s20] =	ssyncset.done $0x0  }
0x2dc: {  	[sflag:s20] =	ssyncadd.s32 $0xFFFFC000  }
0x2dd: {  	[hbm4b:s8+s3] =	stream.linear.scatter [tilespmem:s11], [sflag:$0x8], $0x4000, $0x38;
	[tilespmem:$0x18300] =	vst v63  }
0x2de: {  	_ =	swait.ge [sflag:s29], $0x4000  }
0x2df: {  	[sflag:s29] =	ssyncset.done $0x0  }
0x2e0: {  	[sflag:s29] =	ssyncadd.s32 $0xFFFFC000  }
0x2e1: {  	_ =	swait.ge [sflag:s19], $0x4000  }
0x2e2: {  	[sflag:s19] =	ssyncset.done $0x0  }
0x2e3: {  	[sflag:s19] =	ssyncadd.s32 $0xFFFFC000  }
0x2e4: {  	_ =	swait.ge [sflag:s31], $0x4000  }
0x2e5: {  	[sflag:s31] =	ssyncset.done $0x0  }
0x2e6: {  	[sflag:s31] =	ssyncadd.s32 $0xFFFFC000  }
0x2e7: {  	_ =	swait.ge [sflag:s1], $0x4000  }
0x2e8: {  	[sflag:s1] =	ssyncset.done $0x0  }
0x2e9: {  	[sflag:s1] =	ssyncadd.s32 $0xFFFFC000  }
0x2ea: {  	p0 =	sne.s32 s5, $0x1;
	_ =	swait.ge [sflag:s24], $0x4000  }
.Ltmp0:
0x2eb: {  	[sflag:s24] =	ssyncset.done $0x0;
	(pc) =	sbr.rel @p0 .LBB2_1-.Ltmp0, $4  }
0x2ec: {  	[sflag:s24] =	ssyncadd.s32 $0xFFFFC000  }
0x2ed: {  	_ =	swait.ge [sflag:s26], $0x4000  }
0x2ee: {  	[sflag:s26] =	ssyncset.done $0x0  }
0x2ef: {  	s5 =	sadd.s32 $0xFFFFFFFF, s5;
	[sflag:s26] =	ssyncadd.s32 $0xFFFFC000  }
0x2f0: {  	_ =	sfence.sel $0x180000  }
0x2f1: {  	[bflag:$0x0] =	sbarrier.arrive $0xFFFF  }
0x2f2: {  	_ =	strace $0x90000047  }
0x2f3: {  	s0 =	stileid.u32;
	[bflag:$0x2] =	sbarrier.arrive $0xFFFF  }
0x2f4: {  	p0 =	sne.s32 s0, $0x0;
	s0 =	rddreg [dreg:$0x2]  }
0x2f5: {  	s0 =	sadd.s32 @!p0 $0x100000, s0  }
0x2f6: {  	[sflag:s0] =	ssyncadd.tile.s32 @!p0 $0x1;
	_ =	shalt  }
.Lfunc_end2:
_tile_overlayer_lowered:
.L_overlay_start_2:
0x2f7: {  	(tag) =	ssettag $0x2  }
0x2f8: {  	s0 =	rddreg [dreg:$0x0];
	s2 =	stileid.u32  }
0x2f9: {  	s1 =	rddreg [dreg:$0x1];
	p0 =	sne.s32 s2, $0x0  }
0x2fa: {  	s3 =	rddreg [dreg:$0x2];
	[bflag:$0x3] =	sbarrier.arrive $0xFFFF;
	s2 =	simm.s32 @!p0 $0x1C0D  }
0x2fb: {  	[timem:s3], [sflag:s2] =	dma.local @!p0 [hbm:s0], s1  }
0x2fc: {  	s0 =	simm.s32 @!p0 $0xD  }
0x2fd: {  	_ =	swait.ge @!p0 [sflag:s0], s1  }
0x2fe: {  	s1 =	ssub.s32 @!p0 $0x0, s1;
	[sflag:s0] =	ssyncset.done @!p0 $0x0  }
0x2ff: {  	[sflag:s0] =	ssyncadd.s32 @!p0 s1  }
0x300: {  	[bflag:$0x3] =	sbarrier.arrive $0xFFFF  }
0x301: {  	_ =	shalt  }

</sc_bundles>
